<compile_context>
chip_gen: v7x
topology: tpu7x:2x2x1
jax: 0.10.2.dev20260603
libtpu: 0.0.44.dev20260713+nightly
codegen_flags: <defaults>
</compile_context>

<pallas_src>
import functools

import jax
import jax.numpy as jnp
from jax import lax
from jax.experimental import pallas as pl
from jax.experimental.pallas import tpu as pltpu
from jax.experimental.pallas import tpu_sc as plsc

HID = 32
N = 10000
NPAD = 10112
RPT = NPAD // 16
NP4 = NPAD // 4
NR4 = N // 4
E = 320000
KC = 128
NW = 32
CPW = 80
EPW = CPW * KC
EPAD = NW * EPW
NBUF1 = 5
NBUF2 = 8
L = 100000
LCPW = 25
LPW = LCPW * KC
LPAD = NW * LPW
HNBUF = 5
HSTEP = LCPW // HNBUF

_SDS = jax.ShapeDtypeStruct


def _mesh():
    return plsc.VectorSubcoreMesh(core_axis_name="c", subcore_axis_name="s")


def _dot(a, b):
    return jnp.dot(a, b, preferred_element_type=jnp.float32,
                   precision=lax.Precision.HIGHEST)


def _fold_src(ws, wu):
    return _dot(ws, wu[HID:, :])


def _fold_dst(wd, wu):
    return _dot(wd, wu[:HID, :])


def _fold_bias(bs, bd, wu, bu):
    return (_dot(bd.reshape(1, HID), wu[:HID, :])
            + _dot(bs.reshape(1, HID), wu[HID:, :]) + bu.reshape(1, HID))


def _bd4(w):
    z = jnp.zeros(w.shape, jnp.float32)
    return jnp.concatenate([
        jnp.concatenate([w, z, z, z], axis=1),
        jnp.concatenate([z, w, z, z], axis=1),
        jnp.concatenate([z, z, w, z], axis=1),
        jnp.concatenate([z, z, z, w], axis=1)], axis=0)


def _fold4(v):
    return v[0:HID] + v[HID:2 * HID] + v[2 * HID:3 * HID] + v[3 * HID:]


def _rep4(v):
    return jnp.concatenate([v, v, v, v])


def _bn_act_packed(h, gamma, beta, leaky):
    hv = h[0:NR4, :]
    mu = _rep4(_fold4(jnp.sum(hv, axis=0)) / N)
    e2 = _rep4(_fold4(jnp.sum(hv * hv, axis=0)) / N)
    var = e2 - mu * mu
    out = (_rep4(gamma)[None, :] * (h - mu[None, :])
           * lax.rsqrt(var[None, :] + 1e-5) + _rep4(beta)[None, :])
    if leaky:
        out = jnp.where(out >= 0, out, 0.01 * out)
    return out



def _t1_body(xg, xd, wsa, bsa, wda, bda, wua, bua,
             wsb, bsb, wdb, bdb, wub, bub,
             srcA, dstA, srcB, dstB):
    srcA[...] = _dot(xg[...], _bd4(_fold_src(wsa[...], wua[...])))
    dstA[...] = _dot(xd[...], _bd4(_fold_dst(wda[...], wua[...]))) + _rep4(
        _fold_bias(bsa[...], bda[...], wua[...], bua[...])[0])[None, :]
    srcB[...] = _dot(xd[...], _bd4(_fold_src(wsb[...], wub[...])))
    dstB[...] = _dot(xg[...], _bd4(_fold_dst(wdb[...], wub[...]))) + _rep4(
        _fold_bias(bsb[...], bdb[...], wub[...], bub[...])[0])[None, :]



def _t2_body(dstA, dstB, agA, cnA, agB, cnB,
             g1g, b1g, g1d, b1d,
             wsa, bsa, wda, bda, wua, bua,
             wsb, bsb, wdb, bdb, wub, bub,
             srcA2, dstA2, srcB2, dstB2):
    sumA = agA[0:NP4, :] + agA[NP4:, :]
    cdis = jnp.maximum(cnA[0:NP4, :] + cnA[NP4:, :], 1.0)
    h_dis = _bn_act_packed(dstA[...] + sumA / cdis, g1d[...], b1d[...], True)
    sumB = agB[0:NP4, :] + agB[NP4:, :]
    cgen = jnp.maximum(cnB[0:NP4, :] + cnB[NP4:, :], 1.0)
    h_gene = _bn_act_packed(dstB[...] + sumB / cgen, g1g[...], b1g[...], True)
    srcA2[...] = _dot(h_gene, _bd4(_fold_src(wsa[...], wua[...])))
    dstA2[...] = _dot(h_dis, _bd4(_fold_dst(wda[...], wua[...]))) + _rep4(
        _fold_bias(bsa[...], bda[...], wua[...], bua[...])[0])[None, :]
    srcB2[...] = _dot(h_dis, _bd4(_fold_src(wsb[...], wub[...])))
    dstB2[...] = _dot(h_gene, _bd4(_fold_dst(wdb[...], wub[...]))) + _rep4(
        _fold_bias(bsb[...], bdb[...], wub[...], bub[...])[0])[None, :]



def _t3_body(dstA2, dstB2, ag2A, ag2B, cnA, cnB,
             g2g, b2g, g2d, b2d, h2g, h2d):
    sumA = ag2A[0:NP4, :] + ag2A[NP4:, :]
    cdis = jnp.maximum(cnA[0:NP4, :] + cnA[NP4:, :], 1.0)
    h2d[...] = _bn_act_packed(dstA2[...] + sumA / cdis, g2d[...], b2d[...], False)
    sumB = ag2B[0:NP4, :] + ag2B[NP4:, :]
    cgen = jnp.maximum(cnB[0:NP4, :] + cnB[NP4:, :], 1.0)
    h2g[...] = _bn_act_packed(dstB2[...] + sumB / cgen, g2g[...], b2g[...], False)



_SC_PARAMS = dict(use_tc_tiling_on_sc=False, needs_layout_passes=False)


def _seg_kernel(nbuf, counts):
    nout = 4 if counts else 2
    nin = 8 if counts else 7
    scratch = ([pltpu.VMEM((CPW, KC), jnp.int32)] * 2
               + ([pltpu.VMEM((KC, HID), jnp.float32)] if counts else [])
               + [pltpu.VMEM((KC, HID), jnp.float32)] * nbuf
               + [pltpu.SemaphoreType.DMA] * nbuf
               + [pltpu.VMEM_SHARED((NPAD, HID), jnp.float32)] * nout)
    nstep = CPW // nbuf

    @functools.partial(
        pl.kernel, mesh=_mesh(),
        compiler_params=pltpu.CompilerParams(**_SC_PARAMS),
        out_type=[_SDS((2 * NPAD, HID), jnp.float32)] * nout,
        scratch_types=scratch,
    )
    def seg(*a):
        if counts:
            (srca, ea0, ea1, srcb, eb0, eb1, zrow, ones_in,
             aggrA, cntA, aggrB, cntB) = a[:nin + nout]
        else:
            (srca, ea0, ea1, srcb, eb0, eb1, zrow,
             aggrA, aggrB) = a[:nin + nout]
        sc = list(a[nin + nout:])
        sidx, didx = sc[0], sc[1]
        p = 2
        if counts:
            onesv = sc[p]
            p += 1
        bufs = sc[p:p + nbuf]
        sems = sc[p + nbuf:p + 2 * nbuf]
        accs = sc[p + 2 * nbuf:]
        if counts:
            accA, accB, ccA, ccB = accs
        else:
            accA, accB = accs
        core = lax.axis_index("c")
        sub = lax.axis_index("s")
        wid = sub * 2 + core
        r0 = sub * RPT
        for acc in accs:
            pltpu.sync_copy(zrow.at[pl.ds(r0, RPT)], acc.at[pl.ds(r0, RPT)])
        if counts:
            pltpu.sync_copy(ones_in, onesv)
        plsc.subcore_barrier()

        def run(e0, e1, table, acc, cc):
            pltpu.sync_copy(e0.at[pl.ds(wid * CPW, CPW)], sidx)
            pltpu.sync_copy(e1.at[pl.ds(wid * CPW, CPW)], didx)
            for b in range(nbuf):
                pltpu.async_copy(table.at[sidx.at[b]], bufs[b], sems[b])

            def body(s, carry):
                for b in range(nbuf):
                    t = s * nbuf + b
                    pltpu.make_async_copy(
                        table.at[sidx.at[t]], bufs[b], sems[b]).wait()
                    pltpu.sync_copy(bufs[b], acc.at[didx.at[t]], add=True)
                    if counts:
                        pltpu.sync_copy(onesv, cc.at[didx.at[t]], add=True)

                    @pl.when(t + nbuf < CPW)
                    def _():
                        pltpu.async_copy(
                            table.at[sidx.at[t + nbuf]], bufs[b], sems[b])
                return carry
            lax.fori_loop(0, nstep, body, 0)

        run(ea0, ea1, srca, accA, ccA if counts else None)
        run(eb0, eb1, srcb, accB, ccB if counts else None)
        plsc.subcore_barrier()
        o0 = core * NPAD + r0
        pltpu.sync_copy(accA.at[pl.ds(r0, RPT)], aggrA.at[pl.ds(o0, RPT)])
        pltpu.sync_copy(accB.at[pl.ds(r0, RPT)], aggrB.at[pl.ds(o0, RPT)])
        if counts:
            pltpu.sync_copy(ccA.at[pl.ds(r0, RPT)], cntA.at[pl.ds(o0, RPT)])
            pltpu.sync_copy(ccB.at[pl.ds(r0, RPT)], cntB.at[pl.ds(o0, RPT)])

    return seg



def _head_kernel():
    @functools.partial(
        pl.kernel, mesh=_mesh(),
        compiler_params=pltpu.CompilerParams(**_SC_PARAMS),
        out_type=[_SDS((LPAD, HID), jnp.float32)] * 4,
        scratch_types=[pltpu.VMEM((LCPW, KC), jnp.int32),
                       pltpu.VMEM((LCPW, KC), jnp.int32)]
                      + [pltpu.VMEM((KC, HID), jnp.float32)] * (2 * HNBUF)
                      + [pltpu.SemaphoreType.DMA] * HNBUF,
    )
    def head(h2g, h2d, la0, la1, lb0, lb1, gax, gay, gbx, gby,
             ix, iy, a0, a1, a2, a3, a4, c0, c1, c2, c3, c4,
             s0, s1, s2, s3, s4):
        abufs = (a0, a1, a2, a3, a4)
        bbufs = (c0, c1, c2, c3, c4)
        sems = (s0, s1, s2, s3, s4)
        wid = lax.axis_index("s") * 2 + lax.axis_index("c")
        base = wid * LPW

        def run(l0, l1, tx, ty, ox, oy):
            pltpu.sync_copy(l0.at[pl.ds(wid * LCPW, LCPW)], ix)
            pltpu.sync_copy(l1.at[pl.ds(wid * LCPW, LCPW)], iy)
            for b in range(HNBUF):
                pltpu.async_copy(tx.at[ix.at[b]], abufs[b], sems[b])
                pltpu.async_copy(ty.at[iy.at[b]], bbufs[b], sems[b])

            def body(s, carry):
                for b in range(HNBUF):
                    t = s * HNBUF + b
                    off = base + t * KC
                    pltpu.make_async_copy(
                        tx.at[ix.at[t]], abufs[b], sems[b]).wait()
                    pltpu.make_async_copy(
                        ty.at[iy.at[t]], bbufs[b], sems[b]).wait()
                    pltpu.sync_copy(abufs[b], ox.at[pl.ds(off, KC)])
                    pltpu.sync_copy(bbufs[b], oy.at[pl.ds(off, KC)])

                    @pl.when(t + HNBUF < LCPW)
                    def _():
                        pltpu.async_copy(
                            tx.at[ix.at[t + HNBUF]], abufs[b], sems[b])
                        pltpu.async_copy(
                            ty.at[iy.at[t + HNBUF]], bbufs[b], sems[b])
                return carry
            lax.fori_loop(0, HSTEP, body, 0)

        run(la0, la1, h2g, h2d, gax, gay)
        run(lb0, lb1, h2d, h2g, gbx, gby)

    return head



L4 = LPAD // 4


def _t4_body(gax, gay, gbx, gby, pa, pb):
    r = lax.broadcasted_iota(jnp.int32, (128, 4), 0)
    c = lax.broadcasted_iota(jnp.int32, (128, 4), 1)
    S = jnp.where(r // HID == c, 1.0, 0.0).astype(jnp.float32)
    pa[...] = _dot(gax[...] * gay[...], S)
    pb[...] = _dot(gbx[...] * gby[...], S)


def kernel(x_gene, x_disease, edge_index_A, edge_index_B, label_A, label_B, params):
    f32, i32 = jnp.float32, jnp.int32
    xg = jnp.pad(x_gene, ((0, NPAD - N), (0, 0)))
    xd = jnp.pad(x_disease, ((0, NPAD - N), (0, 0)))
    pe = EPAD - E
    zpe = jnp.zeros((pe,), i32)
    dpe = jnp.full((pe,), N, i32)
    ea0 = jnp.concatenate([edge_index_A[0], zpe]).reshape(EPAD // KC, KC)
    ea1 = jnp.concatenate([edge_index_A[1], dpe]).reshape(EPAD // KC, KC)
    eb0 = jnp.concatenate([edge_index_B[0], zpe]).reshape(EPAD // KC, KC)
    eb1 = jnp.concatenate([edge_index_B[1], dpe]).reshape(EPAD // KC, KC)
    plp = LPAD - L
    zpl = jnp.zeros((plp,), i32)
    la0 = jnp.concatenate([label_A[0], zpl]).reshape(LPAD // KC, KC)
    la1 = jnp.concatenate([label_A[1], zpl]).reshape(LPAD // KC, KC)
    lb0 = jnp.concatenate([label_B[0], zpl]).reshape(LPAD // KC, KC)
    lb1 = jnp.concatenate([label_B[1], zpl]).reshape(LPAD // KC, KC)
    zrow = jnp.zeros((NPAD, HID), f32)
    ones_in = jnp.ones((KC, HID), f32)

    pA1, pB1, pA2, pB2 = params["A1"], params["B1"], params["A2"], params["B2"]
    _seg1 = _seg_kernel(NBUF1, True)
    _seg2 = _seg_kernel(NBUF2, False)
    _head = _head_kernel()
    tc_params = pltpu.CompilerParams(vmem_limit_bytes=100 * 1024 * 1024)

    srcA, dstA, srcB, dstB = pl.pallas_call(
        _t1_body, out_shape=[_SDS((NP4, 128), f32)] * 4,
        compiler_params=tc_params)(
        xg.reshape(NP4, 512), xd.reshape(NP4, 512),
        pA1["Wsrc"], pA1["bsrc"], pA1["Wdst"], pA1["bdst"], pA1["Wupd"], pA1["bupd"],
        pB1["Wsrc"], pB1["bsrc"], pB1["Wdst"], pB1["bdst"], pB1["Wupd"], pB1["bupd"])

    def _pk(a):
        return a.reshape(-1, 128)

    def _upk(a):
        return a.reshape(-1, HID)

    aggrA, cntA, aggrB, cntB = _seg1(_upk(srcA), ea0, ea1, _upk(srcB),
                                     eb0, eb1, zrow, ones_in)

    srcA2, dstA2, srcB2, dstB2 = pl.pallas_call(
        _t2_body, out_shape=[_SDS((NP4, 128), f32)] * 4,
        compiler_params=tc_params)(
        dstA, dstB, _pk(aggrA), _pk(cntA), _pk(aggrB), _pk(cntB),
        params["bn1_gene"]["gamma"], params["bn1_gene"]["beta"],
        params["bn1_dis"]["gamma"], params["bn1_dis"]["beta"],
        pA2["Wsrc"], pA2["bsrc"], pA2["Wdst"], pA2["bdst"], pA2["Wupd"], pA2["bupd"],
        pB2["Wsrc"], pB2["bsrc"], pB2["Wdst"], pB2["bdst"], pB2["Wupd"], pB2["bupd"])

    ag2A, ag2B = _seg2(_upk(srcA2), ea0, ea1, _upk(srcB2), eb0, eb1, zrow)

    h2g, h2d = pl.pallas_call(
        _t3_body, out_shape=[_SDS((NP4, 128), f32)] * 2,
        compiler_params=tc_params)(
        dstA2, dstB2, _pk(ag2A), _pk(ag2B), _pk(cntA), _pk(cntB),
        params["bn2_gene"]["gamma"], params["bn2_gene"]["beta"],
        params["bn2_dis"]["gamma"], params["bn2_dis"]["beta"])

    gax, gay, gbx, gby = _head(_upk(h2g), _upk(h2d), la0, la1, lb0, lb1)
    nb = 8
    rb = L4 // nb
    pa, pb = pl.pallas_call(
        _t4_body, out_shape=[_SDS((L4, 4), f32)] * 2,
        grid=(nb,),
        in_specs=[pl.BlockSpec((rb, 128), lambda i: (i, 0))] * 4,
        out_specs=[pl.BlockSpec((rb, 4), lambda i: (i, 0))] * 2,
        compiler_params=tc_params)(_pk(gax), _pk(gay), _pk(gbx), _pk(gby))
    return (pa.reshape(LPAD)[:L], pb.reshape(LPAD)[:L])

# --- scband reference (transcript-rebuilt; emitter-appended) ---
"""Pipeline reference for scband-hetero-gnn-18245021074001 (READ-ONLY COPY).

The authoritative reference and input builder live on the scoring server;
editing this copy changes nothing except your own understanding.
"""

import jax, jax.numpy as jnp
import numpy as np

HID = 32
DF = 128
NG = 10000
ND = 10000
E = 320000
L = 100000


def _lin(key, din, dout):
    k1, k2 = jax.random.split(key)
    lim = 1.0 / np.sqrt(din)
    W = jax.random.uniform(k1, (din, dout), minval=-lim, maxval=lim, dtype=jnp.float32)
    b = jax.random.uniform(k2, (dout,), minval=-lim, maxval=lim, dtype=jnp.float32)
    return W, b


def _conv_params(key, dsrc, ddst, dout):
    ks = jax.random.split(key, 3)
    Ws, bs = _lin(ks[0], dsrc, dout)
    Wd, bd = _lin(ks[1], ddst, dout)
    Wu, bu = _lin(ks[2], 2 * dout, dout)
    return {"Wsrc": Ws, "bsrc": bs, "Wdst": Wd, "bdst": bd, "Wupd": Wu, "bupd": bu}


def _bn_params(dout):
    return {"gamma": jnp.ones((dout,), jnp.float32), "beta": jnp.zeros((dout,), jnp.float32)}


def setup_inputs(seed: int = 0):
    key = jax.random.key(seed)
    ks = jax.random.split(key, 10)
    x_gene = jax.random.normal(ks[0], (NG, DF), jnp.float32)
    x_disease = jax.random.normal(ks[1], (ND, DF), jnp.float32)
    edge_index_A = jax.random.randint(ks[2], (2, E), 0, NG, dtype=jnp.int32)
    edge_index_B = jax.random.randint(ks[3], (2, E), 0, ND, dtype=jnp.int32)
    label_A = jax.random.randint(ks[4], (2, L), 0, NG, dtype=jnp.int32)
    label_B = jax.random.randint(ks[5], (2, L), 0, ND, dtype=jnp.int32)
    params = {
        "A1": _conv_params(ks[6], DF, DF, HID),
        "B1": _conv_params(ks[7], DF, DF, HID),
        "A2": _conv_params(ks[8], HID, HID, HID),
        "B2": _conv_params(ks[9], HID, HID, HID),
        "bn1_gene": _bn_params(HID),
        "bn1_dis": _bn_params(HID),
        "bn2_gene": _bn_params(HID),
        "bn2_dis": _bn_params(HID),
    }
    return {"x_gene": x_gene, "x_disease": x_disease, "edge_index_A": edge_index_A,
            "edge_index_B": edge_index_B, "label_A": label_A, "label_B": label_B,
            "params": params}


def _segment_mean(vals, idx, n):
    s = jax.ops.segment_sum(vals, idx, num_segments=n)
    cnt = jax.ops.segment_sum(jnp.ones((vals.shape[0],), vals.dtype), idx, num_segments=n)
    return s / jnp.maximum(cnt, 1.0)[:, None]


def _conv(p, x_src, x_dst, e):
    # message_and_aggregate: sparse matmul with reduce='mean' == segment-mean of gathered src feats over dst
    aggr = _segment_mean(jnp.take(x_src, e[0], axis=0), e[1], x_dst.shape[0])
    dst_msg = x_dst @ p["Wdst"] + p["bdst"]
    src_msg = aggr @ p["Wsrc"] + p["bsrc"]
    full = jnp.concatenate([dst_msg, src_msg], axis=-1)
    return full @ p["Wupd"] + p["bupd"]


def _bn(x, p, eps=1e-5):
    mu = jnp.mean(x, axis=0)
    var = jnp.var(x, axis=0)
    return p["gamma"] * (x - mu) / jnp.sqrt(var + eps) + p["beta"]


def reference(x_gene, x_disease, edge_index_A, edge_index_B, label_A, label_B, params):
    # layer 1: message type A = (gene -> disease), B = (disease -> gene)
    h_dis = _conv(params["A1"], x_gene, x_disease, edge_index_A)
    h_gene = _conv(params["B1"], x_disease, x_gene, edge_index_B)
    h_gene = jax.nn.leaky_relu(_bn(h_gene, params["bn1_gene"]), negative_slope=0.01)
    h_dis = jax.nn.leaky_relu(_bn(h_dis, params["bn1_dis"]), negative_slope=0.01)
    # layer 2
    h2_dis = _conv(params["A2"], h_gene, h_dis, edge_index_A)
    h2_gene = _conv(params["B2"], h_dis, h_gene, edge_index_B)
    h2_gene = _bn(h2_gene, params["bn2_gene"])
    h2_dis = _bn(h2_dis, params["bn2_dis"])
    # head == 'dotprod', pred_mode == 'all'
    pred_A = jnp.sum(jnp.take(h2_gene, label_A[0], axis=0) * jnp.take(h2_dis, label_A[1], axis=0), axis=-1)
    pred_B = jnp.sum(jnp.take(h2_dis, label_B[0], axis=0) * jnp.take(h2_gene, label_B[1], axis=0), axis=-1)
    return (pred_A, pred_B)

if __name__ == "__main__":
    import jax
    _d = setup_inputs()
    print(jax.jit(kernel)(*tuple(_d.values())))

</pallas_src>

<mosaic_0001>
#map = affine_map<(d0, d1) -> (0, 0)>
module attributes {stable_mosaic.version = 14 : i64} {
  func.func @seg(%arg0: i32, %arg1: i32, %arg2: memref<10112x32xf32, #tpu.memory_space<hbm>>, %arg3: memref<2560x128xi32, #tpu.memory_space<hbm>>, %arg4: memref<2560x128xi32, #tpu.memory_space<hbm>>, %arg5: memref<10112x32xf32, #tpu.memory_space<hbm>>, %arg6: memref<2560x128xi32, #tpu.memory_space<hbm>>, %arg7: memref<2560x128xi32, #tpu.memory_space<hbm>>, %arg8: memref<10112x32xf32, #tpu.memory_space<hbm>>, %arg9: memref<128x32xf32, #tpu.memory_space<hbm>>, %arg10: memref<20224x32xf32, #tpu.memory_space<hbm>>, %arg11: memref<20224x32xf32, #tpu.memory_space<hbm>>, %arg12: memref<20224x32xf32, #tpu.memory_space<hbm>>, %arg13: memref<20224x32xf32, #tpu.memory_space<hbm>>, %arg14: memref<80x128xi32, #tpu.memory_space<vmem>>, %arg15: memref<80x128xi32, #tpu.memory_space<vmem>>, %arg16: memref<128x32xf32, #tpu.memory_space<vmem>>, %arg17: memref<128x32xf32, #tpu.memory_space<vmem>>, %arg18: memref<128x32xf32, #tpu.memory_space<vmem>>, %arg19: memref<128x32xf32, #tpu.memory_space<vmem>>, %arg20: memref<128x32xf32, #tpu.memory_space<vmem>>, %arg21: memref<128x32xf32, #tpu.memory_space<vmem>>, %arg22: memref<!tpu.dma_semaphore, #tpu.memory_space<semaphore_mem>>, %arg23: memref<!tpu.dma_semaphore, #tpu.memory_space<semaphore_mem>>, %arg24: memref<!tpu.dma_semaphore, #tpu.memory_space<semaphore_mem>>, %arg25: memref<!tpu.dma_semaphore, #tpu.memory_space<semaphore_mem>>, %arg26: memref<!tpu.dma_semaphore, #tpu.memory_space<semaphore_mem>>, %arg27: memref<10112x32xf32, #tpu.memory_space<vmem_shared>>, %arg28: memref<10112x32xf32, #tpu.memory_space<vmem_shared>>, %arg29: memref<10112x32xf32, #tpu.memory_space<vmem_shared>>, %arg30: memref<10112x32xf32, #tpu.memory_space<vmem_shared>>) attributes {dimension_semantics = [#tpu.dimension_semantics<core_parallel>, #tpu.dimension_semantics<subcore_parallel>], iteration_bounds = array<i64: 2, 16>, scalar_prefetch = 0 : i64, scratch_operands = 17 : i64, tpu.core_type = #tpu.core_type<sc_vector_subcore>, window_params = [{transform_indices = #map}, {transform_indices = #map}, {transform_indices = #map}, {transform_indices = #map}, {transform_indices = #map}, {transform_indices = #map}, {transform_indices = #map}, {transform_indices = #map}, {transform_indices = #map}, {transform_indices = #map}, {transform_indices = #map}, {transform_indices = #map}]} {
    %mul3A = arith.constant 2 : i32
    %mul3A_0 = arith.muli %arg1, %mul3A : i32
    %add3A = arith.addi %mul3A_0, %arg0 : i32
    %mul3A_1 = arith.constant 632 : i32
    %mul3A_2 = arith.muli %arg1, %mul3A_1 : i32
    "tpu.region"() ({
      %run_scoped3A = tpu.sem_alloc : memref<!tpu.dma_semaphore, #tpu.memory_space<semaphore_mem>>
      %dma_start3A_95 = arith.constant 0 : i32
      %dma_start3A_96 = tpu.memref_slice %arg27[%mul3A_2, %dma_start3A_95] : memref<10112x32xf32, #tpu.memory_space<vmem_shared>> -> memref<632x32xf32, #tpu.memory_space<vmem_shared>>
      %dma_start3A_97 = arith.constant 0 : i32
      %dma_start3A_98 = tpu.memref_slice %arg8[%mul3A_2, %dma_start3A_97] : memref<10112x32xf32, #tpu.memory_space<hbm>> -> memref<632x32xf32, #tpu.memory_space<hbm>>
      tpu.enqueue_dma source(%dma_start3A_98 : memref<632x32xf32, #tpu.memory_space<hbm>>) target(%dma_start3A_96 : memref<632x32xf32, #tpu.memory_space<vmem_shared>>) target_semaphore(%run_scoped3A : memref<!tpu.dma_semaphore, #tpu.memory_space<semaphore_mem>>)
      %dma_wait3A = arith.constant 0 : i32
      %dma_wait3A_99 = tpu.memref_slice %arg27[%mul3A_2, %dma_wait3A] : memref<10112x32xf32, #tpu.memory_space<vmem_shared>> -> memref<632x32xf32, #tpu.memory_space<vmem_shared>>
      %dma_wait3A_100 = arith.constant 0 : i32
      %dma_wait3A_101 = tpu.memref_slice %arg8[%mul3A_2, %dma_wait3A_100] : memref<10112x32xf32, #tpu.memory_space<hbm>> -> memref<632x32xf32, #tpu.memory_space<hbm>>
      tpu.wait_dma2 semaphore(%run_scoped3A : memref<!tpu.dma_semaphore, #tpu.memory_space<semaphore_mem>>) src(%dma_wait3A_101 : memref<632x32xf32, #tpu.memory_space<hbm>>) dst(%dma_wait3A_99 : memref<632x32xf32, #tpu.memory_space<vmem_shared>>)
      tpu.yield
    }) : () -> ()
    "tpu.region"() ({
      %run_scoped3A = tpu.sem_alloc : memref<!tpu.dma_semaphore, #tpu.memory_space<semaphore_mem>>
      %dma_start3A_95 = arith.constant 0 : i32
      %dma_start3A_96 = tpu.memref_slice %arg28[%mul3A_2, %dma_start3A_95] : memref<10112x32xf32, #tpu.memory_space<vmem_shared>> -> memref<632x32xf32, #tpu.memory_space<vmem_shared>>
      %dma_start3A_97 = arith.constant 0 : i32
      %dma_start3A_98 = tpu.memref_slice %arg8[%mul3A_2, %dma_start3A_97] : memref<10112x32xf32, #tpu.memory_space<hbm>> -> memref<632x32xf32, #tpu.memory_space<hbm>>
      tpu.enqueue_dma source(%dma_start3A_98 : memref<632x32xf32, #tpu.memory_space<hbm>>) target(%dma_start3A_96 : memref<632x32xf32, #tpu.memory_space<vmem_shared>>) target_semaphore(%run_scoped3A : memref<!tpu.dma_semaphore, #tpu.memory_space<semaphore_mem>>)
      %dma_wait3A = arith.constant 0 : i32
      %dma_wait3A_99 = tpu.memref_slice %arg28[%mul3A_2, %dma_wait3A] : memref<10112x32xf32, #tpu.memory_space<vmem_shared>> -> memref<632x32xf32, #tpu.memory_space<vmem_shared>>
      %dma_wait3A_100 = arith.constant 0 : i32
      %dma_wait3A_101 = tpu.memref_slice %arg8[%mul3A_2, %dma_wait3A_100] : memref<10112x32xf32, #tpu.memory_space<hbm>> -> memref<632x32xf32, #tpu.memory_space<hbm>>
      tpu.wait_dma2 semaphore(%run_scoped3A : memref<!tpu.dma_semaphore, #tpu.memory_space<semaphore_mem>>) src(%dma_wait3A_101 : memref<632x32xf32, #tpu.memory_space<hbm>>) dst(%dma_wait3A_99 : memref<632x32xf32, #tpu.memory_space<vmem_shared>>)
      tpu.yield
    }) : () -> ()
    "tpu.region"() ({
      %run_scoped3A = tpu.sem_alloc : memref<!tpu.dma_semaphore, #tpu.memory_space<semaphore_mem>>
      %dma_start3A_95 = arith.constant 0 : i32
      %dma_start3A_96 = tpu.memref_slice %arg29[%mul3A_2, %dma_start3A_95] : memref<10112x32xf32, #tpu.memory_space<vmem_shared>> -> memref<632x32xf32, #tpu.memory_space<vmem_shared>>
      %dma_start3A_97 = arith.constant 0 : i32
      %dma_start3A_98 = tpu.memref_slice %arg8[%mul3A_2, %dma_start3A_97] : memref<10112x32xf32, #tpu.memory_space<hbm>> -> memref<632x32xf32, #tpu.memory_space<hbm>>
      tpu.enqueue_dma source(%dma_start3A_98 : memref<632x32xf32, #tpu.memory_space<hbm>>) target(%dma_start3A_96 : memref<632x32xf32, #tpu.memory_space<vmem_shared>>) target_semaphore(%run_scoped3A : memref<!tpu.dma_semaphore, #tpu.memory_space<semaphore_mem>>)
      %dma_wait3A = arith.constant 0 : i32
      %dma_wait3A_99 = tpu.memref_slice %arg29[%mul3A_2, %dma_wait3A] : memref<10112x32xf32, #tpu.memory_space<vmem_shared>> -> memref<632x32xf32, #tpu.memory_space<vmem_shared>>
      %dma_wait3A_100 = arith.constant 0 : i32
      %dma_wait3A_101 = tpu.memref_slice %arg8[%mul3A_2, %dma_wait3A_100] : memref<10112x32xf32, #tpu.memory_space<hbm>> -> memref<632x32xf32, #tpu.memory_space<hbm>>
      tpu.wait_dma2 semaphore(%run_scoped3A : memref<!tpu.dma_semaphore, #tpu.memory_space<semaphore_mem>>) src(%dma_wait3A_101 : memref<632x32xf32, #tpu.memory_space<hbm>>) dst(%dma_wait3A_99 : memref<632x32xf32, #tpu.memory_space<vmem_shared>>)
      tpu.yield
    }) : () -> ()
    "tpu.region"() ({
      %run_scoped3A = tpu.sem_alloc : memref<!tpu.dma_semaphore, #tpu.memory_space<semaphore_mem>>
      %dma_start3A_95 = arith.constant 0 : i32
      %dma_start3A_96 = tpu.memref_slice %arg30[%mul3A_2, %dma_start3A_95] : memref<10112x32xf32, #tpu.memory_space<vmem_shared>> -> memref<632x32xf32, #tpu.memory_space<vmem_shared>>
      %dma_start3A_97 = arith.constant 0 : i32
      %dma_start3A_98 = tpu.memref_slice %arg8[%mul3A_2, %dma_start3A_97] : memref<10112x32xf32, #tpu.memory_space<hbm>> -> memref<632x32xf32, #tpu.memory_space<hbm>>
      tpu.enqueue_dma source(%dma_start3A_98 : memref<632x32xf32, #tpu.memory_space<hbm>>) target(%dma_start3A_96 : memref<632x32xf32, #tpu.memory_space<vmem_shared>>) target_semaphore(%run_scoped3A : memref<!tpu.dma_semaphore, #tpu.memory_space<semaphore_mem>>)
      %dma_wait3A = arith.constant 0 : i32
      %dma_wait3A_99 = tpu.memref_slice %arg30[%mul3A_2, %dma_wait3A] : memref<10112x32xf32, #tpu.memory_space<vmem_shared>> -> memref<632x32xf32, #tpu.memory_space<vmem_shared>>
      %dma_wait3A_100 = arith.constant 0 : i32
      %dma_wait3A_101 = tpu.memref_slice %arg8[%mul3A_2, %dma_wait3A_100] : memref<10112x32xf32, #tpu.memory_space<hbm>> -> memref<632x32xf32, #tpu.memory_space<hbm>>
      tpu.wait_dma2 semaphore(%run_scoped3A : memref<!tpu.dma_semaphore, #tpu.memory_space<semaphore_mem>>) src(%dma_wait3A_101 : memref<632x32xf32, #tpu.memory_space<hbm>>) dst(%dma_wait3A_99 : memref<632x32xf32, #tpu.memory_space<vmem_shared>>)
      tpu.yield
    }) : () -> ()
    "tpu.region"() ({
      %run_scoped3A = tpu.sem_alloc : memref<!tpu.dma_semaphore, #tpu.memory_space<semaphore_mem>>
      tpu.enqueue_dma source(%arg9 : memref<128x32xf32, #tpu.memory_space<hbm>>) target(%arg16 : memref<128x32xf32, #tpu.memory_space<vmem>>) target_semaphore(%run_scoped3A : memref<!tpu.dma_semaphore, #tpu.memory_space<semaphore_mem>>)
      tpu.wait_dma2 semaphore(%run_scoped3A : memref<!tpu.dma_semaphore, #tpu.memory_space<semaphore_mem>>) src(%arg9 : memref<128x32xf32, #tpu.memory_space<hbm>>) dst(%arg16 : memref<128x32xf32, #tpu.memory_space<vmem>>)
      tpu.yield
    }) : () -> ()
    %barrier3A = arith.constant 0 : index
    tpu.barrier barrier_id(%barrier3A)
    %mul3A_3 = arith.constant 80 : i32
    %mul3A_4 = arith.muli %add3A, %mul3A_3 : i32
    "tpu.region"() ({
      %run_scoped3A = tpu.sem_alloc : memref<!tpu.dma_semaphore, #tpu.memory_space<semaphore_mem>>
      %dma_start3A_95 = arith.constant 0 : i32
      %dma_start3A_96 = tpu.memref_slice %arg3[%mul3A_4, %dma_start3A_95] : memref<2560x128xi32, #tpu.memory_space<hbm>> -> memref<80x128xi32, #tpu.memory_space<hbm>>
      %dma_start3A_97 = arith.constant 0 : i32
      %dma_start3A_98 = tpu.memref_slice %arg3[%mul3A_4, %dma_start3A_97] : memref<2560x128xi32, #tpu.memory_space<hbm>> -> memref<80x128xi32, #tpu.memory_space<hbm>>
      tpu.enqueue_dma source(%dma_start3A_98 : memref<80x128xi32, #tpu.memory_space<hbm>>) target(%arg14 : memref<80x128xi32, #tpu.memory_space<vmem>>) target_semaphore(%run_scoped3A : memref<!tpu.dma_semaphore, #tpu.memory_space<semaphore_mem>>)
      %dma_wait3A = arith.constant 0 : i32
      %dma_wait3A_99 = tpu.memref_slice %arg3[%mul3A_4, %dma_wait3A] : memref<2560x128xi32, #tpu.memory_space<hbm>> -> memref<80x128xi32, #tpu.memory_space<hbm>>
      %dma_wait3A_100 = arith.constant 0 : i32
      %dma_wait3A_101 = tpu.memref_slice %arg3[%mul3A_4, %dma_wait3A_100] : memref<2560x128xi32, #tpu.memory_space<hbm>> -> memref<80x128xi32, #tpu.memory_space<hbm>>
      tpu.wait_dma2 semaphore(%run_scoped3A : memref<!tpu.dma_semaphore, #tpu.memory_space<semaphore_mem>>) src(%dma_wait3A_101 : memref<80x128xi32, #tpu.memory_space<hbm>>) dst(%arg14 : memref<80x128xi32, #tpu.memory_space<vmem>>)
      tpu.yield
    }) : () -> ()
    %mul3A_5 = arith.constant 80 : i32
    %mul3A_6 = arith.muli %add3A, %mul3A_5 : i32
    "tpu.region"() ({
      %run_scoped3A = tpu.sem_alloc : memref<!tpu.dma_semaphore, #tpu.memory_space<semaphore_mem>>
      %dma_start3A_95 = arith.constant 0 : i32
      %dma_start3A_96 = tpu.memref_slice %arg4[%mul3A_6, %dma_start3A_95] : memref<2560x128xi32, #tpu.memory_space<hbm>> -> memref<80x128xi32, #tpu.memory_space<hbm>>
      %dma_start3A_97 = arith.constant 0 : i32
      %dma_start3A_98 = tpu.memref_slice %arg4[%mul3A_6, %dma_start3A_97] : memref<2560x128xi32, #tpu.memory_space<hbm>> -> memref<80x128xi32, #tpu.memory_space<hbm>>
      tpu.enqueue_dma source(%dma_start3A_98 : memref<80x128xi32, #tpu.memory_space<hbm>>) target(%arg15 : memref<80x128xi32, #tpu.memory_space<vmem>>) target_semaphore(%run_scoped3A : memref<!tpu.dma_semaphore, #tpu.memory_space<semaphore_mem>>)
      %dma_wait3A = arith.constant 0 : i32
      %dma_wait3A_99 = tpu.memref_slice %arg4[%mul3A_6, %dma_wait3A] : memref<2560x128xi32, #tpu.memory_space<hbm>> -> memref<80x128xi32, #tpu.memory_space<hbm>>
      %dma_wait3A_100 = arith.constant 0 : i32
      %dma_wait3A_101 = tpu.memref_slice %arg4[%mul3A_6, %dma_wait3A_100] : memref<2560x128xi32, #tpu.memory_space<hbm>> -> memref<80x128xi32, #tpu.memory_space<hbm>>
      tpu.wait_dma2 semaphore(%run_scoped3A : memref<!tpu.dma_semaphore, #tpu.memory_space<semaphore_mem>>) src(%dma_wait3A_101 : memref<80x128xi32, #tpu.memory_space<hbm>>) dst(%arg15 : memref<80x128xi32, #tpu.memory_space<vmem>>)
      tpu.yield
    }) : () -> ()
    %dma_start3A = arith.constant 0 : i32
    %dma_start3A_7 = arith.constant 0 : i32
    %dma_start3A_8 = tpu.memref_slice %arg14[%dma_start3A, %dma_start3A_7] : memref<80x128xi32, #tpu.memory_space<vmem>> -> memref<1x128xi32, #tpu.memory_space<vmem>>
    %dma_start3A_9 = tpu.memref_squeeze %dma_start3A_8 : memref<1x128xi32, #tpu.memory_space<vmem>> -> memref<128xi32, #tpu.memory_space<vmem>>
    %dma_start3A_10 = arith.constant 0 : i32
    %dma_start3A_11 = arith.constant 0 : i32
    %dma_start3A_12 = tpu.memref_slice %arg2[%dma_start3A_10, %dma_start3A_11] : memref<10112x32xf32, #tpu.memory_space<hbm>> -> memref<10112x32xf32, #tpu.memory_space<hbm>>
    tpu.enqueue_indirect_dma source(%dma_start3A_12 : memref<10112x32xf32, #tpu.memory_space<hbm>>) target(%arg17 : memref<128x32xf32, #tpu.memory_space<vmem>>) offsets(%dma_start3A_9 : memref<128xi32, #tpu.memory_space<vmem>>) semaphore(%arg22 : memref<!tpu.dma_semaphore, #tpu.memory_space<semaphore_mem>>)
    %dma_start3A_13 = arith.constant 1 : i32
    %dma_start3A_14 = arith.constant 0 : i32
    %dma_start3A_15 = tpu.memref_slice %arg14[%dma_start3A_13, %dma_start3A_14] : memref<80x128xi32, #tpu.memory_space<vmem>> -> memref<1x128xi32, #tpu.memory_space<vmem>>
    %dma_start3A_16 = tpu.memref_squeeze %dma_start3A_15 : memref<1x128xi32, #tpu.memory_space<vmem>> -> memref<128xi32, #tpu.memory_space<vmem>>
    %dma_start3A_17 = arith.constant 0 : i32
    %dma_start3A_18 = arith.constant 0 : i32
    %dma_start3A_19 = tpu.memref_slice %arg2[%dma_start3A_17, %dma_start3A_18] : memref<10112x32xf32, #tpu.memory_space<hbm>> -> memref<10112x32xf32, #tpu.memory_space<hbm>>
    tpu.enqueue_indirect_dma source(%dma_start3A_19 : memref<10112x32xf32, #tpu.memory_space<hbm>>) target(%arg18 : memref<128x32xf32, #tpu.memory_space<vmem>>) offsets(%dma_start3A_16 : memref<128xi32, #tpu.memory_space<vmem>>) semaphore(%arg23 : memref<!tpu.dma_semaphore, #tpu.memory_space<semaphore_mem>>)
    %dma_start3A_20 = arith.constant 2 : i32
    %dma_start3A_21 = arith.constant 0 : i32
    %dma_start3A_22 = tpu.memref_slice %arg14[%dma_start3A_20, %dma_start3A_21] : memref<80x128xi32, #tpu.memory_space<vmem>> -> memref<1x128xi32, #tpu.memory_space<vmem>>
    %dma_start3A_23 = tpu.memref_squeeze %dma_start3A_22 : memref<1x128xi32, #tpu.memory_space<vmem>> -> memref<128xi32, #tpu.memory_space<vmem>>
    %dma_start3A_24 = arith.constant 0 : i32
    %dma_start3A_25 = arith.constant 0 : i32
    %dma_start3A_26 = tpu.memref_slice %arg2[%dma_start3A_24, %dma_start3A_25] : memref<10112x32xf32, #tpu.memory_space<hbm>> -> memref<10112x32xf32, #tpu.memory_space<hbm>>
    tpu.enqueue_indirect_dma source(%dma_start3A_26 : memref<10112x32xf32, #tpu.memory_space<hbm>>) target(%arg19 : memref<128x32xf32, #tpu.memory_space<vmem>>) offsets(%dma_start3A_23 : memref<128xi32, #tpu.memory_space<vmem>>) semaphore(%arg24 : memref<!tpu.dma_semaphore, #tpu.memory_space<semaphore_mem>>)
    %dma_start3A_27 = arith.constant 3 : i32
    %dma_start3A_28 = arith.constant 0 : i32
    %dma_start3A_29 = tpu.memref_slice %arg14[%dma_start3A_27, %dma_start3A_28] : memref<80x128xi32, #tpu.memory_space<vmem>> -> memref<1x128xi32, #tpu.memory_space<vmem>>
    %dma_start3A_30 = tpu.memref_squeeze %dma_start3A_29 : memref<1x128xi32, #tpu.memory_space<vmem>> -> memref<128xi32, #tpu.memory_space<vmem>>
    %dma_start3A_31 = arith.constant 0 : i32
    %dma_start3A_32 = arith.constant 0 : i32
    %dma_start3A_33 = tpu.memref_slice %arg2[%dma_start3A_31, %dma_start3A_32] : memref<10112x32xf32, #tpu.memory_space<hbm>> -> memref<10112x32xf32, #tpu.memory_space<hbm>>
    tpu.enqueue_indirect_dma source(%dma_start3A_33 : memref<10112x32xf32, #tpu.memory_space<hbm>>) target(%arg20 : memref<128x32xf32, #tpu.memory_space<vmem>>) offsets(%dma_start3A_30 : memref<128xi32, #tpu.memory_space<vmem>>) semaphore(%arg25 : memref<!tpu.dma_semaphore, #tpu.memory_space<semaphore_mem>>)
    %dma_start3A_34 = arith.constant 4 : i32
    %dma_start3A_35 = arith.constant 0 : i32
    %dma_start3A_36 = tpu.memref_slice %arg14[%dma_start3A_34, %dma_start3A_35] : memref<80x128xi32, #tpu.memory_space<vmem>> -> memref<1x128xi32, #tpu.memory_space<vmem>>
    %dma_start3A_37 = tpu.memref_squeeze %dma_start3A_36 : memref<1x128xi32, #tpu.memory_space<vmem>> -> memref<128xi32, #tpu.memory_space<vmem>>
    %dma_start3A_38 = arith.constant 0 : i32
    %dma_start3A_39 = arith.constant 0 : i32
    %dma_start3A_40 = tpu.memref_slice %arg2[%dma_start3A_38, %dma_start3A_39] : memref<10112x32xf32, #tpu.memory_space<hbm>> -> memref<10112x32xf32, #tpu.memory_space<hbm>>
    tpu.enqueue_indirect_dma source(%dma_start3A_40 : memref<10112x32xf32, #tpu.memory_space<hbm>>) target(%arg21 : memref<128x32xf32, #tpu.memory_space<vmem>>) offsets(%dma_start3A_37 : memref<128xi32, #tpu.memory_space<vmem>>) semaphore(%arg26 : memref<!tpu.dma_semaphore, #tpu.memory_space<semaphore_mem>>)
    %scan3A = arith.constant 0 : i32
    %scan3A_41 = arith.constant 0 : i32
    %scan3A_42 = arith.constant 16 : i32
    %scan3A_43 = arith.addi %scan3A_41, %scan3A_42 : i32
    %scan3A_44 = arith.constant 1 : i32
    scf.for %scan3A_95 = %scan3A_41 to %scan3A_43 step %scan3A_44  : i32 {
      %mul3A_96 = arith.constant 5 : i32
      %mul3A_97 = arith.muli %scan3A_95, %mul3A_96 : i32
      %add3A_98 = arith.constant 0 : i32
      %add3A_99 = arith.addi %mul3A_97, %add3A_98 : i32
      %dma_wait3A = arith.constant 0 : i32
      %dma_wait3A_100 = tpu.memref_slice %arg14[%add3A_99, %dma_wait3A] : memref<80x128xi32, #tpu.memory_space<vmem>> -> memref<1x128xi32, #tpu.memory_space<vmem>>
      %dma_wait3A_101 = tpu.memref_squeeze %dma_wait3A_100 : memref<1x128xi32, #tpu.memory_space<vmem>> -> memref<128xi32, #tpu.memory_space<vmem>>
      %dma_wait3A_102 = arith.constant 0 : i32
      %dma_wait3A_103 = arith.constant 0 : i32
      %dma_wait3A_104 = tpu.memref_slice %arg2[%dma_wait3A_102, %dma_wait3A_103] : memref<10112x32xf32, #tpu.memory_space<hbm>> -> memref<10112x32xf32, #tpu.memory_space<hbm>>
      tpu.wait_indirect_dma semaphore(%arg22 : memref<!tpu.dma_semaphore, #tpu.memory_space<semaphore_mem>>) src(%dma_wait3A_104 : memref<10112x32xf32, #tpu.memory_space<hbm>>) dst(%arg17 : memref<128x32xf32, #tpu.memory_space<vmem>>)
      "tpu.region"() ({
        %run_scoped3A = tpu.sem_alloc : memref<!tpu.dma_semaphore, #tpu.memory_space<semaphore_mem>>
        %dma_start3A_177 = arith.constant 0 : i32
        %dma_start3A_178 = tpu.memref_slice %arg15[%add3A_99, %dma_start3A_177] : memref<80x128xi32, #tpu.memory_space<vmem>> -> memref<1x128xi32, #tpu.memory_space<vmem>>
        %dma_start3A_179 = tpu.memref_squeeze %dma_start3A_178 : memref<1x128xi32, #tpu.memory_space<vmem>> -> memref<128xi32, #tpu.memory_space<vmem>>
        %dma_start3A_180 = arith.constant 0 : i32
        %dma_start3A_181 = arith.constant 0 : i32
        %dma_start3A_182 = tpu.memref_slice %arg27[%dma_start3A_180, %dma_start3A_181] : memref<10112x32xf32, #tpu.memory_space<vmem_shared>> -> memref<10112x32xf32, #tpu.memory_space<vmem_shared>>
        tpu.enqueue_indirect_dma source(%arg17 : memref<128x32xf32, #tpu.memory_space<vmem>>) target(%dma_start3A_182 : memref<10112x32xf32, #tpu.memory_space<vmem_shared>>) offsets(%dma_start3A_179 : memref<128xi32, #tpu.memory_space<vmem>>) semaphore(%run_scoped3A : memref<!tpu.dma_semaphore, #tpu.memory_space<semaphore_mem>>) {add = true}
        %dma_wait3A_183 = arith.constant 0 : i32
        %dma_wait3A_184 = tpu.memref_slice %arg15[%add3A_99, %dma_wait3A_183] : memref<80x128xi32, #tpu.memory_space<vmem>> -> memref<1x128xi32, #tpu.memory_space<vmem>>
        %dma_wait3A_185 = tpu.memref_squeeze %dma_wait3A_184 : memref<1x128xi32, #tpu.memory_space<vmem>> -> memref<128xi32, #tpu.memory_space<vmem>>
        %dma_wait3A_186 = arith.constant 0 : i32
        %dma_wait3A_187 = arith.constant 0 : i32
        %dma_wait3A_188 = tpu.memref_slice %arg27[%dma_wait3A_186, %dma_wait3A_187] : memref<10112x32xf32, #tpu.memory_space<vmem_shared>> -> memref<10112x32xf32, #tpu.memory_space<vmem_shared>>
        tpu.wait_indirect_dma semaphore(%run_scoped3A : memref<!tpu.dma_semaphore, #tpu.memory_space<semaphore_mem>>) src(%arg17 : memref<128x32xf32, #tpu.memory_space<vmem>>) dst(%dma_wait3A_188 : memref<10112x32xf32, #tpu.memory_space<vmem_shared>>)
        tpu.yield
      }) : () -> ()
      "tpu.region"() ({
        %run_scoped3A = tpu.sem_alloc : memref<!tpu.dma_semaphore, #tpu.memory_space<semaphore_mem>>
        %dma_start3A_177 = arith.constant 0 : i32
        %dma_start3A_178 = tpu.memref_slice %arg15[%add3A_99, %dma_start3A_177] : memref<80x128xi32, #tpu.memory_space<vmem>> -> memref<1x128xi32, #tpu.memory_space<vmem>>
        %dma_start3A_179 = tpu.memref_squeeze %dma_start3A_178 : memref<1x128xi32, #tpu.memory_space<vmem>> -> memref<128xi32, #tpu.memory_space<vmem>>
        %dma_start3A_180 = arith.constant 0 : i32
        %dma_start3A_181 = arith.constant 0 : i32
        %dma_start3A_182 = tpu.memref_slice %arg29[%dma_start3A_180, %dma_start3A_181] : memref<10112x32xf32, #tpu.memory_space<vmem_shared>> -> memref<10112x32xf32, #tpu.memory_space<vmem_shared>>
        tpu.enqueue_indirect_dma source(%arg16 : memref<128x32xf32, #tpu.memory_space<vmem>>) target(%dma_start3A_182 : memref<10112x32xf32, #tpu.memory_space<vmem_shared>>) offsets(%dma_start3A_179 : memref<128xi32, #tpu.memory_space<vmem>>) semaphore(%run_scoped3A : memref<!tpu.dma_semaphore, #tpu.memory_space<semaphore_mem>>) {add = true}
        %dma_wait3A_183 = arith.constant 0 : i32
        %dma_wait3A_184 = tpu.memref_slice %arg15[%add3A_99, %dma_wait3A_183] : memref<80x128xi32, #tpu.memory_space<vmem>> -> memref<1x128xi32, #tpu.memory_space<vmem>>
        %dma_wait3A_185 = tpu.memref_squeeze %dma_wait3A_184 : memref<1x128xi32, #tpu.memory_space<vmem>> -> memref<128xi32, #tpu.memory_space<vmem>>
        %dma_wait3A_186 = arith.constant 0 : i32
        %dma_wait3A_187 = arith.constant 0 : i32
        %dma_wait3A_188 = tpu.memref_slice %arg29[%dma_wait3A_186, %dma_wait3A_187] : memref<10112x32xf32, #tpu.memory_space<vmem_shared>> -> memref<10112x32xf32, #tpu.memory_space<vmem_shared>>
        tpu.wait_indirect_dma semaphore(%run_scoped3A : memref<!tpu.dma_semaphore, #tpu.memory_space<semaphore_mem>>) src(%arg16 : memref<128x32xf32, #tpu.memory_space<vmem>>) dst(%dma_wait3A_188 : memref<10112x32xf32, #tpu.memory_space<vmem_shared>>)
        tpu.yield
      }) : () -> ()
      %add3A_105 = arith.constant 5 : i32
      %add3A_106 = arith.addi %add3A_99, %add3A_105 : i32
      %lt3A = arith.constant 80 : i32
      %lt3A_107 = arith.cmpi slt, %add3A_106, %lt3A : i32
      %convert_element_type3A = arith.extui %lt3A_107 : i1 to i32
      %cond3A = arith.constant 0 : i32
      %cond3A_108 = arith.cmpi ne, %convert_element_type3A, %cond3A : i32
      scf.if %cond3A_108 {
        %add3A_177 = arith.constant 5 : i32
        %add3A_178 = arith.addi %add3A_99, %add3A_177 : i32
        %dma_start3A_179 = arith.constant 0 : i32
        %dma_start3A_180 = tpu.memref_slice %arg14[%add3A_178, %dma_start3A_179] : memref<80x128xi32, #tpu.memory_space<vmem>> -> memref<1x128xi32, #tpu.memory_space<vmem>>
        %dma_start3A_181 = tpu.memref_squeeze %dma_start3A_180 : memref<1x128xi32, #tpu.memory_space<vmem>> -> memref<128xi32, #tpu.memory_space<vmem>>
        %dma_start3A_182 = arith.constant 0 : i32
        %dma_start3A_183 = arith.constant 0 : i32
        %dma_start3A_184 = tpu.memref_slice %arg2[%dma_start3A_182, %dma_start3A_183] : memref<10112x32xf32, #tpu.memory_space<hbm>> -> memref<10112x32xf32, #tpu.memory_space<hbm>>
        tpu.enqueue_indirect_dma source(%dma_start3A_184 : memref<10112x32xf32, #tpu.memory_space<hbm>>) target(%arg17 : memref<128x32xf32, #tpu.memory_space<vmem>>) offsets(%dma_start3A_181 : memref<128xi32, #tpu.memory_space<vmem>>) semaphore(%arg22 : memref<!tpu.dma_semaphore, #tpu.memory_space<semaphore_mem>>)
      } else {
      }
      %mul3A_109 = arith.constant 5 : i32
      %mul3A_110 = arith.muli %scan3A_95, %mul3A_109 : i32
      %add3A_111 = arith.constant 1 : i32
      %add3A_112 = arith.addi %mul3A_110, %add3A_111 : i32
      %dma_wait3A_113 = arith.constant 0 : i32
      %dma_wait3A_114 = tpu.memref_slice %arg14[%add3A_112, %dma_wait3A_113] : memref<80x128xi32, #tpu.memory_space<vmem>> -> memref<1x128xi32, #tpu.memory_space<vmem>>
      %dma_wait3A_115 = tpu.memref_squeeze %dma_wait3A_114 : memref<1x128xi32, #tpu.memory_space<vmem>> -> memref<128xi32, #tpu.memory_space<vmem>>
      %dma_wait3A_116 = arith.constant 0 : i32
      %dma_wait3A_117 = arith.constant 0 : i32
      %dma_wait3A_118 = tpu.memref_slice %arg2[%dma_wait3A_116, %dma_wait3A_117] : memref<10112x32xf32, #tpu.memory_space<hbm>> -> memref<10112x32xf32, #tpu.memory_space<hbm>>
      tpu.wait_indirect_dma semaphore(%arg23 : memref<!tpu.dma_semaphore, #tpu.memory_space<semaphore_mem>>) src(%dma_wait3A_118 : memref<10112x32xf32, #tpu.memory_space<hbm>>) dst(%arg18 : memref<128x32xf32, #tpu.memory_space<vmem>>)
      "tpu.region"() ({
        %run_scoped3A = tpu.sem_alloc : memref<!tpu.dma_semaphore, #tpu.memory_space<semaphore_mem>>
        %dma_start3A_177 = arith.constant 0 : i32
        %dma_start3A_178 = tpu.memref_slice %arg15[%add3A_112, %dma_start3A_177] : memref<80x128xi32, #tpu.memory_space<vmem>> -> memref<1x128xi32, #tpu.memory_space<vmem>>
        %dma_start3A_179 = tpu.memref_squeeze %dma_start3A_178 : memref<1x128xi32, #tpu.memory_space<vmem>> -> memref<128xi32, #tpu.memory_space<vmem>>
        %dma_start3A_180 = arith.constant 0 : i32
        %dma_start3A_181 = arith.constant 0 : i32
        %dma_start3A_182 = tpu.memref_slice %arg27[%dma_start3A_180, %dma_start3A_181] : memref<10112x32xf32, #tpu.memory_space<vmem_shared>> -> memref<10112x32xf32, #tpu.memory_space<vmem_shared>>
        tpu.enqueue_indirect_dma source(%arg18 : memref<128x32xf32, #tpu.memory_space<vmem>>) target(%dma_start3A_182 : memref<10112x32xf32, #tpu.memory_space<vmem_shared>>) offsets(%dma_start3A_179 : memref<128xi32, #tpu.memory_space<vmem>>) semaphore(%run_scoped3A : memref<!tpu.dma_semaphore, #tpu.memory_space<semaphore_mem>>) {add = true}
        %dma_wait3A_183 = arith.constant 0 : i32
        %dma_wait3A_184 = tpu.memref_slice %arg15[%add3A_112, %dma_wait3A_183] : memref<80x128xi32, #tpu.memory_space<vmem>> -> memref<1x128xi32, #tpu.memory_space<vmem>>
        %dma_wait3A_185 = tpu.memref_squeeze %dma_wait3A_184 : memref<1x128xi32, #tpu.memory_space<vmem>> -> memref<128xi32, #tpu.memory_space<vmem>>
        %dma_wait3A_186 = arith.constant 0 : i32
        %dma_wait3A_187 = arith.constant 0 : i32
        %dma_wait3A_188 = tpu.memref_slice %arg27[%dma_wait3A_186, %dma_wait3A_187] : memref<10112x32xf32, #tpu.memory_space<vmem_shared>> -> memref<10112x32xf32, #tpu.memory_space<vmem_shared>>
        tpu.wait_indirect_dma semaphore(%run_scoped3A : memref<!tpu.dma_semaphore, #tpu.memory_space<semaphore_mem>>) src(%arg18 : memref<128x32xf32, #tpu.memory_space<vmem>>) dst(%dma_wait3A_188 : memref<10112x32xf32, #tpu.memory_space<vmem_shared>>)
        tpu.yield
      }) : () -> ()
      "tpu.region"() ({
        %run_scoped3A = tpu.sem_alloc : memref<!tpu.dma_semaphore, #tpu.memory_space<semaphore_mem>>
        %dma_start3A_177 = arith.constant 0 : i32
        %dma_start3A_178 = tpu.memref_slice %arg15[%add3A_112, %dma_start3A_177] : memref<80x128xi32, #tpu.memory_space<vmem>> -> memref<1x128xi32, #tpu.memory_space<vmem>>
        %dma_start3A_179 = tpu.memref_squeeze %dma_start3A_178 : memref<1x128xi32, #tpu.memory_space<vmem>> -> memref<128xi32, #tpu.memory_space<vmem>>
        %dma_start3A_180 = arith.constant 0 : i32
        %dma_start3A_181 = arith.constant 0 : i32
        %dma_start3A_182 = tpu.memref_slice %arg29[%dma_start3A_180, %dma_start3A_181] : memref<10112x32xf32, #tpu.memory_space<vmem_shared>> -> memref<10112x32xf32, #tpu.memory_space<vmem_shared>>
        tpu.enqueue_indirect_dma source(%arg16 : memref<128x32xf32, #tpu.memory_space<vmem>>) target(%dma_start3A_182 : memref<10112x32xf32, #tpu.memory_space<vmem_shared>>) offsets(%dma_start3A_179 : memref<128xi32, #tpu.memory_space<vmem>>) semaphore(%run_scoped3A : memref<!tpu.dma_semaphore, #tpu.memory_space<semaphore_mem>>) {add = true}
        %dma_wait3A_183 = arith.constant 0 : i32
        %dma_wait3A_184 = tpu.memref_slice %arg15[%add3A_112, %dma_wait3A_183] : memref<80x128xi32, #tpu.memory_space<vmem>> -> memref<1x128xi32, #tpu.memory_space<vmem>>
        %dma_wait3A_185 = tpu.memref_squeeze %dma_wait3A_184 : memref<1x128xi32, #tpu.memory_space<vmem>> -> memref<128xi32, #tpu.memory_space<vmem>>
        %dma_wait3A_186 = arith.constant 0 : i32
        %dma_wait3A_187 = arith.constant 0 : i32
        %dma_wait3A_188 = tpu.memref_slice %arg29[%dma_wait3A_186, %dma_wait3A_187] : memref<10112x32xf32, #tpu.memory_space<vmem_shared>> -> memref<10112x32xf32, #tpu.memory_space<vmem_shared>>
        tpu.wait_indirect_dma semaphore(%run_scoped3A : memref<!tpu.dma_semaphore, #tpu.memory_space<semaphore_mem>>) src(%arg16 : memref<128x32xf32, #tpu.memory_space<vmem>>) dst(%dma_wait3A_188 : memref<10112x32xf32, #tpu.memory_space<vmem_shared>>)
        tpu.yield
      }) : () -> ()
      %add3A_119 = arith.constant 5 : i32
      %add3A_120 = arith.addi %add3A_112, %add3A_119 : i32
      %lt3A_121 = arith.constant 80 : i32
      %lt3A_122 = arith.cmpi slt, %add3A_120, %lt3A_121 : i32
      %convert_element_type3A_123 = arith.extui %lt3A_122 : i1 to i32
      %cond3A_124 = arith.constant 0 : i32
      %cond3A_125 = arith.cmpi ne, %convert_element_type3A_123, %cond3A_124 : i32
      scf.if %cond3A_125 {
        %add3A_177 = arith.constant 5 : i32
        %add3A_178 = arith.addi %add3A_112, %add3A_177 : i32
        %dma_start3A_179 = arith.constant 0 : i32
        %dma_start3A_180 = tpu.memref_slice %arg14[%add3A_178, %dma_start3A_179] : memref<80x128xi32, #tpu.memory_space<vmem>> -> memref<1x128xi32, #tpu.memory_space<vmem>>
        %dma_start3A_181 = tpu.memref_squeeze %dma_start3A_180 : memref<1x128xi32, #tpu.memory_space<vmem>> -> memref<128xi32, #tpu.memory_space<vmem>>
        %dma_start3A_182 = arith.constant 0 : i32
        %dma_start3A_183 = arith.constant 0 : i32
        %dma_start3A_184 = tpu.memref_slice %arg2[%dma_start3A_182, %dma_start3A_183] : memref<10112x32xf32, #tpu.memory_space<hbm>> -> memref<10112x32xf32, #tpu.memory_space<hbm>>
        tpu.enqueue_indirect_dma source(%dma_start3A_184 : memref<10112x32xf32, #tpu.memory_space<hbm>>) target(%arg18 : memref<128x32xf32, #tpu.memory_space<vmem>>) offsets(%dma_start3A_181 : memref<128xi32, #tpu.memory_space<vmem>>) semaphore(%arg23 : memref<!tpu.dma_semaphore, #tpu.memory_space<semaphore_mem>>)
      } else {
      }
      %mul3A_126 = arith.constant 5 : i32
      %mul3A_127 = arith.muli %scan3A_95, %mul3A_126 : i32
      %add3A_128 = arith.constant 2 : i32
      %add3A_129 = arith.addi %mul3A_127, %add3A_128 : i32
      %dma_wait3A_130 = arith.constant 0 : i32
      %dma_wait3A_131 = tpu.memref_slice %arg14[%add3A_129, %dma_wait3A_130] : memref<80x128xi32, #tpu.memory_space<vmem>> -> memref<1x128xi32, #tpu.memory_space<vmem>>
      %dma_wait3A_132 = tpu.memref_squeeze %dma_wait3A_131 : memref<1x128xi32, #tpu.memory_space<vmem>> -> memref<128xi32, #tpu.memory_space<vmem>>
      %dma_wait3A_133 = arith.constant 0 : i32
      %dma_wait3A_134 = arith.constant 0 : i32
      %dma_wait3A_135 = tpu.memref_slice %arg2[%dma_wait3A_133, %dma_wait3A_134] : memref<10112x32xf32, #tpu.memory_space<hbm>> -> memref<10112x32xf32, #tpu.memory_space<hbm>>
      tpu.wait_indirect_dma semaphore(%arg24 : memref<!tpu.dma_semaphore, #tpu.memory_space<semaphore_mem>>) src(%dma_wait3A_135 : memref<10112x32xf32, #tpu.memory_space<hbm>>) dst(%arg19 : memref<128x32xf32, #tpu.memory_space<vmem>>)
      "tpu.region"() ({
        %run_scoped3A = tpu.sem_alloc : memref<!tpu.dma_semaphore, #tpu.memory_space<semaphore_mem>>
        %dma_start3A_177 = arith.constant 0 : i32
        %dma_start3A_178 = tpu.memref_slice %arg15[%add3A_129, %dma_start3A_177] : memref<80x128xi32, #tpu.memory_space<vmem>> -> memref<1x128xi32, #tpu.memory_space<vmem>>
        %dma_start3A_179 = tpu.memref_squeeze %dma_start3A_178 : memref<1x128xi32, #tpu.memory_space<vmem>> -> memref<128xi32, #tpu.memory_space<vmem>>
        %dma_start3A_180 = arith.constant 0 : i32
        %dma_start3A_181 = arith.constant 0 : i32
        %dma_start3A_182 = tpu.memref_slice %arg27[%dma_start3A_180, %dma_start3A_181] : memref<10112x32xf32, #tpu.memory_space<vmem_shared>> -> memref<10112x32xf32, #tpu.memory_space<vmem_shared>>
        tpu.enqueue_indirect_dma source(%arg19 : memref<128x32xf32, #tpu.memory_space<vmem>>) target(%dma_start3A_182 : memref<10112x32xf32, #tpu.memory_space<vmem_shared>>) offsets(%dma_start3A_179 : memref<128xi32, #tpu.memory_space<vmem>>) semaphore(%run_scoped3A : memref<!tpu.dma_semaphore, #tpu.memory_space<semaphore_mem>>) {add = true}
        %dma_wait3A_183 = arith.constant 0 : i32
        %dma_wait3A_184 = tpu.memref_slice %arg15[%add3A_129, %dma_wait3A_183] : memref<80x128xi32, #tpu.memory_space<vmem>> -> memref<1x128xi32, #tpu.memory_space<vmem>>
        %dma_wait3A_185 = tpu.memref_squeeze %dma_wait3A_184 : memref<1x128xi32, #tpu.memory_space<vmem>> -> memref<128xi32, #tpu.memory_space<vmem>>
        %dma_wait3A_186 = arith.constant 0 : i32
        %dma_wait3A_187 = arith.constant 0 : i32
        %dma_wait3A_188 = tpu.memref_slice %arg27[%dma_wait3A_186, %dma_wait3A_187] : memref<10112x32xf32, #tpu.memory_space<vmem_shared>> -> memref<10112x32xf32, #tpu.memory_space<vmem_shared>>
        tpu.wait_indirect_dma semaphore(%run_scoped3A : memref<!tpu.dma_semaphore, #tpu.memory_space<semaphore_mem>>) src(%arg19 : memref<128x32xf32, #tpu.memory_space<vmem>>) dst(%dma_wait3A_188 : memref<10112x32xf32, #tpu.memory_space<vmem_shared>>)
        tpu.yield
      }) : () -> ()
      "tpu.region"() ({
        %run_scoped3A = tpu.sem_alloc : memref<!tpu.dma_semaphore, #tpu.memory_space<semaphore_mem>>
        %dma_start3A_177 = arith.constant 0 : i32
        %dma_start3A_178 = tpu.memref_slice %arg15[%add3A_129, %dma_start3A_177] : memref<80x128xi32, #tpu.memory_space<vmem>> -> memref<1x128xi32, #tpu.memory_space<vmem>>
        %dma_start3A_179 = tpu.memref_squeeze %dma_start3A_178 : memref<1x128xi32, #tpu.memory_space<vmem>> -> memref<128xi32, #tpu.memory_space<vmem>>
        %dma_start3A_180 = arith.constant 0 : i32
        %dma_start3A_181 = arith.constant 0 : i32
        %dma_start3A_182 = tpu.memref_slice %arg29[%dma_start3A_180, %dma_start3A_181] : memref<10112x32xf32, #tpu.memory_space<vmem_shared>> -> memref<10112x32xf32, #tpu.memory_space<vmem_shared>>
        tpu.enqueue_indirect_dma source(%arg16 : memref<128x32xf32, #tpu.memory_space<vmem>>) target(%dma_start3A_182 : memref<10112x32xf32, #tpu.memory_space<vmem_shared>>) offsets(%dma_start3A_179 : memref<128xi32, #tpu.memory_space<vmem>>) semaphore(%run_scoped3A : memref<!tpu.dma_semaphore, #tpu.memory_space<semaphore_mem>>) {add = true}
        %dma_wait3A_183 = arith.constant 0 : i32
        %dma_wait3A_184 = tpu.memref_slice %arg15[%add3A_129, %dma_wait3A_183] : memref<80x128xi32, #tpu.memory_space<vmem>> -> memref<1x128xi32, #tpu.memory_space<vmem>>
        %dma_wait3A_185 = tpu.memref_squeeze %dma_wait3A_184 : memref<1x128xi32, #tpu.memory_space<vmem>> -> memref<128xi32, #tpu.memory_space<vmem>>
        %dma_wait3A_186 = arith.constant 0 : i32
        %dma_wait3A_187 = arith.constant 0 : i32
        %dma_wait3A_188 = tpu.memref_slice %arg29[%dma_wait3A_186, %dma_wait3A_187] : memref<10112x32xf32, #tpu.memory_space<vmem_shared>> -> memref<10112x32xf32, #tpu.memory_space<vmem_shared>>
        tpu.wait_indirect_dma semaphore(%run_scoped3A : memref<!tpu.dma_semaphore, #tpu.memory_space<semaphore_mem>>) src(%arg16 : memref<128x32xf32, #tpu.memory_space<vmem>>) dst(%dma_wait3A_188 : memref<10112x32xf32, #tpu.memory_space<vmem_shared>>)
        tpu.yield
      }) : () -> ()
      %add3A_136 = arith.constant 5 : i32
      %add3A_137 = arith.addi %add3A_129, %add3A_136 : i32
      %lt3A_138 = arith.constant 80 : i32
      %lt3A_139 = arith.cmpi slt, %add3A_137, %lt3A_138 : i32
      %convert_element_type3A_140 = arith.extui %lt3A_139 : i1 to i32
      %cond3A_141 = arith.constant 0 : i32
      %cond3A_142 = arith.cmpi ne, %convert_element_type3A_140, %cond3A_141 : i32
      scf.if %cond3A_142 {
        %add3A_177 = arith.constant 5 : i32
        %add3A_178 = arith.addi %add3A_129, %add3A_177 : i32
        %dma_start3A_179 = arith.constant 0 : i32
        %dma_start3A_180 = tpu.memref_slice %arg14[%add3A_178, %dma_start3A_179] : memref<80x128xi32, #tpu.memory_space<vmem>> -> memref<1x128xi32, #tpu.memory_space<vmem>>
        %dma_start3A_181 = tpu.memref_squeeze %dma_start3A_180 : memref<1x128xi32, #tpu.memory_space<vmem>> -> memref<128xi32, #tpu.memory_space<vmem>>
        %dma_start3A_182 = arith.constant 0 : i32
        %dma_start3A_183 = arith.constant 0 : i32
        %dma_start3A_184 = tpu.memref_slice %arg2[%dma_start3A_182, %dma_start3A_183] : memref<10112x32xf32, #tpu.memory_space<hbm>> -> memref<10112x32xf32, #tpu.memory_space<hbm>>
        tpu.enqueue_indirect_dma source(%dma_start3A_184 : memref<10112x32xf32, #tpu.memory_space<hbm>>) target(%arg19 : memref<128x32xf32, #tpu.memory_space<vmem>>) offsets(%dma_start3A_181 : memref<128xi32, #tpu.memory_space<vmem>>) semaphore(%arg24 : memref<!tpu.dma_semaphore, #tpu.memory_space<semaphore_mem>>)
      } else {
      }
      %mul3A_143 = arith.constant 5 : i32
      %mul3A_144 = arith.muli %scan3A_95, %mul3A_143 : i32
      %add3A_145 = arith.constant 3 : i32
      %add3A_146 = arith.addi %mul3A_144, %add3A_145 : i32
      %dma_wait3A_147 = arith.constant 0 : i32
      %dma_wait3A_148 = tpu.memref_slice %arg14[%add3A_146, %dma_wait3A_147] : memref<80x128xi32, #tpu.memory_space<vmem>> -> memref<1x128xi32, #tpu.memory_space<vmem>>
      %dma_wait3A_149 = tpu.memref_squeeze %dma_wait3A_148 : memref<1x128xi32, #tpu.memory_space<vmem>> -> memref<128xi32, #tpu.memory_space<vmem>>
      %dma_wait3A_150 = arith.constant 0 : i32
      %dma_wait3A_151 = arith.constant 0 : i32
      %dma_wait3A_152 = tpu.memref_slice %arg2[%dma_wait3A_150, %dma_wait3A_151] : memref<10112x32xf32, #tpu.memory_space<hbm>> -> memref<10112x32xf32, #tpu.memory_space<hbm>>
      tpu.wait_indirect_dma semaphore(%arg25 : memref<!tpu.dma_semaphore, #tpu.memory_space<semaphore_mem>>) src(%dma_wait3A_152 : memref<10112x32xf32, #tpu.memory_space<hbm>>) dst(%arg20 : memref<128x32xf32, #tpu.memory_space<vmem>>)
      "tpu.region"() ({
        %run_scoped3A = tpu.sem_alloc : memref<!tpu.dma_semaphore, #tpu.memory_space<semaphore_mem>>
        %dma_start3A_177 = arith.constant 0 : i32
        %dma_start3A_178 = tpu.memref_slice %arg15[%add3A_146, %dma_start3A_177] : memref<80x128xi32, #tpu.memory_space<vmem>> -> memref<1x128xi32, #tpu.memory_space<vmem>>
        %dma_start3A_179 = tpu.memref_squeeze %dma_start3A_178 : memref<1x128xi32, #tpu.memory_space<vmem>> -> memref<128xi32, #tpu.memory_space<vmem>>
        %dma_start3A_180 = arith.constant 0 : i32
        %dma_start3A_181 = arith.constant 0 : i32
        %dma_start3A_182 = tpu.memref_slice %arg27[%dma_start3A_180, %dma_start3A_181] : memref<10112x32xf32, #tpu.memory_space<vmem_shared>> -> memref<10112x32xf32, #tpu.memory_space<vmem_shared>>
        tpu.enqueue_indirect_dma source(%arg20 : memref<128x32xf32, #tpu.memory_space<vmem>>) target(%dma_start3A_182 : memref<10112x32xf32, #tpu.memory_space<vmem_shared>>) offsets(%dma_start3A_179 : memref<128xi32, #tpu.memory_space<vmem>>) semaphore(%run_scoped3A : memref<!tpu.dma_semaphore, #tpu.memory_space<semaphore_mem>>) {add = true}
        %dma_wait3A_183 = arith.constant 0 : i32
        %dma_wait3A_184 = tpu.memref_slice %arg15[%add3A_146, %dma_wait3A_183] : memref<80x128xi32, #tpu.memory_space<vmem>> -> memref<1x128xi32, #tpu.memory_space<vmem>>
        %dma_wait3A_185 = tpu.memref_squeeze %dma_wait3A_184 : memref<1x128xi32, #tpu.memory_space<vmem>> -> memref<128xi32, #tpu.memory_space<vmem>>
        %dma_wait3A_186 = arith.constant 0 : i32
        %dma_wait3A_187 = arith.constant 0 : i32
        %dma_wait3A_188 = tpu.memref_slice %arg27[%dma_wait3A_186, %dma_wait3A_187] : memref<10112x32xf32, #tpu.memory_space<vmem_shared>> -> memref<10112x32xf32, #tpu.memory_space<vmem_shared>>
        tpu.wait_indirect_dma semaphore(%run_scoped3A : memref<!tpu.dma_semaphore, #tpu.memory_space<semaphore_mem>>) src(%arg20 : memref<128x32xf32, #tpu.memory_space<vmem>>) dst(%dma_wait3A_188 : memref<10112x32xf32, #tpu.memory_space<vmem_shared>>)
        tpu.yield
      }) : () -> ()
      "tpu.region"() ({
        %run_scoped3A = tpu.sem_alloc : memref<!tpu.dma_semaphore, #tpu.memory_space<semaphore_mem>>
        %dma_start3A_177 = arith.constant 0 : i32
        %dma_start3A_178 = tpu.memref_slice %arg15[%add3A_146, %dma_start3A_177] : memref<80x128xi32, #tpu.memory_space<vmem>> -> memref<1x128xi32, #tpu.memory_space<vmem>>
        %dma_start3A_179 = tpu.memref_squeeze %dma_start3A_178 : memref<1x128xi32, #tpu.memory_space<vmem>> -> memref<128xi32, #tpu.memory_space<vmem>>
        %dma_start3A_180 = arith.constant 0 : i32
        %dma_start3A_181 = arith.constant 0 : i32
        %dma_start3A_182 = tpu.memref_slice %arg29[%dma_start3A_180, %dma_start3A_181] : memref<10112x32xf32, #tpu.memory_space<vmem_shared>> -> memref<10112x32xf32, #tpu.memory_space<vmem_shared>>
        tpu.enqueue_indirect_dma source(%arg16 : memref<128x32xf32, #tpu.memory_space<vmem>>) target(%dma_start3A_182 : memref<10112x32xf32, #tpu.memory_space<vmem_shared>>) offsets(%dma_start3A_179 : memref<128xi32, #tpu.memory_space<vmem>>) semaphore(%run_scoped3A : memref<!tpu.dma_semaphore, #tpu.memory_space<semaphore_mem>>) {add = true}
        %dma_wait3A_183 = arith.constant 0 : i32
        %dma_wait3A_184 = tpu.memref_slice %arg15[%add3A_146, %dma_wait3A_183] : memref<80x128xi32, #tpu.memory_space<vmem>> -> memref<1x128xi32, #tpu.memory_space<vmem>>
        %dma_wait3A_185 = tpu.memref_squeeze %dma_wait3A_184 : memref<1x128xi32, #tpu.memory_space<vmem>> -> memref<128xi32, #tpu.memory_space<vmem>>
        %dma_wait3A_186 = arith.constant 0 : i32
        %dma_wait3A_187 = arith.constant 0 : i32
        %dma_wait3A_188 = tpu.memref_slice %arg29[%dma_wait3A_186, %dma_wait3A_187] : memref<10112x32xf32, #tpu.memory_space<vmem_shared>> -> memref<10112x32xf32, #tpu.memory_space<vmem_shared>>
        tpu.wait_indirect_dma semaphore(%run_scoped3A : memref<!tpu.dma_semaphore, #tpu.memory_space<semaphore_mem>>) src(%arg16 : memref<128x32xf32, #tpu.memory_space<vmem>>) dst(%dma_wait3A_188 : memref<10112x32xf32, #tpu.memory_space<vmem_shared>>)
        tpu.yield
      }) : () -> ()
      %add3A_153 = arith.constant 5 : i32
      %add3A_154 = arith.addi %add3A_146, %add3A_153 : i32
      %lt3A_155 = arith.constant 80 : i32
      %lt3A_156 = arith.cmpi slt, %add3A_154, %lt3A_155 : i32
      %convert_element_type3A_157 = arith.extui %lt3A_156 : i1 to i32
      %cond3A_158 = arith.constant 0 : i32
      %cond3A_159 = arith.cmpi ne, %convert_element_type3A_157, %cond3A_158 : i32
      scf.if %cond3A_159 {
        %add3A_177 = arith.constant 5 : i32
        %add3A_178 = arith.addi %add3A_146, %add3A_177 : i32
        %dma_start3A_179 = arith.constant 0 : i32
        %dma_start3A_180 = tpu.memref_slice %arg14[%add3A_178, %dma_start3A_179] : memref<80x128xi32, #tpu.memory_space<vmem>> -> memref<1x128xi32, #tpu.memory_space<vmem>>
        %dma_start3A_181 = tpu.memref_squeeze %dma_start3A_180 : memref<1x128xi32, #tpu.memory_space<vmem>> -> memref<128xi32, #tpu.memory_space<vmem>>
        %dma_start3A_182 = arith.constant 0 : i32
        %dma_start3A_183 = arith.constant 0 : i32
        %dma_start3A_184 = tpu.memref_slice %arg2[%dma_start3A_182, %dma_start3A_183] : memref<10112x32xf32, #tpu.memory_space<hbm>> -> memref<10112x32xf32, #tpu.memory_space<hbm>>
        tpu.enqueue_indirect_dma source(%dma_start3A_184 : memref<10112x32xf32, #tpu.memory_space<hbm>>) target(%arg20 : memref<128x32xf32, #tpu.memory_space<vmem>>) offsets(%dma_start3A_181 : memref<128xi32, #tpu.memory_space<vmem>>) semaphore(%arg25 : memref<!tpu.dma_semaphore, #tpu.memory_space<semaphore_mem>>)
      } else {
      }
      %mul3A_160 = arith.constant 5 : i32
      %mul3A_161 = arith.muli %scan3A_95, %mul3A_160 : i32
      %add3A_162 = arith.constant 4 : i32
      %add3A_163 = arith.addi %mul3A_161, %add3A_162 : i32
      %dma_wait3A_164 = arith.constant 0 : i32
      %dma_wait3A_165 = tpu.memref_slice %arg14[%add3A_163, %dma_wait3A_164] : memref<80x128xi32, #tpu.memory_space<vmem>> -> memref<1x128xi32, #tpu.memory_space<vmem>>
      %dma_wait3A_166 = tpu.memref_squeeze %dma_wait3A_165 : memref<1x128xi32, #tpu.memory_space<vmem>> -> memref<128xi32, #tpu.memory_space<vmem>>
      %dma_wait3A_167 = arith.constant 0 : i32
      %dma_wait3A_168 = arith.constant 0 : i32
      %dma_wait3A_169 = tpu.memref_slice %arg2[%dma_wait3A_167, %dma_wait3A_168] : memref<10112x32xf32, #tpu.memory_space<hbm>> -> memref<10112x32xf32, #tpu.memory_space<hbm>>
      tpu.wait_indirect_dma semaphore(%arg26 : memref<!tpu.dma_semaphore, #tpu.memory_space<semaphore_mem>>) src(%dma_wait3A_169 : memref<10112x32xf32, #tpu.memory_space<hbm>>) dst(%arg21 : memref<128x32xf32, #tpu.memory_space<vmem>>)
      "tpu.region"() ({
        %run_scoped3A = tpu.sem_alloc : memref<!tpu.dma_semaphore, #tpu.memory_space<semaphore_mem>>
        %dma_start3A_177 = arith.constant 0 : i32
        %dma_start3A_178 = tpu.memref_slice %arg15[%add3A_163, %dma_start3A_177] : memref<80x128xi32, #tpu.memory_space<vmem>> -> memref<1x128xi32, #tpu.memory_space<vmem>>
        %dma_start3A_179 = tpu.memref_squeeze %dma_start3A_178 : memref<1x128xi32, #tpu.memory_space<vmem>> -> memref<128xi32, #tpu.memory_space<vmem>>
        %dma_start3A_180 = arith.constant 0 : i32
        %dma_start3A_181 = arith.constant 0 : i32
        %dma_start3A_182 = tpu.memref_slice %arg27[%dma_start3A_180, %dma_start3A_181] : memref<10112x32xf32, #tpu.memory_space<vmem_shared>> -> memref<10112x32xf32, #tpu.memory_space<vmem_shared>>
        tpu.enqueue_indirect_dma source(%arg21 : memref<128x32xf32, #tpu.memory_space<vmem>>) target(%dma_start3A_182 : memref<10112x32xf32, #tpu.memory_space<vmem_shared>>) offsets(%dma_start3A_179 : memref<128xi32, #tpu.memory_space<vmem>>) semaphore(%run_scoped3A : memref<!tpu.dma_semaphore, #tpu.memory_space<semaphore_mem>>) {add = true}
        %dma_wait3A_183 = arith.constant 0 : i32
        %dma_wait3A_184 = tpu.memref_slice %arg15[%add3A_163, %dma_wait3A_183] : memref<80x128xi32, #tpu.memory_space<vmem>> -> memref<1x128xi32, #tpu.memory_space<vmem>>
        %dma_wait3A_185 = tpu.memref_squeeze %dma_wait3A_184 : memref<1x128xi32, #tpu.memory_space<vmem>> -> memref<128xi32, #tpu.memory_space<vmem>>
        %dma_wait3A_186 = arith.constant 0 : i32
        %dma_wait3A_187 = arith.constant 0 : i32
        %dma_wait3A_188 = tpu.memref_slice %arg27[%dma_wait3A_186, %dma_wait3A_187] : memref<10112x32xf32, #tpu.memory_space<vmem_shared>> -> memref<10112x32xf32, #tpu.memory_space<vmem_shared>>
        tpu.wait_indirect_dma semaphore(%run_scoped3A : memref<!tpu.dma_semaphore, #tpu.memory_space<semaphore_mem>>) src(%arg21 : memref<128x32xf32, #tpu.memory_space<vmem>>) dst(%dma_wait3A_188 : memref<10112x32xf32, #tpu.memory_space<vmem_shared>>)
        tpu.yield
      }) : () -> ()
      "tpu.region"() ({
        %run_scoped3A = tpu.sem_alloc : memref<!tpu.dma_semaphore, #tpu.memory_space<semaphore_mem>>
        %dma_start3A_177 = arith.constant 0 : i32
        %dma_start3A_178 = tpu.memref_slice %arg15[%add3A_163, %dma_start3A_177] : memref<80x128xi32, #tpu.memory_space<vmem>> -> memref<1x128xi32, #tpu.memory_space<vmem>>
        %dma_start3A_179 = tpu.memref_squeeze %dma_start3A_178 : memref<1x128xi32, #tpu.memory_space<vmem>> -> memref<128xi32, #tpu.memory_space<vmem>>
        %dma_start3A_180 = arith.constant 0 : i32
        %dma_start3A_181 = arith.constant 0 : i32
        %dma_start3A_182 = tpu.memref_slice %arg29[%dma_start3A_180, %dma_start3A_181] : memref<10112x32xf32, #tpu.memory_space<vmem_shared>> -> memref<10112x32xf32, #tpu.memory_space<vmem_shared>>
        tpu.enqueue_indirect_dma source(%arg16 : memref<128x32xf32, #tpu.memory_space<vmem>>) target(%dma_start3A_182 : memref<10112x32xf32, #tpu.memory_space<vmem_shared>>) offsets(%dma_start3A_179 : memref<128xi32, #tpu.memory_space<vmem>>) semaphore(%run_scoped3A : memref<!tpu.dma_semaphore, #tpu.memory_space<semaphore_mem>>) {add = true}
        %dma_wait3A_183 = arith.constant 0 : i32
        %dma_wait3A_184 = tpu.memref_slice %arg15[%add3A_163, %dma_wait3A_183] : memref<80x128xi32, #tpu.memory_space<vmem>> -> memref<1x128xi32, #tpu.memory_space<vmem>>
        %dma_wait3A_185 = tpu.memref_squeeze %dma_wait3A_184 : memref<1x128xi32, #tpu.memory_space<vmem>> -> memref<128xi32, #tpu.memory_space<vmem>>
        %dma_wait3A_186 = arith.constant 0 : i32
        %dma_wait3A_187 = arith.constant 0 : i32
        %dma_wait3A_188 = tpu.memref_slice %arg29[%dma_wait3A_186, %dma_wait3A_187] : memref<10112x32xf32, #tpu.memory_space<vmem_shared>> -> memref<10112x32xf32, #tpu.memory_space<vmem_shared>>
        tpu.wait_indirect_dma semaphore(%run_scoped3A : memref<!tpu.dma_semaphore, #tpu.memory_space<semaphore_mem>>) src(%arg16 : memref<128x32xf32, #tpu.memory_space<vmem>>) dst(%dma_wait3A_188 : memref<10112x32xf32, #tpu.memory_space<vmem_shared>>)
        tpu.yield
      }) : () -> ()
      %add3A_170 = arith.constant 5 : i32
      %add3A_171 = arith.addi %add3A_163, %add3A_170 : i32
      %lt3A_172 = arith.constant 80 : i32
      %lt3A_173 = arith.cmpi slt, %add3A_171, %lt3A_172 : i32
      %convert_element_type3A_174 = arith.extui %lt3A_173 : i1 to i32
      %cond3A_175 = arith.constant 0 : i32
      %cond3A_176 = arith.cmpi ne, %convert_element_type3A_174, %cond3A_175 : i32
      scf.if %cond3A_176 {
        %add3A_177 = arith.constant 5 : i32
        %add3A_178 = arith.addi %add3A_163, %add3A_177 : i32
        %dma_start3A_179 = arith.constant 0 : i32
        %dma_start3A_180 = tpu.memref_slice %arg14[%add3A_178, %dma_start3A_179] : memref<80x128xi32, #tpu.memory_space<vmem>> -> memref<1x128xi32, #tpu.memory_space<vmem>>
        %dma_start3A_181 = tpu.memref_squeeze %dma_start3A_180 : memref<1x128xi32, #tpu.memory_space<vmem>> -> memref<128xi32, #tpu.memory_space<vmem>>
        %dma_start3A_182 = arith.constant 0 : i32
        %dma_start3A_183 = arith.constant 0 : i32
        %dma_start3A_184 = tpu.memref_slice %arg2[%dma_start3A_182, %dma_start3A_183] : memref<10112x32xf32, #tpu.memory_space<hbm>> -> memref<10112x32xf32, #tpu.memory_space<hbm>>
        tpu.enqueue_indirect_dma source(%dma_start3A_184 : memref<10112x32xf32, #tpu.memory_space<hbm>>) target(%arg21 : memref<128x32xf32, #tpu.memory_space<vmem>>) offsets(%dma_start3A_181 : memref<128xi32, #tpu.memory_space<vmem>>) semaphore(%arg26 : memref<!tpu.dma_semaphore, #tpu.memory_space<semaphore_mem>>)
      } else {
      }
    }
    %scan3A_45 = arith.constant 16 : i32
    %mul3A_46 = arith.constant 80 : i32
    %mul3A_47 = arith.muli %add3A, %mul3A_46 : i32
    "tpu.region"() ({
      %run_scoped3A = tpu.sem_alloc : memref<!tpu.dma_semaphore, #tpu.memory_space<semaphore_mem>>
      %dma_start3A_95 = arith.constant 0 : i32
      %dma_start3A_96 = tpu.memref_slice %arg6[%mul3A_47, %dma_start3A_95] : memref<2560x128xi32, #tpu.memory_space<hbm>> -> memref<80x128xi32, #tpu.memory_space<hbm>>
      %dma_start3A_97 = arith.constant 0 : i32
      %dma_start3A_98 = tpu.memref_slice %arg6[%mul3A_47, %dma_start3A_97] : memref<2560x128xi32, #tpu.memory_space<hbm>> -> memref<80x128xi32, #tpu.memory_space<hbm>>
      tpu.enqueue_dma source(%dma_start3A_98 : memref<80x128xi32, #tpu.memory_space<hbm>>) target(%arg14 : memref<80x128xi32, #tpu.memory_space<vmem>>) target_semaphore(%run_scoped3A : memref<!tpu.dma_semaphore, #tpu.memory_space<semaphore_mem>>)
      %dma_wait3A = arith.constant 0 : i32
      %dma_wait3A_99 = tpu.memref_slice %arg6[%mul3A_47, %dma_wait3A] : memref<2560x128xi32, #tpu.memory_space<hbm>> -> memref<80x128xi32, #tpu.memory_space<hbm>>
      %dma_wait3A_100 = arith.constant 0 : i32
      %dma_wait3A_101 = tpu.memref_slice %arg6[%mul3A_47, %dma_wait3A_100] : memref<2560x128xi32, #tpu.memory_space<hbm>> -> memref<80x128xi32, #tpu.memory_space<hbm>>
      tpu.wait_dma2 semaphore(%run_scoped3A : memref<!tpu.dma_semaphore, #tpu.memory_space<semaphore_mem>>) src(%dma_wait3A_101 : memref<80x128xi32, #tpu.memory_space<hbm>>) dst(%arg14 : memref<80x128xi32, #tpu.memory_space<vmem>>)
      tpu.yield
    }) : () -> ()
    %mul3A_48 = arith.constant 80 : i32
    %mul3A_49 = arith.muli %add3A, %mul3A_48 : i32
    "tpu.region"() ({
      %run_scoped3A = tpu.sem_alloc : memref<!tpu.dma_semaphore, #tpu.memory_space<semaphore_mem>>
      %dma_start3A_95 = arith.constant 0 : i32
      %dma_start3A_96 = tpu.memref_slice %arg7[%mul3A_49, %dma_start3A_95] : memref<2560x128xi32, #tpu.memory_space<hbm>> -> memref<80x128xi32, #tpu.memory_space<hbm>>
      %dma_start3A_97 = arith.constant 0 : i32
      %dma_start3A_98 = tpu.memref_slice %arg7[%mul3A_49, %dma_start3A_97] : memref<2560x128xi32, #tpu.memory_space<hbm>> -> memref<80x128xi32, #tpu.memory_space<hbm>>
      tpu.enqueue_dma source(%dma_start3A_98 : memref<80x128xi32, #tpu.memory_space<hbm>>) target(%arg15 : memref<80x128xi32, #tpu.memory_space<vmem>>) target_semaphore(%run_scoped3A : memref<!tpu.dma_semaphore, #tpu.memory_space<semaphore_mem>>)
      %dma_wait3A = arith.constant 0 : i32
      %dma_wait3A_99 = tpu.memref_slice %arg7[%mul3A_49, %dma_wait3A] : memref<2560x128xi32, #tpu.memory_space<hbm>> -> memref<80x128xi32, #tpu.memory_space<hbm>>
      %dma_wait3A_100 = arith.constant 0 : i32
      %dma_wait3A_101 = tpu.memref_slice %arg7[%mul3A_49, %dma_wait3A_100] : memref<2560x128xi32, #tpu.memory_space<hbm>> -> memref<80x128xi32, #tpu.memory_space<hbm>>
      tpu.wait_dma2 semaphore(%run_scoped3A : memref<!tpu.dma_semaphore, #tpu.memory_space<semaphore_mem>>) src(%dma_wait3A_101 : memref<80x128xi32, #tpu.memory_space<hbm>>) dst(%arg15 : memref<80x128xi32, #tpu.memory_space<vmem>>)
      tpu.yield
    }) : () -> ()
    %dma_start3A_50 = arith.constant 0 : i32
    %dma_start3A_51 = arith.constant 0 : i32
    %dma_start3A_52 = tpu.memref_slice %arg14[%dma_start3A_50, %dma_start3A_51] : memref<80x128xi32, #tpu.memory_space<vmem>> -> memref<1x128xi32, #tpu.memory_space<vmem>>
    %dma_start3A_53 = tpu.memref_squeeze %dma_start3A_52 : memref<1x128xi32, #tpu.memory_space<vmem>> -> memref<128xi32, #tpu.memory_space<vmem>>
    %dma_start3A_54 = arith.constant 0 : i32
    %dma_start3A_55 = arith.constant 0 : i32
    %dma_start3A_56 = tpu.memref_slice %arg5[%dma_start3A_54, %dma_start3A_55] : memref<10112x32xf32, #tpu.memory_space<hbm>> -> memref<10112x32xf32, #tpu.memory_space<hbm>>
    tpu.enqueue_indirect_dma source(%dma_start3A_56 : memref<10112x32xf32, #tpu.memory_space<hbm>>) target(%arg17 : memref<128x32xf32, #tpu.memory_space<vmem>>) offsets(%dma_start3A_53 : memref<128xi32, #tpu.memory_space<vmem>>) semaphore(%arg22 : memref<!tpu.dma_semaphore, #tpu.memory_space<semaphore_mem>>)
    %dma_start3A_57 = arith.constant 1 : i32
    %dma_start3A_58 = arith.constant 0 : i32
    %dma_start3A_59 = tpu.memref_slice %arg14[%dma_start3A_57, %dma_start3A_58] : memref<80x128xi32, #tpu.memory_space<vmem>> -> memref<1x128xi32, #tpu.memory_space<vmem>>
    %dma_start3A_60 = tpu.memref_squeeze %dma_start3A_59 : memref<1x128xi32, #tpu.memory_space<vmem>> -> memref<128xi32, #tpu.memory_space<vmem>>
    %dma_start3A_61 = arith.constant 0 : i32
    %dma_start3A_62 = arith.constant 0 : i32
    %dma_start3A_63 = tpu.memref_slice %arg5[%dma_start3A_61, %dma_start3A_62] : memref<10112x32xf32, #tpu.memory_space<hbm>> -> memref<10112x32xf32, #tpu.memory_space<hbm>>
    tpu.enqueue_indirect_dma source(%dma_start3A_63 : memref<10112x32xf32, #tpu.memory_space<hbm>>) target(%arg18 : memref<128x32xf32, #tpu.memory_space<vmem>>) offsets(%dma_start3A_60 : memref<128xi32, #tpu.memory_space<vmem>>) semaphore(%arg23 : memref<!tpu.dma_semaphore, #tpu.memory_space<semaphore_mem>>)
    %dma_start3A_64 = arith.constant 2 : i32
    %dma_start3A_65 = arith.constant 0 : i32
    %dma_start3A_66 = tpu.memref_slice %arg14[%dma_start3A_64, %dma_start3A_65] : memref<80x128xi32, #tpu.memory_space<vmem>> -> memref<1x128xi32, #tpu.memory_space<vmem>>
    %dma_start3A_67 = tpu.memref_squeeze %dma_start3A_66 : memref<1x128xi32, #tpu.memory_space<vmem>> -> memref<128xi32, #tpu.memory_space<vmem>>
    %dma_start3A_68 = arith.constant 0 : i32
    %dma_start3A_69 = arith.constant 0 : i32
    %dma_start3A_70 = tpu.memref_slice %arg5[%dma_start3A_68, %dma_start3A_69] : memref<10112x32xf32, #tpu.memory_space<hbm>> -> memref<10112x32xf32, #tpu.memory_space<hbm>>
    tpu.enqueue_indirect_dma source(%dma_start3A_70 : memref<10112x32xf32, #tpu.memory_space<hbm>>) target(%arg19 : memref<128x32xf32, #tpu.memory_space<vmem>>) offsets(%dma_start3A_67 : memref<128xi32, #tpu.memory_space<vmem>>) semaphore(%arg24 : memref<!tpu.dma_semaphore, #tpu.memory_space<semaphore_mem>>)
    %dma_start3A_71 = arith.constant 3 : i32
    %dma_start3A_72 = arith.constant 0 : i32
    %dma_start3A_73 = tpu.memref_slice %arg14[%dma_start3A_71, %dma_start3A_72] : memref<80x128xi32, #tpu.memory_space<vmem>> -> memref<1x128xi32, #tpu.memory_space<vmem>>
    %dma_start3A_74 = tpu.memref_squeeze %dma_start3A_73 : memref<1x128xi32, #tpu.memory_space<vmem>> -> memref<128xi32, #tpu.memory_space<vmem>>
    %dma_start3A_75 = arith.constant 0 : i32
    %dma_start3A_76 = arith.constant 0 : i32
    %dma_start3A_77 = tpu.memref_slice %arg5[%dma_start3A_75, %dma_start3A_76] : memref<10112x32xf32, #tpu.memory_space<hbm>> -> memref<10112x32xf32, #tpu.memory_space<hbm>>
    tpu.enqueue_indirect_dma source(%dma_start3A_77 : memref<10112x32xf32, #tpu.memory_space<hbm>>) target(%arg20 : memref<128x32xf32, #tpu.memory_space<vmem>>) offsets(%dma_start3A_74 : memref<128xi32, #tpu.memory_space<vmem>>) semaphore(%arg25 : memref<!tpu.dma_semaphore, #tpu.memory_space<semaphore_mem>>)
    %dma_start3A_78 = arith.constant 4 : i32
    %dma_start3A_79 = arith.constant 0 : i32
    %dma_start3A_80 = tpu.memref_slice %arg14[%dma_start3A_78, %dma_start3A_79] : memref<80x128xi32, #tpu.memory_space<vmem>> -> memref<1x128xi32, #tpu.memory_space<vmem>>
    %dma_start3A_81 = tpu.memref_squeeze %dma_start3A_80 : memref<1x128xi32, #tpu.memory_space<vmem>> -> memref<128xi32, #tpu.memory_space<vmem>>
    %dma_start3A_82 = arith.constant 0 : i32
    %dma_start3A_83 = arith.constant 0 : i32
    %dma_start3A_84 = tpu.memref_slice %arg5[%dma_start3A_82, %dma_start3A_83] : memref<10112x32xf32, #tpu.memory_space<hbm>> -> memref<10112x32xf32, #tpu.memory_space<hbm>>
    tpu.enqueue_indirect_dma source(%dma_start3A_84 : memref<10112x32xf32, #tpu.memory_space<hbm>>) target(%arg21 : memref<128x32xf32, #tpu.memory_space<vmem>>) offsets(%dma_start3A_81 : memref<128xi32, #tpu.memory_space<vmem>>) semaphore(%arg26 : memref<!tpu.dma_semaphore, #tpu.memory_space<semaphore_mem>>)
    %scan3A_85 = arith.constant 0 : i32
    %scan3A_86 = arith.constant 0 : i32
    %scan3A_87 = arith.constant 16 : i32
    %scan3A_88 = arith.addi %scan3A_86, %scan3A_87 : i32
    %scan3A_89 = arith.constant 1 : i32
    scf.for %scan3A_95 = %scan3A_86 to %scan3A_88 step %scan3A_89  : i32 {
      %mul3A_96 = arith.constant 5 : i32
      %mul3A_97 = arith.muli %scan3A_95, %mul3A_96 : i32
      %add3A_98 = arith.constant 0 : i32
      %add3A_99 = arith.addi %mul3A_97, %add3A_98 : i32
      %dma_wait3A = arith.constant 0 : i32
      %dma_wait3A_100 = tpu.memref_slice %arg14[%add3A_99, %dma_wait3A] : memref<80x128xi32, #tpu.memory_space<vmem>> -> memref<1x128xi32, #tpu.memory_space<vmem>>
      %dma_wait3A_101 = tpu.memref_squeeze %dma_wait3A_100 : memref<1x128xi32, #tpu.memory_space<vmem>> -> memref<128xi32, #tpu.memory_space<vmem>>
      %dma_wait3A_102 = arith.constant 0 : i32
      %dma_wait3A_103 = arith.constant 0 : i32
      %dma_wait3A_104 = tpu.memref_slice %arg5[%dma_wait3A_102, %dma_wait3A_103] : memref<10112x32xf32, #tpu.memory_space<hbm>> -> memref<10112x32xf32, #tpu.memory_space<hbm>>
      tpu.wait_indirect_dma semaphore(%arg22 : memref<!tpu.dma_semaphore, #tpu.memory_space<semaphore_mem>>) src(%dma_wait3A_104 : memref<10112x32xf32, #tpu.memory_space<hbm>>) dst(%arg17 : memref<128x32xf32, #tpu.memory_space<vmem>>)
      "tpu.region"() ({
        %run_scoped3A = tpu.sem_alloc : memref<!tpu.dma_semaphore, #tpu.memory_space<semaphore_mem>>
        %dma_start3A_177 = arith.constant 0 : i32
        %dma_start3A_178 = tpu.memref_slice %arg15[%add3A_99, %dma_start3A_177] : memref<80x128xi32, #tpu.memory_space<vmem>> -> memref<1x128xi32, #tpu.memory_space<vmem>>
        %dma_start3A_179 = tpu.memref_squeeze %dma_start3A_178 : memref<1x128xi32, #tpu.memory_space<vmem>> -> memref<128xi32, #tpu.memory_space<vmem>>
        %dma_start3A_180 = arith.constant 0 : i32
        %dma_start3A_181 = arith.constant 0 : i32
        %dma_start3A_182 = tpu.memref_slice %arg28[%dma_start3A_180, %dma_start3A_181] : memref<10112x32xf32, #tpu.memory_space<vmem_shared>> -> memref<10112x32xf32, #tpu.memory_space<vmem_shared>>
        tpu.enqueue_indirect_dma source(%arg17 : memref<128x32xf32, #tpu.memory_space<vmem>>) target(%dma_start3A_182 : memref<10112x32xf32, #tpu.memory_space<vmem_shared>>) offsets(%dma_start3A_179 : memref<128xi32, #tpu.memory_space<vmem>>) semaphore(%run_scoped3A : memref<!tpu.dma_semaphore, #tpu.memory_space<semaphore_mem>>) {add = true}
        %dma_wait3A_183 = arith.constant 0 : i32
        %dma_wait3A_184 = tpu.memref_slice %arg15[%add3A_99, %dma_wait3A_183] : memref<80x128xi32, #tpu.memory_space<vmem>> -> memref<1x128xi32, #tpu.memory_space<vmem>>
        %dma_wait3A_185 = tpu.memref_squeeze %dma_wait3A_184 : memref<1x128xi32, #tpu.memory_space<vmem>> -> memref<128xi32, #tpu.memory_space<vmem>>
        %dma_wait3A_186 = arith.constant 0 : i32
        %dma_wait3A_187 = arith.constant 0 : i32
        %dma_wait3A_188 = tpu.memref_slice %arg28[%dma_wait3A_186, %dma_wait3A_187] : memref<10112x32xf32, #tpu.memory_space<vmem_shared>> -> memref<10112x32xf32, #tpu.memory_space<vmem_shared>>
        tpu.wait_indirect_dma semaphore(%run_scoped3A : memref<!tpu.dma_semaphore, #tpu.memory_space<semaphore_mem>>) src(%arg17 : memref<128x32xf32, #tpu.memory_space<vmem>>) dst(%dma_wait3A_188 : memref<10112x32xf32, #tpu.memory_space<vmem_shared>>)
        tpu.yield
      }) : () -> ()
      "tpu.region"() ({
        %run_scoped3A = tpu.sem_alloc : memref<!tpu.dma_semaphore, #tpu.memory_space<semaphore_mem>>
        %dma_start3A_177 = arith.constant 0 : i32
        %dma_start3A_178 = tpu.memref_slice %arg15[%add3A_99, %dma_start3A_177] : memref<80x128xi32, #tpu.memory_space<vmem>> -> memref<1x128xi32, #tpu.memory_space<vmem>>
        %dma_start3A_179 = tpu.memref_squeeze %dma_start3A_178 : memref<1x128xi32, #tpu.memory_space<vmem>> -> memref<128xi32, #tpu.memory_space<vmem>>
        %dma_start3A_180 = arith.constant 0 : i32
        %dma_start3A_181 = arith.constant 0 : i32
        %dma_start3A_182 = tpu.memref_slice %arg30[%dma_start3A_180, %dma_start3A_181] : memref<10112x32xf32, #tpu.memory_space<vmem_shared>> -> memref<10112x32xf32, #tpu.memory_space<vmem_shared>>
        tpu.enqueue_indirect_dma source(%arg16 : memref<128x32xf32, #tpu.memory_space<vmem>>) target(%dma_start3A_182 : memref<10112x32xf32, #tpu.memory_space<vmem_shared>>) offsets(%dma_start3A_179 : memref<128xi32, #tpu.memory_space<vmem>>) semaphore(%run_scoped3A : memref<!tpu.dma_semaphore, #tpu.memory_space<semaphore_mem>>) {add = true}
        %dma_wait3A_183 = arith.constant 0 : i32
        %dma_wait3A_184 = tpu.memref_slice %arg15[%add3A_99, %dma_wait3A_183] : memref<80x128xi32, #tpu.memory_space<vmem>> -> memref<1x128xi32, #tpu.memory_space<vmem>>
        %dma_wait3A_185 = tpu.memref_squeeze %dma_wait3A_184 : memref<1x128xi32, #tpu.memory_space<vmem>> -> memref<128xi32, #tpu.memory_space<vmem>>
        %dma_wait3A_186 = arith.constant 0 : i32
        %dma_wait3A_187 = arith.constant 0 : i32
        %dma_wait3A_188 = tpu.memref_slice %arg30[%dma_wait3A_186, %dma_wait3A_187] : memref<10112x32xf32, #tpu.memory_space<vmem_shared>> -> memref<10112x32xf32, #tpu.memory_space<vmem_shared>>
        tpu.wait_indirect_dma semaphore(%run_scoped3A : memref<!tpu.dma_semaphore, #tpu.memory_space<semaphore_mem>>) src(%arg16 : memref<128x32xf32, #tpu.memory_space<vmem>>) dst(%dma_wait3A_188 : memref<10112x32xf32, #tpu.memory_space<vmem_shared>>)
        tpu.yield
      }) : () -> ()
      %add3A_105 = arith.constant 5 : i32
      %add3A_106 = arith.addi %add3A_99, %add3A_105 : i32
      %lt3A = arith.constant 80 : i32
      %lt3A_107 = arith.cmpi slt, %add3A_106, %lt3A : i32
      %convert_element_type3A = arith.extui %lt3A_107 : i1 to i32
      %cond3A = arith.constant 0 : i32
      %cond3A_108 = arith.cmpi ne, %convert_element_type3A, %cond3A : i32
      scf.if %cond3A_108 {
        %add3A_177 = arith.constant 5 : i32
        %add3A_178 = arith.addi %add3A_99, %add3A_177 : i32
        %dma_start3A_179 = arith.constant 0 : i32
        %dma_start3A_180 = tpu.memref_slice %arg14[%add3A_178, %dma_start3A_179] : memref<80x128xi32, #tpu.memory_space<vmem>> -> memref<1x128xi32, #tpu.memory_space<vmem>>
        %dma_start3A_181 = tpu.memref_squeeze %dma_start3A_180 : memref<1x128xi32, #tpu.memory_space<vmem>> -> memref<128xi32, #tpu.memory_space<vmem>>
        %dma_start3A_182 = arith.constant 0 : i32
        %dma_start3A_183 = arith.constant 0 : i32
        %dma_start3A_184 = tpu.memref_slice %arg5[%dma_start3A_182, %dma_start3A_183] : memref<10112x32xf32, #tpu.memory_space<hbm>> -> memref<10112x32xf32, #tpu.memory_space<hbm>>
        tpu.enqueue_indirect_dma source(%dma_start3A_184 : memref<10112x32xf32, #tpu.memory_space<hbm>>) target(%arg17 : memref<128x32xf32, #tpu.memory_space<vmem>>) offsets(%dma_start3A_181 : memref<128xi32, #tpu.memory_space<vmem>>) semaphore(%arg22 : memref<!tpu.dma_semaphore, #tpu.memory_space<semaphore_mem>>)
      } else {
      }
      %mul3A_109 = arith.constant 5 : i32
      %mul3A_110 = arith.muli %scan3A_95, %mul3A_109 : i32
      %add3A_111 = arith.constant 1 : i32
      %add3A_112 = arith.addi %mul3A_110, %add3A_111 : i32
      %dma_wait3A_113 = arith.constant 0 : i32
      %dma_wait3A_114 = tpu.memref_slice %arg14[%add3A_112, %dma_wait3A_113] : memref<80x128xi32, #tpu.memory_space<vmem>> -> memref<1x128xi32, #tpu.memory_space<vmem>>
      %dma_wait3A_115 = tpu.memref_squeeze %dma_wait3A_114 : memref<1x128xi32, #tpu.memory_space<vmem>> -> memref<128xi32, #tpu.memory_space<vmem>>
      %dma_wait3A_116 = arith.constant 0 : i32
      %dma_wait3A_117 = arith.constant 0 : i32
      %dma_wait3A_118 = tpu.memref_slice %arg5[%dma_wait3A_116, %dma_wait3A_117] : memref<10112x32xf32, #tpu.memory_space<hbm>> -> memref<10112x32xf32, #tpu.memory_space<hbm>>
      tpu.wait_indirect_dma semaphore(%arg23 : memref<!tpu.dma_semaphore, #tpu.memory_space<semaphore_mem>>) src(%dma_wait3A_118 : memref<10112x32xf32, #tpu.memory_space<hbm>>) dst(%arg18 : memref<128x32xf32, #tpu.memory_space<vmem>>)
      "tpu.region"() ({
        %run_scoped3A = tpu.sem_alloc : memref<!tpu.dma_semaphore, #tpu.memory_space<semaphore_mem>>
        %dma_start3A_177 = arith.constant 0 : i32
        %dma_start3A_178 = tpu.memref_slice %arg15[%add3A_112, %dma_start3A_177] : memref<80x128xi32, #tpu.memory_space<vmem>> -> memref<1x128xi32, #tpu.memory_space<vmem>>
        %dma_start3A_179 = tpu.memref_squeeze %dma_start3A_178 : memref<1x128xi32, #tpu.memory_space<vmem>> -> memref<128xi32, #tpu.memory_space<vmem>>
        %dma_start3A_180 = arith.constant 0 : i32
        %dma_start3A_181 = arith.constant 0 : i32
        %dma_start3A_182 = tpu.memref_slice %arg28[%dma_start3A_180, %dma_start3A_181] : memref<10112x32xf32, #tpu.memory_space<vmem_shared>> -> memref<10112x32xf32, #tpu.memory_space<vmem_shared>>
        tpu.enqueue_indirect_dma source(%arg18 : memref<128x32xf32, #tpu.memory_space<vmem>>) target(%dma_start3A_182 : memref<10112x32xf32, #tpu.memory_space<vmem_shared>>) offsets(%dma_start3A_179 : memref<128xi32, #tpu.memory_space<vmem>>) semaphore(%run_scoped3A : memref<!tpu.dma_semaphore, #tpu.memory_space<semaphore_mem>>) {add = true}
        %dma_wait3A_183 = arith.constant 0 : i32
        %dma_wait3A_184 = tpu.memref_slice %arg15[%add3A_112, %dma_wait3A_183] : memref<80x128xi32, #tpu.memory_space<vmem>> -> memref<1x128xi32, #tpu.memory_space<vmem>>
        %dma_wait3A_185 = tpu.memref_squeeze %dma_wait3A_184 : memref<1x128xi32, #tpu.memory_space<vmem>> -> memref<128xi32, #tpu.memory_space<vmem>>
        %dma_wait3A_186 = arith.constant 0 : i32
        %dma_wait3A_187 = arith.constant 0 : i32
        %dma_wait3A_188 = tpu.memref_slice %arg28[%dma_wait3A_186, %dma_wait3A_187] : memref<10112x32xf32, #tpu.memory_space<vmem_shared>> -> memref<10112x32xf32, #tpu.memory_space<vmem_shared>>
        tpu.wait_indirect_dma semaphore(%run_scoped3A : memref<!tpu.dma_semaphore, #tpu.memory_space<semaphore_mem>>) src(%arg18 : memref<128x32xf32, #tpu.memory_space<vmem>>) dst(%dma_wait3A_188 : memref<10112x32xf32, #tpu.memory_space<vmem_shared>>)
        tpu.yield
      }) : () -> ()
      "tpu.region"() ({
        %run_scoped3A = tpu.sem_alloc : memref<!tpu.dma_semaphore, #tpu.memory_space<semaphore_mem>>
        %dma_start3A_177 = arith.constant 0 : i32
        %dma_start3A_178 = tpu.memref_slice %arg15[%add3A_112, %dma_start3A_177] : memref<80x128xi32, #tpu.memory_space<vmem>> -> memref<1x128xi32, #tpu.memory_space<vmem>>
        %dma_start3A_179 = tpu.memref_squeeze %dma_start3A_178 : memref<1x128xi32, #tpu.memory_space<vmem>> -> memref<128xi32, #tpu.memory_space<vmem>>
        %dma_start3A_180 = arith.constant 0 : i32
        %dma_start3A_181 = arith.constant 0 : i32
        %dma_start3A_182 = tpu.memref_slice %arg30[%dma_start3A_180, %dma_start3A_181] : memref<10112x32xf32, #tpu.memory_space<vmem_shared>> -> memref<10112x32xf32, #tpu.memory_space<vmem_shared>>
        tpu.enqueue_indirect_dma source(%arg16 : memref<128x32xf32, #tpu.memory_space<vmem>>) target(%dma_start3A_182 : memref<10112x32xf32, #tpu.memory_space<vmem_shared>>) offsets(%dma_start3A_179 : memref<128xi32, #tpu.memory_space<vmem>>) semaphore(%run_scoped3A : memref<!tpu.dma_semaphore, #tpu.memory_space<semaphore_mem>>) {add = true}
        %dma_wait3A_183 = arith.constant 0 : i32
        %dma_wait3A_184 = tpu.memref_slice %arg15[%add3A_112, %dma_wait3A_183] : memref<80x128xi32, #tpu.memory_space<vmem>> -> memref<1x128xi32, #tpu.memory_space<vmem>>
        %dma_wait3A_185 = tpu.memref_squeeze %dma_wait3A_184 : memref<1x128xi32, #tpu.memory_space<vmem>> -> memref<128xi32, #tpu.memory_space<vmem>>
        %dma_wait3A_186 = arith.constant 0 : i32
        %dma_wait3A_187 = arith.constant 0 : i32
        %dma_wait3A_188 = tpu.memref_slice %arg30[%dma_wait3A_186, %dma_wait3A_187] : memref<10112x32xf32, #tpu.memory_space<vmem_shared>> -> memref<10112x32xf32, #tpu.memory_space<vmem_shared>>
        tpu.wait_indirect_dma semaphore(%run_scoped3A : memref<!tpu.dma_semaphore, #tpu.memory_space<semaphore_mem>>) src(%arg16 : memref<128x32xf32, #tpu.memory_space<vmem>>) dst(%dma_wait3A_188 : memref<10112x32xf32, #tpu.memory_space<vmem_shared>>)
        tpu.yield
      }) : () -> ()
      %add3A_119 = arith.constant 5 : i32
      %add3A_120 = arith.addi %add3A_112, %add3A_119 : i32
      %lt3A_121 = arith.constant 80 : i32
      %lt3A_122 = arith.cmpi slt, %add3A_120, %lt3A_121 : i32
      %convert_element_type3A_123 = arith.extui %lt3A_122 : i1 to i32
      %cond3A_124 = arith.constant 0 : i32
      %cond3A_125 = arith.cmpi ne, %convert_element_type3A_123, %cond3A_124 : i32
      scf.if %cond3A_125 {
        %add3A_177 = arith.constant 5 : i32
        %add3A_178 = arith.addi %add3A_112, %add3A_177 : i32
        %dma_start3A_179 = arith.constant 0 : i32
        %dma_start3A_180 = tpu.memref_slice %arg14[%add3A_178, %dma_start3A_179] : memref<80x128xi32, #tpu.memory_space<vmem>> -> memref<1x128xi32, #tpu.memory_space<vmem>>
        %dma_start3A_181 = tpu.memref_squeeze %dma_start3A_180 : memref<1x128xi32, #tpu.memory_space<vmem>> -> memref<128xi32, #tpu.memory_space<vmem>>
        %dma_start3A_182 = arith.constant 0 : i32
        %dma_start3A_183 = arith.constant 0 : i32
        %dma_start3A_184 = tpu.memref_slice %arg5[%dma_start3A_182, %dma_start3A_183] : memref<10112x32xf32, #tpu.memory_space<hbm>> -> memref<10112x32xf32, #tpu.memory_space<hbm>>
        tpu.enqueue_indirect_dma source(%dma_start3A_184 : memref<10112x32xf32, #tpu.memory_space<hbm>>) target(%arg18 : memref<128x32xf32, #tpu.memory_space<vmem>>) offsets(%dma_start3A_181 : memref<128xi32, #tpu.memory_space<vmem>>) semaphore(%arg23 : memref<!tpu.dma_semaphore, #tpu.memory_space<semaphore_mem>>)
      } else {
      }
      %mul3A_126 = arith.constant 5 : i32
      %mul3A_127 = arith.muli %scan3A_95, %mul3A_126 : i32
      %add3A_128 = arith.constant 2 : i32
      %add3A_129 = arith.addi %mul3A_127, %add3A_128 : i32
      %dma_wait3A_130 = arith.constant 0 : i32
      %dma_wait3A_131 = tpu.memref_slice %arg14[%add3A_129, %dma_wait3A_130] : memref<80x128xi32, #tpu.memory_space<vmem>> -> memref<1x128xi32, #tpu.memory_space<vmem>>
      %dma_wait3A_132 = tpu.memref_squeeze %dma_wait3A_131 : memref<1x128xi32, #tpu.memory_space<vmem>> -> memref<128xi32, #tpu.memory_space<vmem>>
      %dma_wait3A_133 = arith.constant 0 : i32
      %dma_wait3A_134 = arith.constant 0 : i32
      %dma_wait3A_135 = tpu.memref_slice %arg5[%dma_wait3A_133, %dma_wait3A_134] : memref<10112x32xf32, #tpu.memory_space<hbm>> -> memref<10112x32xf32, #tpu.memory_space<hbm>>
      tpu.wait_indirect_dma semaphore(%arg24 : memref<!tpu.dma_semaphore, #tpu.memory_space<semaphore_mem>>) src(%dma_wait3A_135 : memref<10112x32xf32, #tpu.memory_space<hbm>>) dst(%arg19 : memref<128x32xf32, #tpu.memory_space<vmem>>)
      "tpu.region"() ({
        %run_scoped3A = tpu.sem_alloc : memref<!tpu.dma_semaphore, #tpu.memory_space<semaphore_mem>>
        %dma_start3A_177 = arith.constant 0 : i32
        %dma_start3A_178 = tpu.memref_slice %arg15[%add3A_129, %dma_start3A_177] : memref<80x128xi32, #tpu.memory_space<vmem>> -> memref<1x128xi32, #tpu.memory_space<vmem>>
        %dma_start3A_179 = tpu.memref_squeeze %dma_start3A_178 : memref<1x128xi32, #tpu.memory_space<vmem>> -> memref<128xi32, #tpu.memory_space<vmem>>
        %dma_start3A_180 = arith.constant 0 : i32
        %dma_start3A_181 = arith.constant 0 : i32
        %dma_start3A_182 = tpu.memref_slice %arg28[%dma_start3A_180, %dma_start3A_181] : memref<10112x32xf32, #tpu.memory_space<vmem_shared>> -> memref<10112x32xf32, #tpu.memory_space<vmem_shared>>
        tpu.enqueue_indirect_dma source(%arg19 : memref<128x32xf32, #tpu.memory_space<vmem>>) target(%dma_start3A_182 : memref<10112x32xf32, #tpu.memory_space<vmem_shared>>) offsets(%dma_start3A_179 : memref<128xi32, #tpu.memory_space<vmem>>) semaphore(%run_scoped3A : memref<!tpu.dma_semaphore, #tpu.memory_space<semaphore_mem>>) {add = true}
        %dma_wait3A_183 = arith.constant 0 : i32
        %dma_wait3A_184 = tpu.memref_slice %arg15[%add3A_129, %dma_wait3A_183] : memref<80x128xi32, #tpu.memory_space<vmem>> -> memref<1x128xi32, #tpu.memory_space<vmem>>
        %dma_wait3A_185 = tpu.memref_squeeze %dma_wait3A_184 : memref<1x128xi32, #tpu.memory_space<vmem>> -> memref<128xi32, #tpu.memory_space<vmem>>
        %dma_wait3A_186 = arith.constant 0 : i32
        %dma_wait3A_187 = arith.constant 0 : i32
        %dma_wait3A_188 = tpu.memref_slice %arg28[%dma_wait3A_186, %dma_wait3A_187] : memref<10112x32xf32, #tpu.memory_space<vmem_shared>> -> memref<10112x32xf32, #tpu.memory_space<vmem_shared>>
        tpu.wait_indirect_dma semaphore(%run_scoped3A : memref<!tpu.dma_semaphore, #tpu.memory_space<semaphore_mem>>) src(%arg19 : memref<128x32xf32, #tpu.memory_space<vmem>>) dst(%dma_wait3A_188 : memref<10112x32xf32, #tpu.memory_space<vmem_shared>>)
        tpu.yield
      }) : () -> ()
      "tpu.region"() ({
        %run_scoped3A = tpu.sem_alloc : memref<!tpu.dma_semaphore, #tpu.memory_space<semaphore_mem>>
        %dma_start3A_177 = arith.constant 0 : i32
        %dma_start3A_178 = tpu.memref_slice %arg15[%add3A_129, %dma_start3A_177] : memref<80x128xi32, #tpu.memory_space<vmem>> -> memref<1x128xi32, #tpu.memory_space<vmem>>
        %dma_start3A_179 = tpu.memref_squeeze %dma_start3A_178 : memref<1x128xi32, #tpu.memory_space<vmem>> -> memref<128xi32, #tpu.memory_space<vmem>>
        %dma_start3A_180 = arith.constant 0 : i32
        %dma_start3A_181 = arith.constant 0 : i32
        %dma_start3A_182 = tpu.memref_slice %arg30[%dma_start3A_180, %dma_start3A_181] : memref<10112x32xf32, #tpu.memory_space<vmem_shared>> -> memref<10112x32xf32, #tpu.memory_space<vmem_shared>>
        tpu.enqueue_indirect_dma source(%arg16 : memref<128x32xf32, #tpu.memory_space<vmem>>) target(%dma_start3A_182 : memref<10112x32xf32, #tpu.memory_space<vmem_shared>>) offsets(%dma_start3A_179 : memref<128xi32, #tpu.memory_space<vmem>>) semaphore(%run_scoped3A : memref<!tpu.dma_semaphore, #tpu.memory_space<semaphore_mem>>) {add = true}
        %dma_wait3A_183 = arith.constant 0 : i32
        %dma_wait3A_184 = tpu.memref_slice %arg15[%add3A_129, %dma_wait3A_183] : memref<80x128xi32, #tpu.memory_space<vmem>> -> memref<1x128xi32, #tpu.memory_space<vmem>>
        %dma_wait3A_185 = tpu.memref_squeeze %dma_wait3A_184 : memref<1x128xi32, #tpu.memory_space<vmem>> -> memref<128xi32, #tpu.memory_space<vmem>>
        %dma_wait3A_186 = arith.constant 0 : i32
        %dma_wait3A_187 = arith.constant 0 : i32
        %dma_wait3A_188 = tpu.memref_slice %arg30[%dma_wait3A_186, %dma_wait3A_187] : memref<10112x32xf32, #tpu.memory_space<vmem_shared>> -> memref<10112x32xf32, #tpu.memory_space<vmem_shared>>
        tpu.wait_indirect_dma semaphore(%run_scoped3A : memref<!tpu.dma_semaphore, #tpu.memory_space<semaphore_mem>>) src(%arg16 : memref<128x32xf32, #tpu.memory_space<vmem>>) dst(%dma_wait3A_188 : memref<10112x32xf32, #tpu.memory_space<vmem_shared>>)
        tpu.yield
      }) : () -> ()
      %add3A_136 = arith.constant 5 : i32
      %add3A_137 = arith.addi %add3A_129, %add3A_136 : i32
      %lt3A_138 = arith.constant 80 : i32
      %lt3A_139 = arith.cmpi slt, %add3A_137, %lt3A_138 : i32
      %convert_element_type3A_140 = arith.extui %lt3A_139 : i1 to i32
      %cond3A_141 = arith.constant 0 : i32
      %cond3A_142 = arith.cmpi ne, %convert_element_type3A_140, %cond3A_141 : i32
      scf.if %cond3A_142 {
        %add3A_177 = arith.constant 5 : i32
        %add3A_178 = arith.addi %add3A_129, %add3A_177 : i32
        %dma_start3A_179 = arith.constant 0 : i32
        %dma_start3A_180 = tpu.memref_slice %arg14[%add3A_178, %dma_start3A_179] : memref<80x128xi32, #tpu.memory_space<vmem>> -> memref<1x128xi32, #tpu.memory_space<vmem>>
        %dma_start3A_181 = tpu.memref_squeeze %dma_start3A_180 : memref<1x128xi32, #tpu.memory_space<vmem>> -> memref<128xi32, #tpu.memory_space<vmem>>
        %dma_start3A_182 = arith.constant 0 : i32
        %dma_start3A_183 = arith.constant 0 : i32
        %dma_start3A_184 = tpu.memref_slice %arg5[%dma_start3A_182, %dma_start3A_183] : memref<10112x32xf32, #tpu.memory_space<hbm>> -> memref<10112x32xf32, #tpu.memory_space<hbm>>
        tpu.enqueue_indirect_dma source(%dma_start3A_184 : memref<10112x32xf32, #tpu.memory_space<hbm>>) target(%arg19 : memref<128x32xf32, #tpu.memory_space<vmem>>) offsets(%dma_start3A_181 : memref<128xi32, #tpu.memory_space<vmem>>) semaphore(%arg24 : memref<!tpu.dma_semaphore, #tpu.memory_space<semaphore_mem>>)
      } else {
      }
      %mul3A_143 = arith.constant 5 : i32
      %mul3A_144 = arith.muli %scan3A_95, %mul3A_143 : i32
      %add3A_145 = arith.constant 3 : i32
      %add3A_146 = arith.addi %mul3A_144, %add3A_145 : i32
      %dma_wait3A_147 = arith.constant 0 : i32
      %dma_wait3A_148 = tpu.memref_slice %arg14[%add3A_146, %dma_wait3A_147] : memref<80x128xi32, #tpu.memory_space<vmem>> -> memref<1x128xi32, #tpu.memory_space<vmem>>
      %dma_wait3A_149 = tpu.memref_squeeze %dma_wait3A_148 : memref<1x128xi32, #tpu.memory_space<vmem>> -> memref<128xi32, #tpu.memory_space<vmem>>
      %dma_wait3A_150 = arith.constant 0 : i32
      %dma_wait3A_151 = arith.constant 0 : i32
      %dma_wait3A_152 = tpu.memref_slice %arg5[%dma_wait3A_150, %dma_wait3A_151] : memref<10112x32xf32, #tpu.memory_space<hbm>> -> memref<10112x32xf32, #tpu.memory_space<hbm>>
      tpu.wait_indirect_dma semaphore(%arg25 : memref<!tpu.dma_semaphore, #tpu.memory_space<semaphore_mem>>) src(%dma_wait3A_152 : memref<10112x32xf32, #tpu.memory_space<hbm>>) dst(%arg20 : memref<128x32xf32, #tpu.memory_space<vmem>>)
      "tpu.region"() ({
        %run_scoped3A = tpu.sem_alloc : memref<!tpu.dma_semaphore, #tpu.memory_space<semaphore_mem>>
        %dma_start3A_177 = arith.constant 0 : i32
        %dma_start3A_178 = tpu.memref_slice %arg15[%add3A_146, %dma_start3A_177] : memref<80x128xi32, #tpu.memory_space<vmem>> -> memref<1x128xi32, #tpu.memory_space<vmem>>
        %dma_start3A_179 = tpu.memref_squeeze %dma_start3A_178 : memref<1x128xi32, #tpu.memory_space<vmem>> -> memref<128xi32, #tpu.memory_space<vmem>>
        %dma_start3A_180 = arith.constant 0 : i32
        %dma_start3A_181 = arith.constant 0 : i32
        %dma_start3A_182 = tpu.memref_slice %arg28[%dma_start3A_180, %dma_start3A_181] : memref<10112x32xf32, #tpu.memory_space<vmem_shared>> -> memref<10112x32xf32, #tpu.memory_space<vmem_shared>>
        tpu.enqueue_indirect_dma source(%arg20 : memref<128x32xf32, #tpu.memory_space<vmem>>) target(%dma_start3A_182 : memref<10112x32xf32, #tpu.memory_space<vmem_shared>>) offsets(%dma_start3A_179 : memref<128xi32, #tpu.memory_space<vmem>>) semaphore(%run_scoped3A : memref<!tpu.dma_semaphore, #tpu.memory_space<semaphore_mem>>) {add = true}
        %dma_wait3A_183 = arith.constant 0 : i32
        %dma_wait3A_184 = tpu.memref_slice %arg15[%add3A_146, %dma_wait3A_183] : memref<80x128xi32, #tpu.memory_space<vmem>> -> memref<1x128xi32, #tpu.memory_space<vmem>>
        %dma_wait3A_185 = tpu.memref_squeeze %dma_wait3A_184 : memref<1x128xi32, #tpu.memory_space<vmem>> -> memref<128xi32, #tpu.memory_space<vmem>>
        %dma_wait3A_186 = arith.constant 0 : i32
        %dma_wait3A_187 = arith.constant 0 : i32
        %dma_wait3A_188 = tpu.memref_slice %arg28[%dma_wait3A_186, %dma_wait3A_187] : memref<10112x32xf32, #tpu.memory_space<vmem_shared>> -> memref<10112x32xf32, #tpu.memory_space<vmem_shared>>
        tpu.wait_indirect_dma semaphore(%run_scoped3A : memref<!tpu.dma_semaphore, #tpu.memory_space<semaphore_mem>>) src(%arg20 : memref<128x32xf32, #tpu.memory_space<vmem>>) dst(%dma_wait3A_188 : memref<10112x32xf32, #tpu.memory_space<vmem_shared>>)
        tpu.yield
      }) : () -> ()
      "tpu.region"() ({
        %run_scoped3A = tpu.sem_alloc : memref<!tpu.dma_semaphore, #tpu.memory_space<semaphore_mem>>
        %dma_start3A_177 = arith.constant 0 : i32
        %dma_start3A_178 = tpu.memref_slice %arg15[%add3A_146, %dma_start3A_177] : memref<80x128xi32, #tpu.memory_space<vmem>> -> memref<1x128xi32, #tpu.memory_space<vmem>>
        %dma_start3A_179 = tpu.memref_squeeze %dma_start3A_178 : memref<1x128xi32, #tpu.memory_space<vmem>> -> memref<128xi32, #tpu.memory_space<vmem>>
        %dma_start3A_180 = arith.constant 0 : i32
        %dma_start3A_181 = arith.constant 0 : i32
        %dma_start3A_182 = tpu.memref_slice %arg30[%dma_start3A_180, %dma_start3A_181] : memref<10112x32xf32, #tpu.memory_space<vmem_shared>> -> memref<10112x32xf32, #tpu.memory_space<vmem_shared>>
        tpu.enqueue_indirect_dma source(%arg16 : memref<128x32xf32, #tpu.memory_space<vmem>>) target(%dma_start3A_182 : memref<10112x32xf32, #tpu.memory_space<vmem_shared>>) offsets(%dma_start3A_179 : memref<128xi32, #tpu.memory_space<vmem>>) semaphore(%run_scoped3A : memref<!tpu.dma_semaphore, #tpu.memory_space<semaphore_mem>>) {add = true}
        %dma_wait3A_183 = arith.constant 0 : i32
        %dma_wait3A_184 = tpu.memref_slice %arg15[%add3A_146, %dma_wait3A_183] : memref<80x128xi32, #tpu.memory_space<vmem>> -> memref<1x128xi32, #tpu.memory_space<vmem>>
        %dma_wait3A_185 = tpu.memref_squeeze %dma_wait3A_184 : memref<1x128xi32, #tpu.memory_space<vmem>> -> memref<128xi32, #tpu.memory_space<vmem>>
        %dma_wait3A_186 = arith.constant 0 : i32
        %dma_wait3A_187 = arith.constant 0 : i32
        %dma_wait3A_188 = tpu.memref_slice %arg30[%dma_wait3A_186, %dma_wait3A_187] : memref<10112x32xf32, #tpu.memory_space<vmem_shared>> -> memref<10112x32xf32, #tpu.memory_space<vmem_shared>>
        tpu.wait_indirect_dma semaphore(%run_scoped3A : memref<!tpu.dma_semaphore, #tpu.memory_space<semaphore_mem>>) src(%arg16 : memref<128x32xf32, #tpu.memory_space<vmem>>) dst(%dma_wait3A_188 : memref<10112x32xf32, #tpu.memory_space<vmem_shared>>)
        tpu.yield
      }) : () -> ()
      %add3A_153 = arith.constant 5 : i32
      %add3A_154 = arith.addi %add3A_146, %add3A_153 : i32
      %lt3A_155 = arith.constant 80 : i32
      %lt3A_156 = arith.cmpi slt, %add3A_154, %lt3A_155 : i32
      %convert_element_type3A_157 = arith.extui %lt3A_156 : i1 to i32
      %cond3A_158 = arith.constant 0 : i32
      %cond3A_159 = arith.cmpi ne, %convert_element_type3A_157, %cond3A_158 : i32
      scf.if %cond3A_159 {
        %add3A_177 = arith.constant 5 : i32
        %add3A_178 = arith.addi %add3A_146, %add3A_177 : i32
        %dma_start3A_179 = arith.constant 0 : i32
        %dma_start3A_180 = tpu.memref_slice %arg14[%add3A_178, %dma_start3A_179] : memref<80x128xi32, #tpu.memory_space<vmem>> -> memref<1x128xi32, #tpu.memory_space<vmem>>
        %dma_start3A_181 = tpu.memref_squeeze %dma_start3A_180 : memref<1x128xi32, #tpu.memory_space<vmem>> -> memref<128xi32, #tpu.memory_space<vmem>>
        %dma_start3A_182 = arith.constant 0 : i32
        %dma_start3A_183 = arith.constant 0 : i32
        %dma_start3A_184 = tpu.memref_slice %arg5[%dma_start3A_182, %dma_start3A_183] : memref<10112x32xf32, #tpu.memory_space<hbm>> -> memref<10112x32xf32, #tpu.memory_space<hbm>>
        tpu.enqueue_indirect_dma source(%dma_start3A_184 : memref<10112x32xf32, #tpu.memory_space<hbm>>) target(%arg20 : memref<128x32xf32, #tpu.memory_space<vmem>>) offsets(%dma_start3A_181 : memref<128xi32, #tpu.memory_space<vmem>>) semaphore(%arg25 : memref<!tpu.dma_semaphore, #tpu.memory_space<semaphore_mem>>)
      } else {
      }
      %mul3A_160 = arith.constant 5 : i32
      %mul3A_161 = arith.muli %scan3A_95, %mul3A_160 : i32
      %add3A_162 = arith.constant 4 : i32
      %add3A_163 = arith.addi %mul3A_161, %add3A_162 : i32
      %dma_wait3A_164 = arith.constant 0 : i32
      %dma_wait3A_165 = tpu.memref_slice %arg14[%add3A_163, %dma_wait3A_164] : memref<80x128xi32, #tpu.memory_space<vmem>> -> memref<1x128xi32, #tpu.memory_space<vmem>>
      %dma_wait3A_166 = tpu.memref_squeeze %dma_wait3A_165 : memref<1x128xi32, #tpu.memory_space<vmem>> -> memref<128xi32, #tpu.memory_space<vmem>>
      %dma_wait3A_167 = arith.constant 0 : i32
      %dma_wait3A_168 = arith.constant 0 : i32
      %dma_wait3A_169 = tpu.memref_slice %arg5[%dma_wait3A_167, %dma_wait3A_168] : memref<10112x32xf32, #tpu.memory_space<hbm>> -> memref<10112x32xf32, #tpu.memory_space<hbm>>
      tpu.wait_indirect_dma semaphore(%arg26 : memref<!tpu.dma_semaphore, #tpu.memory_space<semaphore_mem>>) src(%dma_wait3A_169 : memref<10112x32xf32, #tpu.memory_space<hbm>>) dst(%arg21 : memref<128x32xf32, #tpu.memory_space<vmem>>)
      "tpu.region"() ({
        %run_scoped3A = tpu.sem_alloc : memref<!tpu.dma_semaphore, #tpu.memory_space<semaphore_mem>>
        %dma_start3A_177 = arith.constant 0 : i32
        %dma_start3A_178 = tpu.memref_slice %arg15[%add3A_163, %dma_start3A_177] : memref<80x128xi32, #tpu.memory_space<vmem>> -> memref<1x128xi32, #tpu.memory_space<vmem>>
        %dma_start3A_179 = tpu.memref_squeeze %dma_start3A_178 : memref<1x128xi32, #tpu.memory_space<vmem>> -> memref<128xi32, #tpu.memory_space<vmem>>
        %dma_start3A_180 = arith.constant 0 : i32
        %dma_start3A_181 = arith.constant 0 : i32
        %dma_start3A_182 = tpu.memref_slice %arg28[%dma_start3A_180, %dma_start3A_181] : memref<10112x32xf32, #tpu.memory_space<vmem_shared>> -> memref<10112x32xf32, #tpu.memory_space<vmem_shared>>
        tpu.enqueue_indirect_dma source(%arg21 : memref<128x32xf32, #tpu.memory_space<vmem>>) target(%dma_start3A_182 : memref<10112x32xf32, #tpu.memory_space<vmem_shared>>) offsets(%dma_start3A_179 : memref<128xi32, #tpu.memory_space<vmem>>) semaphore(%run_scoped3A : memref<!tpu.dma_semaphore, #tpu.memory_space<semaphore_mem>>) {add = true}
        %dma_wait3A_183 = arith.constant 0 : i32
        %dma_wait3A_184 = tpu.memref_slice %arg15[%add3A_163, %dma_wait3A_183] : memref<80x128xi32, #tpu.memory_space<vmem>> -> memref<1x128xi32, #tpu.memory_space<vmem>>
        %dma_wait3A_185 = tpu.memref_squeeze %dma_wait3A_184 : memref<1x128xi32, #tpu.memory_space<vmem>> -> memref<128xi32, #tpu.memory_space<vmem>>
        %dma_wait3A_186 = arith.constant 0 : i32
        %dma_wait3A_187 = arith.constant 0 : i32
        %dma_wait3A_188 = tpu.memref_slice %arg28[%dma_wait3A_186, %dma_wait3A_187] : memref<10112x32xf32, #tpu.memory_space<vmem_shared>> -> memref<10112x32xf32, #tpu.memory_space<vmem_shared>>
        tpu.wait_indirect_dma semaphore(%run_scoped3A : memref<!tpu.dma_semaphore, #tpu.memory_space<semaphore_mem>>) src(%arg21 : memref<128x32xf32, #tpu.memory_space<vmem>>) dst(%dma_wait3A_188 : memref<10112x32xf32, #tpu.memory_space<vmem_shared>>)
        tpu.yield
      }) : () -> ()
      "tpu.region"() ({
        %run_scoped3A = tpu.sem_alloc : memref<!tpu.dma_semaphore, #tpu.memory_space<semaphore_mem>>
        %dma_start3A_177 = arith.constant 0 : i32
        %dma_start3A_178 = tpu.memref_slice %arg15[%add3A_163, %dma_start3A_177] : memref<80x128xi32, #tpu.memory_space<vmem>> -> memref<1x128xi32, #tpu.memory_space<vmem>>
        %dma_start3A_179 = tpu.memref_squeeze %dma_start3A_178 : memref<1x128xi32, #tpu.memory_space<vmem>> -> memref<128xi32, #tpu.memory_space<vmem>>
        %dma_start3A_180 = arith.constant 0 : i32
        %dma_start3A_181 = arith.constant 0 : i32
        %dma_start3A_182 = tpu.memref_slice %arg30[%dma_start3A_180, %dma_start3A_181] : memref<10112x32xf32, #tpu.memory_space<vmem_shared>> -> memref<10112x32xf32, #tpu.memory_space<vmem_shared>>
        tpu.enqueue_indirect_dma source(%arg16 : memref<128x32xf32, #tpu.memory_space<vmem>>) target(%dma_start3A_182 : memref<10112x32xf32, #tpu.memory_space<vmem_shared>>) offsets(%dma_start3A_179 : memref<128xi32, #tpu.memory_space<vmem>>) semaphore(%run_scoped3A : memref<!tpu.dma_semaphore, #tpu.memory_space<semaphore_mem>>) {add = true}
        %dma_wait3A_183 = arith.constant 0 : i32
        %dma_wait3A_184 = tpu.memref_slice %arg15[%add3A_163, %dma_wait3A_183] : memref<80x128xi32, #tpu.memory_space<vmem>> -> memref<1x128xi32, #tpu.memory_space<vmem>>
        %dma_wait3A_185 = tpu.memref_squeeze %dma_wait3A_184 : memref<1x128xi32, #tpu.memory_space<vmem>> -> memref<128xi32, #tpu.memory_space<vmem>>
        %dma_wait3A_186 = arith.constant 0 : i32
        %dma_wait3A_187 = arith.constant 0 : i32
        %dma_wait3A_188 = tpu.memref_slice %arg30[%dma_wait3A_186, %dma_wait3A_187] : memref<10112x32xf32, #tpu.memory_space<vmem_shared>> -> memref<10112x32xf32, #tpu.memory_space<vmem_shared>>
        tpu.wait_indirect_dma semaphore(%run_scoped3A : memref<!tpu.dma_semaphore, #tpu.memory_space<semaphore_mem>>) src(%arg16 : memref<128x32xf32, #tpu.memory_space<vmem>>) dst(%dma_wait3A_188 : memref<10112x32xf32, #tpu.memory_space<vmem_shared>>)
        tpu.yield
      }) : () -> ()
      %add3A_170 = arith.constant 5 : i32
      %add3A_171 = arith.addi %add3A_163, %add3A_170 : i32
      %lt3A_172 = arith.constant 80 : i32
      %lt3A_173 = arith.cmpi slt, %add3A_171, %lt3A_172 : i32
      %convert_element_type3A_174 = arith.extui %lt3A_173 : i1 to i32
      %cond3A_175 = arith.constant 0 : i32
      %cond3A_176 = arith.cmpi ne, %convert_element_type3A_174, %cond3A_175 : i32
      scf.if %cond3A_176 {
        %add3A_177 = arith.constant 5 : i32
        %add3A_178 = arith.addi %add3A_163, %add3A_177 : i32
        %dma_start3A_179 = arith.constant 0 : i32
        %dma_start3A_180 = tpu.memref_slice %arg14[%add3A_178, %dma_start3A_179] : memref<80x128xi32, #tpu.memory_space<vmem>> -> memref<1x128xi32, #tpu.memory_space<vmem>>
        %dma_start3A_181 = tpu.memref_squeeze %dma_start3A_180 : memref<1x128xi32, #tpu.memory_space<vmem>> -> memref<128xi32, #tpu.memory_space<vmem>>
        %dma_start3A_182 = arith.constant 0 : i32
        %dma_start3A_183 = arith.constant 0 : i32
        %dma_start3A_184 = tpu.memref_slice %arg5[%dma_start3A_182, %dma_start3A_183] : memref<10112x32xf32, #tpu.memory_space<hbm>> -> memref<10112x32xf32, #tpu.memory_space<hbm>>
        tpu.enqueue_indirect_dma source(%dma_start3A_184 : memref<10112x32xf32, #tpu.memory_space<hbm>>) target(%arg21 : memref<128x32xf32, #tpu.memory_space<vmem>>) offsets(%dma_start3A_181 : memref<128xi32, #tpu.memory_space<vmem>>) semaphore(%arg26 : memref<!tpu.dma_semaphore, #tpu.memory_space<semaphore_mem>>)
      } else {
      }
    }
    %scan3A_90 = arith.constant 16 : i32
    %barrier3A_91 = arith.constant 0 : index
    tpu.barrier barrier_id(%barrier3A_91)
    %mul3A_92 = arith.constant 10112 : i32
    %mul3A_93 = arith.muli %arg0, %mul3A_92 : i32
    %add3A_94 = arith.addi %mul3A_93, %mul3A_2 : i32
    "tpu.region"() ({
      %run_scoped3A = tpu.sem_alloc : memref<!tpu.dma_semaphore, #tpu.memory_space<semaphore_mem>>
      %dma_start3A_95 = arith.constant 0 : i32
      %dma_start3A_96 = tpu.memref_slice %arg10[%add3A_94, %dma_start3A_95] : memref<20224x32xf32, #tpu.memory_space<hbm>> -> memref<632x32xf32, #tpu.memory_space<hbm>>
      %dma_start3A_97 = arith.constant 0 : i32
      %dma_start3A_98 = tpu.memref_slice %arg27[%mul3A_2, %dma_start3A_97] : memref<10112x32xf32, #tpu.memory_space<vmem_shared>> -> memref<632x32xf32, #tpu.memory_space<vmem_shared>>
      tpu.enqueue_dma source(%dma_start3A_98 : memref<632x32xf32, #tpu.memory_space<vmem_shared>>) target(%dma_start3A_96 : memref<632x32xf32, #tpu.memory_space<hbm>>) target_semaphore(%run_scoped3A : memref<!tpu.dma_semaphore, #tpu.memory_space<semaphore_mem>>)
      %dma_wait3A = arith.constant 0 : i32
      %dma_wait3A_99 = tpu.memref_slice %arg10[%add3A_94, %dma_wait3A] : memref<20224x32xf32, #tpu.memory_space<hbm>> -> memref<632x32xf32, #tpu.memory_space<hbm>>
      %dma_wait3A_100 = arith.constant 0 : i32
      %dma_wait3A_101 = tpu.memref_slice %arg27[%mul3A_2, %dma_wait3A_100] : memref<10112x32xf32, #tpu.memory_space<vmem_shared>> -> memref<632x32xf32, #tpu.memory_space<vmem_shared>>
      tpu.wait_dma2 semaphore(%run_scoped3A : memref<!tpu.dma_semaphore, #tpu.memory_space<semaphore_mem>>) src(%dma_wait3A_101 : memref<632x32xf32, #tpu.memory_space<vmem_shared>>) dst(%dma_wait3A_99 : memref<632x32xf32, #tpu.memory_space<hbm>>)
      tpu.yield
    }) : () -> ()
    "tpu.region"() ({
      %run_scoped3A = tpu.sem_alloc : memref<!tpu.dma_semaphore, #tpu.memory_space<semaphore_mem>>
      %dma_start3A_95 = arith.constant 0 : i32
      %dma_start3A_96 = tpu.memref_slice %arg12[%add3A_94, %dma_start3A_95] : memref<20224x32xf32, #tpu.memory_space<hbm>> -> memref<632x32xf32, #tpu.memory_space<hbm>>
      %dma_start3A_97 = arith.constant 0 : i32
      %dma_start3A_98 = tpu.memref_slice %arg28[%mul3A_2, %dma_start3A_97] : memref<10112x32xf32, #tpu.memory_space<vmem_shared>> -> memref<632x32xf32, #tpu.memory_space<vmem_shared>>
      tpu.enqueue_dma source(%dma_start3A_98 : memref<632x32xf32, #tpu.memory_space<vmem_shared>>) target(%dma_start3A_96 : memref<632x32xf32, #tpu.memory_space<hbm>>) target_semaphore(%run_scoped3A : memref<!tpu.dma_semaphore, #tpu.memory_space<semaphore_mem>>)
      %dma_wait3A = arith.constant 0 : i32
      %dma_wait3A_99 = tpu.memref_slice %arg12[%add3A_94, %dma_wait3A] : memref<20224x32xf32, #tpu.memory_space<hbm>> -> memref<632x32xf32, #tpu.memory_space<hbm>>
      %dma_wait3A_100 = arith.constant 0 : i32
      %dma_wait3A_101 = tpu.memref_slice %arg28[%mul3A_2, %dma_wait3A_100] : memref<10112x32xf32, #tpu.memory_space<vmem_shared>> -> memref<632x32xf32, #tpu.memory_space<vmem_shared>>
      tpu.wait_dma2 semaphore(%run_scoped3A : memref<!tpu.dma_semaphore, #tpu.memory_space<semaphore_mem>>) src(%dma_wait3A_101 : memref<632x32xf32, #tpu.memory_space<vmem_shared>>) dst(%dma_wait3A_99 : memref<632x32xf32, #tpu.memory_space<hbm>>)
      tpu.yield
    }) : () -> ()
    "tpu.region"() ({
      %run_scoped3A = tpu.sem_alloc : memref<!tpu.dma_semaphore, #tpu.memory_space<semaphore_mem>>
      %dma_start3A_95 = arith.constant 0 : i32
      %dma_start3A_96 = tpu.memref_slice %arg11[%add3A_94, %dma_start3A_95] : memref<20224x32xf32, #tpu.memory_space<hbm>> -> memref<632x32xf32, #tpu.memory_space<hbm>>
      %dma_start3A_97 = arith.constant 0 : i32
      %dma_start3A_98 = tpu.memref_slice %arg29[%mul3A_2, %dma_start3A_97] : memref<10112x32xf32, #tpu.memory_space<vmem_shared>> -> memref<632x32xf32, #tpu.memory_space<vmem_shared>>
      tpu.enqueue_dma source(%dma_start3A_98 : memref<632x32xf32, #tpu.memory_space<vmem_shared>>) target(%dma_start3A_96 : memref<632x32xf32, #tpu.memory_space<hbm>>) target_semaphore(%run_scoped3A : memref<!tpu.dma_semaphore, #tpu.memory_space<semaphore_mem>>)
      %dma_wait3A = arith.constant 0 : i32
      %dma_wait3A_99 = tpu.memref_slice %arg11[%add3A_94, %dma_wait3A] : memref<20224x32xf32, #tpu.memory_space<hbm>> -> memref<632x32xf32, #tpu.memory_space<hbm>>
      %dma_wait3A_100 = arith.constant 0 : i32
      %dma_wait3A_101 = tpu.memref_slice %arg29[%mul3A_2, %dma_wait3A_100] : memref<10112x32xf32, #tpu.memory_space<vmem_shared>> -> memref<632x32xf32, #tpu.memory_space<vmem_shared>>
      tpu.wait_dma2 semaphore(%run_scoped3A : memref<!tpu.dma_semaphore, #tpu.memory_space<semaphore_mem>>) src(%dma_wait3A_101 : memref<632x32xf32, #tpu.memory_space<vmem_shared>>) dst(%dma_wait3A_99 : memref<632x32xf32, #tpu.memory_space<hbm>>)
      tpu.yield
    }) : () -> ()
    "tpu.region"() ({
      %run_scoped3A = tpu.sem_alloc : memref<!tpu.dma_semaphore, #tpu.memory_space<semaphore_mem>>
      %dma_start3A_95 = arith.constant 0 : i32
      %dma_start3A_96 = tpu.memref_slice %arg13[%add3A_94, %dma_start3A_95] : memref<20224x32xf32, #tpu.memory_space<hbm>> -> memref<632x32xf32, #tpu.memory_space<hbm>>
      %dma_start3A_97 = arith.constant 0 : i32
      %dma_start3A_98 = tpu.memref_slice %arg30[%mul3A_2, %dma_start3A_97] : memref<10112x32xf32, #tpu.memory_space<vmem_shared>> -> memref<632x32xf32, #tpu.memory_space<vmem_shared>>
      tpu.enqueue_dma source(%dma_start3A_98 : memref<632x32xf32, #tpu.memory_space<vmem_shared>>) target(%dma_start3A_96 : memref<632x32xf32, #tpu.memory_space<hbm>>) target_semaphore(%run_scoped3A : memref<!tpu.dma_semaphore, #tpu.memory_space<semaphore_mem>>)
      %dma_wait3A = arith.constant 0 : i32
      %dma_wait3A_99 = tpu.memref_slice %arg13[%add3A_94, %dma_wait3A] : memref<20224x32xf32, #tpu.memory_space<hbm>> -> memref<632x32xf32, #tpu.memory_space<hbm>>
      %dma_wait3A_100 = arith.constant 0 : i32
      %dma_wait3A_101 = tpu.memref_slice %arg30[%mul3A_2, %dma_wait3A_100] : memref<10112x32xf32, #tpu.memory_space<vmem_shared>> -> memref<632x32xf32, #tpu.memory_space<vmem_shared>>
      tpu.wait_dma2 semaphore(%run_scoped3A : memref<!tpu.dma_semaphore, #tpu.memory_space<semaphore_mem>>) src(%dma_wait3A_101 : memref<632x32xf32, #tpu.memory_space<vmem_shared>>) dst(%dma_wait3A_99 : memref<632x32xf32, #tpu.memory_space<hbm>>)
      tpu.yield
    }) : () -> ()
    return
  }
}

#map = affine_map<(d0, d1) -> (0, 0)>
module attributes {stable_mosaic.version = 14 : i64} {
  func.func @head(%arg0: i32, %arg1: i32, %arg2: memref<10112x32xf32, #tpu.memory_space<hbm>>, %arg3: memref<10112x32xf32, #tpu.memory_space<hbm>>, %arg4: memref<800x128xi32, #tpu.memory_space<hbm>>, %arg5: memref<800x128xi32, #tpu.memory_space<hbm>>, %arg6: memref<800x128xi32, #tpu.memory_space<hbm>>, %arg7: memref<800x128xi32, #tpu.memory_space<hbm>>, %arg8: memref<102400x32xf32, #tpu.memory_space<hbm>>, %arg9: memref<102400x32xf32, #tpu.memory_space<hbm>>, %arg10: memref<102400x32xf32, #tpu.memory_space<hbm>>, %arg11: memref<102400x32xf32, #tpu.memory_space<hbm>>, %arg12: memref<25x128xi32, #tpu.memory_space<vmem>>, %arg13: memref<25x128xi32, #tpu.memory_space<vmem>>, %arg14: memref<128x32xf32, #tpu.memory_space<vmem>>, %arg15: memref<128x32xf32, #tpu.memory_space<vmem>>, %arg16: memref<128x32xf32, #tpu.memory_space<vmem>>, %arg17: memref<128x32xf32, #tpu.memory_space<vmem>>, %arg18: memref<128x32xf32, #tpu.memory_space<vmem>>, %arg19: memref<128x32xf32, #tpu.memory_space<vmem>>, %arg20: memref<128x32xf32, #tpu.memory_space<vmem>>, %arg21: memref<128x32xf32, #tpu.memory_space<vmem>>, %arg22: memref<128x32xf32, #tpu.memory_space<vmem>>, %arg23: memref<128x32xf32, #tpu.memory_space<vmem>>, %arg24: memref<!tpu.dma_semaphore, #tpu.memory_space<semaphore_mem>>, %arg25: memref<!tpu.dma_semaphore, #tpu.memory_space<semaphore_mem>>, %arg26: memref<!tpu.dma_semaphore, #tpu.memory_space<semaphore_mem>>, %arg27: memref<!tpu.dma_semaphore, #tpu.memory_space<semaphore_mem>>, %arg28: memref<!tpu.dma_semaphore, #tpu.memory_space<semaphore_mem>>) attributes {dimension_semantics = [#tpu.dimension_semantics<core_parallel>, #tpu.dimension_semantics<subcore_parallel>], iteration_bounds = array<i64: 2, 16>, scalar_prefetch = 0 : i64, scratch_operands = 17 : i64, tpu.core_type = #tpu.core_type<sc_vector_subcore>, window_params = [{transform_indices = #map}, {transform_indices = #map}, {transform_indices = #map}, {transform_indices = #map}, {transform_indices = #map}, {transform_indices = #map}, {transform_indices = #map}, {transform_indices = #map}, {transform_indices = #map}, {transform_indices = #map}]} {
    %mul3A = arith.constant 2 : i32
    %mul3A_0 = arith.muli %arg1, %mul3A : i32
    %add3A = arith.addi %mul3A_0, %arg0 : i32
    %mul3A_1 = arith.constant 3200 : i32
    %mul3A_2 = arith.muli %add3A, %mul3A_1 : i32
    %mul3A_3 = arith.constant 25 : i32
    %mul3A_4 = arith.muli %add3A, %mul3A_3 : i32
    "tpu.region"() ({
      %run_scoped3A = tpu.sem_alloc : memref<!tpu.dma_semaphore, #tpu.memory_space<semaphore_mem>>
      %dma_start3A_161 = arith.constant 0 : i32
      %dma_start3A_162 = tpu.memref_slice %arg4[%mul3A_4, %dma_start3A_161] : memref<800x128xi32, #tpu.memory_space<hbm>> -> memref<25x128xi32, #tpu.memory_space<hbm>>
      %dma_start3A_163 = arith.constant 0 : i32
      %dma_start3A_164 = tpu.memref_slice %arg4[%mul3A_4, %dma_start3A_163] : memref<800x128xi32, #tpu.memory_space<hbm>> -> memref<25x128xi32, #tpu.memory_space<hbm>>
      tpu.enqueue_dma source(%dma_start3A_164 : memref<25x128xi32, #tpu.memory_space<hbm>>) target(%arg12 : memref<25x128xi32, #tpu.memory_space<vmem>>) target_semaphore(%run_scoped3A : memref<!tpu.dma_semaphore, #tpu.memory_space<semaphore_mem>>)
      %dma_wait3A = arith.constant 0 : i32
      %dma_wait3A_165 = tpu.memref_slice %arg4[%mul3A_4, %dma_wait3A] : memref<800x128xi32, #tpu.memory_space<hbm>> -> memref<25x128xi32, #tpu.memory_space<hbm>>
      %dma_wait3A_166 = arith.constant 0 : i32
      %dma_wait3A_167 = tpu.memref_slice %arg4[%mul3A_4, %dma_wait3A_166] : memref<800x128xi32, #tpu.memory_space<hbm>> -> memref<25x128xi32, #tpu.memory_space<hbm>>
      tpu.wait_dma2 semaphore(%run_scoped3A : memref<!tpu.dma_semaphore, #tpu.memory_space<semaphore_mem>>) src(%dma_wait3A_167 : memref<25x128xi32, #tpu.memory_space<hbm>>) dst(%arg12 : memref<25x128xi32, #tpu.memory_space<vmem>>)
      tpu.yield
    }) : () -> ()
    %mul3A_5 = arith.constant 25 : i32
    %mul3A_6 = arith.muli %add3A, %mul3A_5 : i32
    "tpu.region"() ({
      %run_scoped3A = tpu.sem_alloc : memref<!tpu.dma_semaphore, #tpu.memory_space<semaphore_mem>>
      %dma_start3A_161 = arith.constant 0 : i32
      %dma_start3A_162 = tpu.memref_slice %arg5[%mul3A_6, %dma_start3A_161] : memref<800x128xi32, #tpu.memory_space<hbm>> -> memref<25x128xi32, #tpu.memory_space<hbm>>
      %dma_start3A_163 = arith.constant 0 : i32
      %dma_start3A_164 = tpu.memref_slice %arg5[%mul3A_6, %dma_start3A_163] : memref<800x128xi32, #tpu.memory_space<hbm>> -> memref<25x128xi32, #tpu.memory_space<hbm>>
      tpu.enqueue_dma source(%dma_start3A_164 : memref<25x128xi32, #tpu.memory_space<hbm>>) target(%arg13 : memref<25x128xi32, #tpu.memory_space<vmem>>) target_semaphore(%run_scoped3A : memref<!tpu.dma_semaphore, #tpu.memory_space<semaphore_mem>>)
      %dma_wait3A = arith.constant 0 : i32
      %dma_wait3A_165 = tpu.memref_slice %arg5[%mul3A_6, %dma_wait3A] : memref<800x128xi32, #tpu.memory_space<hbm>> -> memref<25x128xi32, #tpu.memory_space<hbm>>
      %dma_wait3A_166 = arith.constant 0 : i32
      %dma_wait3A_167 = tpu.memref_slice %arg5[%mul3A_6, %dma_wait3A_166] : memref<800x128xi32, #tpu.memory_space<hbm>> -> memref<25x128xi32, #tpu.memory_space<hbm>>
      tpu.wait_dma2 semaphore(%run_scoped3A : memref<!tpu.dma_semaphore, #tpu.memory_space<semaphore_mem>>) src(%dma_wait3A_167 : memref<25x128xi32, #tpu.memory_space<hbm>>) dst(%arg13 : memref<25x128xi32, #tpu.memory_space<vmem>>)
      tpu.yield
    }) : () -> ()
    %dma_start3A = arith.constant 0 : i32
    %dma_start3A_7 = arith.constant 0 : i32
    %dma_start3A_8 = tpu.memref_slice %arg12[%dma_start3A, %dma_start3A_7] : memref<25x128xi32, #tpu.memory_space<vmem>> -> memref<1x128xi32, #tpu.memory_space<vmem>>
    %dma_start3A_9 = tpu.memref_squeeze %dma_start3A_8 : memref<1x128xi32, #tpu.memory_space<vmem>> -> memref<128xi32, #tpu.memory_space<vmem>>
    %dma_start3A_10 = arith.constant 0 : i32
    %dma_start3A_11 = arith.constant 0 : i32
    %dma_start3A_12 = tpu.memref_slice %arg2[%dma_start3A_10, %dma_start3A_11] : memref<10112x32xf32, #tpu.memory_space<hbm>> -> memref<10112x32xf32, #tpu.memory_space<hbm>>
    tpu.enqueue_indirect_dma source(%dma_start3A_12 : memref<10112x32xf32, #tpu.memory_space<hbm>>) target(%arg14 : memref<128x32xf32, #tpu.memory_space<vmem>>) offsets(%dma_start3A_9 : memref<128xi32, #tpu.memory_space<vmem>>) semaphore(%arg24 : memref<!tpu.dma_semaphore, #tpu.memory_space<semaphore_mem>>)
    %dma_start3A_13 = arith.constant 0 : i32
    %dma_start3A_14 = arith.constant 0 : i32
    %dma_start3A_15 = tpu.memref_slice %arg13[%dma_start3A_13, %dma_start3A_14] : memref<25x128xi32, #tpu.memory_space<vmem>> -> memref<1x128xi32, #tpu.memory_space<vmem>>
    %dma_start3A_16 = tpu.memref_squeeze %dma_start3A_15 : memref<1x128xi32, #tpu.memory_space<vmem>> -> memref<128xi32, #tpu.memory_space<vmem>>
    %dma_start3A_17 = arith.constant 0 : i32
    %dma_start3A_18 = arith.constant 0 : i32
    %dma_start3A_19 = tpu.memref_slice %arg3[%dma_start3A_17, %dma_start3A_18] : memref<10112x32xf32, #tpu.memory_space<hbm>> -> memref<10112x32xf32, #tpu.memory_space<hbm>>
    tpu.enqueue_indirect_dma source(%dma_start3A_19 : memref<10112x32xf32, #tpu.memory_space<hbm>>) target(%arg19 : memref<128x32xf32, #tpu.memory_space<vmem>>) offsets(%dma_start3A_16 : memref<128xi32, #tpu.memory_space<vmem>>) semaphore(%arg24 : memref<!tpu.dma_semaphore, #tpu.memory_space<semaphore_mem>>)
    %dma_start3A_20 = arith.constant 1 : i32
    %dma_start3A_21 = arith.constant 0 : i32
    %dma_start3A_22 = tpu.memref_slice %arg12[%dma_start3A_20, %dma_start3A_21] : memref<25x128xi32, #tpu.memory_space<vmem>> -> memref<1x128xi32, #tpu.memory_space<vmem>>
    %dma_start3A_23 = tpu.memref_squeeze %dma_start3A_22 : memref<1x128xi32, #tpu.memory_space<vmem>> -> memref<128xi32, #tpu.memory_space<vmem>>
    %dma_start3A_24 = arith.constant 0 : i32
    %dma_start3A_25 = arith.constant 0 : i32
    %dma_start3A_26 = tpu.memref_slice %arg2[%dma_start3A_24, %dma_start3A_25] : memref<10112x32xf32, #tpu.memory_space<hbm>> -> memref<10112x32xf32, #tpu.memory_space<hbm>>
    tpu.enqueue_indirect_dma source(%dma_start3A_26 : memref<10112x32xf32, #tpu.memory_space<hbm>>) target(%arg15 : memref<128x32xf32, #tpu.memory_space<vmem>>) offsets(%dma_start3A_23 : memref<128xi32, #tpu.memory_space<vmem>>) semaphore(%arg25 : memref<!tpu.dma_semaphore, #tpu.memory_space<semaphore_mem>>)
    %dma_start3A_27 = arith.constant 1 : i32
    %dma_start3A_28 = arith.constant 0 : i32
    %dma_start3A_29 = tpu.memref_slice %arg13[%dma_start3A_27, %dma_start3A_28] : memref<25x128xi32, #tpu.memory_space<vmem>> -> memref<1x128xi32, #tpu.memory_space<vmem>>
    %dma_start3A_30 = tpu.memref_squeeze %dma_start3A_29 : memref<1x128xi32, #tpu.memory_space<vmem>> -> memref<128xi32, #tpu.memory_space<vmem>>
    %dma_start3A_31 = arith.constant 0 : i32
    %dma_start3A_32 = arith.constant 0 : i32
    %dma_start3A_33 = tpu.memref_slice %arg3[%dma_start3A_31, %dma_start3A_32] : memref<10112x32xf32, #tpu.memory_space<hbm>> -> memref<10112x32xf32, #tpu.memory_space<hbm>>
    tpu.enqueue_indirect_dma source(%dma_start3A_33 : memref<10112x32xf32, #tpu.memory_space<hbm>>) target(%arg20 : memref<128x32xf32, #tpu.memory_space<vmem>>) offsets(%dma_start3A_30 : memref<128xi32, #tpu.memory_space<vmem>>) semaphore(%arg25 : memref<!tpu.dma_semaphore, #tpu.memory_space<semaphore_mem>>)
    %dma_start3A_34 = arith.constant 2 : i32
    %dma_start3A_35 = arith.constant 0 : i32
    %dma_start3A_36 = tpu.memref_slice %arg12[%dma_start3A_34, %dma_start3A_35] : memref<25x128xi32, #tpu.memory_space<vmem>> -> memref<1x128xi32, #tpu.memory_space<vmem>>
    %dma_start3A_37 = tpu.memref_squeeze %dma_start3A_36 : memref<1x128xi32, #tpu.memory_space<vmem>> -> memref<128xi32, #tpu.memory_space<vmem>>
    %dma_start3A_38 = arith.constant 0 : i32
    %dma_start3A_39 = arith.constant 0 : i32
    %dma_start3A_40 = tpu.memref_slice %arg2[%dma_start3A_38, %dma_start3A_39] : memref<10112x32xf32, #tpu.memory_space<hbm>> -> memref<10112x32xf32, #tpu.memory_space<hbm>>
    tpu.enqueue_indirect_dma source(%dma_start3A_40 : memref<10112x32xf32, #tpu.memory_space<hbm>>) target(%arg16 : memref<128x32xf32, #tpu.memory_space<vmem>>) offsets(%dma_start3A_37 : memref<128xi32, #tpu.memory_space<vmem>>) semaphore(%arg26 : memref<!tpu.dma_semaphore, #tpu.memory_space<semaphore_mem>>)
    %dma_start3A_41 = arith.constant 2 : i32
    %dma_start3A_42 = arith.constant 0 : i32
    %dma_start3A_43 = tpu.memref_slice %arg13[%dma_start3A_41, %dma_start3A_42] : memref<25x128xi32, #tpu.memory_space<vmem>> -> memref<1x128xi32, #tpu.memory_space<vmem>>
    %dma_start3A_44 = tpu.memref_squeeze %dma_start3A_43 : memref<1x128xi32, #tpu.memory_space<vmem>> -> memref<128xi32, #tpu.memory_space<vmem>>
    %dma_start3A_45 = arith.constant 0 : i32
    %dma_start3A_46 = arith.constant 0 : i32
    %dma_start3A_47 = tpu.memref_slice %arg3[%dma_start3A_45, %dma_start3A_46] : memref<10112x32xf32, #tpu.memory_space<hbm>> -> memref<10112x32xf32, #tpu.memory_space<hbm>>
    tpu.enqueue_indirect_dma source(%dma_start3A_47 : memref<10112x32xf32, #tpu.memory_space<hbm>>) target(%arg21 : memref<128x32xf32, #tpu.memory_space<vmem>>) offsets(%dma_start3A_44 : memref<128xi32, #tpu.memory_space<vmem>>) semaphore(%arg26 : memref<!tpu.dma_semaphore, #tpu.memory_space<semaphore_mem>>)
    %dma_start3A_48 = arith.constant 3 : i32
    %dma_start3A_49 = arith.constant 0 : i32
    %dma_start3A_50 = tpu.memref_slice %arg12[%dma_start3A_48, %dma_start3A_49] : memref<25x128xi32, #tpu.memory_space<vmem>> -> memref<1x128xi32, #tpu.memory_space<vmem>>
    %dma_start3A_51 = tpu.memref_squeeze %dma_start3A_50 : memref<1x128xi32, #tpu.memory_space<vmem>> -> memref<128xi32, #tpu.memory_space<vmem>>
    %dma_start3A_52 = arith.constant 0 : i32
    %dma_start3A_53 = arith.constant 0 : i32
    %dma_start3A_54 = tpu.memref_slice %arg2[%dma_start3A_52, %dma_start3A_53] : memref<10112x32xf32, #tpu.memory_space<hbm>> -> memref<10112x32xf32, #tpu.memory_space<hbm>>
    tpu.enqueue_indirect_dma source(%dma_start3A_54 : memref<10112x32xf32, #tpu.memory_space<hbm>>) target(%arg17 : memref<128x32xf32, #tpu.memory_space<vmem>>) offsets(%dma_start3A_51 : memref<128xi32, #tpu.memory_space<vmem>>) semaphore(%arg27 : memref<!tpu.dma_semaphore, #tpu.memory_space<semaphore_mem>>)
    %dma_start3A_55 = arith.constant 3 : i32
    %dma_start3A_56 = arith.constant 0 : i32
    %dma_start3A_57 = tpu.memref_slice %arg13[%dma_start3A_55, %dma_start3A_56] : memref<25x128xi32, #tpu.memory_space<vmem>> -> memref<1x128xi32, #tpu.memory_space<vmem>>
    %dma_start3A_58 = tpu.memref_squeeze %dma_start3A_57 : memref<1x128xi32, #tpu.memory_space<vmem>> -> memref<128xi32, #tpu.memory_space<vmem>>
    %dma_start3A_59 = arith.constant 0 : i32
    %dma_start3A_60 = arith.constant 0 : i32
    %dma_start3A_61 = tpu.memref_slice %arg3[%dma_start3A_59, %dma_start3A_60] : memref<10112x32xf32, #tpu.memory_space<hbm>> -> memref<10112x32xf32, #tpu.memory_space<hbm>>
    tpu.enqueue_indirect_dma source(%dma_start3A_61 : memref<10112x32xf32, #tpu.memory_space<hbm>>) target(%arg22 : memref<128x32xf32, #tpu.memory_space<vmem>>) offsets(%dma_start3A_58 : memref<128xi32, #tpu.memory_space<vmem>>) semaphore(%arg27 : memref<!tpu.dma_semaphore, #tpu.memory_space<semaphore_mem>>)
    %dma_start3A_62 = arith.constant 4 : i32
    %dma_start3A_63 = arith.constant 0 : i32
    %dma_start3A_64 = tpu.memref_slice %arg12[%dma_start3A_62, %dma_start3A_63] : memref<25x128xi32, #tpu.memory_space<vmem>> -> memref<1x128xi32, #tpu.memory_space<vmem>>
    %dma_start3A_65 = tpu.memref_squeeze %dma_start3A_64 : memref<1x128xi32, #tpu.memory_space<vmem>> -> memref<128xi32, #tpu.memory_space<vmem>>
    %dma_start3A_66 = arith.constant 0 : i32
    %dma_start3A_67 = arith.constant 0 : i32
    %dma_start3A_68 = tpu.memref_slice %arg2[%dma_start3A_66, %dma_start3A_67] : memref<10112x32xf32, #tpu.memory_space<hbm>> -> memref<10112x32xf32, #tpu.memory_space<hbm>>
    tpu.enqueue_indirect_dma source(%dma_start3A_68 : memref<10112x32xf32, #tpu.memory_space<hbm>>) target(%arg18 : memref<128x32xf32, #tpu.memory_space<vmem>>) offsets(%dma_start3A_65 : memref<128xi32, #tpu.memory_space<vmem>>) semaphore(%arg28 : memref<!tpu.dma_semaphore, #tpu.memory_space<semaphore_mem>>)
    %dma_start3A_69 = arith.constant 4 : i32
    %dma_start3A_70 = arith.constant 0 : i32
    %dma_start3A_71 = tpu.memref_slice %arg13[%dma_start3A_69, %dma_start3A_70] : memref<25x128xi32, #tpu.memory_space<vmem>> -> memref<1x128xi32, #tpu.memory_space<vmem>>
    %dma_start3A_72 = tpu.memref_squeeze %dma_start3A_71 : memref<1x128xi32, #tpu.memory_space<vmem>> -> memref<128xi32, #tpu.memory_space<vmem>>
    %dma_start3A_73 = arith.constant 0 : i32
    %dma_start3A_74 = arith.constant 0 : i32
    %dma_start3A_75 = tpu.memref_slice %arg3[%dma_start3A_73, %dma_start3A_74] : memref<10112x32xf32, #tpu.memory_space<hbm>> -> memref<10112x32xf32, #tpu.memory_space<hbm>>
    tpu.enqueue_indirect_dma source(%dma_start3A_75 : memref<10112x32xf32, #tpu.memory_space<hbm>>) target(%arg23 : memref<128x32xf32, #tpu.memory_space<vmem>>) offsets(%dma_start3A_72 : memref<128xi32, #tpu.memory_space<vmem>>) semaphore(%arg28 : memref<!tpu.dma_semaphore, #tpu.memory_space<semaphore_mem>>)
    %scan3A = arith.constant 0 : i32
    %scan3A_76 = arith.constant 0 : i32
    %scan3A_77 = arith.constant 5 : i32
    %scan3A_78 = arith.addi %scan3A_76, %scan3A_77 : i32
    %scan3A_79 = arith.constant 1 : i32
    scf.for %scan3A_161 = %scan3A_76 to %scan3A_78 step %scan3A_79  : i32 {
      %mul3A_162 = arith.constant 5 : i32
      %mul3A_163 = arith.muli %scan3A_161, %mul3A_162 : i32
      %add3A_164 = arith.constant 0 : i32
      %add3A_165 = arith.addi %mul3A_163, %add3A_164 : i32
      %mul3A_166 = arith.constant 128 : i32
      %mul3A_167 = arith.muli %add3A_165, %mul3A_166 : i32
      %add3A_168 = arith.addi %mul3A_2, %mul3A_167 : i32
      %dma_wait3A = arith.constant 0 : i32
      %dma_wait3A_169 = tpu.memref_slice %arg12[%add3A_165, %dma_wait3A] : memref<25x128xi32, #tpu.memory_space<vmem>> -> memref<1x128xi32, #tpu.memory_space<vmem>>
      %dma_wait3A_170 = tpu.memref_squeeze %dma_wait3A_169 : memref<1x128xi32, #tpu.memory_space<vmem>> -> memref<128xi32, #tpu.memory_space<vmem>>
      %dma_wait3A_171 = arith.constant 0 : i32
      %dma_wait3A_172 = arith.constant 0 : i32
      %dma_wait3A_173 = tpu.memref_slice %arg2[%dma_wait3A_171, %dma_wait3A_172] : memref<10112x32xf32, #tpu.memory_space<hbm>> -> memref<10112x32xf32, #tpu.memory_space<hbm>>
      tpu.wait_indirect_dma semaphore(%arg24 : memref<!tpu.dma_semaphore, #tpu.memory_space<semaphore_mem>>) src(%dma_wait3A_173 : memref<10112x32xf32, #tpu.memory_space<hbm>>) dst(%arg14 : memref<128x32xf32, #tpu.memory_space<vmem>>)
      %dma_wait3A_174 = arith.constant 0 : i32
      %dma_wait3A_175 = tpu.memref_slice %arg13[%add3A_165, %dma_wait3A_174] : memref<25x128xi32, #tpu.memory_space<vmem>> -> memref<1x128xi32, #tpu.memory_space<vmem>>
      %dma_wait3A_176 = tpu.memref_squeeze %dma_wait3A_175 : memref<1x128xi32, #tpu.memory_space<vmem>> -> memref<128xi32, #tpu.memory_space<vmem>>
      %dma_wait3A_177 = arith.constant 0 : i32
      %dma_wait3A_178 = arith.constant 0 : i32
      %dma_wait3A_179 = tpu.memref_slice %arg3[%dma_wait3A_177, %dma_wait3A_178] : memref<10112x32xf32, #tpu.memory_space<hbm>> -> memref<10112x32xf32, #tpu.memory_space<hbm>>
      tpu.wait_indirect_dma semaphore(%arg24 : memref<!tpu.dma_semaphore, #tpu.memory_space<semaphore_mem>>) src(%dma_wait3A_179 : memref<10112x32xf32, #tpu.memory_space<hbm>>) dst(%arg19 : memref<128x32xf32, #tpu.memory_space<vmem>>)
      "tpu.region"() ({
        %run_scoped3A = tpu.sem_alloc : memref<!tpu.dma_semaphore, #tpu.memory_space<semaphore_mem>>
        %dma_start3A_288 = arith.constant 0 : i32
        %dma_start3A_289 = tpu.memref_slice %arg8[%add3A_168, %dma_start3A_288] : memref<102400x32xf32, #tpu.memory_space<hbm>> -> memref<128x32xf32, #tpu.memory_space<hbm>>
        %dma_start3A_290 = arith.constant 0 : i32
        %dma_start3A_291 = tpu.memref_slice %arg8[%add3A_168, %dma_start3A_290] : memref<102400x32xf32, #tpu.memory_space<hbm>> -> memref<128x32xf32, #tpu.memory_space<hbm>>
        tpu.enqueue_dma source(%arg14 : memref<128x32xf32, #tpu.memory_space<vmem>>) target(%dma_start3A_291 : memref<128x32xf32, #tpu.memory_space<hbm>>) target_semaphore(%run_scoped3A : memref<!tpu.dma_semaphore, #tpu.memory_space<semaphore_mem>>)
        %dma_wait3A_292 = arith.constant 0 : i32
        %dma_wait3A_293 = tpu.memref_slice %arg8[%add3A_168, %dma_wait3A_292] : memref<102400x32xf32, #tpu.memory_space<hbm>> -> memref<128x32xf32, #tpu.memory_space<hbm>>
        %dma_wait3A_294 = arith.constant 0 : i32
        %dma_wait3A_295 = tpu.memref_slice %arg8[%add3A_168, %dma_wait3A_294] : memref<102400x32xf32, #tpu.memory_space<hbm>> -> memref<128x32xf32, #tpu.memory_space<hbm>>
        tpu.wait_dma2 semaphore(%run_scoped3A : memref<!tpu.dma_semaphore, #tpu.memory_space<semaphore_mem>>) src(%arg14 : memref<128x32xf32, #tpu.memory_space<vmem>>) dst(%dma_wait3A_295 : memref<128x32xf32, #tpu.memory_space<hbm>>)
        tpu.yield
      }) : () -> ()
      "tpu.region"() ({
        %run_scoped3A = tpu.sem_alloc : memref<!tpu.dma_semaphore, #tpu.memory_space<semaphore_mem>>
        %dma_start3A_288 = arith.constant 0 : i32
        %dma_start3A_289 = tpu.memref_slice %arg9[%add3A_168, %dma_start3A_288] : memref<102400x32xf32, #tpu.memory_space<hbm>> -> memref<128x32xf32, #tpu.memory_space<hbm>>
        %dma_start3A_290 = arith.constant 0 : i32
        %dma_start3A_291 = tpu.memref_slice %arg9[%add3A_168, %dma_start3A_290] : memref<102400x32xf32, #tpu.memory_space<hbm>> -> memref<128x32xf32, #tpu.memory_space<hbm>>
        tpu.enqueue_dma source(%arg19 : memref<128x32xf32, #tpu.memory_space<vmem>>) target(%dma_start3A_291 : memref<128x32xf32, #tpu.memory_space<hbm>>) target_semaphore(%run_scoped3A : memref<!tpu.dma_semaphore, #tpu.memory_space<semaphore_mem>>)
        %dma_wait3A_292 = arith.constant 0 : i32
        %dma_wait3A_293 = tpu.memref_slice %arg9[%add3A_168, %dma_wait3A_292] : memref<102400x32xf32, #tpu.memory_space<hbm>> -> memref<128x32xf32, #tpu.memory_space<hbm>>
        %dma_wait3A_294 = arith.constant 0 : i32
        %dma_wait3A_295 = tpu.memref_slice %arg9[%add3A_168, %dma_wait3A_294] : memref<102400x32xf32, #tpu.memory_space<hbm>> -> memref<128x32xf32, #tpu.memory_space<hbm>>
        tpu.wait_dma2 semaphore(%run_scoped3A : memref<!tpu.dma_semaphore, #tpu.memory_space<semaphore_mem>>) src(%arg19 : memref<128x32xf32, #tpu.memory_space<vmem>>) dst(%dma_wait3A_295 : memref<128x32xf32, #tpu.memory_space<hbm>>)
        tpu.yield
      }) : () -> ()
      %add3A_180 = arith.constant 5 : i32
      %add3A_181 = arith.addi %add3A_165, %add3A_180 : i32
      %lt3A = arith.constant 25 : i32
      %lt3A_182 = arith.cmpi slt, %add3A_181, %lt3A : i32
      %convert_element_type3A = arith.extui %lt3A_182 : i1 to i32
      %cond3A = arith.constant 0 : i32
      %cond3A_183 = arith.cmpi ne, %convert_element_type3A, %cond3A : i32
      scf.if %cond3A_183 {
        %add3A_288 = arith.constant 5 : i32
        %add3A_289 = arith.addi %add3A_165, %add3A_288 : i32
        %dma_start3A_290 = arith.constant 0 : i32
        %dma_start3A_291 = tpu.memref_slice %arg12[%add3A_289, %dma_start3A_290] : memref<25x128xi32, #tpu.memory_space<vmem>> -> memref<1x128xi32, #tpu.memory_space<vmem>>
        %dma_start3A_292 = tpu.memref_squeeze %dma_start3A_291 : memref<1x128xi32, #tpu.memory_space<vmem>> -> memref<128xi32, #tpu.memory_space<vmem>>
        %dma_start3A_293 = arith.constant 0 : i32
        %dma_start3A_294 = arith.constant 0 : i32
        %dma_start3A_295 = tpu.memref_slice %arg2[%dma_start3A_293, %dma_start3A_294] : memref<10112x32xf32, #tpu.memory_space<hbm>> -> memref<10112x32xf32, #tpu.memory_space<hbm>>
        tpu.enqueue_indirect_dma source(%dma_start3A_295 : memref<10112x32xf32, #tpu.memory_space<hbm>>) target(%arg14 : memref<128x32xf32, #tpu.memory_space<vmem>>) offsets(%dma_start3A_292 : memref<128xi32, #tpu.memory_space<vmem>>) semaphore(%arg24 : memref<!tpu.dma_semaphore, #tpu.memory_space<semaphore_mem>>)
        %add3A_296 = arith.constant 5 : i32
        %add3A_297 = arith.addi %add3A_165, %add3A_296 : i32
        %dma_start3A_298 = arith.constant 0 : i32
        %dma_start3A_299 = tpu.memref_slice %arg13[%add3A_297, %dma_start3A_298] : memref<25x128xi32, #tpu.memory_space<vmem>> -> memref<1x128xi32, #tpu.memory_space<vmem>>
        %dma_start3A_300 = tpu.memref_squeeze %dma_start3A_299 : memref<1x128xi32, #tpu.memory_space<vmem>> -> memref<128xi32, #tpu.memory_space<vmem>>
        %dma_start3A_301 = arith.constant 0 : i32
        %dma_start3A_302 = arith.constant 0 : i32
        %dma_start3A_303 = tpu.memref_slice %arg3[%dma_start3A_301, %dma_start3A_302] : memref<10112x32xf32, #tpu.memory_space<hbm>> -> memref<10112x32xf32, #tpu.memory_space<hbm>>
        tpu.enqueue_indirect_dma source(%dma_start3A_303 : memref<10112x32xf32, #tpu.memory_space<hbm>>) target(%arg19 : memref<128x32xf32, #tpu.memory_space<vmem>>) offsets(%dma_start3A_300 : memref<128xi32, #tpu.memory_space<vmem>>) semaphore(%arg24 : memref<!tpu.dma_semaphore, #tpu.memory_space<semaphore_mem>>)
      } else {
      }
      %mul3A_184 = arith.constant 5 : i32
      %mul3A_185 = arith.muli %scan3A_161, %mul3A_184 : i32
      %add3A_186 = arith.constant 1 : i32
      %add3A_187 = arith.addi %mul3A_185, %add3A_186 : i32
      %mul3A_188 = arith.constant 128 : i32
      %mul3A_189 = arith.muli %add3A_187, %mul3A_188 : i32
      %add3A_190 = arith.addi %mul3A_2, %mul3A_189 : i32
      %dma_wait3A_191 = arith.constant 0 : i32
      %dma_wait3A_192 = tpu.memref_slice %arg12[%add3A_187, %dma_wait3A_191] : memref<25x128xi32, #tpu.memory_space<vmem>> -> memref<1x128xi32, #tpu.memory_space<vmem>>
      %dma_wait3A_193 = tpu.memref_squeeze %dma_wait3A_192 : memref<1x128xi32, #tpu.memory_space<vmem>> -> memref<128xi32, #tpu.memory_space<vmem>>
      %dma_wait3A_194 = arith.constant 0 : i32
      %dma_wait3A_195 = arith.constant 0 : i32
      %dma_wait3A_196 = tpu.memref_slice %arg2[%dma_wait3A_194, %dma_wait3A_195] : memref<10112x32xf32, #tpu.memory_space<hbm>> -> memref<10112x32xf32, #tpu.memory_space<hbm>>
      tpu.wait_indirect_dma semaphore(%arg25 : memref<!tpu.dma_semaphore, #tpu.memory_space<semaphore_mem>>) src(%dma_wait3A_196 : memref<10112x32xf32, #tpu.memory_space<hbm>>) dst(%arg15 : memref<128x32xf32, #tpu.memory_space<vmem>>)
      %dma_wait3A_197 = arith.constant 0 : i32
      %dma_wait3A_198 = tpu.memref_slice %arg13[%add3A_187, %dma_wait3A_197] : memref<25x128xi32, #tpu.memory_space<vmem>> -> memref<1x128xi32, #tpu.memory_space<vmem>>
      %dma_wait3A_199 = tpu.memref_squeeze %dma_wait3A_198 : memref<1x128xi32, #tpu.memory_space<vmem>> -> memref<128xi32, #tpu.memory_space<vmem>>
      %dma_wait3A_200 = arith.constant 0 : i32
      %dma_wait3A_201 = arith.constant 0 : i32
      %dma_wait3A_202 = tpu.memref_slice %arg3[%dma_wait3A_200, %dma_wait3A_201] : memref<10112x32xf32, #tpu.memory_space<hbm>> -> memref<10112x32xf32, #tpu.memory_space<hbm>>
      tpu.wait_indirect_dma semaphore(%arg25 : memref<!tpu.dma_semaphore, #tpu.memory_space<semaphore_mem>>) src(%dma_wait3A_202 : memref<10112x32xf32, #tpu.memory_space<hbm>>) dst(%arg20 : memref<128x32xf32, #tpu.memory_space<vmem>>)
      "tpu.region"() ({
        %run_scoped3A = tpu.sem_alloc : memref<!tpu.dma_semaphore, #tpu.memory_space<semaphore_mem>>
        %dma_start3A_288 = arith.constant 0 : i32
        %dma_start3A_289 = tpu.memref_slice %arg8[%add3A_190, %dma_start3A_288] : memref<102400x32xf32, #tpu.memory_space<hbm>> -> memref<128x32xf32, #tpu.memory_space<hbm>>
        %dma_start3A_290 = arith.constant 0 : i32
        %dma_start3A_291 = tpu.memref_slice %arg8[%add3A_190, %dma_start3A_290] : memref<102400x32xf32, #tpu.memory_space<hbm>> -> memref<128x32xf32, #tpu.memory_space<hbm>>
        tpu.enqueue_dma source(%arg15 : memref<128x32xf32, #tpu.memory_space<vmem>>) target(%dma_start3A_291 : memref<128x32xf32, #tpu.memory_space<hbm>>) target_semaphore(%run_scoped3A : memref<!tpu.dma_semaphore, #tpu.memory_space<semaphore_mem>>)
        %dma_wait3A_292 = arith.constant 0 : i32
        %dma_wait3A_293 = tpu.memref_slice %arg8[%add3A_190, %dma_wait3A_292] : memref<102400x32xf32, #tpu.memory_space<hbm>> -> memref<128x32xf32, #tpu.memory_space<hbm>>
        %dma_wait3A_294 = arith.constant 0 : i32
        %dma_wait3A_295 = tpu.memref_slice %arg8[%add3A_190, %dma_wait3A_294] : memref<102400x32xf32, #tpu.memory_space<hbm>> -> memref<128x32xf32, #tpu.memory_space<hbm>>
        tpu.wait_dma2 semaphore(%run_scoped3A : memref<!tpu.dma_semaphore, #tpu.memory_space<semaphore_mem>>) src(%arg15 : memref<128x32xf32, #tpu.memory_space<vmem>>) dst(%dma_wait3A_295 : memref<128x32xf32, #tpu.memory_space<hbm>>)
        tpu.yield
      }) : () -> ()
      "tpu.region"() ({
        %run_scoped3A = tpu.sem_alloc : memref<!tpu.dma_semaphore, #tpu.memory_space<semaphore_mem>>
        %dma_start3A_288 = arith.constant 0 : i32
        %dma_start3A_289 = tpu.memref_slice %arg9[%add3A_190, %dma_start3A_288] : memref<102400x32xf32, #tpu.memory_space<hbm>> -> memref<128x32xf32, #tpu.memory_space<hbm>>
        %dma_start3A_290 = arith.constant 0 : i32
        %dma_start3A_291 = tpu.memref_slice %arg9[%add3A_190, %dma_start3A_290] : memref<102400x32xf32, #tpu.memory_space<hbm>> -> memref<128x32xf32, #tpu.memory_space<hbm>>
        tpu.enqueue_dma source(%arg20 : memref<128x32xf32, #tpu.memory_space<vmem>>) target(%dma_start3A_291 : memref<128x32xf32, #tpu.memory_space<hbm>>) target_semaphore(%run_scoped3A : memref<!tpu.dma_semaphore, #tpu.memory_space<semaphore_mem>>)
        %dma_wait3A_292 = arith.constant 0 : i32
        %dma_wait3A_293 = tpu.memref_slice %arg9[%add3A_190, %dma_wait3A_292] : memref<102400x32xf32, #tpu.memory_space<hbm>> -> memref<128x32xf32, #tpu.memory_space<hbm>>
        %dma_wait3A_294 = arith.constant 0 : i32
        %dma_wait3A_295 = tpu.memref_slice %arg9[%add3A_190, %dma_wait3A_294] : memref<102400x32xf32, #tpu.memory_space<hbm>> -> memref<128x32xf32, #tpu.memory_space<hbm>>
        tpu.wait_dma2 semaphore(%run_scoped3A : memref<!tpu.dma_semaphore, #tpu.memory_space<semaphore_mem>>) src(%arg20 : memref<128x32xf32, #tpu.memory_space<vmem>>) dst(%dma_wait3A_295 : memref<128x32xf32, #tpu.memory_space<hbm>>)
        tpu.yield
      }) : () -> ()
      %add3A_203 = arith.constant 5 : i32
      %add3A_204 = arith.addi %add3A_187, %add3A_203 : i32
      %lt3A_205 = arith.constant 25 : i32
      %lt3A_206 = arith.cmpi slt, %add3A_204, %lt3A_205 : i32
      %convert_element_type3A_207 = arith.extui %lt3A_206 : i1 to i32
      %cond3A_208 = arith.constant 0 : i32
      %cond3A_209 = arith.cmpi ne, %convert_element_type3A_207, %cond3A_208 : i32
      scf.if %cond3A_209 {
        %add3A_288 = arith.constant 5 : i32
        %add3A_289 = arith.addi %add3A_187, %add3A_288 : i32
        %dma_start3A_290 = arith.constant 0 : i32
        %dma_start3A_291 = tpu.memref_slice %arg12[%add3A_289, %dma_start3A_290] : memref<25x128xi32, #tpu.memory_space<vmem>> -> memref<1x128xi32, #tpu.memory_space<vmem>>
        %dma_start3A_292 = tpu.memref_squeeze %dma_start3A_291 : memref<1x128xi32, #tpu.memory_space<vmem>> -> memref<128xi32, #tpu.memory_space<vmem>>
        %dma_start3A_293 = arith.constant 0 : i32
        %dma_start3A_294 = arith.constant 0 : i32
        %dma_start3A_295 = tpu.memref_slice %arg2[%dma_start3A_293, %dma_start3A_294] : memref<10112x32xf32, #tpu.memory_space<hbm>> -> memref<10112x32xf32, #tpu.memory_space<hbm>>
        tpu.enqueue_indirect_dma source(%dma_start3A_295 : memref<10112x32xf32, #tpu.memory_space<hbm>>) target(%arg15 : memref<128x32xf32, #tpu.memory_space<vmem>>) offsets(%dma_start3A_292 : memref<128xi32, #tpu.memory_space<vmem>>) semaphore(%arg25 : memref<!tpu.dma_semaphore, #tpu.memory_space<semaphore_mem>>)
        %add3A_296 = arith.constant 5 : i32
        %add3A_297 = arith.addi %add3A_187, %add3A_296 : i32
        %dma_start3A_298 = arith.constant 0 : i32
        %dma_start3A_299 = tpu.memref_slice %arg13[%add3A_297, %dma_start3A_298] : memref<25x128xi32, #tpu.memory_space<vmem>> -> memref<1x128xi32, #tpu.memory_space<vmem>>
        %dma_start3A_300 = tpu.memref_squeeze %dma_start3A_299 : memref<1x128xi32, #tpu.memory_space<vmem>> -> memref<128xi32, #tpu.memory_space<vmem>>
        %dma_start3A_301 = arith.constant 0 : i32
        %dma_start3A_302 = arith.constant 0 : i32
        %dma_start3A_303 = tpu.memref_slice %arg3[%dma_start3A_301, %dma_start3A_302] : memref<10112x32xf32, #tpu.memory_space<hbm>> -> memref<10112x32xf32, #tpu.memory_space<hbm>>
        tpu.enqueue_indirect_dma source(%dma_start3A_303 : memref<10112x32xf32, #tpu.memory_space<hbm>>) target(%arg20 : memref<128x32xf32, #tpu.memory_space<vmem>>) offsets(%dma_start3A_300 : memref<128xi32, #tpu.memory_space<vmem>>) semaphore(%arg25 : memref<!tpu.dma_semaphore, #tpu.memory_space<semaphore_mem>>)
      } else {
      }
      %mul3A_210 = arith.constant 5 : i32
      %mul3A_211 = arith.muli %scan3A_161, %mul3A_210 : i32
      %add3A_212 = arith.constant 2 : i32
      %add3A_213 = arith.addi %mul3A_211, %add3A_212 : i32
      %mul3A_214 = arith.constant 128 : i32
      %mul3A_215 = arith.muli %add3A_213, %mul3A_214 : i32
      %add3A_216 = arith.addi %mul3A_2, %mul3A_215 : i32
      %dma_wait3A_217 = arith.constant 0 : i32
      %dma_wait3A_218 = tpu.memref_slice %arg12[%add3A_213, %dma_wait3A_217] : memref<25x128xi32, #tpu.memory_space<vmem>> -> memref<1x128xi32, #tpu.memory_space<vmem>>
      %dma_wait3A_219 = tpu.memref_squeeze %dma_wait3A_218 : memref<1x128xi32, #tpu.memory_space<vmem>> -> memref<128xi32, #tpu.memory_space<vmem>>
      %dma_wait3A_220 = arith.constant 0 : i32
      %dma_wait3A_221 = arith.constant 0 : i32
      %dma_wait3A_222 = tpu.memref_slice %arg2[%dma_wait3A_220, %dma_wait3A_221] : memref<10112x32xf32, #tpu.memory_space<hbm>> -> memref<10112x32xf32, #tpu.memory_space<hbm>>
      tpu.wait_indirect_dma semaphore(%arg26 : memref<!tpu.dma_semaphore, #tpu.memory_space<semaphore_mem>>) src(%dma_wait3A_222 : memref<10112x32xf32, #tpu.memory_space<hbm>>) dst(%arg16 : memref<128x32xf32, #tpu.memory_space<vmem>>)
      %dma_wait3A_223 = arith.constant 0 : i32
      %dma_wait3A_224 = tpu.memref_slice %arg13[%add3A_213, %dma_wait3A_223] : memref<25x128xi32, #tpu.memory_space<vmem>> -> memref<1x128xi32, #tpu.memory_space<vmem>>
      %dma_wait3A_225 = tpu.memref_squeeze %dma_wait3A_224 : memref<1x128xi32, #tpu.memory_space<vmem>> -> memref<128xi32, #tpu.memory_space<vmem>>
      %dma_wait3A_226 = arith.constant 0 : i32
      %dma_wait3A_227 = arith.constant 0 : i32
      %dma_wait3A_228 = tpu.memref_slice %arg3[%dma_wait3A_226, %dma_wait3A_227] : memref<10112x32xf32, #tpu.memory_space<hbm>> -> memref<10112x32xf32, #tpu.memory_space<hbm>>
      tpu.wait_indirect_dma semaphore(%arg26 : memref<!tpu.dma_semaphore, #tpu.memory_space<semaphore_mem>>) src(%dma_wait3A_228 : memref<10112x32xf32, #tpu.memory_space<hbm>>) dst(%arg21 : memref<128x32xf32, #tpu.memory_space<vmem>>)
      "tpu.region"() ({
        %run_scoped3A = tpu.sem_alloc : memref<!tpu.dma_semaphore, #tpu.memory_space<semaphore_mem>>
        %dma_start3A_288 = arith.constant 0 : i32
        %dma_start3A_289 = tpu.memref_slice %arg8[%add3A_216, %dma_start3A_288] : memref<102400x32xf32, #tpu.memory_space<hbm>> -> memref<128x32xf32, #tpu.memory_space<hbm>>
        %dma_start3A_290 = arith.constant 0 : i32
        %dma_start3A_291 = tpu.memref_slice %arg8[%add3A_216, %dma_start3A_290] : memref<102400x32xf32, #tpu.memory_space<hbm>> -> memref<128x32xf32, #tpu.memory_space<hbm>>
        tpu.enqueue_dma source(%arg16 : memref<128x32xf32, #tpu.memory_space<vmem>>) target(%dma_start3A_291 : memref<128x32xf32, #tpu.memory_space<hbm>>) target_semaphore(%run_scoped3A : memref<!tpu.dma_semaphore, #tpu.memory_space<semaphore_mem>>)
        %dma_wait3A_292 = arith.constant 0 : i32
        %dma_wait3A_293 = tpu.memref_slice %arg8[%add3A_216, %dma_wait3A_292] : memref<102400x32xf32, #tpu.memory_space<hbm>> -> memref<128x32xf32, #tpu.memory_space<hbm>>
        %dma_wait3A_294 = arith.constant 0 : i32
        %dma_wait3A_295 = tpu.memref_slice %arg8[%add3A_216, %dma_wait3A_294] : memref<102400x32xf32, #tpu.memory_space<hbm>> -> memref<128x32xf32, #tpu.memory_space<hbm>>
        tpu.wait_dma2 semaphore(%run_scoped3A : memref<!tpu.dma_semaphore, #tpu.memory_space<semaphore_mem>>) src(%arg16 : memref<128x32xf32, #tpu.memory_space<vmem>>) dst(%dma_wait3A_295 : memref<128x32xf32, #tpu.memory_space<hbm>>)
        tpu.yield
      }) : () -> ()
      "tpu.region"() ({
        %run_scoped3A = tpu.sem_alloc : memref<!tpu.dma_semaphore, #tpu.memory_space<semaphore_mem>>
        %dma_start3A_288 = arith.constant 0 : i32
        %dma_start3A_289 = tpu.memref_slice %arg9[%add3A_216, %dma_start3A_288] : memref<102400x32xf32, #tpu.memory_space<hbm>> -> memref<128x32xf32, #tpu.memory_space<hbm>>
        %dma_start3A_290 = arith.constant 0 : i32
        %dma_start3A_291 = tpu.memref_slice %arg9[%add3A_216, %dma_start3A_290] : memref<102400x32xf32, #tpu.memory_space<hbm>> -> memref<128x32xf32, #tpu.memory_space<hbm>>
        tpu.enqueue_dma source(%arg21 : memref<128x32xf32, #tpu.memory_space<vmem>>) target(%dma_start3A_291 : memref<128x32xf32, #tpu.memory_space<hbm>>) target_semaphore(%run_scoped3A : memref<!tpu.dma_semaphore, #tpu.memory_space<semaphore_mem>>)
        %dma_wait3A_292 = arith.constant 0 : i32
        %dma_wait3A_293 = tpu.memref_slice %arg9[%add3A_216, %dma_wait3A_292] : memref<102400x32xf32, #tpu.memory_space<hbm>> -> memref<128x32xf32, #tpu.memory_space<hbm>>
        %dma_wait3A_294 = arith.constant 0 : i32
        %dma_wait3A_295 = tpu.memref_slice %arg9[%add3A_216, %dma_wait3A_294] : memref<102400x32xf32, #tpu.memory_space<hbm>> -> memref<128x32xf32, #tpu.memory_space<hbm>>
        tpu.wait_dma2 semaphore(%run_scoped3A : memref<!tpu.dma_semaphore, #tpu.memory_space<semaphore_mem>>) src(%arg21 : memref<128x32xf32, #tpu.memory_space<vmem>>) dst(%dma_wait3A_295 : memref<128x32xf32, #tpu.memory_space<hbm>>)
        tpu.yield
      }) : () -> ()
      %add3A_229 = arith.constant 5 : i32
      %add3A_230 = arith.addi %add3A_213, %add3A_229 : i32
      %lt3A_231 = arith.constant 25 : i32
      %lt3A_232 = arith.cmpi slt, %add3A_230, %lt3A_231 : i32
      %convert_element_type3A_233 = arith.extui %lt3A_232 : i1 to i32
      %cond3A_234 = arith.constant 0 : i32
      %cond3A_235 = arith.cmpi ne, %convert_element_type3A_233, %cond3A_234 : i32
      scf.if %cond3A_235 {
        %add3A_288 = arith.constant 5 : i32
        %add3A_289 = arith.addi %add3A_213, %add3A_288 : i32
        %dma_start3A_290 = arith.constant 0 : i32
        %dma_start3A_291 = tpu.memref_slice %arg12[%add3A_289, %dma_start3A_290] : memref<25x128xi32, #tpu.memory_space<vmem>> -> memref<1x128xi32, #tpu.memory_space<vmem>>
        %dma_start3A_292 = tpu.memref_squeeze %dma_start3A_291 : memref<1x128xi32, #tpu.memory_space<vmem>> -> memref<128xi32, #tpu.memory_space<vmem>>
        %dma_start3A_293 = arith.constant 0 : i32
        %dma_start3A_294 = arith.constant 0 : i32
        %dma_start3A_295 = tpu.memref_slice %arg2[%dma_start3A_293, %dma_start3A_294] : memref<10112x32xf32, #tpu.memory_space<hbm>> -> memref<10112x32xf32, #tpu.memory_space<hbm>>
        tpu.enqueue_indirect_dma source(%dma_start3A_295 : memref<10112x32xf32, #tpu.memory_space<hbm>>) target(%arg16 : memref<128x32xf32, #tpu.memory_space<vmem>>) offsets(%dma_start3A_292 : memref<128xi32, #tpu.memory_space<vmem>>) semaphore(%arg26 : memref<!tpu.dma_semaphore, #tpu.memory_space<semaphore_mem>>)
        %add3A_296 = arith.constant 5 : i32
        %add3A_297 = arith.addi %add3A_213, %add3A_296 : i32
        %dma_start3A_298 = arith.constant 0 : i32
        %dma_start3A_299 = tpu.memref_slice %arg13[%add3A_297, %dma_start3A_298] : memref<25x128xi32, #tpu.memory_space<vmem>> -> memref<1x128xi32, #tpu.memory_space<vmem>>
        %dma_start3A_300 = tpu.memref_squeeze %dma_start3A_299 : memref<1x128xi32, #tpu.memory_space<vmem>> -> memref<128xi32, #tpu.memory_space<vmem>>
        %dma_start3A_301 = arith.constant 0 : i32
        %dma_start3A_302 = arith.constant 0 : i32
        %dma_start3A_303 = tpu.memref_slice %arg3[%dma_start3A_301, %dma_start3A_302] : memref<10112x32xf32, #tpu.memory_space<hbm>> -> memref<10112x32xf32, #tpu.memory_space<hbm>>
        tpu.enqueue_indirect_dma source(%dma_start3A_303 : memref<10112x32xf32, #tpu.memory_space<hbm>>) target(%arg21 : memref<128x32xf32, #tpu.memory_space<vmem>>) offsets(%dma_start3A_300 : memref<128xi32, #tpu.memory_space<vmem>>) semaphore(%arg26 : memref<!tpu.dma_semaphore, #tpu.memory_space<semaphore_mem>>)
      } else {
      }
      %mul3A_236 = arith.constant 5 : i32
      %mul3A_237 = arith.muli %scan3A_161, %mul3A_236 : i32
      %add3A_238 = arith.constant 3 : i32
      %add3A_239 = arith.addi %mul3A_237, %add3A_238 : i32
      %mul3A_240 = arith.constant 128 : i32
      %mul3A_241 = arith.muli %add3A_239, %mul3A_240 : i32
      %add3A_242 = arith.addi %mul3A_2, %mul3A_241 : i32
      %dma_wait3A_243 = arith.constant 0 : i32
      %dma_wait3A_244 = tpu.memref_slice %arg12[%add3A_239, %dma_wait3A_243] : memref<25x128xi32, #tpu.memory_space<vmem>> -> memref<1x128xi32, #tpu.memory_space<vmem>>
      %dma_wait3A_245 = tpu.memref_squeeze %dma_wait3A_244 : memref<1x128xi32, #tpu.memory_space<vmem>> -> memref<128xi32, #tpu.memory_space<vmem>>
      %dma_wait3A_246 = arith.constant 0 : i32
      %dma_wait3A_247 = arith.constant 0 : i32
      %dma_wait3A_248 = tpu.memref_slice %arg2[%dma_wait3A_246, %dma_wait3A_247] : memref<10112x32xf32, #tpu.memory_space<hbm>> -> memref<10112x32xf32, #tpu.memory_space<hbm>>
      tpu.wait_indirect_dma semaphore(%arg27 : memref<!tpu.dma_semaphore, #tpu.memory_space<semaphore_mem>>) src(%dma_wait3A_248 : memref<10112x32xf32, #tpu.memory_space<hbm>>) dst(%arg17 : memref<128x32xf32, #tpu.memory_space<vmem>>)
      %dma_wait3A_249 = arith.constant 0 : i32
      %dma_wait3A_250 = tpu.memref_slice %arg13[%add3A_239, %dma_wait3A_249] : memref<25x128xi32, #tpu.memory_space<vmem>> -> memref<1x128xi32, #tpu.memory_space<vmem>>
      %dma_wait3A_251 = tpu.memref_squeeze %dma_wait3A_250 : memref<1x128xi32, #tpu.memory_space<vmem>> -> memref<128xi32, #tpu.memory_space<vmem>>
      %dma_wait3A_252 = arith.constant 0 : i32
      %dma_wait3A_253 = arith.constant 0 : i32
      %dma_wait3A_254 = tpu.memref_slice %arg3[%dma_wait3A_252, %dma_wait3A_253] : memref<10112x32xf32, #tpu.memory_space<hbm>> -> memref<10112x32xf32, #tpu.memory_space<hbm>>
      tpu.wait_indirect_dma semaphore(%arg27 : memref<!tpu.dma_semaphore, #tpu.memory_space<semaphore_mem>>) src(%dma_wait3A_254 : memref<10112x32xf32, #tpu.memory_space<hbm>>) dst(%arg22 : memref<128x32xf32, #tpu.memory_space<vmem>>)
      "tpu.region"() ({
        %run_scoped3A = tpu.sem_alloc : memref<!tpu.dma_semaphore, #tpu.memory_space<semaphore_mem>>
        %dma_start3A_288 = arith.constant 0 : i32
        %dma_start3A_289 = tpu.memref_slice %arg8[%add3A_242, %dma_start3A_288] : memref<102400x32xf32, #tpu.memory_space<hbm>> -> memref<128x32xf32, #tpu.memory_space<hbm>>
        %dma_start3A_290 = arith.constant 0 : i32
        %dma_start3A_291 = tpu.memref_slice %arg8[%add3A_242, %dma_start3A_290] : memref<102400x32xf32, #tpu.memory_space<hbm>> -> memref<128x32xf32, #tpu.memory_space<hbm>>
        tpu.enqueue_dma source(%arg17 : memref<128x32xf32, #tpu.memory_space<vmem>>) target(%dma_start3A_291 : memref<128x32xf32, #tpu.memory_space<hbm>>) target_semaphore(%run_scoped3A : memref<!tpu.dma_semaphore, #tpu.memory_space<semaphore_mem>>)
        %dma_wait3A_292 = arith.constant 0 : i32
        %dma_wait3A_293 = tpu.memref_slice %arg8[%add3A_242, %dma_wait3A_292] : memref<102400x32xf32, #tpu.memory_space<hbm>> -> memref<128x32xf32, #tpu.memory_space<hbm>>
        %dma_wait3A_294 = arith.constant 0 : i32
        %dma_wait3A_295 = tpu.memref_slice %arg8[%add3A_242, %dma_wait3A_294] : memref<102400x32xf32, #tpu.memory_space<hbm>> -> memref<128x32xf32, #tpu.memory_space<hbm>>
        tpu.wait_dma2 semaphore(%run_scoped3A : memref<!tpu.dma_semaphore, #tpu.memory_space<semaphore_mem>>) src(%arg17 : memref<128x32xf32, #tpu.memory_space<vmem>>) dst(%dma_wait3A_295 : memref<128x32xf32, #tpu.memory_space<hbm>>)
        tpu.yield
      }) : () -> ()
      "tpu.region"() ({
        %run_scoped3A = tpu.sem_alloc : memref<!tpu.dma_semaphore, #tpu.memory_space<semaphore_mem>>
        %dma_start3A_288 = arith.constant 0 : i32
        %dma_start3A_289 = tpu.memref_slice %arg9[%add3A_242, %dma_start3A_288] : memref<102400x32xf32, #tpu.memory_space<hbm>> -> memref<128x32xf32, #tpu.memory_space<hbm>>
        %dma_start3A_290 = arith.constant 0 : i32
        %dma_start3A_291 = tpu.memref_slice %arg9[%add3A_242, %dma_start3A_290] : memref<102400x32xf32, #tpu.memory_space<hbm>> -> memref<128x32xf32, #tpu.memory_space<hbm>>
        tpu.enqueue_dma source(%arg22 : memref<128x32xf32, #tpu.memory_space<vmem>>) target(%dma_start3A_291 : memref<128x32xf32, #tpu.memory_space<hbm>>) target_semaphore(%run_scoped3A : memref<!tpu.dma_semaphore, #tpu.memory_space<semaphore_mem>>)
        %dma_wait3A_292 = arith.constant 0 : i32
        %dma_wait3A_293 = tpu.memref_slice %arg9[%add3A_242, %dma_wait3A_292] : memref<102400x32xf32, #tpu.memory_space<hbm>> -> memref<128x32xf32, #tpu.memory_space<hbm>>
        %dma_wait3A_294 = arith.constant 0 : i32
        %dma_wait3A_295 = tpu.memref_slice %arg9[%add3A_242, %dma_wait3A_294] : memref<102400x32xf32, #tpu.memory_space<hbm>> -> memref<128x32xf32, #tpu.memory_space<hbm>>
        tpu.wait_dma2 semaphore(%run_scoped3A : memref<!tpu.dma_semaphore, #tpu.memory_space<semaphore_mem>>) src(%arg22 : memref<128x32xf32, #tpu.memory_space<vmem>>) dst(%dma_wait3A_295 : memref<128x32xf32, #tpu.memory_space<hbm>>)
        tpu.yield
      }) : () -> ()
      %add3A_255 = arith.constant 5 : i32
      %add3A_256 = arith.addi %add3A_239, %add3A_255 : i32
      %lt3A_257 = arith.constant 25 : i32
      %lt3A_258 = arith.cmpi slt, %add3A_256, %lt3A_257 : i32
      %convert_element_type3A_259 = arith.extui %lt3A_258 : i1 to i32
      %cond3A_260 = arith.constant 0 : i32
      %cond3A_261 = arith.cmpi ne, %convert_element_type3A_259, %cond3A_260 : i32
      scf.if %cond3A_261 {
        %add3A_288 = arith.constant 5 : i32
        %add3A_289 = arith.addi %add3A_239, %add3A_288 : i32
        %dma_start3A_290 = arith.constant 0 : i32
        %dma_start3A_291 = tpu.memref_slice %arg12[%add3A_289, %dma_start3A_290] : memref<25x128xi32, #tpu.memory_space<vmem>> -> memref<1x128xi32, #tpu.memory_space<vmem>>
        %dma_start3A_292 = tpu.memref_squeeze %dma_start3A_291 : memref<1x128xi32, #tpu.memory_space<vmem>> -> memref<128xi32, #tpu.memory_space<vmem>>
        %dma_start3A_293 = arith.constant 0 : i32
        %dma_start3A_294 = arith.constant 0 : i32
        %dma_start3A_295 = tpu.memref_slice %arg2[%dma_start3A_293, %dma_start3A_294] : memref<10112x32xf32, #tpu.memory_space<hbm>> -> memref<10112x32xf32, #tpu.memory_space<hbm>>
        tpu.enqueue_indirect_dma source(%dma_start3A_295 : memref<10112x32xf32, #tpu.memory_space<hbm>>) target(%arg17 : memref<128x32xf32, #tpu.memory_space<vmem>>) offsets(%dma_start3A_292 : memref<128xi32, #tpu.memory_space<vmem>>) semaphore(%arg27 : memref<!tpu.dma_semaphore, #tpu.memory_space<semaphore_mem>>)
        %add3A_296 = arith.constant 5 : i32
        %add3A_297 = arith.addi %add3A_239, %add3A_296 : i32
        %dma_start3A_298 = arith.constant 0 : i32
        %dma_start3A_299 = tpu.memref_slice %arg13[%add3A_297, %dma_start3A_298] : memref<25x128xi32, #tpu.memory_space<vmem>> -> memref<1x128xi32, #tpu.memory_space<vmem>>
        %dma_start3A_300 = tpu.memref_squeeze %dma_start3A_299 : memref<1x128xi32, #tpu.memory_space<vmem>> -> memref<128xi32, #tpu.memory_space<vmem>>
        %dma_start3A_301 = arith.constant 0 : i32
        %dma_start3A_302 = arith.constant 0 : i32
        %dma_start3A_303 = tpu.memref_slice %arg3[%dma_start3A_301, %dma_start3A_302] : memref<10112x32xf32, #tpu.memory_space<hbm>> -> memref<10112x32xf32, #tpu.memory_space<hbm>>
        tpu.enqueue_indirect_dma source(%dma_start3A_303 : memref<10112x32xf32, #tpu.memory_space<hbm>>) target(%arg22 : memref<128x32xf32, #tpu.memory_space<vmem>>) offsets(%dma_start3A_300 : memref<128xi32, #tpu.memory_space<vmem>>) semaphore(%arg27 : memref<!tpu.dma_semaphore, #tpu.memory_space<semaphore_mem>>)
      } else {
      }
      %mul3A_262 = arith.constant 5 : i32
      %mul3A_263 = arith.muli %scan3A_161, %mul3A_262 : i32
      %add3A_264 = arith.constant 4 : i32
      %add3A_265 = arith.addi %mul3A_263, %add3A_264 : i32
      %mul3A_266 = arith.constant 128 : i32
      %mul3A_267 = arith.muli %add3A_265, %mul3A_266 : i32
      %add3A_268 = arith.addi %mul3A_2, %mul3A_267 : i32
      %dma_wait3A_269 = arith.constant 0 : i32
      %dma_wait3A_270 = tpu.memref_slice %arg12[%add3A_265, %dma_wait3A_269] : memref<25x128xi32, #tpu.memory_space<vmem>> -> memref<1x128xi32, #tpu.memory_space<vmem>>
      %dma_wait3A_271 = tpu.memref_squeeze %dma_wait3A_270 : memref<1x128xi32, #tpu.memory_space<vmem>> -> memref<128xi32, #tpu.memory_space<vmem>>
      %dma_wait3A_272 = arith.constant 0 : i32
      %dma_wait3A_273 = arith.constant 0 : i32
      %dma_wait3A_274 = tpu.memref_slice %arg2[%dma_wait3A_272, %dma_wait3A_273] : memref<10112x32xf32, #tpu.memory_space<hbm>> -> memref<10112x32xf32, #tpu.memory_space<hbm>>
      tpu.wait_indirect_dma semaphore(%arg28 : memref<!tpu.dma_semaphore, #tpu.memory_space<semaphore_mem>>) src(%dma_wait3A_274 : memref<10112x32xf32, #tpu.memory_space<hbm>>) dst(%arg18 : memref<128x32xf32, #tpu.memory_space<vmem>>)
      %dma_wait3A_275 = arith.constant 0 : i32
      %dma_wait3A_276 = tpu.memref_slice %arg13[%add3A_265, %dma_wait3A_275] : memref<25x128xi32, #tpu.memory_space<vmem>> -> memref<1x128xi32, #tpu.memory_space<vmem>>
      %dma_wait3A_277 = tpu.memref_squeeze %dma_wait3A_276 : memref<1x128xi32, #tpu.memory_space<vmem>> -> memref<128xi32, #tpu.memory_space<vmem>>
      %dma_wait3A_278 = arith.constant 0 : i32
      %dma_wait3A_279 = arith.constant 0 : i32
      %dma_wait3A_280 = tpu.memref_slice %arg3[%dma_wait3A_278, %dma_wait3A_279] : memref<10112x32xf32, #tpu.memory_space<hbm>> -> memref<10112x32xf32, #tpu.memory_space<hbm>>
      tpu.wait_indirect_dma semaphore(%arg28 : memref<!tpu.dma_semaphore, #tpu.memory_space<semaphore_mem>>) src(%dma_wait3A_280 : memref<10112x32xf32, #tpu.memory_space<hbm>>) dst(%arg23 : memref<128x32xf32, #tpu.memory_space<vmem>>)
      "tpu.region"() ({
        %run_scoped3A = tpu.sem_alloc : memref<!tpu.dma_semaphore, #tpu.memory_space<semaphore_mem>>
        %dma_start3A_288 = arith.constant 0 : i32
        %dma_start3A_289 = tpu.memref_slice %arg8[%add3A_268, %dma_start3A_288] : memref<102400x32xf32, #tpu.memory_space<hbm>> -> memref<128x32xf32, #tpu.memory_space<hbm>>
        %dma_start3A_290 = arith.constant 0 : i32
        %dma_start3A_291 = tpu.memref_slice %arg8[%add3A_268, %dma_start3A_290] : memref<102400x32xf32, #tpu.memory_space<hbm>> -> memref<128x32xf32, #tpu.memory_space<hbm>>
        tpu.enqueue_dma source(%arg18 : memref<128x32xf32, #tpu.memory_space<vmem>>) target(%dma_start3A_291 : memref<128x32xf32, #tpu.memory_space<hbm>>) target_semaphore(%run_scoped3A : memref<!tpu.dma_semaphore, #tpu.memory_space<semaphore_mem>>)
        %dma_wait3A_292 = arith.constant 0 : i32
        %dma_wait3A_293 = tpu.memref_slice %arg8[%add3A_268, %dma_wait3A_292] : memref<102400x32xf32, #tpu.memory_space<hbm>> -> memref<128x32xf32, #tpu.memory_space<hbm>>
        %dma_wait3A_294 = arith.constant 0 : i32
        %dma_wait3A_295 = tpu.memref_slice %arg8[%add3A_268, %dma_wait3A_294] : memref<102400x32xf32, #tpu.memory_space<hbm>> -> memref<128x32xf32, #tpu.memory_space<hbm>>
        tpu.wait_dma2 semaphore(%run_scoped3A : memref<!tpu.dma_semaphore, #tpu.memory_space<semaphore_mem>>) src(%arg18 : memref<128x32xf32, #tpu.memory_space<vmem>>) dst(%dma_wait3A_295 : memref<128x32xf32, #tpu.memory_space<hbm>>)
        tpu.yield
      }) : () -> ()
      "tpu.region"() ({
        %run_scoped3A = tpu.sem_alloc : memref<!tpu.dma_semaphore, #tpu.memory_space<semaphore_mem>>
        %dma_start3A_288 = arith.constant 0 : i32
        %dma_start3A_289 = tpu.memref_slice %arg9[%add3A_268, %dma_start3A_288] : memref<102400x32xf32, #tpu.memory_space<hbm>> -> memref<128x32xf32, #tpu.memory_space<hbm>>
        %dma_start3A_290 = arith.constant 0 : i32
        %dma_start3A_291 = tpu.memref_slice %arg9[%add3A_268, %dma_start3A_290] : memref<102400x32xf32, #tpu.memory_space<hbm>> -> memref<128x32xf32, #tpu.memory_space<hbm>>
        tpu.enqueue_dma source(%arg23 : memref<128x32xf32, #tpu.memory_space<vmem>>) target(%dma_start3A_291 : memref<128x32xf32, #tpu.memory_space<hbm>>) target_semaphore(%run_scoped3A : memref<!tpu.dma_semaphore, #tpu.memory_space<semaphore_mem>>)
        %dma_wait3A_292 = arith.constant 0 : i32
        %dma_wait3A_293 = tpu.memref_slice %arg9[%add3A_268, %dma_wait3A_292] : memref<102400x32xf32, #tpu.memory_space<hbm>> -> memref<128x32xf32, #tpu.memory_space<hbm>>
        %dma_wait3A_294 = arith.constant 0 : i32
        %dma_wait3A_295 = tpu.memref_slice %arg9[%add3A_268, %dma_wait3A_294] : memref<102400x32xf32, #tpu.memory_space<hbm>> -> memref<128x32xf32, #tpu.memory_space<hbm>>
        tpu.wait_dma2 semaphore(%run_scoped3A : memref<!tpu.dma_semaphore, #tpu.memory_space<semaphore_mem>>) src(%arg23 : memref<128x32xf32, #tpu.memory_space<vmem>>) dst(%dma_wait3A_295 : memref<128x32xf32, #tpu.memory_space<hbm>>)
        tpu.yield
      }) : () -> ()
      %add3A_281 = arith.constant 5 : i32
      %add3A_282 = arith.addi %add3A_265, %add3A_281 : i32
      %lt3A_283 = arith.constant 25 : i32
      %lt3A_284 = arith.cmpi slt, %add3A_282, %lt3A_283 : i32
      %convert_element_type3A_285 = arith.extui %lt3A_284 : i1 to i32
      %cond3A_286 = arith.constant 0 : i32
      %cond3A_287 = arith.cmpi ne, %convert_element_type3A_285, %cond3A_286 : i32
      scf.if %cond3A_287 {
        %add3A_288 = arith.constant 5 : i32
        %add3A_289 = arith.addi %add3A_265, %add3A_288 : i32
        %dma_start3A_290 = arith.constant 0 : i32
        %dma_start3A_291 = tpu.memref_slice %arg12[%add3A_289, %dma_start3A_290] : memref<25x128xi32, #tpu.memory_space<vmem>> -> memref<1x128xi32, #tpu.memory_space<vmem>>
        %dma_start3A_292 = tpu.memref_squeeze %dma_start3A_291 : memref<1x128xi32, #tpu.memory_space<vmem>> -> memref<128xi32, #tpu.memory_space<vmem>>
        %dma_start3A_293 = arith.constant 0 : i32
        %dma_start3A_294 = arith.constant 0 : i32
        %dma_start3A_295 = tpu.memref_slice %arg2[%dma_start3A_293, %dma_start3A_294] : memref<10112x32xf32, #tpu.memory_space<hbm>> -> memref<10112x32xf32, #tpu.memory_space<hbm>>
        tpu.enqueue_indirect_dma source(%dma_start3A_295 : memref<10112x32xf32, #tpu.memory_space<hbm>>) target(%arg18 : memref<128x32xf32, #tpu.memory_space<vmem>>) offsets(%dma_start3A_292 : memref<128xi32, #tpu.memory_space<vmem>>) semaphore(%arg28 : memref<!tpu.dma_semaphore, #tpu.memory_space<semaphore_mem>>)
        %add3A_296 = arith.constant 5 : i32
        %add3A_297 = arith.addi %add3A_265, %add3A_296 : i32
        %dma_start3A_298 = arith.constant 0 : i32
        %dma_start3A_299 = tpu.memref_slice %arg13[%add3A_297, %dma_start3A_298] : memref<25x128xi32, #tpu.memory_space<vmem>> -> memref<1x128xi32, #tpu.memory_space<vmem>>
        %dma_start3A_300 = tpu.memref_squeeze %dma_start3A_299 : memref<1x128xi32, #tpu.memory_space<vmem>> -> memref<128xi32, #tpu.memory_space<vmem>>
        %dma_start3A_301 = arith.constant 0 : i32
        %dma_start3A_302 = arith.constant 0 : i32
        %dma_start3A_303 = tpu.memref_slice %arg3[%dma_start3A_301, %dma_start3A_302] : memref<10112x32xf32, #tpu.memory_space<hbm>> -> memref<10112x32xf32, #tpu.memory_space<hbm>>
        tpu.enqueue_indirect_dma source(%dma_start3A_303 : memref<10112x32xf32, #tpu.memory_space<hbm>>) target(%arg23 : memref<128x32xf32, #tpu.memory_space<vmem>>) offsets(%dma_start3A_300 : memref<128xi32, #tpu.memory_space<vmem>>) semaphore(%arg28 : memref<!tpu.dma_semaphore, #tpu.memory_space<semaphore_mem>>)
      } else {
      }
    }
    %scan3A_80 = arith.constant 5 : i32
    %mul3A_81 = arith.constant 25 : i32
    %mul3A_82 = arith.muli %add3A, %mul3A_81 : i32
    "tpu.region"() ({
      %run_scoped3A = tpu.sem_alloc : memref<!tpu.dma_semaphore, #tpu.memory_space<semaphore_mem>>
      %dma_start3A_161 = arith.constant 0 : i32
      %dma_start3A_162 = tpu.memref_slice %arg6[%mul3A_82, %dma_start3A_161] : memref<800x128xi32, #tpu.memory_space<hbm>> -> memref<25x128xi32, #tpu.memory_space<hbm>>
      %dma_start3A_163 = arith.constant 0 : i32
      %dma_start3A_164 = tpu.memref_slice %arg6[%mul3A_82, %dma_start3A_163] : memref<800x128xi32, #tpu.memory_space<hbm>> -> memref<25x128xi32, #tpu.memory_space<hbm>>
      tpu.enqueue_dma source(%dma_start3A_164 : memref<25x128xi32, #tpu.memory_space<hbm>>) target(%arg12 : memref<25x128xi32, #tpu.memory_space<vmem>>) target_semaphore(%run_scoped3A : memref<!tpu.dma_semaphore, #tpu.memory_space<semaphore_mem>>)
      %dma_wait3A = arith.constant 0 : i32
      %dma_wait3A_165 = tpu.memref_slice %arg6[%mul3A_82, %dma_wait3A] : memref<800x128xi32, #tpu.memory_space<hbm>> -> memref<25x128xi32, #tpu.memory_space<hbm>>
      %dma_wait3A_166 = arith.constant 0 : i32
      %dma_wait3A_167 = tpu.memref_slice %arg6[%mul3A_82, %dma_wait3A_166] : memref<800x128xi32, #tpu.memory_space<hbm>> -> memref<25x128xi32, #tpu.memory_space<hbm>>
      tpu.wait_dma2 semaphore(%run_scoped3A : memref<!tpu.dma_semaphore, #tpu.memory_space<semaphore_mem>>) src(%dma_wait3A_167 : memref<25x128xi32, #tpu.memory_space<hbm>>) dst(%arg12 : memref<25x128xi32, #tpu.memory_space<vmem>>)
      tpu.yield
    }) : () -> ()
    %mul3A_83 = arith.constant 25 : i32
    %mul3A_84 = arith.muli %add3A, %mul3A_83 : i32
    "tpu.region"() ({
      %run_scoped3A = tpu.sem_alloc : memref<!tpu.dma_semaphore, #tpu.memory_space<semaphore_mem>>
      %dma_start3A_161 = arith.constant 0 : i32
      %dma_start3A_162 = tpu.memref_slice %arg7[%mul3A_84, %dma_start3A_161] : memref<800x128xi32, #tpu.memory_space<hbm>> -> memref<25x128xi32, #tpu.memory_space<hbm>>
      %dma_start3A_163 = arith.constant 0 : i32
      %dma_start3A_164 = tpu.memref_slice %arg7[%mul3A_84, %dma_start3A_163] : memref<800x128xi32, #tpu.memory_space<hbm>> -> memref<25x128xi32, #tpu.memory_space<hbm>>
      tpu.enqueue_dma source(%dma_start3A_164 : memref<25x128xi32, #tpu.memory_space<hbm>>) target(%arg13 : memref<25x128xi32, #tpu.memory_space<vmem>>) target_semaphore(%run_scoped3A : memref<!tpu.dma_semaphore, #tpu.memory_space<semaphore_mem>>)
      %dma_wait3A = arith.constant 0 : i32
      %dma_wait3A_165 = tpu.memref_slice %arg7[%mul3A_84, %dma_wait3A] : memref<800x128xi32, #tpu.memory_space<hbm>> -> memref<25x128xi32, #tpu.memory_space<hbm>>
      %dma_wait3A_166 = arith.constant 0 : i32
      %dma_wait3A_167 = tpu.memref_slice %arg7[%mul3A_84, %dma_wait3A_166] : memref<800x128xi32, #tpu.memory_space<hbm>> -> memref<25x128xi32, #tpu.memory_space<hbm>>
      tpu.wait_dma2 semaphore(%run_scoped3A : memref<!tpu.dma_semaphore, #tpu.memory_space<semaphore_mem>>) src(%dma_wait3A_167 : memref<25x128xi32, #tpu.memory_space<hbm>>) dst(%arg13 : memref<25x128xi32, #tpu.memory_space<vmem>>)
      tpu.yield
    }) : () -> ()
    %dma_start3A_85 = arith.constant 0 : i32
    %dma_start3A_86 = arith.constant 0 : i32
    %dma_start3A_87 = tpu.memref_slice %arg12[%dma_start3A_85, %dma_start3A_86] : memref<25x128xi32, #tpu.memory_space<vmem>> -> memref<1x128xi32, #tpu.memory_space<vmem>>
    %dma_start3A_88 = tpu.memref_squeeze %dma_start3A_87 : memref<1x128xi32, #tpu.memory_space<vmem>> -> memref<128xi32, #tpu.memory_space<vmem>>
    %dma_start3A_89 = arith.constant 0 : i32
    %dma_start3A_90 = arith.constant 0 : i32
    %dma_start3A_91 = tpu.memref_slice %arg3[%dma_start3A_89, %dma_start3A_90] : memref<10112x32xf32, #tpu.memory_space<hbm>> -> memref<10112x32xf32, #tpu.memory_space<hbm>>
    tpu.enqueue_indirect_dma source(%dma_start3A_91 : memref<10112x32xf32, #tpu.memory_space<hbm>>) target(%arg14 : memref<128x32xf32, #tpu.memory_space<vmem>>) offsets(%dma_start3A_88 : memref<128xi32, #tpu.memory_space<vmem>>) semaphore(%arg24 : memref<!tpu.dma_semaphore, #tpu.memory_space<semaphore_mem>>)
    %dma_start3A_92 = arith.constant 0 : i32
    %dma_start3A_93 = arith.constant 0 : i32
    %dma_start3A_94 = tpu.memref_slice %arg13[%dma_start3A_92, %dma_start3A_93] : memref<25x128xi32, #tpu.memory_space<vmem>> -> memref<1x128xi32, #tpu.memory_space<vmem>>
    %dma_start3A_95 = tpu.memref_squeeze %dma_start3A_94 : memref<1x128xi32, #tpu.memory_space<vmem>> -> memref<128xi32, #tpu.memory_space<vmem>>
    %dma_start3A_96 = arith.constant 0 : i32
    %dma_start3A_97 = arith.constant 0 : i32
    %dma_start3A_98 = tpu.memref_slice %arg2[%dma_start3A_96, %dma_start3A_97] : memref<10112x32xf32, #tpu.memory_space<hbm>> -> memref<10112x32xf32, #tpu.memory_space<hbm>>
    tpu.enqueue_indirect_dma source(%dma_start3A_98 : memref<10112x32xf32, #tpu.memory_space<hbm>>) target(%arg19 : memref<128x32xf32, #tpu.memory_space<vmem>>) offsets(%dma_start3A_95 : memref<128xi32, #tpu.memory_space<vmem>>) semaphore(%arg24 : memref<!tpu.dma_semaphore, #tpu.memory_space<semaphore_mem>>)
    %dma_start3A_99 = arith.constant 1 : i32
    %dma_start3A_100 = arith.constant 0 : i32
    %dma_start3A_101 = tpu.memref_slice %arg12[%dma_start3A_99, %dma_start3A_100] : memref<25x128xi32, #tpu.memory_space<vmem>> -> memref<1x128xi32, #tpu.memory_space<vmem>>
    %dma_start3A_102 = tpu.memref_squeeze %dma_start3A_101 : memref<1x128xi32, #tpu.memory_space<vmem>> -> memref<128xi32, #tpu.memory_space<vmem>>
    %dma_start3A_103 = arith.constant 0 : i32
    %dma_start3A_104 = arith.constant 0 : i32
    %dma_start3A_105 = tpu.memref_slice %arg3[%dma_start3A_103, %dma_start3A_104] : memref<10112x32xf32, #tpu.memory_space<hbm>> -> memref<10112x32xf32, #tpu.memory_space<hbm>>
    tpu.enqueue_indirect_dma source(%dma_start3A_105 : memref<10112x32xf32, #tpu.memory_space<hbm>>) target(%arg15 : memref<128x32xf32, #tpu.memory_space<vmem>>) offsets(%dma_start3A_102 : memref<128xi32, #tpu.memory_space<vmem>>) semaphore(%arg25 : memref<!tpu.dma_semaphore, #tpu.memory_space<semaphore_mem>>)
    %dma_start3A_106 = arith.constant 1 : i32
    %dma_start3A_107 = arith.constant 0 : i32
    %dma_start3A_108 = tpu.memref_slice %arg13[%dma_start3A_106, %dma_start3A_107] : memref<25x128xi32, #tpu.memory_space<vmem>> -> memref<1x128xi32, #tpu.memory_space<vmem>>
    %dma_start3A_109 = tpu.memref_squeeze %dma_start3A_108 : memref<1x128xi32, #tpu.memory_space<vmem>> -> memref<128xi32, #tpu.memory_space<vmem>>
    %dma_start3A_110 = arith.constant 0 : i32
    %dma_start3A_111 = arith.constant 0 : i32
    %dma_start3A_112 = tpu.memref_slice %arg2[%dma_start3A_110, %dma_start3A_111] : memref<10112x32xf32, #tpu.memory_space<hbm>> -> memref<10112x32xf32, #tpu.memory_space<hbm>>
    tpu.enqueue_indirect_dma source(%dma_start3A_112 : memref<10112x32xf32, #tpu.memory_space<hbm>>) target(%arg20 : memref<128x32xf32, #tpu.memory_space<vmem>>) offsets(%dma_start3A_109 : memref<128xi32, #tpu.memory_space<vmem>>) semaphore(%arg25 : memref<!tpu.dma_semaphore, #tpu.memory_space<semaphore_mem>>)
    %dma_start3A_113 = arith.constant 2 : i32
    %dma_start3A_114 = arith.constant 0 : i32
    %dma_start3A_115 = tpu.memref_slice %arg12[%dma_start3A_113, %dma_start3A_114] : memref<25x128xi32, #tpu.memory_space<vmem>> -> memref<1x128xi32, #tpu.memory_space<vmem>>
    %dma_start3A_116 = tpu.memref_squeeze %dma_start3A_115 : memref<1x128xi32, #tpu.memory_space<vmem>> -> memref<128xi32, #tpu.memory_space<vmem>>
    %dma_start3A_117 = arith.constant 0 : i32
    %dma_start3A_118 = arith.constant 0 : i32
    %dma_start3A_119 = tpu.memref_slice %arg3[%dma_start3A_117, %dma_start3A_118] : memref<10112x32xf32, #tpu.memory_space<hbm>> -> memref<10112x32xf32, #tpu.memory_space<hbm>>
    tpu.enqueue_indirect_dma source(%dma_start3A_119 : memref<10112x32xf32, #tpu.memory_space<hbm>>) target(%arg16 : memref<128x32xf32, #tpu.memory_space<vmem>>) offsets(%dma_start3A_116 : memref<128xi32, #tpu.memory_space<vmem>>) semaphore(%arg26 : memref<!tpu.dma_semaphore, #tpu.memory_space<semaphore_mem>>)
    %dma_start3A_120 = arith.constant 2 : i32
    %dma_start3A_121 = arith.constant 0 : i32
    %dma_start3A_122 = tpu.memref_slice %arg13[%dma_start3A_120, %dma_start3A_121] : memref<25x128xi32, #tpu.memory_space<vmem>> -> memref<1x128xi32, #tpu.memory_space<vmem>>
    %dma_start3A_123 = tpu.memref_squeeze %dma_start3A_122 : memref<1x128xi32, #tpu.memory_space<vmem>> -> memref<128xi32, #tpu.memory_space<vmem>>
    %dma_start3A_124 = arith.constant 0 : i32
    %dma_start3A_125 = arith.constant 0 : i32
    %dma_start3A_126 = tpu.memref_slice %arg2[%dma_start3A_124, %dma_start3A_125] : memref<10112x32xf32, #tpu.memory_space<hbm>> -> memref<10112x32xf32, #tpu.memory_space<hbm>>
    tpu.enqueue_indirect_dma source(%dma_start3A_126 : memref<10112x32xf32, #tpu.memory_space<hbm>>) target(%arg21 : memref<128x32xf32, #tpu.memory_space<vmem>>) offsets(%dma_start3A_123 : memref<128xi32, #tpu.memory_space<vmem>>) semaphore(%arg26 : memref<!tpu.dma_semaphore, #tpu.memory_space<semaphore_mem>>)
    %dma_start3A_127 = arith.constant 3 : i32
    %dma_start3A_128 = arith.constant 0 : i32
    %dma_start3A_129 = tpu.memref_slice %arg12[%dma_start3A_127, %dma_start3A_128] : memref<25x128xi32, #tpu.memory_space<vmem>> -> memref<1x128xi32, #tpu.memory_space<vmem>>
    %dma_start3A_130 = tpu.memref_squeeze %dma_start3A_129 : memref<1x128xi32, #tpu.memory_space<vmem>> -> memref<128xi32, #tpu.memory_space<vmem>>
    %dma_start3A_131 = arith.constant 0 : i32
    %dma_start3A_132 = arith.constant 0 : i32
    %dma_start3A_133 = tpu.memref_slice %arg3[%dma_start3A_131, %dma_start3A_132] : memref<10112x32xf32, #tpu.memory_space<hbm>> -> memref<10112x32xf32, #tpu.memory_space<hbm>>
    tpu.enqueue_indirect_dma source(%dma_start3A_133 : memref<10112x32xf32, #tpu.memory_space<hbm>>) target(%arg17 : memref<128x32xf32, #tpu.memory_space<vmem>>) offsets(%dma_start3A_130 : memref<128xi32, #tpu.memory_space<vmem>>) semaphore(%arg27 : memref<!tpu.dma_semaphore, #tpu.memory_space<semaphore_mem>>)
    %dma_start3A_134 = arith.constant 3 : i32
    %dma_start3A_135 = arith.constant 0 : i32
    %dma_start3A_136 = tpu.memref_slice %arg13[%dma_start3A_134, %dma_start3A_135] : memref<25x128xi32, #tpu.memory_space<vmem>> -> memref<1x128xi32, #tpu.memory_space<vmem>>
    %dma_start3A_137 = tpu.memref_squeeze %dma_start3A_136 : memref<1x128xi32, #tpu.memory_space<vmem>> -> memref<128xi32, #tpu.memory_space<vmem>>
    %dma_start3A_138 = arith.constant 0 : i32
    %dma_start3A_139 = arith.constant 0 : i32
    %dma_start3A_140 = tpu.memref_slice %arg2[%dma_start3A_138, %dma_start3A_139] : memref<10112x32xf32, #tpu.memory_space<hbm>> -> memref<10112x32xf32, #tpu.memory_space<hbm>>
    tpu.enqueue_indirect_dma source(%dma_start3A_140 : memref<10112x32xf32, #tpu.memory_space<hbm>>) target(%arg22 : memref<128x32xf32, #tpu.memory_space<vmem>>) offsets(%dma_start3A_137 : memref<128xi32, #tpu.memory_space<vmem>>) semaphore(%arg27 : memref<!tpu.dma_semaphore, #tpu.memory_space<semaphore_mem>>)
    %dma_start3A_141 = arith.constant 4 : i32
    %dma_start3A_142 = arith.constant 0 : i32
    %dma_start3A_143 = tpu.memref_slice %arg12[%dma_start3A_141, %dma_start3A_142] : memref<25x128xi32, #tpu.memory_space<vmem>> -> memref<1x128xi32, #tpu.memory_space<vmem>>
    %dma_start3A_144 = tpu.memref_squeeze %dma_start3A_143 : memref<1x128xi32, #tpu.memory_space<vmem>> -> memref<128xi32, #tpu.memory_space<vmem>>
    %dma_start3A_145 = arith.constant 0 : i32
    %dma_start3A_146 = arith.constant 0 : i32
    %dma_start3A_147 = tpu.memref_slice %arg3[%dma_start3A_145, %dma_start3A_146] : memref<10112x32xf32, #tpu.memory_space<hbm>> -> memref<10112x32xf32, #tpu.memory_space<hbm>>
    tpu.enqueue_indirect_dma source(%dma_start3A_147 : memref<10112x32xf32, #tpu.memory_space<hbm>>) target(%arg18 : memref<128x32xf32, #tpu.memory_space<vmem>>) offsets(%dma_start3A_144 : memref<128xi32, #tpu.memory_space<vmem>>) semaphore(%arg28 : memref<!tpu.dma_semaphore, #tpu.memory_space<semaphore_mem>>)
    %dma_start3A_148 = arith.constant 4 : i32
    %dma_start3A_149 = arith.constant 0 : i32
    %dma_start3A_150 = tpu.memref_slice %arg13[%dma_start3A_148, %dma_start3A_149] : memref<25x128xi32, #tpu.memory_space<vmem>> -> memref<1x128xi32, #tpu.memory_space<vmem>>
    %dma_start3A_151 = tpu.memref_squeeze %dma_start3A_150 : memref<1x128xi32, #tpu.memory_space<vmem>> -> memref<128xi32, #tpu.memory_space<vmem>>
    %dma_start3A_152 = arith.constant 0 : i32
    %dma_start3A_153 = arith.constant 0 : i32
    %dma_start3A_154 = tpu.memref_slice %arg2[%dma_start3A_152, %dma_start3A_153] : memref<10112x32xf32, #tpu.memory_space<hbm>> -> memref<10112x32xf32, #tpu.memory_space<hbm>>
    tpu.enqueue_indirect_dma source(%dma_start3A_154 : memref<10112x32xf32, #tpu.memory_space<hbm>>) target(%arg23 : memref<128x32xf32, #tpu.memory_space<vmem>>) offsets(%dma_start3A_151 : memref<128xi32, #tpu.memory_space<vmem>>) semaphore(%arg28 : memref<!tpu.dma_semaphore, #tpu.memory_space<semaphore_mem>>)
    %scan3A_155 = arith.constant 0 : i32
    %scan3A_156 = arith.constant 0 : i32
    %scan3A_157 = arith.constant 5 : i32
    %scan3A_158 = arith.addi %scan3A_156, %scan3A_157 : i32
    %scan3A_159 = arith.constant 1 : i32
    scf.for %scan3A_161 = %scan3A_156 to %scan3A_158 step %scan3A_159  : i32 {
      %mul3A_162 = arith.constant 5 : i32
      %mul3A_163 = arith.muli %scan3A_161, %mul3A_162 : i32
      %add3A_164 = arith.constant 0 : i32
      %add3A_165 = arith.addi %mul3A_163, %add3A_164 : i32
      %mul3A_166 = arith.constant 128 : i32
      %mul3A_167 = arith.muli %add3A_165, %mul3A_166 : i32
      %add3A_168 = arith.addi %mul3A_2, %mul3A_167 : i32
      %dma_wait3A = arith.constant 0 : i32
      %dma_wait3A_169 = tpu.memref_slice %arg12[%add3A_165, %dma_wait3A] : memref<25x128xi32, #tpu.memory_space<vmem>> -> memref<1x128xi32, #tpu.memory_space<vmem>>
      %dma_wait3A_170 = tpu.memref_squeeze %dma_wait3A_169 : memref<1x128xi32, #tpu.memory_space<vmem>> -> memref<128xi32, #tpu.memory_space<vmem>>
      %dma_wait3A_171 = arith.constant 0 : i32
      %dma_wait3A_172 = arith.constant 0 : i32
      %dma_wait3A_173 = tpu.memref_slice %arg3[%dma_wait3A_171, %dma_wait3A_172] : memref<10112x32xf32, #tpu.memory_space<hbm>> -> memref<10112x32xf32, #tpu.memory_space<hbm>>
      tpu.wait_indirect_dma semaphore(%arg24 : memref<!tpu.dma_semaphore, #tpu.memory_space<semaphore_mem>>) src(%dma_wait3A_173 : memref<10112x32xf32, #tpu.memory_space<hbm>>) dst(%arg14 : memref<128x32xf32, #tpu.memory_space<vmem>>)
      %dma_wait3A_174 = arith.constant 0 : i32
      %dma_wait3A_175 = tpu.memref_slice %arg13[%add3A_165, %dma_wait3A_174] : memref<25x128xi32, #tpu.memory_space<vmem>> -> memref<1x128xi32, #tpu.memory_space<vmem>>
      %dma_wait3A_176 = tpu.memref_squeeze %dma_wait3A_175 : memref<1x128xi32, #tpu.memory_space<vmem>> -> memref<128xi32, #tpu.memory_space<vmem>>
      %dma_wait3A_177 = arith.constant 0 : i32
      %dma_wait3A_178 = arith.constant 0 : i32
      %dma_wait3A_179 = tpu.memref_slice %arg2[%dma_wait3A_177, %dma_wait3A_178] : memref<10112x32xf32, #tpu.memory_space<hbm>> -> memref<10112x32xf32, #tpu.memory_space<hbm>>
      tpu.wait_indirect_dma semaphore(%arg24 : memref<!tpu.dma_semaphore, #tpu.memory_space<semaphore_mem>>) src(%dma_wait3A_179 : memref<10112x32xf32, #tpu.memory_space<hbm>>) dst(%arg19 : memref<128x32xf32, #tpu.memory_space<vmem>>)
      "tpu.region"() ({
        %run_scoped3A = tpu.sem_alloc : memref<!tpu.dma_semaphore, #tpu.memory_space<semaphore_mem>>
        %dma_start3A_288 = arith.constant 0 : i32
        %dma_start3A_289 = tpu.memref_slice %arg10[%add3A_168, %dma_start3A_288] : memref<102400x32xf32, #tpu.memory_space<hbm>> -> memref<128x32xf32, #tpu.memory_space<hbm>>
        %dma_start3A_290 = arith.constant 0 : i32
        %dma_start3A_291 = tpu.memref_slice %arg10[%add3A_168, %dma_start3A_290] : memref<102400x32xf32, #tpu.memory_space<hbm>> -> memref<128x32xf32, #tpu.memory_space<hbm>>
        tpu.enqueue_dma source(%arg14 : memref<128x32xf32, #tpu.memory_space<vmem>>) target(%dma_start3A_291 : memref<128x32xf32, #tpu.memory_space<hbm>>) target_semaphore(%run_scoped3A : memref<!tpu.dma_semaphore, #tpu.memory_space<semaphore_mem>>)
        %dma_wait3A_292 = arith.constant 0 : i32
        %dma_wait3A_293 = tpu.memref_slice %arg10[%add3A_168, %dma_wait3A_292] : memref<102400x32xf32, #tpu.memory_space<hbm>> -> memref<128x32xf32, #tpu.memory_space<hbm>>
        %dma_wait3A_294 = arith.constant 0 : i32
        %dma_wait3A_295 = tpu.memref_slice %arg10[%add3A_168, %dma_wait3A_294] : memref<102400x32xf32, #tpu.memory_space<hbm>> -> memref<128x32xf32, #tpu.memory_space<hbm>>
        tpu.wait_dma2 semaphore(%run_scoped3A : memref<!tpu.dma_semaphore, #tpu.memory_space<semaphore_mem>>) src(%arg14 : memref<128x32xf32, #tpu.memory_space<vmem>>) dst(%dma_wait3A_295 : memref<128x32xf32, #tpu.memory_space<hbm>>)
        tpu.yield
      }) : () -> ()
      "tpu.region"() ({
        %run_scoped3A = tpu.sem_alloc : memref<!tpu.dma_semaphore, #tpu.memory_space<semaphore_mem>>
        %dma_start3A_288 = arith.constant 0 : i32
        %dma_start3A_289 = tpu.memref_slice %arg11[%add3A_168, %dma_start3A_288] : memref<102400x32xf32, #tpu.memory_space<hbm>> -> memref<128x32xf32, #tpu.memory_space<hbm>>
        %dma_start3A_290 = arith.constant 0 : i32
        %dma_start3A_291 = tpu.memref_slice %arg11[%add3A_168, %dma_start3A_290] : memref<102400x32xf32, #tpu.memory_space<hbm>> -> memref<128x32xf32, #tpu.memory_space<hbm>>
        tpu.enqueue_dma source(%arg19 : memref<128x32xf32, #tpu.memory_space<vmem>>) target(%dma_start3A_291 : memref<128x32xf32, #tpu.memory_space<hbm>>) target_semaphore(%run_scoped3A : memref<!tpu.dma_semaphore, #tpu.memory_space<semaphore_mem>>)
        %dma_wait3A_292 = arith.constant 0 : i32
        %dma_wait3A_293 = tpu.memref_slice %arg11[%add3A_168, %dma_wait3A_292] : memref<102400x32xf32, #tpu.memory_space<hbm>> -> memref<128x32xf32, #tpu.memory_space<hbm>>
        %dma_wait3A_294 = arith.constant 0 : i32
        %dma_wait3A_295 = tpu.memref_slice %arg11[%add3A_168, %dma_wait3A_294] : memref<102400x32xf32, #tpu.memory_space<hbm>> -> memref<128x32xf32, #tpu.memory_space<hbm>>
        tpu.wait_dma2 semaphore(%run_scoped3A : memref<!tpu.dma_semaphore, #tpu.memory_space<semaphore_mem>>) src(%arg19 : memref<128x32xf32, #tpu.memory_space<vmem>>) dst(%dma_wait3A_295 : memref<128x32xf32, #tpu.memory_space<hbm>>)
        tpu.yield
      }) : () -> ()
      %add3A_180 = arith.constant 5 : i32
      %add3A_181 = arith.addi %add3A_165, %add3A_180 : i32
      %lt3A = arith.constant 25 : i32
      %lt3A_182 = arith.cmpi slt, %add3A_181, %lt3A : i32
      %convert_element_type3A = arith.extui %lt3A_182 : i1 to i32
      %cond3A = arith.constant 0 : i32
      %cond3A_183 = arith.cmpi ne, %convert_element_type3A, %cond3A : i32
      scf.if %cond3A_183 {
        %add3A_288 = arith.constant 5 : i32
        %add3A_289 = arith.addi %add3A_165, %add3A_288 : i32
        %dma_start3A_290 = arith.constant 0 : i32
        %dma_start3A_291 = tpu.memref_slice %arg12[%add3A_289, %dma_start3A_290] : memref<25x128xi32, #tpu.memory_space<vmem>> -> memref<1x128xi32, #tpu.memory_space<vmem>>
        %dma_start3A_292 = tpu.memref_squeeze %dma_start3A_291 : memref<1x128xi32, #tpu.memory_space<vmem>> -> memref<128xi32, #tpu.memory_space<vmem>>
        %dma_start3A_293 = arith.constant 0 : i32
        %dma_start3A_294 = arith.constant 0 : i32
        %dma_start3A_295 = tpu.memref_slice %arg3[%dma_start3A_293, %dma_start3A_294] : memref<10112x32xf32, #tpu.memory_space<hbm>> -> memref<10112x32xf32, #tpu.memory_space<hbm>>
        tpu.enqueue_indirect_dma source(%dma_start3A_295 : memref<10112x32xf32, #tpu.memory_space<hbm>>) target(%arg14 : memref<128x32xf32, #tpu.memory_space<vmem>>) offsets(%dma_start3A_292 : memref<128xi32, #tpu.memory_space<vmem>>) semaphore(%arg24 : memref<!tpu.dma_semaphore, #tpu.memory_space<semaphore_mem>>)
        %add3A_296 = arith.constant 5 : i32
        %add3A_297 = arith.addi %add3A_165, %add3A_296 : i32
        %dma_start3A_298 = arith.constant 0 : i32
        %dma_start3A_299 = tpu.memref_slice %arg13[%add3A_297, %dma_start3A_298] : memref<25x128xi32, #tpu.memory_space<vmem>> -> memref<1x128xi32, #tpu.memory_space<vmem>>
        %dma_start3A_300 = tpu.memref_squeeze %dma_start3A_299 : memref<1x128xi32, #tpu.memory_space<vmem>> -> memref<128xi32, #tpu.memory_space<vmem>>
        %dma_start3A_301 = arith.constant 0 : i32
        %dma_start3A_302 = arith.constant 0 : i32
        %dma_start3A_303 = tpu.memref_slice %arg2[%dma_start3A_301, %dma_start3A_302] : memref<10112x32xf32, #tpu.memory_space<hbm>> -> memref<10112x32xf32, #tpu.memory_space<hbm>>
        tpu.enqueue_indirect_dma source(%dma_start3A_303 : memref<10112x32xf32, #tpu.memory_space<hbm>>) target(%arg19 : memref<128x32xf32, #tpu.memory_space<vmem>>) offsets(%dma_start3A_300 : memref<128xi32, #tpu.memory_space<vmem>>) semaphore(%arg24 : memref<!tpu.dma_semaphore, #tpu.memory_space<semaphore_mem>>)
      } else {
      }
      %mul3A_184 = arith.constant 5 : i32
      %mul3A_185 = arith.muli %scan3A_161, %mul3A_184 : i32
      %add3A_186 = arith.constant 1 : i32
      %add3A_187 = arith.addi %mul3A_185, %add3A_186 : i32
      %mul3A_188 = arith.constant 128 : i32
      %mul3A_189 = arith.muli %add3A_187, %mul3A_188 : i32
      %add3A_190 = arith.addi %mul3A_2, %mul3A_189 : i32
      %dma_wait3A_191 = arith.constant 0 : i32
      %dma_wait3A_192 = tpu.memref_slice %arg12[%add3A_187, %dma_wait3A_191] : memref<25x128xi32, #tpu.memory_space<vmem>> -> memref<1x128xi32, #tpu.memory_space<vmem>>
      %dma_wait3A_193 = tpu.memref_squeeze %dma_wait3A_192 : memref<1x128xi32, #tpu.memory_space<vmem>> -> memref<128xi32, #tpu.memory_space<vmem>>
      %dma_wait3A_194 = arith.constant 0 : i32
      %dma_wait3A_195 = arith.constant 0 : i32
      %dma_wait3A_196 = tpu.memref_slice %arg3[%dma_wait3A_194, %dma_wait3A_195] : memref<10112x32xf32, #tpu.memory_space<hbm>> -> memref<10112x32xf32, #tpu.memory_space<hbm>>
      tpu.wait_indirect_dma semaphore(%arg25 : memref<!tpu.dma_semaphore, #tpu.memory_space<semaphore_mem>>) src(%dma_wait3A_196 : memref<10112x32xf32, #tpu.memory_space<hbm>>) dst(%arg15 : memref<128x32xf32, #tpu.memory_space<vmem>>)
      %dma_wait3A_197 = arith.constant 0 : i32
      %dma_wait3A_198 = tpu.memref_slice %arg13[%add3A_187, %dma_wait3A_197] : memref<25x128xi32, #tpu.memory_space<vmem>> -> memref<1x128xi32, #tpu.memory_space<vmem>>
      %dma_wait3A_199 = tpu.memref_squeeze %dma_wait3A_198 : memref<1x128xi32, #tpu.memory_space<vmem>> -> memref<128xi32, #tpu.memory_space<vmem>>
      %dma_wait3A_200 = arith.constant 0 : i32
      %dma_wait3A_201 = arith.constant 0 : i32
      %dma_wait3A_202 = tpu.memref_slice %arg2[%dma_wait3A_200, %dma_wait3A_201] : memref<10112x32xf32, #tpu.memory_space<hbm>> -> memref<10112x32xf32, #tpu.memory_space<hbm>>
      tpu.wait_indirect_dma semaphore(%arg25 : memref<!tpu.dma_semaphore, #tpu.memory_space<semaphore_mem>>) src(%dma_wait3A_202 : memref<10112x32xf32, #tpu.memory_space<hbm>>) dst(%arg20 : memref<128x32xf32, #tpu.memory_space<vmem>>)
      "tpu.region"() ({
        %run_scoped3A = tpu.sem_alloc : memref<!tpu.dma_semaphore, #tpu.memory_space<semaphore_mem>>
        %dma_start3A_288 = arith.constant 0 : i32
        %dma_start3A_289 = tpu.memref_slice %arg10[%add3A_190, %dma_start3A_288] : memref<102400x32xf32, #tpu.memory_space<hbm>> -> memref<128x32xf32, #tpu.memory_space<hbm>>
        %dma_start3A_290 = arith.constant 0 : i32
        %dma_start3A_291 = tpu.memref_slice %arg10[%add3A_190, %dma_start3A_290] : memref<102400x32xf32, #tpu.memory_space<hbm>> -> memref<128x32xf32, #tpu.memory_space<hbm>>
        tpu.enqueue_dma source(%arg15 : memref<128x32xf32, #tpu.memory_space<vmem>>) target(%dma_start3A_291 : memref<128x32xf32, #tpu.memory_space<hbm>>) target_semaphore(%run_scoped3A : memref<!tpu.dma_semaphore, #tpu.memory_space<semaphore_mem>>)
        %dma_wait3A_292 = arith.constant 0 : i32
        %dma_wait3A_293 = tpu.memref_slice %arg10[%add3A_190, %dma_wait3A_292] : memref<102400x32xf32, #tpu.memory_space<hbm>> -> memref<128x32xf32, #tpu.memory_space<hbm>>
        %dma_wait3A_294 = arith.constant 0 : i32
        %dma_wait3A_295 = tpu.memref_slice %arg10[%add3A_190, %dma_wait3A_294] : memref<102400x32xf32, #tpu.memory_space<hbm>> -> memref<128x32xf32, #tpu.memory_space<hbm>>
        tpu.wait_dma2 semaphore(%run_scoped3A : memref<!tpu.dma_semaphore, #tpu.memory_space<semaphore_mem>>) src(%arg15 : memref<128x32xf32, #tpu.memory_space<vmem>>) dst(%dma_wait3A_295 : memref<128x32xf32, #tpu.memory_space<hbm>>)
        tpu.yield
      }) : () -> ()
      "tpu.region"() ({
        %run_scoped3A = tpu.sem_alloc : memref<!tpu.dma_semaphore, #tpu.memory_space<semaphore_mem>>
        %dma_start3A_288 = arith.constant 0 : i32
        %dma_start3A_289 = tpu.memref_slice %arg11[%add3A_190, %dma_start3A_288] : memref<102400x32xf32, #tpu.memory_space<hbm>> -> memref<128x32xf32, #tpu.memory_space<hbm>>
        %dma_start3A_290 = arith.constant 0 : i32
        %dma_start3A_291 = tpu.memref_slice %arg11[%add3A_190, %dma_start3A_290] : memref<102400x32xf32, #tpu.memory_space<hbm>> -> memref<128x32xf32, #tpu.memory_space<hbm>>
        tpu.enqueue_dma source(%arg20 : memref<128x32xf32, #tpu.memory_space<vmem>>) target(%dma_start3A_291 : memref<128x32xf32, #tpu.memory_space<hbm>>) target_semaphore(%run_scoped3A : memref<!tpu.dma_semaphore, #tpu.memory_space<semaphore_mem>>)
        %dma_wait3A_292 = arith.constant 0 : i32
        %dma_wait3A_293 = tpu.memref_slice %arg11[%add3A_190, %dma_wait3A_292] : memref<102400x32xf32, #tpu.memory_space<hbm>> -> memref<128x32xf32, #tpu.memory_space<hbm>>
        %dma_wait3A_294 = arith.constant 0 : i32
        %dma_wait3A_295 = tpu.memref_slice %arg11[%add3A_190, %dma_wait3A_294] : memref<102400x32xf32, #tpu.memory_space<hbm>> -> memref<128x32xf32, #tpu.memory_space<hbm>>
        tpu.wait_dma2 semaphore(%run_scoped3A : memref<!tpu.dma_semaphore, #tpu.memory_space<semaphore_mem>>) src(%arg20 : memref<128x32xf32, #tpu.memory_space<vmem>>) dst(%dma_wait3A_295 : memref<128x32xf32, #tpu.memory_space<hbm>>)
        tpu.yield
      }) : () -> ()
      %add3A_203 = arith.constant 5 : i32
      %add3A_204 = arith.addi %add3A_187, %add3A_203 : i32
      %lt3A_205 = arith.constant 25 : i32
      %lt3A_206 = arith.cmpi slt, %add3A_204, %lt3A_205 : i32
      %convert_element_type3A_207 = arith.extui %lt3A_206 : i1 to i32
      %cond3A_208 = arith.constant 0 : i32
      %cond3A_209 = arith.cmpi ne, %convert_element_type3A_207, %cond3A_208 : i32
      scf.if %cond3A_209 {
        %add3A_288 = arith.constant 5 : i32
        %add3A_289 = arith.addi %add3A_187, %add3A_288 : i32
        %dma_start3A_290 = arith.constant 0 : i32
        %dma_start3A_291 = tpu.memref_slice %arg12[%add3A_289, %dma_start3A_290] : memref<25x128xi32, #tpu.memory_space<vmem>> -> memref<1x128xi32, #tpu.memory_space<vmem>>
        %dma_start3A_292 = tpu.memref_squeeze %dma_start3A_291 : memref<1x128xi32, #tpu.memory_space<vmem>> -> memref<128xi32, #tpu.memory_space<vmem>>
        %dma_start3A_293 = arith.constant 0 : i32
        %dma_start3A_294 = arith.constant 0 : i32
        %dma_start3A_295 = tpu.memref_slice %arg3[%dma_start3A_293, %dma_start3A_294] : memref<10112x32xf32, #tpu.memory_space<hbm>> -> memref<10112x32xf32, #tpu.memory_space<hbm>>
        tpu.enqueue_indirect_dma source(%dma_start3A_295 : memref<10112x32xf32, #tpu.memory_space<hbm>>) target(%arg15 : memref<128x32xf32, #tpu.memory_space<vmem>>) offsets(%dma_start3A_292 : memref<128xi32, #tpu.memory_space<vmem>>) semaphore(%arg25 : memref<!tpu.dma_semaphore, #tpu.memory_space<semaphore_mem>>)
        %add3A_296 = arith.constant 5 : i32
        %add3A_297 = arith.addi %add3A_187, %add3A_296 : i32
        %dma_start3A_298 = arith.constant 0 : i32
        %dma_start3A_299 = tpu.memref_slice %arg13[%add3A_297, %dma_start3A_298] : memref<25x128xi32, #tpu.memory_space<vmem>> -> memref<1x128xi32, #tpu.memory_space<vmem>>
        %dma_start3A_300 = tpu.memref_squeeze %dma_start3A_299 : memref<1x128xi32, #tpu.memory_space<vmem>> -> memref<128xi32, #tpu.memory_space<vmem>>
        %dma_start3A_301 = arith.constant 0 : i32
        %dma_start3A_302 = arith.constant 0 : i32
        %dma_start3A_303 = tpu.memref_slice %arg2[%dma_start3A_301, %dma_start3A_302] : memref<10112x32xf32, #tpu.memory_space<hbm>> -> memref<10112x32xf32, #tpu.memory_space<hbm>>
        tpu.enqueue_indirect_dma source(%dma_start3A_303 : memref<10112x32xf32, #tpu.memory_space<hbm>>) target(%arg20 : memref<128x32xf32, #tpu.memory_space<vmem>>) offsets(%dma_start3A_300 : memref<128xi32, #tpu.memory_space<vmem>>) semaphore(%arg25 : memref<!tpu.dma_semaphore, #tpu.memory_space<semaphore_mem>>)
      } else {
      }
      %mul3A_210 = arith.constant 5 : i32
      %mul3A_211 = arith.muli %scan3A_161, %mul3A_210 : i32
      %add3A_212 = arith.constant 2 : i32
      %add3A_213 = arith.addi %mul3A_211, %add3A_212 : i32
      %mul3A_214 = arith.constant 128 : i32
      %mul3A_215 = arith.muli %add3A_213, %mul3A_214 : i32
      %add3A_216 = arith.addi %mul3A_2, %mul3A_215 : i32
      %dma_wait3A_217 = arith.constant 0 : i32
      %dma_wait3A_218 = tpu.memref_slice %arg12[%add3A_213, %dma_wait3A_217] : memref<25x128xi32, #tpu.memory_space<vmem>> -> memref<1x128xi32, #tpu.memory_space<vmem>>
      %dma_wait3A_219 = tpu.memref_squeeze %dma_wait3A_218 : memref<1x128xi32, #tpu.memory_space<vmem>> -> memref<128xi32, #tpu.memory_space<vmem>>
      %dma_wait3A_220 = arith.constant 0 : i32
      %dma_wait3A_221 = arith.constant 0 : i32
      %dma_wait3A_222 = tpu.memref_slice %arg3[%dma_wait3A_220, %dma_wait3A_221] : memref<10112x32xf32, #tpu.memory_space<hbm>> -> memref<10112x32xf32, #tpu.memory_space<hbm>>
      tpu.wait_indirect_dma semaphore(%arg26 : memref<!tpu.dma_semaphore, #tpu.memory_space<semaphore_mem>>) src(%dma_wait3A_222 : memref<10112x32xf32, #tpu.memory_space<hbm>>) dst(%arg16 : memref<128x32xf32, #tpu.memory_space<vmem>>)
      %dma_wait3A_223 = arith.constant 0 : i32
      %dma_wait3A_224 = tpu.memref_slice %arg13[%add3A_213, %dma_wait3A_223] : memref<25x128xi32, #tpu.memory_space<vmem>> -> memref<1x128xi32, #tpu.memory_space<vmem>>
      %dma_wait3A_225 = tpu.memref_squeeze %dma_wait3A_224 : memref<1x128xi32, #tpu.memory_space<vmem>> -> memref<128xi32, #tpu.memory_space<vmem>>
      %dma_wait3A_226 = arith.constant 0 : i32
      %dma_wait3A_227 = arith.constant 0 : i32
      %dma_wait3A_228 = tpu.memref_slice %arg2[%dma_wait3A_226, %dma_wait3A_227] : memref<10112x32xf32, #tpu.memory_space<hbm>> -> memref<10112x32xf32, #tpu.memory_space<hbm>>
      tpu.wait_indirect_dma semaphore(%arg26 : memref<!tpu.dma_semaphore, #tpu.memory_space<semaphore_mem>>) src(%dma_wait3A_228 : memref<10112x32xf32, #tpu.memory_space<hbm>>) dst(%arg21 : memref<128x32xf32, #tpu.memory_space<vmem>>)
      "tpu.region"() ({
        %run_scoped3A = tpu.sem_alloc : memref<!tpu.dma_semaphore, #tpu.memory_space<semaphore_mem>>
        %dma_start3A_288 = arith.constant 0 : i32
        %dma_start3A_289 = tpu.memref_slice %arg10[%add3A_216, %dma_start3A_288] : memref<102400x32xf32, #tpu.memory_space<hbm>> -> memref<128x32xf32, #tpu.memory_space<hbm>>
        %dma_start3A_290 = arith.constant 0 : i32
        %dma_start3A_291 = tpu.memref_slice %arg10[%add3A_216, %dma_start3A_290] : memref<102400x32xf32, #tpu.memory_space<hbm>> -> memref<128x32xf32, #tpu.memory_space<hbm>>
        tpu.enqueue_dma source(%arg16 : memref<128x32xf32, #tpu.memory_space<vmem>>) target(%dma_start3A_291 : memref<128x32xf32, #tpu.memory_space<hbm>>) target_semaphore(%run_scoped3A : memref<!tpu.dma_semaphore, #tpu.memory_space<semaphore_mem>>)
        %dma_wait3A_292 = arith.constant 0 : i32
        %dma_wait3A_293 = tpu.memref_slice %arg10[%add3A_216, %dma_wait3A_292] : memref<102400x32xf32, #tpu.memory_space<hbm>> -> memref<128x32xf32, #tpu.memory_space<hbm>>
        %dma_wait3A_294 = arith.constant 0 : i32
        %dma_wait3A_295 = tpu.memref_slice %arg10[%add3A_216, %dma_wait3A_294] : memref<102400x32xf32, #tpu.memory_space<hbm>> -> memref<128x32xf32, #tpu.memory_space<hbm>>
        tpu.wait_dma2 semaphore(%run_scoped3A : memref<!tpu.dma_semaphore, #tpu.memory_space<semaphore_mem>>) src(%arg16 : memref<128x32xf32, #tpu.memory_space<vmem>>) dst(%dma_wait3A_295 : memref<128x32xf32, #tpu.memory_space<hbm>>)
        tpu.yield
      }) : () -> ()
      "tpu.region"() ({
        %run_scoped3A = tpu.sem_alloc : memref<!tpu.dma_semaphore, #tpu.memory_space<semaphore_mem>>
        %dma_start3A_288 = arith.constant 0 : i32
        %dma_start3A_289 = tpu.memref_slice %arg11[%add3A_216, %dma_start3A_288] : memref<102400x32xf32, #tpu.memory_space<hbm>> -> memref<128x32xf32, #tpu.memory_space<hbm>>
        %dma_start3A_290 = arith.constant 0 : i32
        %dma_start3A_291 = tpu.memref_slice %arg11[%add3A_216, %dma_start3A_290] : memref<102400x32xf32, #tpu.memory_space<hbm>> -> memref<128x32xf32, #tpu.memory_space<hbm>>
        tpu.enqueue_dma source(%arg21 : memref<128x32xf32, #tpu.memory_space<vmem>>) target(%dma_start3A_291 : memref<128x32xf32, #tpu.memory_space<hbm>>) target_semaphore(%run_scoped3A : memref<!tpu.dma_semaphore, #tpu.memory_space<semaphore_mem>>)
        %dma_wait3A_292 = arith.constant 0 : i32
        %dma_wait3A_293 = tpu.memref_slice %arg11[%add3A_216, %dma_wait3A_292] : memref<102400x32xf32, #tpu.memory_space<hbm>> -> memref<128x32xf32, #tpu.memory_space<hbm>>
        %dma_wait3A_294 = arith.constant 0 : i32
        %dma_wait3A_295 = tpu.memref_slice %arg11[%add3A_216, %dma_wait3A_294] : memref<102400x32xf32, #tpu.memory_space<hbm>> -> memref<128x32xf32, #tpu.memory_space<hbm>>
        tpu.wait_dma2 semaphore(%run_scoped3A : memref<!tpu.dma_semaphore, #tpu.memory_space<semaphore_mem>>) src(%arg21 : memref<128x32xf32, #tpu.memory_space<vmem>>) dst(%dma_wait3A_295 : memref<128x32xf32, #tpu.memory_space<hbm>>)
        tpu.yield
      }) : () -> ()
      %add3A_229 = arith.constant 5 : i32
      %add3A_230 = arith.addi %add3A_213, %add3A_229 : i32
      %lt3A_231 = arith.constant 25 : i32
      %lt3A_232 = arith.cmpi slt, %add3A_230, %lt3A_231 : i32
      %convert_element_type3A_233 = arith.extui %lt3A_232 : i1 to i32
      %cond3A_234 = arith.constant 0 : i32
      %cond3A_235 = arith.cmpi ne, %convert_element_type3A_233, %cond3A_234 : i32
      scf.if %cond3A_235 {
        %add3A_288 = arith.constant 5 : i32
        %add3A_289 = arith.addi %add3A_213, %add3A_288 : i32
        %dma_start3A_290 = arith.constant 0 : i32
        %dma_start3A_291 = tpu.memref_slice %arg12[%add3A_289, %dma_start3A_290] : memref<25x128xi32, #tpu.memory_space<vmem>> -> memref<1x128xi32, #tpu.memory_space<vmem>>
        %dma_start3A_292 = tpu.memref_squeeze %dma_start3A_291 : memref<1x128xi32, #tpu.memory_space<vmem>> -> memref<128xi32, #tpu.memory_space<vmem>>
        %dma_start3A_293 = arith.constant 0 : i32
        %dma_start3A_294 = arith.constant 0 : i32
        %dma_start3A_295 = tpu.memref_slice %arg3[%dma_start3A_293, %dma_start3A_294] : memref<10112x32xf32, #tpu.memory_space<hbm>> -> memref<10112x32xf32, #tpu.memory_space<hbm>>
        tpu.enqueue_indirect_dma source(%dma_start3A_295 : memref<10112x32xf32, #tpu.memory_space<hbm>>) target(%arg16 : memref<128x32xf32, #tpu.memory_space<vmem>>) offsets(%dma_start3A_292 : memref<128xi32, #tpu.memory_space<vmem>>) semaphore(%arg26 : memref<!tpu.dma_semaphore, #tpu.memory_space<semaphore_mem>>)
        %add3A_296 = arith.constant 5 : i32
        %add3A_297 = arith.addi %add3A_213, %add3A_296 : i32
        %dma_start3A_298 = arith.constant 0 : i32
        %dma_start3A_299 = tpu.memref_slice %arg13[%add3A_297, %dma_start3A_298] : memref<25x128xi32, #tpu.memory_space<vmem>> -> memref<1x128xi32, #tpu.memory_space<vmem>>
        %dma_start3A_300 = tpu.memref_squeeze %dma_start3A_299 : memref<1x128xi32, #tpu.memory_space<vmem>> -> memref<128xi32, #tpu.memory_space<vmem>>
        %dma_start3A_301 = arith.constant 0 : i32
        %dma_start3A_302 = arith.constant 0 : i32
        %dma_start3A_303 = tpu.memref_slice %arg2[%dma_start3A_301, %dma_start3A_302] : memref<10112x32xf32, #tpu.memory_space<hbm>> -> memref<10112x32xf32, #tpu.memory_space<hbm>>
        tpu.enqueue_indirect_dma source(%dma_start3A_303 : memref<10112x32xf32, #tpu.memory_space<hbm>>) target(%arg21 : memref<128x32xf32, #tpu.memory_space<vmem>>) offsets(%dma_start3A_300 : memref<128xi32, #tpu.memory_space<vmem>>) semaphore(%arg26 : memref<!tpu.dma_semaphore, #tpu.memory_space<semaphore_mem>>)
      } else {
      }
      %mul3A_236 = arith.constant 5 : i32
      %mul3A_237 = arith.muli %scan3A_161, %mul3A_236 : i32
      %add3A_238 = arith.constant 3 : i32
      %add3A_239 = arith.addi %mul3A_237, %add3A_238 : i32
      %mul3A_240 = arith.constant 128 : i32
      %mul3A_241 = arith.muli %add3A_239, %mul3A_240 : i32
      %add3A_242 = arith.addi %mul3A_2, %mul3A_241 : i32
      %dma_wait3A_243 = arith.constant 0 : i32
      %dma_wait3A_244 = tpu.memref_slice %arg12[%add3A_239, %dma_wait3A_243] : memref<25x128xi32, #tpu.memory_space<vmem>> -> memref<1x128xi32, #tpu.memory_space<vmem>>
      %dma_wait3A_245 = tpu.memref_squeeze %dma_wait3A_244 : memref<1x128xi32, #tpu.memory_space<vmem>> -> memref<128xi32, #tpu.memory_space<vmem>>
      %dma_wait3A_246 = arith.constant 0 : i32
      %dma_wait3A_247 = arith.constant 0 : i32
      %dma_wait3A_248 = tpu.memref_slice %arg3[%dma_wait3A_246, %dma_wait3A_247] : memref<10112x32xf32, #tpu.memory_space<hbm>> -> memref<10112x32xf32, #tpu.memory_space<hbm>>
      tpu.wait_indirect_dma semaphore(%arg27 : memref<!tpu.dma_semaphore, #tpu.memory_space<semaphore_mem>>) src(%dma_wait3A_248 : memref<10112x32xf32, #tpu.memory_space<hbm>>) dst(%arg17 : memref<128x32xf32, #tpu.memory_space<vmem>>)
      %dma_wait3A_249 = arith.constant 0 : i32
      %dma_wait3A_250 = tpu.memref_slice %arg13[%add3A_239, %dma_wait3A_249] : memref<25x128xi32, #tpu.memory_space<vmem>> -> memref<1x128xi32, #tpu.memory_space<vmem>>
      %dma_wait3A_251 = tpu.memref_squeeze %dma_wait3A_250 : memref<1x128xi32, #tpu.memory_space<vmem>> -> memref<128xi32, #tpu.memory_space<vmem>>
      %dma_wait3A_252 = arith.constant 0 : i32
      %dma_wait3A_253 = arith.constant 0 : i32
      %dma_wait3A_254 = tpu.memref_slice %arg2[%dma_wait3A_252, %dma_wait3A_253] : memref<10112x32xf32, #tpu.memory_space<hbm>> -> memref<10112x32xf32, #tpu.memory_space<hbm>>
      tpu.wait_indirect_dma semaphore(%arg27 : memref<!tpu.dma_semaphore, #tpu.memory_space<semaphore_mem>>) src(%dma_wait3A_254 : memref<10112x32xf32, #tpu.memory_space<hbm>>) dst(%arg22 : memref<128x32xf32, #tpu.memory_space<vmem>>)
      "tpu.region"() ({
        %run_scoped3A = tpu.sem_alloc : memref<!tpu.dma_semaphore, #tpu.memory_space<semaphore_mem>>
        %dma_start3A_288 = arith.constant 0 : i32
        %dma_start3A_289 = tpu.memref_slice %arg10[%add3A_242, %dma_start3A_288] : memref<102400x32xf32, #tpu.memory_space<hbm>> -> memref<128x32xf32, #tpu.memory_space<hbm>>
        %dma_start3A_290 = arith.constant 0 : i32
        %dma_start3A_291 = tpu.memref_slice %arg10[%add3A_242, %dma_start3A_290] : memref<102400x32xf32, #tpu.memory_space<hbm>> -> memref<128x32xf32, #tpu.memory_space<hbm>>
        tpu.enqueue_dma source(%arg17 : memref<128x32xf32, #tpu.memory_space<vmem>>) target(%dma_start3A_291 : memref<128x32xf32, #tpu.memory_space<hbm>>) target_semaphore(%run_scoped3A : memref<!tpu.dma_semaphore, #tpu.memory_space<semaphore_mem>>)
        %dma_wait3A_292 = arith.constant 0 : i32
        %dma_wait3A_293 = tpu.memref_slice %arg10[%add3A_242, %dma_wait3A_292] : memref<102400x32xf32, #tpu.memory_space<hbm>> -> memref<128x32xf32, #tpu.memory_space<hbm>>
        %dma_wait3A_294 = arith.constant 0 : i32
        %dma_wait3A_295 = tpu.memref_slice %arg10[%add3A_242, %dma_wait3A_294] : memref<102400x32xf32, #tpu.memory_space<hbm>> -> memref<128x32xf32, #tpu.memory_space<hbm>>
        tpu.wait_dma2 semaphore(%run_scoped3A : memref<!tpu.dma_semaphore, #tpu.memory_space<semaphore_mem>>) src(%arg17 : memref<128x32xf32, #tpu.memory_space<vmem>>) dst(%dma_wait3A_295 : memref<128x32xf32, #tpu.memory_space<hbm>>)
        tpu.yield
      }) : () -> ()
      "tpu.region"() ({
        %run_scoped3A = tpu.sem_alloc : memref<!tpu.dma_semaphore, #tpu.memory_space<semaphore_mem>>
        %dma_start3A_288 = arith.constant 0 : i32
        %dma_start3A_289 = tpu.memref_slice %arg11[%add3A_242, %dma_start3A_288] : memref<102400x32xf32, #tpu.memory_space<hbm>> -> memref<128x32xf32, #tpu.memory_space<hbm>>
        %dma_start3A_290 = arith.constant 0 : i32
        %dma_start3A_291 = tpu.memref_slice %arg11[%add3A_242, %dma_start3A_290] : memref<102400x32xf32, #tpu.memory_space<hbm>> -> memref<128x32xf32, #tpu.memory_space<hbm>>
        tpu.enqueue_dma source(%arg22 : memref<128x32xf32, #tpu.memory_space<vmem>>) target(%dma_start3A_291 : memref<128x32xf32, #tpu.memory_space<hbm>>) target_semaphore(%run_scoped3A : memref<!tpu.dma_semaphore, #tpu.memory_space<semaphore_mem>>)
        %dma_wait3A_292 = arith.constant 0 : i32
        %dma_wait3A_293 = tpu.memref_slice %arg11[%add3A_242, %dma_wait3A_292] : memref<102400x32xf32, #tpu.memory_space<hbm>> -> memref<128x32xf32, #tpu.memory_space<hbm>>
        %dma_wait3A_294 = arith.constant 0 : i32
        %dma_wait3A_295 = tpu.memref_slice %arg11[%add3A_242, %dma_wait3A_294] : memref<102400x32xf32, #tpu.memory_space<hbm>> -> memref<128x32xf32, #tpu.memory_space<hbm>>
        tpu.wait_dma2 semaphore(%run_scoped3A : memref<!tpu.dma_semaphore, #tpu.memory_space<semaphore_mem>>) src(%arg22 : memref<128x32xf32, #tpu.memory_space<vmem>>) dst(%dma_wait3A_295 : memref<128x32xf32, #tpu.memory_space<hbm>>)
        tpu.yield
      }) : () -> ()
      %add3A_255 = arith.constant 5 : i32
      %add3A_256 = arith.addi %add3A_239, %add3A_255 : i32
      %lt3A_257 = arith.constant 25 : i32
      %lt3A_258 = arith.cmpi slt, %add3A_256, %lt3A_257 : i32
      %convert_element_type3A_259 = arith.extui %lt3A_258 : i1 to i32
      %cond3A_260 = arith.constant 0 : i32
      %cond3A_261 = arith.cmpi ne, %convert_element_type3A_259, %cond3A_260 : i32
      scf.if %cond3A_261 {
        %add3A_288 = arith.constant 5 : i32
        %add3A_289 = arith.addi %add3A_239, %add3A_288 : i32
        %dma_start3A_290 = arith.constant 0 : i32
        %dma_start3A_291 = tpu.memref_slice %arg12[%add3A_289, %dma_start3A_290] : memref<25x128xi32, #tpu.memory_space<vmem>> -> memref<1x128xi32, #tpu.memory_space<vmem>>
        %dma_start3A_292 = tpu.memref_squeeze %dma_start3A_291 : memref<1x128xi32, #tpu.memory_space<vmem>> -> memref<128xi32, #tpu.memory_space<vmem>>
        %dma_start3A_293 = arith.constant 0 : i32
        %dma_start3A_294 = arith.constant 0 : i32
        %dma_start3A_295 = tpu.memref_slice %arg3[%dma_start3A_293, %dma_start3A_294] : memref<10112x32xf32, #tpu.memory_space<hbm>> -> memref<10112x32xf32, #tpu.memory_space<hbm>>
        tpu.enqueue_indirect_dma source(%dma_start3A_295 : memref<10112x32xf32, #tpu.memory_space<hbm>>) target(%arg17 : memref<128x32xf32, #tpu.memory_space<vmem>>) offsets(%dma_start3A_292 : memref<128xi32, #tpu.memory_space<vmem>>) semaphore(%arg27 : memref<!tpu.dma_semaphore, #tpu.memory_space<semaphore_mem>>)
        %add3A_296 = arith.constant 5 : i32
        %add3A_297 = arith.addi %add3A_239, %add3A_296 : i32
        %dma_start3A_298 = arith.constant 0 : i32
        %dma_start3A_299 = tpu.memref_slice %arg13[%add3A_297, %dma_start3A_298] : memref<25x128xi32, #tpu.memory_space<vmem>> -> memref<1x128xi32, #tpu.memory_space<vmem>>
        %dma_start3A_300 = tpu.memref_squeeze %dma_start3A_299 : memref<1x128xi32, #tpu.memory_space<vmem>> -> memref<128xi32, #tpu.memory_space<vmem>>
        %dma_start3A_301 = arith.constant 0 : i32
        %dma_start3A_302 = arith.constant 0 : i32
        %dma_start3A_303 = tpu.memref_slice %arg2[%dma_start3A_301, %dma_start3A_302] : memref<10112x32xf32, #tpu.memory_space<hbm>> -> memref<10112x32xf32, #tpu.memory_space<hbm>>
        tpu.enqueue_indirect_dma source(%dma_start3A_303 : memref<10112x32xf32, #tpu.memory_space<hbm>>) target(%arg22 : memref<128x32xf32, #tpu.memory_space<vmem>>) offsets(%dma_start3A_300 : memref<128xi32, #tpu.memory_space<vmem>>) semaphore(%arg27 : memref<!tpu.dma_semaphore, #tpu.memory_space<semaphore_mem>>)
      } else {
      }
      %mul3A_262 = arith.constant 5 : i32
      %mul3A_263 = arith.muli %scan3A_161, %mul3A_262 : i32
      %add3A_264 = arith.constant 4 : i32
      %add3A_265 = arith.addi %mul3A_263, %add3A_264 : i32
      %mul3A_266 = arith.constant 128 : i32
      %mul3A_267 = arith.muli %add3A_265, %mul3A_266 : i32
      %add3A_268 = arith.addi %mul3A_2, %mul3A_267 : i32
      %dma_wait3A_269 = arith.constant 0 : i32
      %dma_wait3A_270 = tpu.memref_slice %arg12[%add3A_265, %dma_wait3A_269] : memref<25x128xi32, #tpu.memory_space<vmem>> -> memref<1x128xi32, #tpu.memory_space<vmem>>
      %dma_wait3A_271 = tpu.memref_squeeze %dma_wait3A_270 : memref<1x128xi32, #tpu.memory_space<vmem>> -> memref<128xi32, #tpu.memory_space<vmem>>
      %dma_wait3A_272 = arith.constant 0 : i32
      %dma_wait3A_273 = arith.constant 0 : i32
      %dma_wait3A_274 = tpu.memref_slice %arg3[%dma_wait3A_272, %dma_wait3A_273] : memref<10112x32xf32, #tpu.memory_space<hbm>> -> memref<10112x32xf32, #tpu.memory_space<hbm>>
      tpu.wait_indirect_dma semaphore(%arg28 : memref<!tpu.dma_semaphore, #tpu.memory_space<semaphore_mem>>) src(%dma_wait3A_274 : memref<10112x32xf32, #tpu.memory_space<hbm>>) dst(%arg18 : memref<128x32xf32, #tpu.memory_space<vmem>>)
      %dma_wait3A_275 = arith.constant 0 : i32
      %dma_wait3A_276 = tpu.memref_slice %arg13[%add3A_265, %dma_wait3A_275] : memref<25x128xi32, #tpu.memory_space<vmem>> -> memref<1x128xi32, #tpu.memory_space<vmem>>
      %dma_wait3A_277 = tpu.memref_squeeze %dma_wait3A_276 : memref<1x128xi32, #tpu.memory_space<vmem>> -> memref<128xi32, #tpu.memory_space<vmem>>
      %dma_wait3A_278 = arith.constant 0 : i32
      %dma_wait3A_279 = arith.constant 0 : i32
      %dma_wait3A_280 = tpu.memref_slice %arg2[%dma_wait3A_278, %dma_wait3A_279] : memref<10112x32xf32, #tpu.memory_space<hbm>> -> memref<10112x32xf32, #tpu.memory_space<hbm>>
      tpu.wait_indirect_dma semaphore(%arg28 : memref<!tpu.dma_semaphore, #tpu.memory_space<semaphore_mem>>) src(%dma_wait3A_280 : memref<10112x32xf32, #tpu.memory_space<hbm>>) dst(%arg23 : memref<128x32xf32, #tpu.memory_space<vmem>>)
      "tpu.region"() ({
        %run_scoped3A = tpu.sem_alloc : memref<!tpu.dma_semaphore, #tpu.memory_space<semaphore_mem>>
        %dma_start3A_288 = arith.constant 0 : i32
        %dma_start3A_289 = tpu.memref_slice %arg10[%add3A_268, %dma_start3A_288] : memref<102400x32xf32, #tpu.memory_space<hbm>> -> memref<128x32xf32, #tpu.memory_space<hbm>>
        %dma_start3A_290 = arith.constant 0 : i32
        %dma_start3A_291 = tpu.memref_slice %arg10[%add3A_268, %dma_start3A_290] : memref<102400x32xf32, #tpu.memory_space<hbm>> -> memref<128x32xf32, #tpu.memory_space<hbm>>
        tpu.enqueue_dma source(%arg18 : memref<128x32xf32, #tpu.memory_space<vmem>>) target(%dma_start3A_291 : memref<128x32xf32, #tpu.memory_space<hbm>>) target_semaphore(%run_scoped3A : memref<!tpu.dma_semaphore, #tpu.memory_space<semaphore_mem>>)
        %dma_wait3A_292 = arith.constant 0 : i32
        %dma_wait3A_293 = tpu.memref_slice %arg10[%add3A_268, %dma_wait3A_292] : memref<102400x32xf32, #tpu.memory_space<hbm>> -> memref<128x32xf32, #tpu.memory_space<hbm>>
        %dma_wait3A_294 = arith.constant 0 : i32
        %dma_wait3A_295 = tpu.memref_slice %arg10[%add3A_268, %dma_wait3A_294] : memref<102400x32xf32, #tpu.memory_space<hbm>> -> memref<128x32xf32, #tpu.memory_space<hbm>>
        tpu.wait_dma2 semaphore(%run_scoped3A : memref<!tpu.dma_semaphore, #tpu.memory_space<semaphore_mem>>) src(%arg18 : memref<128x32xf32, #tpu.memory_space<vmem>>) dst(%dma_wait3A_295 : memref<128x32xf32, #tpu.memory_space<hbm>>)
        tpu.yield
      }) : () -> ()
      "tpu.region"() ({
        %run_scoped3A = tpu.sem_alloc : memref<!tpu.dma_semaphore, #tpu.memory_space<semaphore_mem>>
        %dma_start3A_288 = arith.constant 0 : i32
        %dma_start3A_289 = tpu.memref_slice %arg11[%add3A_268, %dma_start3A_288] : memref<102400x32xf32, #tpu.memory_space<hbm>> -> memref<128x32xf32, #tpu.memory_space<hbm>>
        %dma_start3A_290 = arith.constant 0 : i32
        %dma_start3A_291 = tpu.memref_slice %arg11[%add3A_268, %dma_start3A_290] : memref<102400x32xf32, #tpu.memory_space<hbm>> -> memref<128x32xf32, #tpu.memory_space<hbm>>
        tpu.enqueue_dma source(%arg23 : memref<128x32xf32, #tpu.memory_space<vmem>>) target(%dma_start3A_291 : memref<128x32xf32, #tpu.memory_space<hbm>>) target_semaphore(%run_scoped3A : memref<!tpu.dma_semaphore, #tpu.memory_space<semaphore_mem>>)
        %dma_wait3A_292 = arith.constant 0 : i32
        %dma_wait3A_293 = tpu.memref_slice %arg11[%add3A_268, %dma_wait3A_292] : memref<102400x32xf32, #tpu.memory_space<hbm>> -> memref<128x32xf32, #tpu.memory_space<hbm>>
        %dma_wait3A_294 = arith.constant 0 : i32
        %dma_wait3A_295 = tpu.memref_slice %arg11[%add3A_268, %dma_wait3A_294] : memref<102400x32xf32, #tpu.memory_space<hbm>> -> memref<128x32xf32, #tpu.memory_space<hbm>>
        tpu.wait_dma2 semaphore(%run_scoped3A : memref<!tpu.dma_semaphore, #tpu.memory_space<semaphore_mem>>) src(%arg23 : memref<128x32xf32, #tpu.memory_space<vmem>>) dst(%dma_wait3A_295 : memref<128x32xf32, #tpu.memory_space<hbm>>)
        tpu.yield
      }) : () -> ()
      %add3A_281 = arith.constant 5 : i32
      %add3A_282 = arith.addi %add3A_265, %add3A_281 : i32
      %lt3A_283 = arith.constant 25 : i32
      %lt3A_284 = arith.cmpi slt, %add3A_282, %lt3A_283 : i32
      %convert_element_type3A_285 = arith.extui %lt3A_284 : i1 to i32
      %cond3A_286 = arith.constant 0 : i32
      %cond3A_287 = arith.cmpi ne, %convert_element_type3A_285, %cond3A_286 : i32
      scf.if %cond3A_287 {
        %add3A_288 = arith.constant 5 : i32
        %add3A_289 = arith.addi %add3A_265, %add3A_288 : i32
        %dma_start3A_290 = arith.constant 0 : i32
        %dma_start3A_291 = tpu.memref_slice %arg12[%add3A_289, %dma_start3A_290] : memref<25x128xi32, #tpu.memory_space<vmem>> -> memref<1x128xi32, #tpu.memory_space<vmem>>
        %dma_start3A_292 = tpu.memref_squeeze %dma_start3A_291 : memref<1x128xi32, #tpu.memory_space<vmem>> -> memref<128xi32, #tpu.memory_space<vmem>>
        %dma_start3A_293 = arith.constant 0 : i32
        %dma_start3A_294 = arith.constant 0 : i32
        %dma_start3A_295 = tpu.memref_slice %arg3[%dma_start3A_293, %dma_start3A_294] : memref<10112x32xf32, #tpu.memory_space<hbm>> -> memref<10112x32xf32, #tpu.memory_space<hbm>>
        tpu.enqueue_indirect_dma source(%dma_start3A_295 : memref<10112x32xf32, #tpu.memory_space<hbm>>) target(%arg18 : memref<128x32xf32, #tpu.memory_space<vmem>>) offsets(%dma_start3A_292 : memref<128xi32, #tpu.memory_space<vmem>>) semaphore(%arg28 : memref<!tpu.dma_semaphore, #tpu.memory_space<semaphore_mem>>)
        %add3A_296 = arith.constant 5 : i32
        %add3A_297 = arith.addi %add3A_265, %add3A_296 : i32
        %dma_start3A_298 = arith.constant 0 : i32
        %dma_start3A_299 = tpu.memref_slice %arg13[%add3A_297, %dma_start3A_298] : memref<25x128xi32, #tpu.memory_space<vmem>> -> memref<1x128xi32, #tpu.memory_space<vmem>>
        %dma_start3A_300 = tpu.memref_squeeze %dma_start3A_299 : memref<1x128xi32, #tpu.memory_space<vmem>> -> memref<128xi32, #tpu.memory_space<vmem>>
        %dma_start3A_301 = arith.constant 0 : i32
        %dma_start3A_302 = arith.constant 0 : i32
        %dma_start3A_303 = tpu.memref_slice %arg2[%dma_start3A_301, %dma_start3A_302] : memref<10112x32xf32, #tpu.memory_space<hbm>> -> memref<10112x32xf32, #tpu.memory_space<hbm>>
        tpu.enqueue_indirect_dma source(%dma_start3A_303 : memref<10112x32xf32, #tpu.memory_space<hbm>>) target(%arg23 : memref<128x32xf32, #tpu.memory_space<vmem>>) offsets(%dma_start3A_300 : memref<128xi32, #tpu.memory_space<vmem>>) semaphore(%arg28 : memref<!tpu.dma_semaphore, #tpu.memory_space<semaphore_mem>>)
      } else {
      }
    }
    %scan3A_160 = arith.constant 5 : i32
    return
  }
}

#map = affine_map<(d0, d1) -> (0, 0)>
module attributes {stable_mosaic.version = 14 : i64} {
  func.func @seg(%arg0: i32, %arg1: i32, %arg2: memref<10112x32xf32, #tpu.memory_space<hbm>>, %arg3: memref<2560x128xi32, #tpu.memory_space<hbm>>, %arg4: memref<2560x128xi32, #tpu.memory_space<hbm>>, %arg5: memref<10112x32xf32, #tpu.memory_space<hbm>>, %arg6: memref<2560x128xi32, #tpu.memory_space<hbm>>, %arg7: memref<2560x128xi32, #tpu.memory_space<hbm>>, %arg8: memref<10112x32xf32, #tpu.memory_space<hbm>>, %arg9: memref<20224x32xf32, #tpu.memory_space<hbm>>, %arg10: memref<20224x32xf32, #tpu.memory_space<hbm>>, %arg11: memref<80x128xi32, #tpu.memory_space<vmem>>, %arg12: memref<80x128xi32, #tpu.memory_space<vmem>>, %arg13: memref<128x32xf32, #tpu.memory_space<vmem>>, %arg14: memref<128x32xf32, #tpu.memory_space<vmem>>, %arg15: memref<128x32xf32, #tpu.memory_space<vmem>>, %arg16: memref<128x32xf32, #tpu.memory_space<vmem>>, %arg17: memref<128x32xf32, #tpu.memory_space<vmem>>, %arg18: memref<128x32xf32, #tpu.memory_space<vmem>>, %arg19: memref<128x32xf32, #tpu.memory_space<vmem>>, %arg20: memref<128x32xf32, #tpu.memory_space<vmem>>, %arg21: memref<!tpu.dma_semaphore, #tpu.memory_space<semaphore_mem>>, %arg22: memref<!tpu.dma_semaphore, #tpu.memory_space<semaphore_mem>>, %arg23: memref<!tpu.dma_semaphore, #tpu.memory_space<semaphore_mem>>, %arg24: memref<!tpu.dma_semaphore, #tpu.memory_space<semaphore_mem>>, %arg25: memref<!tpu.dma_semaphore, #tpu.memory_space<semaphore_mem>>, %arg26: memref<!tpu.dma_semaphore, #tpu.memory_space<semaphore_mem>>, %arg27: memref<!tpu.dma_semaphore, #tpu.memory_space<semaphore_mem>>, %arg28: memref<!tpu.dma_semaphore, #tpu.memory_space<semaphore_mem>>, %arg29: memref<10112x32xf32, #tpu.memory_space<vmem_shared>>, %arg30: memref<10112x32xf32, #tpu.memory_space<vmem_shared>>) attributes {dimension_semantics = [#tpu.dimension_semantics<core_parallel>, #tpu.dimension_semantics<subcore_parallel>], iteration_bounds = array<i64: 2, 16>, scalar_prefetch = 0 : i64, scratch_operands = 20 : i64, tpu.core_type = #tpu.core_type<sc_vector_subcore>, window_params = [{transform_indices = #map}, {transform_indices = #map}, {transform_indices = #map}, {transform_indices = #map}, {transform_indices = #map}, {transform_indices = #map}, {transform_indices = #map}, {transform_indices = #map}, {transform_indices = #map}]} {
    %mul3A = arith.constant 2 : i32
    %mul3A_0 = arith.muli %arg1, %mul3A : i32
    %add3A = arith.addi %mul3A_0, %arg0 : i32
    %mul3A_1 = arith.constant 632 : i32
    %mul3A_2 = arith.muli %arg1, %mul3A_1 : i32
    "tpu.region"() ({
      %run_scoped3A = tpu.sem_alloc : memref<!tpu.dma_semaphore, #tpu.memory_space<semaphore_mem>>
      %dma_start3A_137 = arith.constant 0 : i32
      %dma_start3A_138 = tpu.memref_slice %arg29[%mul3A_2, %dma_start3A_137] : memref<10112x32xf32, #tpu.memory_space<vmem_shared>> -> memref<632x32xf32, #tpu.memory_space<vmem_shared>>
      %dma_start3A_139 = arith.constant 0 : i32
      %dma_start3A_140 = tpu.memref_slice %arg8[%mul3A_2, %dma_start3A_139] : memref<10112x32xf32, #tpu.memory_space<hbm>> -> memref<632x32xf32, #tpu.memory_space<hbm>>
      tpu.enqueue_dma source(%dma_start3A_140 : memref<632x32xf32, #tpu.memory_space<hbm>>) target(%dma_start3A_138 : memref<632x32xf32, #tpu.memory_space<vmem_shared>>) target_semaphore(%run_scoped3A : memref<!tpu.dma_semaphore, #tpu.memory_space<semaphore_mem>>)
      %dma_wait3A = arith.constant 0 : i32
      %dma_wait3A_141 = tpu.memref_slice %arg29[%mul3A_2, %dma_wait3A] : memref<10112x32xf32, #tpu.memory_space<vmem_shared>> -> memref<632x32xf32, #tpu.memory_space<vmem_shared>>
      %dma_wait3A_142 = arith.constant 0 : i32
      %dma_wait3A_143 = tpu.memref_slice %arg8[%mul3A_2, %dma_wait3A_142] : memref<10112x32xf32, #tpu.memory_space<hbm>> -> memref<632x32xf32, #tpu.memory_space<hbm>>
      tpu.wait_dma2 semaphore(%run_scoped3A : memref<!tpu.dma_semaphore, #tpu.memory_space<semaphore_mem>>) src(%dma_wait3A_143 : memref<632x32xf32, #tpu.memory_space<hbm>>) dst(%dma_wait3A_141 : memref<632x32xf32, #tpu.memory_space<vmem_shared>>)
      tpu.yield
    }) : () -> ()
    "tpu.region"() ({
      %run_scoped3A = tpu.sem_alloc : memref<!tpu.dma_semaphore, #tpu.memory_space<semaphore_mem>>
      %dma_start3A_137 = arith.constant 0 : i32
      %dma_start3A_138 = tpu.memref_slice %arg30[%mul3A_2, %dma_start3A_137] : memref<10112x32xf32, #tpu.memory_space<vmem_shared>> -> memref<632x32xf32, #tpu.memory_space<vmem_shared>>
      %dma_start3A_139 = arith.constant 0 : i32
      %dma_start3A_140 = tpu.memref_slice %arg8[%mul3A_2, %dma_start3A_139] : memref<10112x32xf32, #tpu.memory_space<hbm>> -> memref<632x32xf32, #tpu.memory_space<hbm>>
      tpu.enqueue_dma source(%dma_start3A_140 : memref<632x32xf32, #tpu.memory_space<hbm>>) target(%dma_start3A_138 : memref<632x32xf32, #tpu.memory_space<vmem_shared>>) target_semaphore(%run_scoped3A : memref<!tpu.dma_semaphore, #tpu.memory_space<semaphore_mem>>)
      %dma_wait3A = arith.constant 0 : i32
      %dma_wait3A_141 = tpu.memref_slice %arg30[%mul3A_2, %dma_wait3A] : memref<10112x32xf32, #tpu.memory_space<vmem_shared>> -> memref<632x32xf32, #tpu.memory_space<vmem_shared>>
      %dma_wait3A_142 = arith.constant 0 : i32
      %dma_wait3A_143 = tpu.memref_slice %arg8[%mul3A_2, %dma_wait3A_142] : memref<10112x32xf32, #tpu.memory_space<hbm>> -> memref<632x32xf32, #tpu.memory_space<hbm>>
      tpu.wait_dma2 semaphore(%run_scoped3A : memref<!tpu.dma_semaphore, #tpu.memory_space<semaphore_mem>>) src(%dma_wait3A_143 : memref<632x32xf32, #tpu.memory_space<hbm>>) dst(%dma_wait3A_141 : memref<632x32xf32, #tpu.memory_space<vmem_shared>>)
      tpu.yield
    }) : () -> ()
    %barrier3A = arith.constant 0 : index
    tpu.barrier barrier_id(%barrier3A)
    %mul3A_3 = arith.constant 80 : i32
    %mul3A_4 = arith.muli %add3A, %mul3A_3 : i32
    "tpu.region"() ({
      %run_scoped3A = tpu.sem_alloc : memref<!tpu.dma_semaphore, #tpu.memory_space<semaphore_mem>>
      %dma_start3A_137 = arith.constant 0 : i32
      %dma_start3A_138 = tpu.memref_slice %arg3[%mul3A_4, %dma_start3A_137] : memref<2560x128xi32, #tpu.memory_space<hbm>> -> memref<80x128xi32, #tpu.memory_space<hbm>>
      %dma_start3A_139 = arith.constant 0 : i32
      %dma_start3A_140 = tpu.memref_slice %arg3[%mul3A_4, %dma_start3A_139] : memref<2560x128xi32, #tpu.memory_space<hbm>> -> memref<80x128xi32, #tpu.memory_space<hbm>>
      tpu.enqueue_dma source(%dma_start3A_140 : memref<80x128xi32, #tpu.memory_space<hbm>>) target(%arg11 : memref<80x128xi32, #tpu.memory_space<vmem>>) target_semaphore(%run_scoped3A : memref<!tpu.dma_semaphore, #tpu.memory_space<semaphore_mem>>)
      %dma_wait3A = arith.constant 0 : i32
      %dma_wait3A_141 = tpu.memref_slice %arg3[%mul3A_4, %dma_wait3A] : memref<2560x128xi32, #tpu.memory_space<hbm>> -> memref<80x128xi32, #tpu.memory_space<hbm>>
      %dma_wait3A_142 = arith.constant 0 : i32
      %dma_wait3A_143 = tpu.memref_slice %arg3[%mul3A_4, %dma_wait3A_142] : memref<2560x128xi32, #tpu.memory_space<hbm>> -> memref<80x128xi32, #tpu.memory_space<hbm>>
      tpu.wait_dma2 semaphore(%run_scoped3A : memref<!tpu.dma_semaphore, #tpu.memory_space<semaphore_mem>>) src(%dma_wait3A_143 : memref<80x128xi32, #tpu.memory_space<hbm>>) dst(%arg11 : memref<80x128xi32, #tpu.memory_space<vmem>>)
      tpu.yield
    }) : () -> ()
    %mul3A_5 = arith.constant 80 : i32
    %mul3A_6 = arith.muli %add3A, %mul3A_5 : i32
    "tpu.region"() ({
      %run_scoped3A = tpu.sem_alloc : memref<!tpu.dma_semaphore, #tpu.memory_space<semaphore_mem>>
      %dma_start3A_137 = arith.constant 0 : i32
      %dma_start3A_138 = tpu.memref_slice %arg4[%mul3A_6, %dma_start3A_137] : memref<2560x128xi32, #tpu.memory_space<hbm>> -> memref<80x128xi32, #tpu.memory_space<hbm>>
      %dma_start3A_139 = arith.constant 0 : i32
      %dma_start3A_140 = tpu.memref_slice %arg4[%mul3A_6, %dma_start3A_139] : memref<2560x128xi32, #tpu.memory_space<hbm>> -> memref<80x128xi32, #tpu.memory_space<hbm>>
      tpu.enqueue_dma source(%dma_start3A_140 : memref<80x128xi32, #tpu.memory_space<hbm>>) target(%arg12 : memref<80x128xi32, #tpu.memory_space<vmem>>) target_semaphore(%run_scoped3A : memref<!tpu.dma_semaphore, #tpu.memory_space<semaphore_mem>>)
      %dma_wait3A = arith.constant 0 : i32
      %dma_wait3A_141 = tpu.memref_slice %arg4[%mul3A_6, %dma_wait3A] : memref<2560x128xi32, #tpu.memory_space<hbm>> -> memref<80x128xi32, #tpu.memory_space<hbm>>
      %dma_wait3A_142 = arith.constant 0 : i32
      %dma_wait3A_143 = tpu.memref_slice %arg4[%mul3A_6, %dma_wait3A_142] : memref<2560x128xi32, #tpu.memory_space<hbm>> -> memref<80x128xi32, #tpu.memory_space<hbm>>
      tpu.wait_dma2 semaphore(%run_scoped3A : memref<!tpu.dma_semaphore, #tpu.memory_space<semaphore_mem>>) src(%dma_wait3A_143 : memref<80x128xi32, #tpu.memory_space<hbm>>) dst(%arg12 : memref<80x128xi32, #tpu.memory_space<vmem>>)
      tpu.yield
    }) : () -> ()
    %dma_start3A = arith.constant 0 : i32
    %dma_start3A_7 = arith.constant 0 : i32
    %dma_start3A_8 = tpu.memref_slice %arg11[%dma_start3A, %dma_start3A_7] : memref<80x128xi32, #tpu.memory_space<vmem>> -> memref<1x128xi32, #tpu.memory_space<vmem>>
    %dma_start3A_9 = tpu.memref_squeeze %dma_start3A_8 : memref<1x128xi32, #tpu.memory_space<vmem>> -> memref<128xi32, #tpu.memory_space<vmem>>
    %dma_start3A_10 = arith.constant 0 : i32
    %dma_start3A_11 = arith.constant 0 : i32
    %dma_start3A_12 = tpu.memref_slice %arg2[%dma_start3A_10, %dma_start3A_11] : memref<10112x32xf32, #tpu.memory_space<hbm>> -> memref<10112x32xf32, #tpu.memory_space<hbm>>
    tpu.enqueue_indirect_dma source(%dma_start3A_12 : memref<10112x32xf32, #tpu.memory_space<hbm>>) target(%arg13 : memref<128x32xf32, #tpu.memory_space<vmem>>) offsets(%dma_start3A_9 : memref<128xi32, #tpu.memory_space<vmem>>) semaphore(%arg21 : memref<!tpu.dma_semaphore, #tpu.memory_space<semaphore_mem>>)
    %dma_start3A_13 = arith.constant 1 : i32
    %dma_start3A_14 = arith.constant 0 : i32
    %dma_start3A_15 = tpu.memref_slice %arg11[%dma_start3A_13, %dma_start3A_14] : memref<80x128xi32, #tpu.memory_space<vmem>> -> memref<1x128xi32, #tpu.memory_space<vmem>>
    %dma_start3A_16 = tpu.memref_squeeze %dma_start3A_15 : memref<1x128xi32, #tpu.memory_space<vmem>> -> memref<128xi32, #tpu.memory_space<vmem>>
    %dma_start3A_17 = arith.constant 0 : i32
    %dma_start3A_18 = arith.constant 0 : i32
    %dma_start3A_19 = tpu.memref_slice %arg2[%dma_start3A_17, %dma_start3A_18] : memref<10112x32xf32, #tpu.memory_space<hbm>> -> memref<10112x32xf32, #tpu.memory_space<hbm>>
    tpu.enqueue_indirect_dma source(%dma_start3A_19 : memref<10112x32xf32, #tpu.memory_space<hbm>>) target(%arg14 : memref<128x32xf32, #tpu.memory_space<vmem>>) offsets(%dma_start3A_16 : memref<128xi32, #tpu.memory_space<vmem>>) semaphore(%arg22 : memref<!tpu.dma_semaphore, #tpu.memory_space<semaphore_mem>>)
    %dma_start3A_20 = arith.constant 2 : i32
    %dma_start3A_21 = arith.constant 0 : i32
    %dma_start3A_22 = tpu.memref_slice %arg11[%dma_start3A_20, %dma_start3A_21] : memref<80x128xi32, #tpu.memory_space<vmem>> -> memref<1x128xi32, #tpu.memory_space<vmem>>
    %dma_start3A_23 = tpu.memref_squeeze %dma_start3A_22 : memref<1x128xi32, #tpu.memory_space<vmem>> -> memref<128xi32, #tpu.memory_space<vmem>>
    %dma_start3A_24 = arith.constant 0 : i32
    %dma_start3A_25 = arith.constant 0 : i32
    %dma_start3A_26 = tpu.memref_slice %arg2[%dma_start3A_24, %dma_start3A_25] : memref<10112x32xf32, #tpu.memory_space<hbm>> -> memref<10112x32xf32, #tpu.memory_space<hbm>>
    tpu.enqueue_indirect_dma source(%dma_start3A_26 : memref<10112x32xf32, #tpu.memory_space<hbm>>) target(%arg15 : memref<128x32xf32, #tpu.memory_space<vmem>>) offsets(%dma_start3A_23 : memref<128xi32, #tpu.memory_space<vmem>>) semaphore(%arg23 : memref<!tpu.dma_semaphore, #tpu.memory_space<semaphore_mem>>)
    %dma_start3A_27 = arith.constant 3 : i32
    %dma_start3A_28 = arith.constant 0 : i32
    %dma_start3A_29 = tpu.memref_slice %arg11[%dma_start3A_27, %dma_start3A_28] : memref<80x128xi32, #tpu.memory_space<vmem>> -> memref<1x128xi32, #tpu.memory_space<vmem>>
    %dma_start3A_30 = tpu.memref_squeeze %dma_start3A_29 : memref<1x128xi32, #tpu.memory_space<vmem>> -> memref<128xi32, #tpu.memory_space<vmem>>
    %dma_start3A_31 = arith.constant 0 : i32
    %dma_start3A_32 = arith.constant 0 : i32
    %dma_start3A_33 = tpu.memref_slice %arg2[%dma_start3A_31, %dma_start3A_32] : memref<10112x32xf32, #tpu.memory_space<hbm>> -> memref<10112x32xf32, #tpu.memory_space<hbm>>
    tpu.enqueue_indirect_dma source(%dma_start3A_33 : memref<10112x32xf32, #tpu.memory_space<hbm>>) target(%arg16 : memref<128x32xf32, #tpu.memory_space<vmem>>) offsets(%dma_start3A_30 : memref<128xi32, #tpu.memory_space<vmem>>) semaphore(%arg24 : memref<!tpu.dma_semaphore, #tpu.memory_space<semaphore_mem>>)
    %dma_start3A_34 = arith.constant 4 : i32
    %dma_start3A_35 = arith.constant 0 : i32
    %dma_start3A_36 = tpu.memref_slice %arg11[%dma_start3A_34, %dma_start3A_35] : memref<80x128xi32, #tpu.memory_space<vmem>> -> memref<1x128xi32, #tpu.memory_space<vmem>>
    %dma_start3A_37 = tpu.memref_squeeze %dma_start3A_36 : memref<1x128xi32, #tpu.memory_space<vmem>> -> memref<128xi32, #tpu.memory_space<vmem>>
    %dma_start3A_38 = arith.constant 0 : i32
    %dma_start3A_39 = arith.constant 0 : i32
    %dma_start3A_40 = tpu.memref_slice %arg2[%dma_start3A_38, %dma_start3A_39] : memref<10112x32xf32, #tpu.memory_space<hbm>> -> memref<10112x32xf32, #tpu.memory_space<hbm>>
    tpu.enqueue_indirect_dma source(%dma_start3A_40 : memref<10112x32xf32, #tpu.memory_space<hbm>>) target(%arg17 : memref<128x32xf32, #tpu.memory_space<vmem>>) offsets(%dma_start3A_37 : memref<128xi32, #tpu.memory_space<vmem>>) semaphore(%arg25 : memref<!tpu.dma_semaphore, #tpu.memory_space<semaphore_mem>>)
    %dma_start3A_41 = arith.constant 5 : i32
    %dma_start3A_42 = arith.constant 0 : i32
    %dma_start3A_43 = tpu.memref_slice %arg11[%dma_start3A_41, %dma_start3A_42] : memref<80x128xi32, #tpu.memory_space<vmem>> -> memref<1x128xi32, #tpu.memory_space<vmem>>
    %dma_start3A_44 = tpu.memref_squeeze %dma_start3A_43 : memref<1x128xi32, #tpu.memory_space<vmem>> -> memref<128xi32, #tpu.memory_space<vmem>>
    %dma_start3A_45 = arith.constant 0 : i32
    %dma_start3A_46 = arith.constant 0 : i32
    %dma_start3A_47 = tpu.memref_slice %arg2[%dma_start3A_45, %dma_start3A_46] : memref<10112x32xf32, #tpu.memory_space<hbm>> -> memref<10112x32xf32, #tpu.memory_space<hbm>>
    tpu.enqueue_indirect_dma source(%dma_start3A_47 : memref<10112x32xf32, #tpu.memory_space<hbm>>) target(%arg18 : memref<128x32xf32, #tpu.memory_space<vmem>>) offsets(%dma_start3A_44 : memref<128xi32, #tpu.memory_space<vmem>>) semaphore(%arg26 : memref<!tpu.dma_semaphore, #tpu.memory_space<semaphore_mem>>)
    %dma_start3A_48 = arith.constant 6 : i32
    %dma_start3A_49 = arith.constant 0 : i32
    %dma_start3A_50 = tpu.memref_slice %arg11[%dma_start3A_48, %dma_start3A_49] : memref<80x128xi32, #tpu.memory_space<vmem>> -> memref<1x128xi32, #tpu.memory_space<vmem>>
    %dma_start3A_51 = tpu.memref_squeeze %dma_start3A_50 : memref<1x128xi32, #tpu.memory_space<vmem>> -> memref<128xi32, #tpu.memory_space<vmem>>
    %dma_start3A_52 = arith.constant 0 : i32
    %dma_start3A_53 = arith.constant 0 : i32
    %dma_start3A_54 = tpu.memref_slice %arg2[%dma_start3A_52, %dma_start3A_53] : memref<10112x32xf32, #tpu.memory_space<hbm>> -> memref<10112x32xf32, #tpu.memory_space<hbm>>
    tpu.enqueue_indirect_dma source(%dma_start3A_54 : memref<10112x32xf32, #tpu.memory_space<hbm>>) target(%arg19 : memref<128x32xf32, #tpu.memory_space<vmem>>) offsets(%dma_start3A_51 : memref<128xi32, #tpu.memory_space<vmem>>) semaphore(%arg27 : memref<!tpu.dma_semaphore, #tpu.memory_space<semaphore_mem>>)
    %dma_start3A_55 = arith.constant 7 : i32
    %dma_start3A_56 = arith.constant 0 : i32
    %dma_start3A_57 = tpu.memref_slice %arg11[%dma_start3A_55, %dma_start3A_56] : memref<80x128xi32, #tpu.memory_space<vmem>> -> memref<1x128xi32, #tpu.memory_space<vmem>>
    %dma_start3A_58 = tpu.memref_squeeze %dma_start3A_57 : memref<1x128xi32, #tpu.memory_space<vmem>> -> memref<128xi32, #tpu.memory_space<vmem>>
    %dma_start3A_59 = arith.constant 0 : i32
    %dma_start3A_60 = arith.constant 0 : i32
    %dma_start3A_61 = tpu.memref_slice %arg2[%dma_start3A_59, %dma_start3A_60] : memref<10112x32xf32, #tpu.memory_space<hbm>> -> memref<10112x32xf32, #tpu.memory_space<hbm>>
    tpu.enqueue_indirect_dma source(%dma_start3A_61 : memref<10112x32xf32, #tpu.memory_space<hbm>>) target(%arg20 : memref<128x32xf32, #tpu.memory_space<vmem>>) offsets(%dma_start3A_58 : memref<128xi32, #tpu.memory_space<vmem>>) semaphore(%arg28 : memref<!tpu.dma_semaphore, #tpu.memory_space<semaphore_mem>>)
    %scan3A = arith.constant 0 : i32
    %scan3A_62 = arith.constant 0 : i32
    %scan3A_63 = arith.constant 10 : i32
    %scan3A_64 = arith.addi %scan3A_62, %scan3A_63 : i32
    %scan3A_65 = arith.constant 1 : i32
    scf.for %scan3A_137 = %scan3A_62 to %scan3A_64 step %scan3A_65  : i32 {
      %mul3A_138 = arith.constant 8 : i32
      %mul3A_139 = arith.muli %scan3A_137, %mul3A_138 : i32
      %add3A_140 = arith.constant 0 : i32
      %add3A_141 = arith.addi %mul3A_139, %add3A_140 : i32
      %dma_wait3A = arith.constant 0 : i32
      %dma_wait3A_142 = tpu.memref_slice %arg11[%add3A_141, %dma_wait3A] : memref<80x128xi32, #tpu.memory_space<vmem>> -> memref<1x128xi32, #tpu.memory_space<vmem>>
      %dma_wait3A_143 = tpu.memref_squeeze %dma_wait3A_142 : memref<1x128xi32, #tpu.memory_space<vmem>> -> memref<128xi32, #tpu.memory_space<vmem>>
      %dma_wait3A_144 = arith.constant 0 : i32
      %dma_wait3A_145 = arith.constant 0 : i32
      %dma_wait3A_146 = tpu.memref_slice %arg2[%dma_wait3A_144, %dma_wait3A_145] : memref<10112x32xf32, #tpu.memory_space<hbm>> -> memref<10112x32xf32, #tpu.memory_space<hbm>>
      tpu.wait_indirect_dma semaphore(%arg21 : memref<!tpu.dma_semaphore, #tpu.memory_space<semaphore_mem>>) src(%dma_wait3A_146 : memref<10112x32xf32, #tpu.memory_space<hbm>>) dst(%arg13 : memref<128x32xf32, #tpu.memory_space<vmem>>)
      "tpu.region"() ({
        %run_scoped3A = tpu.sem_alloc : memref<!tpu.dma_semaphore, #tpu.memory_space<semaphore_mem>>
        %dma_start3A_270 = arith.constant 0 : i32
        %dma_start3A_271 = tpu.memref_slice %arg12[%add3A_141, %dma_start3A_270] : memref<80x128xi32, #tpu.memory_space<vmem>> -> memref<1x128xi32, #tpu.memory_space<vmem>>
        %dma_start3A_272 = tpu.memref_squeeze %dma_start3A_271 : memref<1x128xi32, #tpu.memory_space<vmem>> -> memref<128xi32, #tpu.memory_space<vmem>>
        %dma_start3A_273 = arith.constant 0 : i32
        %dma_start3A_274 = arith.constant 0 : i32
        %dma_start3A_275 = tpu.memref_slice %arg29[%dma_start3A_273, %dma_start3A_274] : memref<10112x32xf32, #tpu.memory_space<vmem_shared>> -> memref<10112x32xf32, #tpu.memory_space<vmem_shared>>
        tpu.enqueue_indirect_dma source(%arg13 : memref<128x32xf32, #tpu.memory_space<vmem>>) target(%dma_start3A_275 : memref<10112x32xf32, #tpu.memory_space<vmem_shared>>) offsets(%dma_start3A_272 : memref<128xi32, #tpu.memory_space<vmem>>) semaphore(%run_scoped3A : memref<!tpu.dma_semaphore, #tpu.memory_space<semaphore_mem>>) {add = true}
        %dma_wait3A_276 = arith.constant 0 : i32
        %dma_wait3A_277 = tpu.memref_slice %arg12[%add3A_141, %dma_wait3A_276] : memref<80x128xi32, #tpu.memory_space<vmem>> -> memref<1x128xi32, #tpu.memory_space<vmem>>
        %dma_wait3A_278 = tpu.memref_squeeze %dma_wait3A_277 : memref<1x128xi32, #tpu.memory_space<vmem>> -> memref<128xi32, #tpu.memory_space<vmem>>
        %dma_wait3A_279 = arith.constant 0 : i32
        %dma_wait3A_280 = arith.constant 0 : i32
        %dma_wait3A_281 = tpu.memref_slice %arg29[%dma_wait3A_279, %dma_wait3A_280] : memref<10112x32xf32, #tpu.memory_space<vmem_shared>> -> memref<10112x32xf32, #tpu.memory_space<vmem_shared>>
        tpu.wait_indirect_dma semaphore(%run_scoped3A : memref<!tpu.dma_semaphore, #tpu.memory_space<semaphore_mem>>) src(%arg13 : memref<128x32xf32, #tpu.memory_space<vmem>>) dst(%dma_wait3A_281 : memref<10112x32xf32, #tpu.memory_space<vmem_shared>>)
        tpu.yield
      }) : () -> ()
      %add3A_147 = arith.constant 8 : i32
      %add3A_148 = arith.addi %add3A_141, %add3A_147 : i32
      %lt3A = arith.constant 80 : i32
      %lt3A_149 = arith.cmpi slt, %add3A_148, %lt3A : i32
      %convert_element_type3A = arith.extui %lt3A_149 : i1 to i32
      %cond3A = arith.constant 0 : i32
      %cond3A_150 = arith.cmpi ne, %convert_element_type3A, %cond3A : i32
      scf.if %cond3A_150 {
        %add3A_270 = arith.constant 8 : i32
        %add3A_271 = arith.addi %add3A_141, %add3A_270 : i32
        %dma_start3A_272 = arith.constant 0 : i32
        %dma_start3A_273 = tpu.memref_slice %arg11[%add3A_271, %dma_start3A_272] : memref<80x128xi32, #tpu.memory_space<vmem>> -> memref<1x128xi32, #tpu.memory_space<vmem>>
        %dma_start3A_274 = tpu.memref_squeeze %dma_start3A_273 : memref<1x128xi32, #tpu.memory_space<vmem>> -> memref<128xi32, #tpu.memory_space<vmem>>
        %dma_start3A_275 = arith.constant 0 : i32
        %dma_start3A_276 = arith.constant 0 : i32
        %dma_start3A_277 = tpu.memref_slice %arg2[%dma_start3A_275, %dma_start3A_276] : memref<10112x32xf32, #tpu.memory_space<hbm>> -> memref<10112x32xf32, #tpu.memory_space<hbm>>
        tpu.enqueue_indirect_dma source(%dma_start3A_277 : memref<10112x32xf32, #tpu.memory_space<hbm>>) target(%arg13 : memref<128x32xf32, #tpu.memory_space<vmem>>) offsets(%dma_start3A_274 : memref<128xi32, #tpu.memory_space<vmem>>) semaphore(%arg21 : memref<!tpu.dma_semaphore, #tpu.memory_space<semaphore_mem>>)
      } else {
      }
      %mul3A_151 = arith.constant 8 : i32
      %mul3A_152 = arith.muli %scan3A_137, %mul3A_151 : i32
      %add3A_153 = arith.constant 1 : i32
      %add3A_154 = arith.addi %mul3A_152, %add3A_153 : i32
      %dma_wait3A_155 = arith.constant 0 : i32
      %dma_wait3A_156 = tpu.memref_slice %arg11[%add3A_154, %dma_wait3A_155] : memref<80x128xi32, #tpu.memory_space<vmem>> -> memref<1x128xi32, #tpu.memory_space<vmem>>
      %dma_wait3A_157 = tpu.memref_squeeze %dma_wait3A_156 : memref<1x128xi32, #tpu.memory_space<vmem>> -> memref<128xi32, #tpu.memory_space<vmem>>
      %dma_wait3A_158 = arith.constant 0 : i32
      %dma_wait3A_159 = arith.constant 0 : i32
      %dma_wait3A_160 = tpu.memref_slice %arg2[%dma_wait3A_158, %dma_wait3A_159] : memref<10112x32xf32, #tpu.memory_space<hbm>> -> memref<10112x32xf32, #tpu.memory_space<hbm>>
      tpu.wait_indirect_dma semaphore(%arg22 : memref<!tpu.dma_semaphore, #tpu.memory_space<semaphore_mem>>) src(%dma_wait3A_160 : memref<10112x32xf32, #tpu.memory_space<hbm>>) dst(%arg14 : memref<128x32xf32, #tpu.memory_space<vmem>>)
      "tpu.region"() ({
        %run_scoped3A = tpu.sem_alloc : memref<!tpu.dma_semaphore, #tpu.memory_space<semaphore_mem>>
        %dma_start3A_270 = arith.constant 0 : i32
        %dma_start3A_271 = tpu.memref_slice %arg12[%add3A_154, %dma_start3A_270] : memref<80x128xi32, #tpu.memory_space<vmem>> -> memref<1x128xi32, #tpu.memory_space<vmem>>
        %dma_start3A_272 = tpu.memref_squeeze %dma_start3A_271 : memref<1x128xi32, #tpu.memory_space<vmem>> -> memref<128xi32, #tpu.memory_space<vmem>>
        %dma_start3A_273 = arith.constant 0 : i32
        %dma_start3A_274 = arith.constant 0 : i32
        %dma_start3A_275 = tpu.memref_slice %arg29[%dma_start3A_273, %dma_start3A_274] : memref<10112x32xf32, #tpu.memory_space<vmem_shared>> -> memref<10112x32xf32, #tpu.memory_space<vmem_shared>>
        tpu.enqueue_indirect_dma source(%arg14 : memref<128x32xf32, #tpu.memory_space<vmem>>) target(%dma_start3A_275 : memref<10112x32xf32, #tpu.memory_space<vmem_shared>>) offsets(%dma_start3A_272 : memref<128xi32, #tpu.memory_space<vmem>>) semaphore(%run_scoped3A : memref<!tpu.dma_semaphore, #tpu.memory_space<semaphore_mem>>) {add = true}
        %dma_wait3A_276 = arith.constant 0 : i32
        %dma_wait3A_277 = tpu.memref_slice %arg12[%add3A_154, %dma_wait3A_276] : memref<80x128xi32, #tpu.memory_space<vmem>> -> memref<1x128xi32, #tpu.memory_space<vmem>>
        %dma_wait3A_278 = tpu.memref_squeeze %dma_wait3A_277 : memref<1x128xi32, #tpu.memory_space<vmem>> -> memref<128xi32, #tpu.memory_space<vmem>>
        %dma_wait3A_279 = arith.constant 0 : i32
        %dma_wait3A_280 = arith.constant 0 : i32
        %dma_wait3A_281 = tpu.memref_slice %arg29[%dma_wait3A_279, %dma_wait3A_280] : memref<10112x32xf32, #tpu.memory_space<vmem_shared>> -> memref<10112x32xf32, #tpu.memory_space<vmem_shared>>
        tpu.wait_indirect_dma semaphore(%run_scoped3A : memref<!tpu.dma_semaphore, #tpu.memory_space<semaphore_mem>>) src(%arg14 : memref<128x32xf32, #tpu.memory_space<vmem>>) dst(%dma_wait3A_281 : memref<10112x32xf32, #tpu.memory_space<vmem_shared>>)
        tpu.yield
      }) : () -> ()
      %add3A_161 = arith.constant 8 : i32
      %add3A_162 = arith.addi %add3A_154, %add3A_161 : i32
      %lt3A_163 = arith.constant 80 : i32
      %lt3A_164 = arith.cmpi slt, %add3A_162, %lt3A_163 : i32
      %convert_element_type3A_165 = arith.extui %lt3A_164 : i1 to i32
      %cond3A_166 = arith.constant 0 : i32
      %cond3A_167 = arith.cmpi ne, %convert_element_type3A_165, %cond3A_166 : i32
      scf.if %cond3A_167 {
        %add3A_270 = arith.constant 8 : i32
        %add3A_271 = arith.addi %add3A_154, %add3A_270 : i32
        %dma_start3A_272 = arith.constant 0 : i32
        %dma_start3A_273 = tpu.memref_slice %arg11[%add3A_271, %dma_start3A_272] : memref<80x128xi32, #tpu.memory_space<vmem>> -> memref<1x128xi32, #tpu.memory_space<vmem>>
        %dma_start3A_274 = tpu.memref_squeeze %dma_start3A_273 : memref<1x128xi32, #tpu.memory_space<vmem>> -> memref<128xi32, #tpu.memory_space<vmem>>
        %dma_start3A_275 = arith.constant 0 : i32
        %dma_start3A_276 = arith.constant 0 : i32
        %dma_start3A_277 = tpu.memref_slice %arg2[%dma_start3A_275, %dma_start3A_276] : memref<10112x32xf32, #tpu.memory_space<hbm>> -> memref<10112x32xf32, #tpu.memory_space<hbm>>
        tpu.enqueue_indirect_dma source(%dma_start3A_277 : memref<10112x32xf32, #tpu.memory_space<hbm>>) target(%arg14 : memref<128x32xf32, #tpu.memory_space<vmem>>) offsets(%dma_start3A_274 : memref<128xi32, #tpu.memory_space<vmem>>) semaphore(%arg22 : memref<!tpu.dma_semaphore, #tpu.memory_space<semaphore_mem>>)
      } else {
      }
      %mul3A_168 = arith.constant 8 : i32
      %mul3A_169 = arith.muli %scan3A_137, %mul3A_168 : i32
      %add3A_170 = arith.constant 2 : i32
      %add3A_171 = arith.addi %mul3A_169, %add3A_170 : i32
      %dma_wait3A_172 = arith.constant 0 : i32
      %dma_wait3A_173 = tpu.memref_slice %arg11[%add3A_171, %dma_wait3A_172] : memref<80x128xi32, #tpu.memory_space<vmem>> -> memref<1x128xi32, #tpu.memory_space<vmem>>
      %dma_wait3A_174 = tpu.memref_squeeze %dma_wait3A_173 : memref<1x128xi32, #tpu.memory_space<vmem>> -> memref<128xi32, #tpu.memory_space<vmem>>
      %dma_wait3A_175 = arith.constant 0 : i32
      %dma_wait3A_176 = arith.constant 0 : i32
      %dma_wait3A_177 = tpu.memref_slice %arg2[%dma_wait3A_175, %dma_wait3A_176] : memref<10112x32xf32, #tpu.memory_space<hbm>> -> memref<10112x32xf32, #tpu.memory_space<hbm>>
      tpu.wait_indirect_dma semaphore(%arg23 : memref<!tpu.dma_semaphore, #tpu.memory_space<semaphore_mem>>) src(%dma_wait3A_177 : memref<10112x32xf32, #tpu.memory_space<hbm>>) dst(%arg15 : memref<128x32xf32, #tpu.memory_space<vmem>>)
      "tpu.region"() ({
        %run_scoped3A = tpu.sem_alloc : memref<!tpu.dma_semaphore, #tpu.memory_space<semaphore_mem>>
        %dma_start3A_270 = arith.constant 0 : i32
        %dma_start3A_271 = tpu.memref_slice %arg12[%add3A_171, %dma_start3A_270] : memref<80x128xi32, #tpu.memory_space<vmem>> -> memref<1x128xi32, #tpu.memory_space<vmem>>
        %dma_start3A_272 = tpu.memref_squeeze %dma_start3A_271 : memref<1x128xi32, #tpu.memory_space<vmem>> -> memref<128xi32, #tpu.memory_space<vmem>>
        %dma_start3A_273 = arith.constant 0 : i32
        %dma_start3A_274 = arith.constant 0 : i32
        %dma_start3A_275 = tpu.memref_slice %arg29[%dma_start3A_273, %dma_start3A_274] : memref<10112x32xf32, #tpu.memory_space<vmem_shared>> -> memref<10112x32xf32, #tpu.memory_space<vmem_shared>>
        tpu.enqueue_indirect_dma source(%arg15 : memref<128x32xf32, #tpu.memory_space<vmem>>) target(%dma_start3A_275 : memref<10112x32xf32, #tpu.memory_space<vmem_shared>>) offsets(%dma_start3A_272 : memref<128xi32, #tpu.memory_space<vmem>>) semaphore(%run_scoped3A : memref<!tpu.dma_semaphore, #tpu.memory_space<semaphore_mem>>) {add = true}
        %dma_wait3A_276 = arith.constant 0 : i32
        %dma_wait3A_277 = tpu.memref_slice %arg12[%add3A_171, %dma_wait3A_276] : memref<80x128xi32, #tpu.memory_space<vmem>> -> memref<1x128xi32, #tpu.memory_space<vmem>>
        %dma_wait3A_278 = tpu.memref_squeeze %dma_wait3A_277 : memref<1x128xi32, #tpu.memory_space<vmem>> -> memref<128xi32, #tpu.memory_space<vmem>>
        %dma_wait3A_279 = arith.constant 0 : i32
        %dma_wait3A_280 = arith.constant 0 : i32
        %dma_wait3A_281 = tpu.memref_slice %arg29[%dma_wait3A_279, %dma_wait3A_280] : memref<10112x32xf32, #tpu.memory_space<vmem_shared>> -> memref<10112x32xf32, #tpu.memory_space<vmem_shared>>
        tpu.wait_indirect_dma semaphore(%run_scoped3A : memref<!tpu.dma_semaphore, #tpu.memory_space<semaphore_mem>>) src(%arg15 : memref<128x32xf32, #tpu.memory_space<vmem>>) dst(%dma_wait3A_281 : memref<10112x32xf32, #tpu.memory_space<vmem_shared>>)
        tpu.yield
      }) : () -> ()
      %add3A_178 = arith.constant 8 : i32
      %add3A_179 = arith.addi %add3A_171, %add3A_178 : i32
      %lt3A_180 = arith.constant 80 : i32
      %lt3A_181 = arith.cmpi slt, %add3A_179, %lt3A_180 : i32
      %convert_element_type3A_182 = arith.extui %lt3A_181 : i1 to i32
      %cond3A_183 = arith.constant 0 : i32
      %cond3A_184 = arith.cmpi ne, %convert_element_type3A_182, %cond3A_183 : i32
      scf.if %cond3A_184 {
        %add3A_270 = arith.constant 8 : i32
        %add3A_271 = arith.addi %add3A_171, %add3A_270 : i32
        %dma_start3A_272 = arith.constant 0 : i32
        %dma_start3A_273 = tpu.memref_slice %arg11[%add3A_271, %dma_start3A_272] : memref<80x128xi32, #tpu.memory_space<vmem>> -> memref<1x128xi32, #tpu.memory_space<vmem>>
        %dma_start3A_274 = tpu.memref_squeeze %dma_start3A_273 : memref<1x128xi32, #tpu.memory_space<vmem>> -> memref<128xi32, #tpu.memory_space<vmem>>
        %dma_start3A_275 = arith.constant 0 : i32
        %dma_start3A_276 = arith.constant 0 : i32
        %dma_start3A_277 = tpu.memref_slice %arg2[%dma_start3A_275, %dma_start3A_276] : memref<10112x32xf32, #tpu.memory_space<hbm>> -> memref<10112x32xf32, #tpu.memory_space<hbm>>
        tpu.enqueue_indirect_dma source(%dma_start3A_277 : memref<10112x32xf32, #tpu.memory_space<hbm>>) target(%arg15 : memref<128x32xf32, #tpu.memory_space<vmem>>) offsets(%dma_start3A_274 : memref<128xi32, #tpu.memory_space<vmem>>) semaphore(%arg23 : memref<!tpu.dma_semaphore, #tpu.memory_space<semaphore_mem>>)
      } else {
      }
      %mul3A_185 = arith.constant 8 : i32
      %mul3A_186 = arith.muli %scan3A_137, %mul3A_185 : i32
      %add3A_187 = arith.constant 3 : i32
      %add3A_188 = arith.addi %mul3A_186, %add3A_187 : i32
      %dma_wait3A_189 = arith.constant 0 : i32
      %dma_wait3A_190 = tpu.memref_slice %arg11[%add3A_188, %dma_wait3A_189] : memref<80x128xi32, #tpu.memory_space<vmem>> -> memref<1x128xi32, #tpu.memory_space<vmem>>
      %dma_wait3A_191 = tpu.memref_squeeze %dma_wait3A_190 : memref<1x128xi32, #tpu.memory_space<vmem>> -> memref<128xi32, #tpu.memory_space<vmem>>
      %dma_wait3A_192 = arith.constant 0 : i32
      %dma_wait3A_193 = arith.constant 0 : i32
      %dma_wait3A_194 = tpu.memref_slice %arg2[%dma_wait3A_192, %dma_wait3A_193] : memref<10112x32xf32, #tpu.memory_space<hbm>> -> memref<10112x32xf32, #tpu.memory_space<hbm>>
      tpu.wait_indirect_dma semaphore(%arg24 : memref<!tpu.dma_semaphore, #tpu.memory_space<semaphore_mem>>) src(%dma_wait3A_194 : memref<10112x32xf32, #tpu.memory_space<hbm>>) dst(%arg16 : memref<128x32xf32, #tpu.memory_space<vmem>>)
      "tpu.region"() ({
        %run_scoped3A = tpu.sem_alloc : memref<!tpu.dma_semaphore, #tpu.memory_space<semaphore_mem>>
        %dma_start3A_270 = arith.constant 0 : i32
        %dma_start3A_271 = tpu.memref_slice %arg12[%add3A_188, %dma_start3A_270] : memref<80x128xi32, #tpu.memory_space<vmem>> -> memref<1x128xi32, #tpu.memory_space<vmem>>
        %dma_start3A_272 = tpu.memref_squeeze %dma_start3A_271 : memref<1x128xi32, #tpu.memory_space<vmem>> -> memref<128xi32, #tpu.memory_space<vmem>>
        %dma_start3A_273 = arith.constant 0 : i32
        %dma_start3A_274 = arith.constant 0 : i32
        %dma_start3A_275 = tpu.memref_slice %arg29[%dma_start3A_273, %dma_start3A_274] : memref<10112x32xf32, #tpu.memory_space<vmem_shared>> -> memref<10112x32xf32, #tpu.memory_space<vmem_shared>>
        tpu.enqueue_indirect_dma source(%arg16 : memref<128x32xf32, #tpu.memory_space<vmem>>) target(%dma_start3A_275 : memref<10112x32xf32, #tpu.memory_space<vmem_shared>>) offsets(%dma_start3A_272 : memref<128xi32, #tpu.memory_space<vmem>>) semaphore(%run_scoped3A : memref<!tpu.dma_semaphore, #tpu.memory_space<semaphore_mem>>) {add = true}
        %dma_wait3A_276 = arith.constant 0 : i32
        %dma_wait3A_277 = tpu.memref_slice %arg12[%add3A_188, %dma_wait3A_276] : memref<80x128xi32, #tpu.memory_space<vmem>> -> memref<1x128xi32, #tpu.memory_space<vmem>>
        %dma_wait3A_278 = tpu.memref_squeeze %dma_wait3A_277 : memref<1x128xi32, #tpu.memory_space<vmem>> -> memref<128xi32, #tpu.memory_space<vmem>>
        %dma_wait3A_279 = arith.constant 0 : i32
        %dma_wait3A_280 = arith.constant 0 : i32
        %dma_wait3A_281 = tpu.memref_slice %arg29[%dma_wait3A_279, %dma_wait3A_280] : memref<10112x32xf32, #tpu.memory_space<vmem_shared>> -> memref<10112x32xf32, #tpu.memory_space<vmem_shared>>
        tpu.wait_indirect_dma semaphore(%run_scoped3A : memref<!tpu.dma_semaphore, #tpu.memory_space<semaphore_mem>>) src(%arg16 : memref<128x32xf32, #tpu.memory_space<vmem>>) dst(%dma_wait3A_281 : memref<10112x32xf32, #tpu.memory_space<vmem_shared>>)
        tpu.yield
      }) : () -> ()
      %add3A_195 = arith.constant 8 : i32
      %add3A_196 = arith.addi %add3A_188, %add3A_195 : i32
      %lt3A_197 = arith.constant 80 : i32
      %lt3A_198 = arith.cmpi slt, %add3A_196, %lt3A_197 : i32
      %convert_element_type3A_199 = arith.extui %lt3A_198 : i1 to i32
      %cond3A_200 = arith.constant 0 : i32
      %cond3A_201 = arith.cmpi ne, %convert_element_type3A_199, %cond3A_200 : i32
      scf.if %cond3A_201 {
        %add3A_270 = arith.constant 8 : i32
        %add3A_271 = arith.addi %add3A_188, %add3A_270 : i32
        %dma_start3A_272 = arith.constant 0 : i32
        %dma_start3A_273 = tpu.memref_slice %arg11[%add3A_271, %dma_start3A_272] : memref<80x128xi32, #tpu.memory_space<vmem>> -> memref<1x128xi32, #tpu.memory_space<vmem>>
        %dma_start3A_274 = tpu.memref_squeeze %dma_start3A_273 : memref<1x128xi32, #tpu.memory_space<vmem>> -> memref<128xi32, #tpu.memory_space<vmem>>
        %dma_start3A_275 = arith.constant 0 : i32
        %dma_start3A_276 = arith.constant 0 : i32
        %dma_start3A_277 = tpu.memref_slice %arg2[%dma_start3A_275, %dma_start3A_276] : memref<10112x32xf32, #tpu.memory_space<hbm>> -> memref<10112x32xf32, #tpu.memory_space<hbm>>
        tpu.enqueue_indirect_dma source(%dma_start3A_277 : memref<10112x32xf32, #tpu.memory_space<hbm>>) target(%arg16 : memref<128x32xf32, #tpu.memory_space<vmem>>) offsets(%dma_start3A_274 : memref<128xi32, #tpu.memory_space<vmem>>) semaphore(%arg24 : memref<!tpu.dma_semaphore, #tpu.memory_space<semaphore_mem>>)
      } else {
      }
      %mul3A_202 = arith.constant 8 : i32
      %mul3A_203 = arith.muli %scan3A_137, %mul3A_202 : i32
      %add3A_204 = arith.constant 4 : i32
      %add3A_205 = arith.addi %mul3A_203, %add3A_204 : i32
      %dma_wait3A_206 = arith.constant 0 : i32
      %dma_wait3A_207 = tpu.memref_slice %arg11[%add3A_205, %dma_wait3A_206] : memref<80x128xi32, #tpu.memory_space<vmem>> -> memref<1x128xi32, #tpu.memory_space<vmem>>
      %dma_wait3A_208 = tpu.memref_squeeze %dma_wait3A_207 : memref<1x128xi32, #tpu.memory_space<vmem>> -> memref<128xi32, #tpu.memory_space<vmem>>
      %dma_wait3A_209 = arith.constant 0 : i32
      %dma_wait3A_210 = arith.constant 0 : i32
      %dma_wait3A_211 = tpu.memref_slice %arg2[%dma_wait3A_209, %dma_wait3A_210] : memref<10112x32xf32, #tpu.memory_space<hbm>> -> memref<10112x32xf32, #tpu.memory_space<hbm>>
      tpu.wait_indirect_dma semaphore(%arg25 : memref<!tpu.dma_semaphore, #tpu.memory_space<semaphore_mem>>) src(%dma_wait3A_211 : memref<10112x32xf32, #tpu.memory_space<hbm>>) dst(%arg17 : memref<128x32xf32, #tpu.memory_space<vmem>>)
      "tpu.region"() ({
        %run_scoped3A = tpu.sem_alloc : memref<!tpu.dma_semaphore, #tpu.memory_space<semaphore_mem>>
        %dma_start3A_270 = arith.constant 0 : i32
        %dma_start3A_271 = tpu.memref_slice %arg12[%add3A_205, %dma_start3A_270] : memref<80x128xi32, #tpu.memory_space<vmem>> -> memref<1x128xi32, #tpu.memory_space<vmem>>
        %dma_start3A_272 = tpu.memref_squeeze %dma_start3A_271 : memref<1x128xi32, #tpu.memory_space<vmem>> -> memref<128xi32, #tpu.memory_space<vmem>>
        %dma_start3A_273 = arith.constant 0 : i32
        %dma_start3A_274 = arith.constant 0 : i32
        %dma_start3A_275 = tpu.memref_slice %arg29[%dma_start3A_273, %dma_start3A_274] : memref<10112x32xf32, #tpu.memory_space<vmem_shared>> -> memref<10112x32xf32, #tpu.memory_space<vmem_shared>>
        tpu.enqueue_indirect_dma source(%arg17 : memref<128x32xf32, #tpu.memory_space<vmem>>) target(%dma_start3A_275 : memref<10112x32xf32, #tpu.memory_space<vmem_shared>>) offsets(%dma_start3A_272 : memref<128xi32, #tpu.memory_space<vmem>>) semaphore(%run_scoped3A : memref<!tpu.dma_semaphore, #tpu.memory_space<semaphore_mem>>) {add = true}
        %dma_wait3A_276 = arith.constant 0 : i32
        %dma_wait3A_277 = tpu.memref_slice %arg12[%add3A_205, %dma_wait3A_276] : memref<80x128xi32, #tpu.memory_space<vmem>> -> memref<1x128xi32, #tpu.memory_space<vmem>>
        %dma_wait3A_278 = tpu.memref_squeeze %dma_wait3A_277 : memref<1x128xi32, #tpu.memory_space<vmem>> -> memref<128xi32, #tpu.memory_space<vmem>>
        %dma_wait3A_279 = arith.constant 0 : i32
        %dma_wait3A_280 = arith.constant 0 : i32
        %dma_wait3A_281 = tpu.memref_slice %arg29[%dma_wait3A_279, %dma_wait3A_280] : memref<10112x32xf32, #tpu.memory_space<vmem_shared>> -> memref<10112x32xf32, #tpu.memory_space<vmem_shared>>
        tpu.wait_indirect_dma semaphore(%run_scoped3A : memref<!tpu.dma_semaphore, #tpu.memory_space<semaphore_mem>>) src(%arg17 : memref<128x32xf32, #tpu.memory_space<vmem>>) dst(%dma_wait3A_281 : memref<10112x32xf32, #tpu.memory_space<vmem_shared>>)
        tpu.yield
      }) : () -> ()
      %add3A_212 = arith.constant 8 : i32
      %add3A_213 = arith.addi %add3A_205, %add3A_212 : i32
      %lt3A_214 = arith.constant 80 : i32
      %lt3A_215 = arith.cmpi slt, %add3A_213, %lt3A_214 : i32
      %convert_element_type3A_216 = arith.extui %lt3A_215 : i1 to i32
      %cond3A_217 = arith.constant 0 : i32
      %cond3A_218 = arith.cmpi ne, %convert_element_type3A_216, %cond3A_217 : i32
      scf.if %cond3A_218 {
        %add3A_270 = arith.constant 8 : i32
        %add3A_271 = arith.addi %add3A_205, %add3A_270 : i32
        %dma_start3A_272 = arith.constant 0 : i32
        %dma_start3A_273 = tpu.memref_slice %arg11[%add3A_271, %dma_start3A_272] : memref<80x128xi32, #tpu.memory_space<vmem>> -> memref<1x128xi32, #tpu.memory_space<vmem>>
        %dma_start3A_274 = tpu.memref_squeeze %dma_start3A_273 : memref<1x128xi32, #tpu.memory_space<vmem>> -> memref<128xi32, #tpu.memory_space<vmem>>
        %dma_start3A_275 = arith.constant 0 : i32
        %dma_start3A_276 = arith.constant 0 : i32
        %dma_start3A_277 = tpu.memref_slice %arg2[%dma_start3A_275, %dma_start3A_276] : memref<10112x32xf32, #tpu.memory_space<hbm>> -> memref<10112x32xf32, #tpu.memory_space<hbm>>
        tpu.enqueue_indirect_dma source(%dma_start3A_277 : memref<10112x32xf32, #tpu.memory_space<hbm>>) target(%arg17 : memref<128x32xf32, #tpu.memory_space<vmem>>) offsets(%dma_start3A_274 : memref<128xi32, #tpu.memory_space<vmem>>) semaphore(%arg25 : memref<!tpu.dma_semaphore, #tpu.memory_space<semaphore_mem>>)
      } else {
      }
      %mul3A_219 = arith.constant 8 : i32
      %mul3A_220 = arith.muli %scan3A_137, %mul3A_219 : i32
      %add3A_221 = arith.constant 5 : i32
      %add3A_222 = arith.addi %mul3A_220, %add3A_221 : i32
      %dma_wait3A_223 = arith.constant 0 : i32
      %dma_wait3A_224 = tpu.memref_slice %arg11[%add3A_222, %dma_wait3A_223] : memref<80x128xi32, #tpu.memory_space<vmem>> -> memref<1x128xi32, #tpu.memory_space<vmem>>
      %dma_wait3A_225 = tpu.memref_squeeze %dma_wait3A_224 : memref<1x128xi32, #tpu.memory_space<vmem>> -> memref<128xi32, #tpu.memory_space<vmem>>
      %dma_wait3A_226 = arith.constant 0 : i32
      %dma_wait3A_227 = arith.constant 0 : i32
      %dma_wait3A_228 = tpu.memref_slice %arg2[%dma_wait3A_226, %dma_wait3A_227] : memref<10112x32xf32, #tpu.memory_space<hbm>> -> memref<10112x32xf32, #tpu.memory_space<hbm>>
      tpu.wait_indirect_dma semaphore(%arg26 : memref<!tpu.dma_semaphore, #tpu.memory_space<semaphore_mem>>) src(%dma_wait3A_228 : memref<10112x32xf32, #tpu.memory_space<hbm>>) dst(%arg18 : memref<128x32xf32, #tpu.memory_space<vmem>>)
      "tpu.region"() ({
        %run_scoped3A = tpu.sem_alloc : memref<!tpu.dma_semaphore, #tpu.memory_space<semaphore_mem>>
        %dma_start3A_270 = arith.constant 0 : i32
        %dma_start3A_271 = tpu.memref_slice %arg12[%add3A_222, %dma_start3A_270] : memref<80x128xi32, #tpu.memory_space<vmem>> -> memref<1x128xi32, #tpu.memory_space<vmem>>
        %dma_start3A_272 = tpu.memref_squeeze %dma_start3A_271 : memref<1x128xi32, #tpu.memory_space<vmem>> -> memref<128xi32, #tpu.memory_space<vmem>>
        %dma_start3A_273 = arith.constant 0 : i32
        %dma_start3A_274 = arith.constant 0 : i32
        %dma_start3A_275 = tpu.memref_slice %arg29[%dma_start3A_273, %dma_start3A_274] : memref<10112x32xf32, #tpu.memory_space<vmem_shared>> -> memref<10112x32xf32, #tpu.memory_space<vmem_shared>>
        tpu.enqueue_indirect_dma source(%arg18 : memref<128x32xf32, #tpu.memory_space<vmem>>) target(%dma_start3A_275 : memref<10112x32xf32, #tpu.memory_space<vmem_shared>>) offsets(%dma_start3A_272 : memref<128xi32, #tpu.memory_space<vmem>>) semaphore(%run_scoped3A : memref<!tpu.dma_semaphore, #tpu.memory_space<semaphore_mem>>) {add = true}
        %dma_wait3A_276 = arith.constant 0 : i32
        %dma_wait3A_277 = tpu.memref_slice %arg12[%add3A_222, %dma_wait3A_276] : memref<80x128xi32, #tpu.memory_space<vmem>> -> memref<1x128xi32, #tpu.memory_space<vmem>>
        %dma_wait3A_278 = tpu.memref_squeeze %dma_wait3A_277 : memref<1x128xi32, #tpu.memory_space<vmem>> -> memref<128xi32, #tpu.memory_space<vmem>>
        %dma_wait3A_279 = arith.constant 0 : i32
        %dma_wait3A_280 = arith.constant 0 : i32
        %dma_wait3A_281 = tpu.memref_slice %arg29[%dma_wait3A_279, %dma_wait3A_280] : memref<10112x32xf32, #tpu.memory_space<vmem_shared>> -> memref<10112x32xf32, #tpu.memory_space<vmem_shared>>
        tpu.wait_indirect_dma semaphore(%run_scoped3A : memref<!tpu.dma_semaphore, #tpu.memory_space<semaphore_mem>>) src(%arg18 : memref<128x32xf32, #tpu.memory_space<vmem>>) dst(%dma_wait3A_281 : memref<10112x32xf32, #tpu.memory_space<vmem_shared>>)
        tpu.yield
      }) : () -> ()
      %add3A_229 = arith.constant 8 : i32
      %add3A_230 = arith.addi %add3A_222, %add3A_229 : i32
      %lt3A_231 = arith.constant 80 : i32
      %lt3A_232 = arith.cmpi slt, %add3A_230, %lt3A_231 : i32
      %convert_element_type3A_233 = arith.extui %lt3A_232 : i1 to i32
      %cond3A_234 = arith.constant 0 : i32
      %cond3A_235 = arith.cmpi ne, %convert_element_type3A_233, %cond3A_234 : i32
      scf.if %cond3A_235 {
        %add3A_270 = arith.constant 8 : i32
        %add3A_271 = arith.addi %add3A_222, %add3A_270 : i32
        %dma_start3A_272 = arith.constant 0 : i32
        %dma_start3A_273 = tpu.memref_slice %arg11[%add3A_271, %dma_start3A_272] : memref<80x128xi32, #tpu.memory_space<vmem>> -> memref<1x128xi32, #tpu.memory_space<vmem>>
        %dma_start3A_274 = tpu.memref_squeeze %dma_start3A_273 : memref<1x128xi32, #tpu.memory_space<vmem>> -> memref<128xi32, #tpu.memory_space<vmem>>
        %dma_start3A_275 = arith.constant 0 : i32
        %dma_start3A_276 = arith.constant 0 : i32
        %dma_start3A_277 = tpu.memref_slice %arg2[%dma_start3A_275, %dma_start3A_276] : memref<10112x32xf32, #tpu.memory_space<hbm>> -> memref<10112x32xf32, #tpu.memory_space<hbm>>
        tpu.enqueue_indirect_dma source(%dma_start3A_277 : memref<10112x32xf32, #tpu.memory_space<hbm>>) target(%arg18 : memref<128x32xf32, #tpu.memory_space<vmem>>) offsets(%dma_start3A_274 : memref<128xi32, #tpu.memory_space<vmem>>) semaphore(%arg26 : memref<!tpu.dma_semaphore, #tpu.memory_space<semaphore_mem>>)
      } else {
      }
      %mul3A_236 = arith.constant 8 : i32
      %mul3A_237 = arith.muli %scan3A_137, %mul3A_236 : i32
      %add3A_238 = arith.constant 6 : i32
      %add3A_239 = arith.addi %mul3A_237, %add3A_238 : i32
      %dma_wait3A_240 = arith.constant 0 : i32
      %dma_wait3A_241 = tpu.memref_slice %arg11[%add3A_239, %dma_wait3A_240] : memref<80x128xi32, #tpu.memory_space<vmem>> -> memref<1x128xi32, #tpu.memory_space<vmem>>
      %dma_wait3A_242 = tpu.memref_squeeze %dma_wait3A_241 : memref<1x128xi32, #tpu.memory_space<vmem>> -> memref<128xi32, #tpu.memory_space<vmem>>
      %dma_wait3A_243 = arith.constant 0 : i32
      %dma_wait3A_244 = arith.constant 0 : i32
      %dma_wait3A_245 = tpu.memref_slice %arg2[%dma_wait3A_243, %dma_wait3A_244] : memref<10112x32xf32, #tpu.memory_space<hbm>> -> memref<10112x32xf32, #tpu.memory_space<hbm>>
      tpu.wait_indirect_dma semaphore(%arg27 : memref<!tpu.dma_semaphore, #tpu.memory_space<semaphore_mem>>) src(%dma_wait3A_245 : memref<10112x32xf32, #tpu.memory_space<hbm>>) dst(%arg19 : memref<128x32xf32, #tpu.memory_space<vmem>>)
      "tpu.region"() ({
        %run_scoped3A = tpu.sem_alloc : memref<!tpu.dma_semaphore, #tpu.memory_space<semaphore_mem>>
        %dma_start3A_270 = arith.constant 0 : i32
        %dma_start3A_271 = tpu.memref_slice %arg12[%add3A_239, %dma_start3A_270] : memref<80x128xi32, #tpu.memory_space<vmem>> -> memref<1x128xi32, #tpu.memory_space<vmem>>
        %dma_start3A_272 = tpu.memref_squeeze %dma_start3A_271 : memref<1x128xi32, #tpu.memory_space<vmem>> -> memref<128xi32, #tpu.memory_space<vmem>>
        %dma_start3A_273 = arith.constant 0 : i32
        %dma_start3A_274 = arith.constant 0 : i32
        %dma_start3A_275 = tpu.memref_slice %arg29[%dma_start3A_273, %dma_start3A_274] : memref<10112x32xf32, #tpu.memory_space<vmem_shared>> -> memref<10112x32xf32, #tpu.memory_space<vmem_shared>>
        tpu.enqueue_indirect_dma source(%arg19 : memref<128x32xf32, #tpu.memory_space<vmem>>) target(%dma_start3A_275 : memref<10112x32xf32, #tpu.memory_space<vmem_shared>>) offsets(%dma_start3A_272 : memref<128xi32, #tpu.memory_space<vmem>>) semaphore(%run_scoped3A : memref<!tpu.dma_semaphore, #tpu.memory_space<semaphore_mem>>) {add = true}
        %dma_wait3A_276 = arith.constant 0 : i32
        %dma_wait3A_277 = tpu.memref_slice %arg12[%add3A_239, %dma_wait3A_276] : memref<80x128xi32, #tpu.memory_space<vmem>> -> memref<1x128xi32, #tpu.memory_space<vmem>>
        %dma_wait3A_278 = tpu.memref_squeeze %dma_wait3A_277 : memref<1x128xi32, #tpu.memory_space<vmem>> -> memref<128xi32, #tpu.memory_space<vmem>>
        %dma_wait3A_279 = arith.constant 0 : i32
        %dma_wait3A_280 = arith.constant 0 : i32
        %dma_wait3A_281 = tpu.memref_slice %arg29[%dma_wait3A_279, %dma_wait3A_280] : memref<10112x32xf32, #tpu.memory_space<vmem_shared>> -> memref<10112x32xf32, #tpu.memory_space<vmem_shared>>
        tpu.wait_indirect_dma semaphore(%run_scoped3A : memref<!tpu.dma_semaphore, #tpu.memory_space<semaphore_mem>>) src(%arg19 : memref<128x32xf32, #tpu.memory_space<vmem>>) dst(%dma_wait3A_281 : memref<10112x32xf32, #tpu.memory_space<vmem_shared>>)
        tpu.yield
      }) : () -> ()
      %add3A_246 = arith.constant 8 : i32
      %add3A_247 = arith.addi %add3A_239, %add3A_246 : i32
      %lt3A_248 = arith.constant 80 : i32
      %lt3A_249 = arith.cmpi slt, %add3A_247, %lt3A_248 : i32
      %convert_element_type3A_250 = arith.extui %lt3A_249 : i1 to i32
      %cond3A_251 = arith.constant 0 : i32
      %cond3A_252 = arith.cmpi ne, %convert_element_type3A_250, %cond3A_251 : i32
      scf.if %cond3A_252 {
        %add3A_270 = arith.constant 8 : i32
        %add3A_271 = arith.addi %add3A_239, %add3A_270 : i32
        %dma_start3A_272 = arith.constant 0 : i32
        %dma_start3A_273 = tpu.memref_slice %arg11[%add3A_271, %dma_start3A_272] : memref<80x128xi32, #tpu.memory_space<vmem>> -> memref<1x128xi32, #tpu.memory_space<vmem>>
        %dma_start3A_274 = tpu.memref_squeeze %dma_start3A_273 : memref<1x128xi32, #tpu.memory_space<vmem>> -> memref<128xi32, #tpu.memory_space<vmem>>
        %dma_start3A_275 = arith.constant 0 : i32
        %dma_start3A_276 = arith.constant 0 : i32
        %dma_start3A_277 = tpu.memref_slice %arg2[%dma_start3A_275, %dma_start3A_276] : memref<10112x32xf32, #tpu.memory_space<hbm>> -> memref<10112x32xf32, #tpu.memory_space<hbm>>
        tpu.enqueue_indirect_dma source(%dma_start3A_277 : memref<10112x32xf32, #tpu.memory_space<hbm>>) target(%arg19 : memref<128x32xf32, #tpu.memory_space<vmem>>) offsets(%dma_start3A_274 : memref<128xi32, #tpu.memory_space<vmem>>) semaphore(%arg27 : memref<!tpu.dma_semaphore, #tpu.memory_space<semaphore_mem>>)
      } else {
      }
      %mul3A_253 = arith.constant 8 : i32
      %mul3A_254 = arith.muli %scan3A_137, %mul3A_253 : i32
      %add3A_255 = arith.constant 7 : i32
      %add3A_256 = arith.addi %mul3A_254, %add3A_255 : i32
      %dma_wait3A_257 = arith.constant 0 : i32
      %dma_wait3A_258 = tpu.memref_slice %arg11[%add3A_256, %dma_wait3A_257] : memref<80x128xi32, #tpu.memory_space<vmem>> -> memref<1x128xi32, #tpu.memory_space<vmem>>
      %dma_wait3A_259 = tpu.memref_squeeze %dma_wait3A_258 : memref<1x128xi32, #tpu.memory_space<vmem>> -> memref<128xi32, #tpu.memory_space<vmem>>
      %dma_wait3A_260 = arith.constant 0 : i32
      %dma_wait3A_261 = arith.constant 0 : i32
      %dma_wait3A_262 = tpu.memref_slice %arg2[%dma_wait3A_260, %dma_wait3A_261] : memref<10112x32xf32, #tpu.memory_space<hbm>> -> memref<10112x32xf32, #tpu.memory_space<hbm>>
      tpu.wait_indirect_dma semaphore(%arg28 : memref<!tpu.dma_semaphore, #tpu.memory_space<semaphore_mem>>) src(%dma_wait3A_262 : memref<10112x32xf32, #tpu.memory_space<hbm>>) dst(%arg20 : memref<128x32xf32, #tpu.memory_space<vmem>>)
      "tpu.region"() ({
        %run_scoped3A = tpu.sem_alloc : memref<!tpu.dma_semaphore, #tpu.memory_space<semaphore_mem>>
        %dma_start3A_270 = arith.constant 0 : i32
        %dma_start3A_271 = tpu.memref_slice %arg12[%add3A_256, %dma_start3A_270] : memref<80x128xi32, #tpu.memory_space<vmem>> -> memref<1x128xi32, #tpu.memory_space<vmem>>
        %dma_start3A_272 = tpu.memref_squeeze %dma_start3A_271 : memref<1x128xi32, #tpu.memory_space<vmem>> -> memref<128xi32, #tpu.memory_space<vmem>>
        %dma_start3A_273 = arith.constant 0 : i32
        %dma_start3A_274 = arith.constant 0 : i32
        %dma_start3A_275 = tpu.memref_slice %arg29[%dma_start3A_273, %dma_start3A_274] : memref<10112x32xf32, #tpu.memory_space<vmem_shared>> -> memref<10112x32xf32, #tpu.memory_space<vmem_shared>>
        tpu.enqueue_indirect_dma source(%arg20 : memref<128x32xf32, #tpu.memory_space<vmem>>) target(%dma_start3A_275 : memref<10112x32xf32, #tpu.memory_space<vmem_shared>>) offsets(%dma_start3A_272 : memref<128xi32, #tpu.memory_space<vmem>>) semaphore(%run_scoped3A : memref<!tpu.dma_semaphore, #tpu.memory_space<semaphore_mem>>) {add = true}
        %dma_wait3A_276 = arith.constant 0 : i32
        %dma_wait3A_277 = tpu.memref_slice %arg12[%add3A_256, %dma_wait3A_276] : memref<80x128xi32, #tpu.memory_space<vmem>> -> memref<1x128xi32, #tpu.memory_space<vmem>>
        %dma_wait3A_278 = tpu.memref_squeeze %dma_wait3A_277 : memref<1x128xi32, #tpu.memory_space<vmem>> -> memref<128xi32, #tpu.memory_space<vmem>>
        %dma_wait3A_279 = arith.constant 0 : i32
        %dma_wait3A_280 = arith.constant 0 : i32
        %dma_wait3A_281 = tpu.memref_slice %arg29[%dma_wait3A_279, %dma_wait3A_280] : memref<10112x32xf32, #tpu.memory_space<vmem_shared>> -> memref<10112x32xf32, #tpu.memory_space<vmem_shared>>
        tpu.wait_indirect_dma semaphore(%run_scoped3A : memref<!tpu.dma_semaphore, #tpu.memory_space<semaphore_mem>>) src(%arg20 : memref<128x32xf32, #tpu.memory_space<vmem>>) dst(%dma_wait3A_281 : memref<10112x32xf32, #tpu.memory_space<vmem_shared>>)
        tpu.yield
      }) : () -> ()
      %add3A_263 = arith.constant 8 : i32
      %add3A_264 = arith.addi %add3A_256, %add3A_263 : i32
      %lt3A_265 = arith.constant 80 : i32
      %lt3A_266 = arith.cmpi slt, %add3A_264, %lt3A_265 : i32
      %convert_element_type3A_267 = arith.extui %lt3A_266 : i1 to i32
      %cond3A_268 = arith.constant 0 : i32
      %cond3A_269 = arith.cmpi ne, %convert_element_type3A_267, %cond3A_268 : i32
      scf.if %cond3A_269 {
        %add3A_270 = arith.constant 8 : i32
        %add3A_271 = arith.addi %add3A_256, %add3A_270 : i32
        %dma_start3A_272 = arith.constant 0 : i32
        %dma_start3A_273 = tpu.memref_slice %arg11[%add3A_271, %dma_start3A_272] : memref<80x128xi32, #tpu.memory_space<vmem>> -> memref<1x128xi32, #tpu.memory_space<vmem>>
        %dma_start3A_274 = tpu.memref_squeeze %dma_start3A_273 : memref<1x128xi32, #tpu.memory_space<vmem>> -> memref<128xi32, #tpu.memory_space<vmem>>
        %dma_start3A_275 = arith.constant 0 : i32
        %dma_start3A_276 = arith.constant 0 : i32
        %dma_start3A_277 = tpu.memref_slice %arg2[%dma_start3A_275, %dma_start3A_276] : memref<10112x32xf32, #tpu.memory_space<hbm>> -> memref<10112x32xf32, #tpu.memory_space<hbm>>
        tpu.enqueue_indirect_dma source(%dma_start3A_277 : memref<10112x32xf32, #tpu.memory_space<hbm>>) target(%arg20 : memref<128x32xf32, #tpu.memory_space<vmem>>) offsets(%dma_start3A_274 : memref<128xi32, #tpu.memory_space<vmem>>) semaphore(%arg28 : memref<!tpu.dma_semaphore, #tpu.memory_space<semaphore_mem>>)
      } else {
      }
    }
    %scan3A_66 = arith.constant 10 : i32
    %mul3A_67 = arith.constant 80 : i32
    %mul3A_68 = arith.muli %add3A, %mul3A_67 : i32
    "tpu.region"() ({
      %run_scoped3A = tpu.sem_alloc : memref<!tpu.dma_semaphore, #tpu.memory_space<semaphore_mem>>
      %dma_start3A_137 = arith.constant 0 : i32
      %dma_start3A_138 = tpu.memref_slice %arg6[%mul3A_68, %dma_start3A_137] : memref<2560x128xi32, #tpu.memory_space<hbm>> -> memref<80x128xi32, #tpu.memory_space<hbm>>
      %dma_start3A_139 = arith.constant 0 : i32
      %dma_start3A_140 = tpu.memref_slice %arg6[%mul3A_68, %dma_start3A_139] : memref<2560x128xi32, #tpu.memory_space<hbm>> -> memref<80x128xi32, #tpu.memory_space<hbm>>
      tpu.enqueue_dma source(%dma_start3A_140 : memref<80x128xi32, #tpu.memory_space<hbm>>) target(%arg11 : memref<80x128xi32, #tpu.memory_space<vmem>>) target_semaphore(%run_scoped3A : memref<!tpu.dma_semaphore, #tpu.memory_space<semaphore_mem>>)
      %dma_wait3A = arith.constant 0 : i32
      %dma_wait3A_141 = tpu.memref_slice %arg6[%mul3A_68, %dma_wait3A] : memref<2560x128xi32, #tpu.memory_space<hbm>> -> memref<80x128xi32, #tpu.memory_space<hbm>>
      %dma_wait3A_142 = arith.constant 0 : i32
      %dma_wait3A_143 = tpu.memref_slice %arg6[%mul3A_68, %dma_wait3A_142] : memref<2560x128xi32, #tpu.memory_space<hbm>> -> memref<80x128xi32, #tpu.memory_space<hbm>>
      tpu.wait_dma2 semaphore(%run_scoped3A : memref<!tpu.dma_semaphore, #tpu.memory_space<semaphore_mem>>) src(%dma_wait3A_143 : memref<80x128xi32, #tpu.memory_space<hbm>>) dst(%arg11 : memref<80x128xi32, #tpu.memory_space<vmem>>)
      tpu.yield
    }) : () -> ()
    %mul3A_69 = arith.constant 80 : i32
    %mul3A_70 = arith.muli %add3A, %mul3A_69 : i32
    "tpu.region"() ({
      %run_scoped3A = tpu.sem_alloc : memref<!tpu.dma_semaphore, #tpu.memory_space<semaphore_mem>>
      %dma_start3A_137 = arith.constant 0 : i32
      %dma_start3A_138 = tpu.memref_slice %arg7[%mul3A_70, %dma_start3A_137] : memref<2560x128xi32, #tpu.memory_space<hbm>> -> memref<80x128xi32, #tpu.memory_space<hbm>>
      %dma_start3A_139 = arith.constant 0 : i32
      %dma_start3A_140 = tpu.memref_slice %arg7[%mul3A_70, %dma_start3A_139] : memref<2560x128xi32, #tpu.memory_space<hbm>> -> memref<80x128xi32, #tpu.memory_space<hbm>>
      tpu.enqueue_dma source(%dma_start3A_140 : memref<80x128xi32, #tpu.memory_space<hbm>>) target(%arg12 : memref<80x128xi32, #tpu.memory_space<vmem>>) target_semaphore(%run_scoped3A : memref<!tpu.dma_semaphore, #tpu.memory_space<semaphore_mem>>)
      %dma_wait3A = arith.constant 0 : i32
      %dma_wait3A_141 = tpu.memref_slice %arg7[%mul3A_70, %dma_wait3A] : memref<2560x128xi32, #tpu.memory_space<hbm>> -> memref<80x128xi32, #tpu.memory_space<hbm>>
      %dma_wait3A_142 = arith.constant 0 : i32
      %dma_wait3A_143 = tpu.memref_slice %arg7[%mul3A_70, %dma_wait3A_142] : memref<2560x128xi32, #tpu.memory_space<hbm>> -> memref<80x128xi32, #tpu.memory_space<hbm>>
      tpu.wait_dma2 semaphore(%run_scoped3A : memref<!tpu.dma_semaphore, #tpu.memory_space<semaphore_mem>>) src(%dma_wait3A_143 : memref<80x128xi32, #tpu.memory_space<hbm>>) dst(%arg12 : memref<80x128xi32, #tpu.memory_space<vmem>>)
      tpu.yield
    }) : () -> ()
    %dma_start3A_71 = arith.constant 0 : i32
    %dma_start3A_72 = arith.constant 0 : i32
    %dma_start3A_73 = tpu.memref_slice %arg11[%dma_start3A_71, %dma_start3A_72] : memref<80x128xi32, #tpu.memory_space<vmem>> -> memref<1x128xi32, #tpu.memory_space<vmem>>
    %dma_start3A_74 = tpu.memref_squeeze %dma_start3A_73 : memref<1x128xi32, #tpu.memory_space<vmem>> -> memref<128xi32, #tpu.memory_space<vmem>>
    %dma_start3A_75 = arith.constant 0 : i32
    %dma_start3A_76 = arith.constant 0 : i32
    %dma_start3A_77 = tpu.memref_slice %arg5[%dma_start3A_75, %dma_start3A_76] : memref<10112x32xf32, #tpu.memory_space<hbm>> -> memref<10112x32xf32, #tpu.memory_space<hbm>>
    tpu.enqueue_indirect_dma source(%dma_start3A_77 : memref<10112x32xf32, #tpu.memory_space<hbm>>) target(%arg13 : memref<128x32xf32, #tpu.memory_space<vmem>>) offsets(%dma_start3A_74 : memref<128xi32, #tpu.memory_space<vmem>>) semaphore(%arg21 : memref<!tpu.dma_semaphore, #tpu.memory_space<semaphore_mem>>)
    %dma_start3A_78 = arith.constant 1 : i32
    %dma_start3A_79 = arith.constant 0 : i32
    %dma_start3A_80 = tpu.memref_slice %arg11[%dma_start3A_78, %dma_start3A_79] : memref<80x128xi32, #tpu.memory_space<vmem>> -> memref<1x128xi32, #tpu.memory_space<vmem>>
    %dma_start3A_81 = tpu.memref_squeeze %dma_start3A_80 : memref<1x128xi32, #tpu.memory_space<vmem>> -> memref<128xi32, #tpu.memory_space<vmem>>
    %dma_start3A_82 = arith.constant 0 : i32
    %dma_start3A_83 = arith.constant 0 : i32
    %dma_start3A_84 = tpu.memref_slice %arg5[%dma_start3A_82, %dma_start3A_83] : memref<10112x32xf32, #tpu.memory_space<hbm>> -> memref<10112x32xf32, #tpu.memory_space<hbm>>
    tpu.enqueue_indirect_dma source(%dma_start3A_84 : memref<10112x32xf32, #tpu.memory_space<hbm>>) target(%arg14 : memref<128x32xf32, #tpu.memory_space<vmem>>) offsets(%dma_start3A_81 : memref<128xi32, #tpu.memory_space<vmem>>) semaphore(%arg22 : memref<!tpu.dma_semaphore, #tpu.memory_space<semaphore_mem>>)
    %dma_start3A_85 = arith.constant 2 : i32
    %dma_start3A_86 = arith.constant 0 : i32
    %dma_start3A_87 = tpu.memref_slice %arg11[%dma_start3A_85, %dma_start3A_86] : memref<80x128xi32, #tpu.memory_space<vmem>> -> memref<1x128xi32, #tpu.memory_space<vmem>>
    %dma_start3A_88 = tpu.memref_squeeze %dma_start3A_87 : memref<1x128xi32, #tpu.memory_space<vmem>> -> memref<128xi32, #tpu.memory_space<vmem>>
    %dma_start3A_89 = arith.constant 0 : i32
    %dma_start3A_90 = arith.constant 0 : i32
    %dma_start3A_91 = tpu.memref_slice %arg5[%dma_start3A_89, %dma_start3A_90] : memref<10112x32xf32, #tpu.memory_space<hbm>> -> memref<10112x32xf32, #tpu.memory_space<hbm>>
    tpu.enqueue_indirect_dma source(%dma_start3A_91 : memref<10112x32xf32, #tpu.memory_space<hbm>>) target(%arg15 : memref<128x32xf32, #tpu.memory_space<vmem>>) offsets(%dma_start3A_88 : memref<128xi32, #tpu.memory_space<vmem>>) semaphore(%arg23 : memref<!tpu.dma_semaphore, #tpu.memory_space<semaphore_mem>>)
    %dma_start3A_92 = arith.constant 3 : i32
    %dma_start3A_93 = arith.constant 0 : i32
    %dma_start3A_94 = tpu.memref_slice %arg11[%dma_start3A_92, %dma_start3A_93] : memref<80x128xi32, #tpu.memory_space<vmem>> -> memref<1x128xi32, #tpu.memory_space<vmem>>
    %dma_start3A_95 = tpu.memref_squeeze %dma_start3A_94 : memref<1x128xi32, #tpu.memory_space<vmem>> -> memref<128xi32, #tpu.memory_space<vmem>>
    %dma_start3A_96 = arith.constant 0 : i32
    %dma_start3A_97 = arith.constant 0 : i32
    %dma_start3A_98 = tpu.memref_slice %arg5[%dma_start3A_96, %dma_start3A_97] : memref<10112x32xf32, #tpu.memory_space<hbm>> -> memref<10112x32xf32, #tpu.memory_space<hbm>>
    tpu.enqueue_indirect_dma source(%dma_start3A_98 : memref<10112x32xf32, #tpu.memory_space<hbm>>) target(%arg16 : memref<128x32xf32, #tpu.memory_space<vmem>>) offsets(%dma_start3A_95 : memref<128xi32, #tpu.memory_space<vmem>>) semaphore(%arg24 : memref<!tpu.dma_semaphore, #tpu.memory_space<semaphore_mem>>)
    %dma_start3A_99 = arith.constant 4 : i32
    %dma_start3A_100 = arith.constant 0 : i32
    %dma_start3A_101 = tpu.memref_slice %arg11[%dma_start3A_99, %dma_start3A_100] : memref<80x128xi32, #tpu.memory_space<vmem>> -> memref<1x128xi32, #tpu.memory_space<vmem>>
    %dma_start3A_102 = tpu.memref_squeeze %dma_start3A_101 : memref<1x128xi32, #tpu.memory_space<vmem>> -> memref<128xi32, #tpu.memory_space<vmem>>
    %dma_start3A_103 = arith.constant 0 : i32
    %dma_start3A_104 = arith.constant 0 : i32
    %dma_start3A_105 = tpu.memref_slice %arg5[%dma_start3A_103, %dma_start3A_104] : memref<10112x32xf32, #tpu.memory_space<hbm>> -> memref<10112x32xf32, #tpu.memory_space<hbm>>
    tpu.enqueue_indirect_dma source(%dma_start3A_105 : memref<10112x32xf32, #tpu.memory_space<hbm>>) target(%arg17 : memref<128x32xf32, #tpu.memory_space<vmem>>) offsets(%dma_start3A_102 : memref<128xi32, #tpu.memory_space<vmem>>) semaphore(%arg25 : memref<!tpu.dma_semaphore, #tpu.memory_space<semaphore_mem>>)
    %dma_start3A_106 = arith.constant 5 : i32
    %dma_start3A_107 = arith.constant 0 : i32
    %dma_start3A_108 = tpu.memref_slice %arg11[%dma_start3A_106, %dma_start3A_107] : memref<80x128xi32, #tpu.memory_space<vmem>> -> memref<1x128xi32, #tpu.memory_space<vmem>>
    %dma_start3A_109 = tpu.memref_squeeze %dma_start3A_108 : memref<1x128xi32, #tpu.memory_space<vmem>> -> memref<128xi32, #tpu.memory_space<vmem>>
    %dma_start3A_110 = arith.constant 0 : i32
    %dma_start3A_111 = arith.constant 0 : i32
    %dma_start3A_112 = tpu.memref_slice %arg5[%dma_start3A_110, %dma_start3A_111] : memref<10112x32xf32, #tpu.memory_space<hbm>> -> memref<10112x32xf32, #tpu.memory_space<hbm>>
    tpu.enqueue_indirect_dma source(%dma_start3A_112 : memref<10112x32xf32, #tpu.memory_space<hbm>>) target(%arg18 : memref<128x32xf32, #tpu.memory_space<vmem>>) offsets(%dma_start3A_109 : memref<128xi32, #tpu.memory_space<vmem>>) semaphore(%arg26 : memref<!tpu.dma_semaphore, #tpu.memory_space<semaphore_mem>>)
    %dma_start3A_113 = arith.constant 6 : i32
    %dma_start3A_114 = arith.constant 0 : i32
    %dma_start3A_115 = tpu.memref_slice %arg11[%dma_start3A_113, %dma_start3A_114] : memref<80x128xi32, #tpu.memory_space<vmem>> -> memref<1x128xi32, #tpu.memory_space<vmem>>
    %dma_start3A_116 = tpu.memref_squeeze %dma_start3A_115 : memref<1x128xi32, #tpu.memory_space<vmem>> -> memref<128xi32, #tpu.memory_space<vmem>>
    %dma_start3A_117 = arith.constant 0 : i32
    %dma_start3A_118 = arith.constant 0 : i32
    %dma_start3A_119 = tpu.memref_slice %arg5[%dma_start3A_117, %dma_start3A_118] : memref<10112x32xf32, #tpu.memory_space<hbm>> -> memref<10112x32xf32, #tpu.memory_space<hbm>>
    tpu.enqueue_indirect_dma source(%dma_start3A_119 : memref<10112x32xf32, #tpu.memory_space<hbm>>) target(%arg19 : memref<128x32xf32, #tpu.memory_space<vmem>>) offsets(%dma_start3A_116 : memref<128xi32, #tpu.memory_space<vmem>>) semaphore(%arg27 : memref<!tpu.dma_semaphore, #tpu.memory_space<semaphore_mem>>)
    %dma_start3A_120 = arith.constant 7 : i32
    %dma_start3A_121 = arith.constant 0 : i32
    %dma_start3A_122 = tpu.memref_slice %arg11[%dma_start3A_120, %dma_start3A_121] : memref<80x128xi32, #tpu.memory_space<vmem>> -> memref<1x128xi32, #tpu.memory_space<vmem>>
    %dma_start3A_123 = tpu.memref_squeeze %dma_start3A_122 : memref<1x128xi32, #tpu.memory_space<vmem>> -> memref<128xi32, #tpu.memory_space<vmem>>
    %dma_start3A_124 = arith.constant 0 : i32
    %dma_start3A_125 = arith.constant 0 : i32
    %dma_start3A_126 = tpu.memref_slice %arg5[%dma_start3A_124, %dma_start3A_125] : memref<10112x32xf32, #tpu.memory_space<hbm>> -> memref<10112x32xf32, #tpu.memory_space<hbm>>
    tpu.enqueue_indirect_dma source(%dma_start3A_126 : memref<10112x32xf32, #tpu.memory_space<hbm>>) target(%arg20 : memref<128x32xf32, #tpu.memory_space<vmem>>) offsets(%dma_start3A_123 : memref<128xi32, #tpu.memory_space<vmem>>) semaphore(%arg28 : memref<!tpu.dma_semaphore, #tpu.memory_space<semaphore_mem>>)
    %scan3A_127 = arith.constant 0 : i32
    %scan3A_128 = arith.constant 0 : i32
    %scan3A_129 = arith.constant 10 : i32
    %scan3A_130 = arith.addi %scan3A_128, %scan3A_129 : i32
    %scan3A_131 = arith.constant 1 : i32
    scf.for %scan3A_137 = %scan3A_128 to %scan3A_130 step %scan3A_131  : i32 {
      %mul3A_138 = arith.constant 8 : i32
      %mul3A_139 = arith.muli %scan3A_137, %mul3A_138 : i32
      %add3A_140 = arith.constant 0 : i32
      %add3A_141 = arith.addi %mul3A_139, %add3A_140 : i32
      %dma_wait3A = arith.constant 0 : i32
      %dma_wait3A_142 = tpu.memref_slice %arg11[%add3A_141, %dma_wait3A] : memref<80x128xi32, #tpu.memory_space<vmem>> -> memref<1x128xi32, #tpu.memory_space<vmem>>
      %dma_wait3A_143 = tpu.memref_squeeze %dma_wait3A_142 : memref<1x128xi32, #tpu.memory_space<vmem>> -> memref<128xi32, #tpu.memory_space<vmem>>
      %dma_wait3A_144 = arith.constant 0 : i32
      %dma_wait3A_145 = arith.constant 0 : i32
      %dma_wait3A_146 = tpu.memref_slice %arg5[%dma_wait3A_144, %dma_wait3A_145] : memref<10112x32xf32, #tpu.memory_space<hbm>> -> memref<10112x32xf32, #tpu.memory_space<hbm>>
      tpu.wait_indirect_dma semaphore(%arg21 : memref<!tpu.dma_semaphore, #tpu.memory_space<semaphore_mem>>) src(%dma_wait3A_146 : memref<10112x32xf32, #tpu.memory_space<hbm>>) dst(%arg13 : memref<128x32xf32, #tpu.memory_space<vmem>>)
      "tpu.region"() ({
        %run_scoped3A = tpu.sem_alloc : memref<!tpu.dma_semaphore, #tpu.memory_space<semaphore_mem>>
        %dma_start3A_270 = arith.constant 0 : i32
        %dma_start3A_271 = tpu.memref_slice %arg12[%add3A_141, %dma_start3A_270] : memref<80x128xi32, #tpu.memory_space<vmem>> -> memref<1x128xi32, #tpu.memory_space<vmem>>
        %dma_start3A_272 = tpu.memref_squeeze %dma_start3A_271 : memref<1x128xi32, #tpu.memory_space<vmem>> -> memref<128xi32, #tpu.memory_space<vmem>>
        %dma_start3A_273 = arith.constant 0 : i32
        %dma_start3A_274 = arith.constant 0 : i32
        %dma_start3A_275 = tpu.memref_slice %arg30[%dma_start3A_273, %dma_start3A_274] : memref<10112x32xf32, #tpu.memory_space<vmem_shared>> -> memref<10112x32xf32, #tpu.memory_space<vmem_shared>>
        tpu.enqueue_indirect_dma source(%arg13 : memref<128x32xf32, #tpu.memory_space<vmem>>) target(%dma_start3A_275 : memref<10112x32xf32, #tpu.memory_space<vmem_shared>>) offsets(%dma_start3A_272 : memref<128xi32, #tpu.memory_space<vmem>>) semaphore(%run_scoped3A : memref<!tpu.dma_semaphore, #tpu.memory_space<semaphore_mem>>) {add = true}
        %dma_wait3A_276 = arith.constant 0 : i32
        %dma_wait3A_277 = tpu.memref_slice %arg12[%add3A_141, %dma_wait3A_276] : memref<80x128xi32, #tpu.memory_space<vmem>> -> memref<1x128xi32, #tpu.memory_space<vmem>>
        %dma_wait3A_278 = tpu.memref_squeeze %dma_wait3A_277 : memref<1x128xi32, #tpu.memory_space<vmem>> -> memref<128xi32, #tpu.memory_space<vmem>>
        %dma_wait3A_279 = arith.constant 0 : i32
        %dma_wait3A_280 = arith.constant 0 : i32
        %dma_wait3A_281 = tpu.memref_slice %arg30[%dma_wait3A_279, %dma_wait3A_280] : memref<10112x32xf32, #tpu.memory_space<vmem_shared>> -> memref<10112x32xf32, #tpu.memory_space<vmem_shared>>
        tpu.wait_indirect_dma semaphore(%run_scoped3A : memref<!tpu.dma_semaphore, #tpu.memory_space<semaphore_mem>>) src(%arg13 : memref<128x32xf32, #tpu.memory_space<vmem>>) dst(%dma_wait3A_281 : memref<10112x32xf32, #tpu.memory_space<vmem_shared>>)
        tpu.yield
      }) : () -> ()
      %add3A_147 = arith.constant 8 : i32
      %add3A_148 = arith.addi %add3A_141, %add3A_147 : i32
      %lt3A = arith.constant 80 : i32
      %lt3A_149 = arith.cmpi slt, %add3A_148, %lt3A : i32
      %convert_element_type3A = arith.extui %lt3A_149 : i1 to i32
      %cond3A = arith.constant 0 : i32
      %cond3A_150 = arith.cmpi ne, %convert_element_type3A, %cond3A : i32
      scf.if %cond3A_150 {
        %add3A_270 = arith.constant 8 : i32
        %add3A_271 = arith.addi %add3A_141, %add3A_270 : i32
        %dma_start3A_272 = arith.constant 0 : i32
        %dma_start3A_273 = tpu.memref_slice %arg11[%add3A_271, %dma_start3A_272] : memref<80x128xi32, #tpu.memory_space<vmem>> -> memref<1x128xi32, #tpu.memory_space<vmem>>
        %dma_start3A_274 = tpu.memref_squeeze %dma_start3A_273 : memref<1x128xi32, #tpu.memory_space<vmem>> -> memref<128xi32, #tpu.memory_space<vmem>>
        %dma_start3A_275 = arith.constant 0 : i32
        %dma_start3A_276 = arith.constant 0 : i32
        %dma_start3A_277 = tpu.memref_slice %arg5[%dma_start3A_275, %dma_start3A_276] : memref<10112x32xf32, #tpu.memory_space<hbm>> -> memref<10112x32xf32, #tpu.memory_space<hbm>>
        tpu.enqueue_indirect_dma source(%dma_start3A_277 : memref<10112x32xf32, #tpu.memory_space<hbm>>) target(%arg13 : memref<128x32xf32, #tpu.memory_space<vmem>>) offsets(%dma_start3A_274 : memref<128xi32, #tpu.memory_space<vmem>>) semaphore(%arg21 : memref<!tpu.dma_semaphore, #tpu.memory_space<semaphore_mem>>)
      } else {
      }
      %mul3A_151 = arith.constant 8 : i32
      %mul3A_152 = arith.muli %scan3A_137, %mul3A_151 : i32
      %add3A_153 = arith.constant 1 : i32
      %add3A_154 = arith.addi %mul3A_152, %add3A_153 : i32
      %dma_wait3A_155 = arith.constant 0 : i32
      %dma_wait3A_156 = tpu.memref_slice %arg11[%add3A_154, %dma_wait3A_155] : memref<80x128xi32, #tpu.memory_space<vmem>> -> memref<1x128xi32, #tpu.memory_space<vmem>>
      %dma_wait3A_157 = tpu.memref_squeeze %dma_wait3A_156 : memref<1x128xi32, #tpu.memory_space<vmem>> -> memref<128xi32, #tpu.memory_space<vmem>>
      %dma_wait3A_158 = arith.constant 0 : i32
      %dma_wait3A_159 = arith.constant 0 : i32
      %dma_wait3A_160 = tpu.memref_slice %arg5[%dma_wait3A_158, %dma_wait3A_159] : memref<10112x32xf32, #tpu.memory_space<hbm>> -> memref<10112x32xf32, #tpu.memory_space<hbm>>
      tpu.wait_indirect_dma semaphore(%arg22 : memref<!tpu.dma_semaphore, #tpu.memory_space<semaphore_mem>>) src(%dma_wait3A_160 : memref<10112x32xf32, #tpu.memory_space<hbm>>) dst(%arg14 : memref<128x32xf32, #tpu.memory_space<vmem>>)
      "tpu.region"() ({
        %run_scoped3A = tpu.sem_alloc : memref<!tpu.dma_semaphore, #tpu.memory_space<semaphore_mem>>
        %dma_start3A_270 = arith.constant 0 : i32
        %dma_start3A_271 = tpu.memref_slice %arg12[%add3A_154, %dma_start3A_270] : memref<80x128xi32, #tpu.memory_space<vmem>> -> memref<1x128xi32, #tpu.memory_space<vmem>>
        %dma_start3A_272 = tpu.memref_squeeze %dma_start3A_271 : memref<1x128xi32, #tpu.memory_space<vmem>> -> memref<128xi32, #tpu.memory_space<vmem>>
        %dma_start3A_273 = arith.constant 0 : i32
        %dma_start3A_274 = arith.constant 0 : i32
        %dma_start3A_275 = tpu.memref_slice %arg30[%dma_start3A_273, %dma_start3A_274] : memref<10112x32xf32, #tpu.memory_space<vmem_shared>> -> memref<10112x32xf32, #tpu.memory_space<vmem_shared>>
        tpu.enqueue_indirect_dma source(%arg14 : memref<128x32xf32, #tpu.memory_space<vmem>>) target(%dma_start3A_275 : memref<10112x32xf32, #tpu.memory_space<vmem_shared>>) offsets(%dma_start3A_272 : memref<128xi32, #tpu.memory_space<vmem>>) semaphore(%run_scoped3A : memref<!tpu.dma_semaphore, #tpu.memory_space<semaphore_mem>>) {add = true}
        %dma_wait3A_276 = arith.constant 0 : i32
        %dma_wait3A_277 = tpu.memref_slice %arg12[%add3A_154, %dma_wait3A_276] : memref<80x128xi32, #tpu.memory_space<vmem>> -> memref<1x128xi32, #tpu.memory_space<vmem>>
        %dma_wait3A_278 = tpu.memref_squeeze %dma_wait3A_277 : memref<1x128xi32, #tpu.memory_space<vmem>> -> memref<128xi32, #tpu.memory_space<vmem>>
        %dma_wait3A_279 = arith.constant 0 : i32
        %dma_wait3A_280 = arith.constant 0 : i32
        %dma_wait3A_281 = tpu.memref_slice %arg30[%dma_wait3A_279, %dma_wait3A_280] : memref<10112x32xf32, #tpu.memory_space<vmem_shared>> -> memref<10112x32xf32, #tpu.memory_space<vmem_shared>>
        tpu.wait_indirect_dma semaphore(%run_scoped3A : memref<!tpu.dma_semaphore, #tpu.memory_space<semaphore_mem>>) src(%arg14 : memref<128x32xf32, #tpu.memory_space<vmem>>) dst(%dma_wait3A_281 : memref<10112x32xf32, #tpu.memory_space<vmem_shared>>)
        tpu.yield
      }) : () -> ()
      %add3A_161 = arith.constant 8 : i32
      %add3A_162 = arith.addi %add3A_154, %add3A_161 : i32
      %lt3A_163 = arith.constant 80 : i32
      %lt3A_164 = arith.cmpi slt, %add3A_162, %lt3A_163 : i32
      %convert_element_type3A_165 = arith.extui %lt3A_164 : i1 to i32
      %cond3A_166 = arith.constant 0 : i32
      %cond3A_167 = arith.cmpi ne, %convert_element_type3A_165, %cond3A_166 : i32
      scf.if %cond3A_167 {
        %add3A_270 = arith.constant 8 : i32
        %add3A_271 = arith.addi %add3A_154, %add3A_270 : i32
        %dma_start3A_272 = arith.constant 0 : i32
        %dma_start3A_273 = tpu.memref_slice %arg11[%add3A_271, %dma_start3A_272] : memref<80x128xi32, #tpu.memory_space<vmem>> -> memref<1x128xi32, #tpu.memory_space<vmem>>
        %dma_start3A_274 = tpu.memref_squeeze %dma_start3A_273 : memref<1x128xi32, #tpu.memory_space<vmem>> -> memref<128xi32, #tpu.memory_space<vmem>>
        %dma_start3A_275 = arith.constant 0 : i32
        %dma_start3A_276 = arith.constant 0 : i32
        %dma_start3A_277 = tpu.memref_slice %arg5[%dma_start3A_275, %dma_start3A_276] : memref<10112x32xf32, #tpu.memory_space<hbm>> -> memref<10112x32xf32, #tpu.memory_space<hbm>>
        tpu.enqueue_indirect_dma source(%dma_start3A_277 : memref<10112x32xf32, #tpu.memory_space<hbm>>) target(%arg14 : memref<128x32xf32, #tpu.memory_space<vmem>>) offsets(%dma_start3A_274 : memref<128xi32, #tpu.memory_space<vmem>>) semaphore(%arg22 : memref<!tpu.dma_semaphore, #tpu.memory_space<semaphore_mem>>)
      } else {
      }
      %mul3A_168 = arith.constant 8 : i32
      %mul3A_169 = arith.muli %scan3A_137, %mul3A_168 : i32
      %add3A_170 = arith.constant 2 : i32
      %add3A_171 = arith.addi %mul3A_169, %add3A_170 : i32
      %dma_wait3A_172 = arith.constant 0 : i32
      %dma_wait3A_173 = tpu.memref_slice %arg11[%add3A_171, %dma_wait3A_172] : memref<80x128xi32, #tpu.memory_space<vmem>> -> memref<1x128xi32, #tpu.memory_space<vmem>>
      %dma_wait3A_174 = tpu.memref_squeeze %dma_wait3A_173 : memref<1x128xi32, #tpu.memory_space<vmem>> -> memref<128xi32, #tpu.memory_space<vmem>>
      %dma_wait3A_175 = arith.constant 0 : i32
      %dma_wait3A_176 = arith.constant 0 : i32
      %dma_wait3A_177 = tpu.memref_slice %arg5[%dma_wait3A_175, %dma_wait3A_176] : memref<10112x32xf32, #tpu.memory_space<hbm>> -> memref<10112x32xf32, #tpu.memory_space<hbm>>
      tpu.wait_indirect_dma semaphore(%arg23 : memref<!tpu.dma_semaphore, #tpu.memory_space<semaphore_mem>>) src(%dma_wait3A_177 : memref<10112x32xf32, #tpu.memory_space<hbm>>) dst(%arg15 : memref<128x32xf32, #tpu.memory_space<vmem>>)
      "tpu.region"() ({
        %run_scoped3A = tpu.sem_alloc : memref<!tpu.dma_semaphore, #tpu.memory_space<semaphore_mem>>
        %dma_start3A_270 = arith.constant 0 : i32
        %dma_start3A_271 = tpu.memref_slice %arg12[%add3A_171, %dma_start3A_270] : memref<80x128xi32, #tpu.memory_space<vmem>> -> memref<1x128xi32, #tpu.memory_space<vmem>>
        %dma_start3A_272 = tpu.memref_squeeze %dma_start3A_271 : memref<1x128xi32, #tpu.memory_space<vmem>> -> memref<128xi32, #tpu.memory_space<vmem>>
        %dma_start3A_273 = arith.constant 0 : i32
        %dma_start3A_274 = arith.constant 0 : i32
        %dma_start3A_275 = tpu.memref_slice %arg30[%dma_start3A_273, %dma_start3A_274] : memref<10112x32xf32, #tpu.memory_space<vmem_shared>> -> memref<10112x32xf32, #tpu.memory_space<vmem_shared>>
        tpu.enqueue_indirect_dma source(%arg15 : memref<128x32xf32, #tpu.memory_space<vmem>>) target(%dma_start3A_275 : memref<10112x32xf32, #tpu.memory_space<vmem_shared>>) offsets(%dma_start3A_272 : memref<128xi32, #tpu.memory_space<vmem>>) semaphore(%run_scoped3A : memref<!tpu.dma_semaphore, #tpu.memory_space<semaphore_mem>>) {add = true}
        %dma_wait3A_276 = arith.constant 0 : i32
        %dma_wait3A_277 = tpu.memref_slice %arg12[%add3A_171, %dma_wait3A_276] : memref<80x128xi32, #tpu.memory_space<vmem>> -> memref<1x128xi32, #tpu.memory_space<vmem>>
        %dma_wait3A_278 = tpu.memref_squeeze %dma_wait3A_277 : memref<1x128xi32, #tpu.memory_space<vmem>> -> memref<128xi32, #tpu.memory_space<vmem>>
        %dma_wait3A_279 = arith.constant 0 : i32
        %dma_wait3A_280 = arith.constant 0 : i32
        %dma_wait3A_281 = tpu.memref_slice %arg30[%dma_wait3A_279, %dma_wait3A_280] : memref<10112x32xf32, #tpu.memory_space<vmem_shared>> -> memref<10112x32xf32, #tpu.memory_space<vmem_shared>>
        tpu.wait_indirect_dma semaphore(%run_scoped3A : memref<!tpu.dma_semaphore, #tpu.memory_space<semaphore_mem>>) src(%arg15 : memref<128x32xf32, #tpu.memory_space<vmem>>) dst(%dma_wait3A_281 : memref<10112x32xf32, #tpu.memory_space<vmem_shared>>)
        tpu.yield
      }) : () -> ()
      %add3A_178 = arith.constant 8 : i32
      %add3A_179 = arith.addi %add3A_171, %add3A_178 : i32
      %lt3A_180 = arith.constant 80 : i32
      %lt3A_181 = arith.cmpi slt, %add3A_179, %lt3A_180 : i32
      %convert_element_type3A_182 = arith.extui %lt3A_181 : i1 to i32
      %cond3A_183 = arith.constant 0 : i32
      %cond3A_184 = arith.cmpi ne, %convert_element_type3A_182, %cond3A_183 : i32
      scf.if %cond3A_184 {
        %add3A_270 = arith.constant 8 : i32
        %add3A_271 = arith.addi %add3A_171, %add3A_270 : i32
        %dma_start3A_272 = arith.constant 0 : i32
        %dma_start3A_273 = tpu.memref_slice %arg11[%add3A_271, %dma_start3A_272] : memref<80x128xi32, #tpu.memory_space<vmem>> -> memref<1x128xi32, #tpu.memory_space<vmem>>
        %dma_start3A_274 = tpu.memref_squeeze %dma_start3A_273 : memref<1x128xi32, #tpu.memory_space<vmem>> -> memref<128xi32, #tpu.memory_space<vmem>>
        %dma_start3A_275 = arith.constant 0 : i32
        %dma_start3A_276 = arith.constant 0 : i32
        %dma_start3A_277 = tpu.memref_slice %arg5[%dma_start3A_275, %dma_start3A_276] : memref<10112x32xf32, #tpu.memory_space<hbm>> -> memref<10112x32xf32, #tpu.memory_space<hbm>>
        tpu.enqueue_indirect_dma source(%dma_start3A_277 : memref<10112x32xf32, #tpu.memory_space<hbm>>) target(%arg15 : memref<128x32xf32, #tpu.memory_space<vmem>>) offsets(%dma_start3A_274 : memref<128xi32, #tpu.memory_space<vmem>>) semaphore(%arg23 : memref<!tpu.dma_semaphore, #tpu.memory_space<semaphore_mem>>)
      } else {
      }
      %mul3A_185 = arith.constant 8 : i32
      %mul3A_186 = arith.muli %scan3A_137, %mul3A_185 : i32
      %add3A_187 = arith.constant 3 : i32
      %add3A_188 = arith.addi %mul3A_186, %add3A_187 : i32
      %dma_wait3A_189 = arith.constant 0 : i32
      %dma_wait3A_190 = tpu.memref_slice %arg11[%add3A_188, %dma_wait3A_189] : memref<80x128xi32, #tpu.memory_space<vmem>> -> memref<1x128xi32, #tpu.memory_space<vmem>>
      %dma_wait3A_191 = tpu.memref_squeeze %dma_wait3A_190 : memref<1x128xi32, #tpu.memory_space<vmem>> -> memref<128xi32, #tpu.memory_space<vmem>>
      %dma_wait3A_192 = arith.constant 0 : i32
      %dma_wait3A_193 = arith.constant 0 : i32
      %dma_wait3A_194 = tpu.memref_slice %arg5[%dma_wait3A_192, %dma_wait3A_193] : memref<10112x32xf32, #tpu.memory_space<hbm>> -> memref<10112x32xf32, #tpu.memory_space<hbm>>
      tpu.wait_indirect_dma semaphore(%arg24 : memref<!tpu.dma_semaphore, #tpu.memory_space<semaphore_mem>>) src(%dma_wait3A_194 : memref<10112x32xf32, #tpu.memory_space<hbm>>) dst(%arg16 : memref<128x32xf32, #tpu.memory_space<vmem>>)
      "tpu.region"() ({
        %run_scoped3A = tpu.sem_alloc : memref<!tpu.dma_semaphore, #tpu.memory_space<semaphore_mem>>
        %dma_start3A_270 = arith.constant 0 : i32
        %dma_start3A_271 = tpu.memref_slice %arg12[%add3A_188, %dma_start3A_270] : memref<80x128xi32, #tpu.memory_space<vmem>> -> memref<1x128xi32, #tpu.memory_space<vmem>>
        %dma_start3A_272 = tpu.memref_squeeze %dma_start3A_271 : memref<1x128xi32, #tpu.memory_space<vmem>> -> memref<128xi32, #tpu.memory_space<vmem>>
        %dma_start3A_273 = arith.constant 0 : i32
        %dma_start3A_274 = arith.constant 0 : i32
        %dma_start3A_275 = tpu.memref_slice %arg30[%dma_start3A_273, %dma_start3A_274] : memref<10112x32xf32, #tpu.memory_space<vmem_shared>> -> memref<10112x32xf32, #tpu.memory_space<vmem_shared>>
        tpu.enqueue_indirect_dma source(%arg16 : memref<128x32xf32, #tpu.memory_space<vmem>>) target(%dma_start3A_275 : memref<10112x32xf32, #tpu.memory_space<vmem_shared>>) offsets(%dma_start3A_272 : memref<128xi32, #tpu.memory_space<vmem>>) semaphore(%run_scoped3A : memref<!tpu.dma_semaphore, #tpu.memory_space<semaphore_mem>>) {add = true}
        %dma_wait3A_276 = arith.constant 0 : i32
        %dma_wait3A_277 = tpu.memref_slice %arg12[%add3A_188, %dma_wait3A_276] : memref<80x128xi32, #tpu.memory_space<vmem>> -> memref<1x128xi32, #tpu.memory_space<vmem>>
        %dma_wait3A_278 = tpu.memref_squeeze %dma_wait3A_277 : memref<1x128xi32, #tpu.memory_space<vmem>> -> memref<128xi32, #tpu.memory_space<vmem>>
        %dma_wait3A_279 = arith.constant 0 : i32
        %dma_wait3A_280 = arith.constant 0 : i32
        %dma_wait3A_281 = tpu.memref_slice %arg30[%dma_wait3A_279, %dma_wait3A_280] : memref<10112x32xf32, #tpu.memory_space<vmem_shared>> -> memref<10112x32xf32, #tpu.memory_space<vmem_shared>>
        tpu.wait_indirect_dma semaphore(%run_scoped3A : memref<!tpu.dma_semaphore, #tpu.memory_space<semaphore_mem>>) src(%arg16 : memref<128x32xf32, #tpu.memory_space<vmem>>) dst(%dma_wait3A_281 : memref<10112x32xf32, #tpu.memory_space<vmem_shared>>)
        tpu.yield
      }) : () -> ()
      %add3A_195 = arith.constant 8 : i32
      %add3A_196 = arith.addi %add3A_188, %add3A_195 : i32
      %lt3A_197 = arith.constant 80 : i32
      %lt3A_198 = arith.cmpi slt, %add3A_196, %lt3A_197 : i32
      %convert_element_type3A_199 = arith.extui %lt3A_198 : i1 to i32
      %cond3A_200 = arith.constant 0 : i32
      %cond3A_201 = arith.cmpi ne, %convert_element_type3A_199, %cond3A_200 : i32
      scf.if %cond3A_201 {
        %add3A_270 = arith.constant 8 : i32
        %add3A_271 = arith.addi %add3A_188, %add3A_270 : i32
        %dma_start3A_272 = arith.constant 0 : i32
        %dma_start3A_273 = tpu.memref_slice %arg11[%add3A_271, %dma_start3A_272] : memref<80x128xi32, #tpu.memory_space<vmem>> -> memref<1x128xi32, #tpu.memory_space<vmem>>
        %dma_start3A_274 = tpu.memref_squeeze %dma_start3A_273 : memref<1x128xi32, #tpu.memory_space<vmem>> -> memref<128xi32, #tpu.memory_space<vmem>>
        %dma_start3A_275 = arith.constant 0 : i32
        %dma_start3A_276 = arith.constant 0 : i32
        %dma_start3A_277 = tpu.memref_slice %arg5[%dma_start3A_275, %dma_start3A_276] : memref<10112x32xf32, #tpu.memory_space<hbm>> -> memref<10112x32xf32, #tpu.memory_space<hbm>>
        tpu.enqueue_indirect_dma source(%dma_start3A_277 : memref<10112x32xf32, #tpu.memory_space<hbm>>) target(%arg16 : memref<128x32xf32, #tpu.memory_space<vmem>>) offsets(%dma_start3A_274 : memref<128xi32, #tpu.memory_space<vmem>>) semaphore(%arg24 : memref<!tpu.dma_semaphore, #tpu.memory_space<semaphore_mem>>)
      } else {
      }
      %mul3A_202 = arith.constant 8 : i32
      %mul3A_203 = arith.muli %scan3A_137, %mul3A_202 : i32
      %add3A_204 = arith.constant 4 : i32
      %add3A_205 = arith.addi %mul3A_203, %add3A_204 : i32
      %dma_wait3A_206 = arith.constant 0 : i32
      %dma_wait3A_207 = tpu.memref_slice %arg11[%add3A_205, %dma_wait3A_206] : memref<80x128xi32, #tpu.memory_space<vmem>> -> memref<1x128xi32, #tpu.memory_space<vmem>>
      %dma_wait3A_208 = tpu.memref_squeeze %dma_wait3A_207 : memref<1x128xi32, #tpu.memory_space<vmem>> -> memref<128xi32, #tpu.memory_space<vmem>>
      %dma_wait3A_209 = arith.constant 0 : i32
      %dma_wait3A_210 = arith.constant 0 : i32
      %dma_wait3A_211 = tpu.memref_slice %arg5[%dma_wait3A_209, %dma_wait3A_210] : memref<10112x32xf32, #tpu.memory_space<hbm>> -> memref<10112x32xf32, #tpu.memory_space<hbm>>
      tpu.wait_indirect_dma semaphore(%arg25 : memref<!tpu.dma_semaphore, #tpu.memory_space<semaphore_mem>>) src(%dma_wait3A_211 : memref<10112x32xf32, #tpu.memory_space<hbm>>) dst(%arg17 : memref<128x32xf32, #tpu.memory_space<vmem>>)
      "tpu.region"() ({
        %run_scoped3A = tpu.sem_alloc : memref<!tpu.dma_semaphore, #tpu.memory_space<semaphore_mem>>
        %dma_start3A_270 = arith.constant 0 : i32
        %dma_start3A_271 = tpu.memref_slice %arg12[%add3A_205, %dma_start3A_270] : memref<80x128xi32, #tpu.memory_space<vmem>> -> memref<1x128xi32, #tpu.memory_space<vmem>>
        %dma_start3A_272 = tpu.memref_squeeze %dma_start3A_271 : memref<1x128xi32, #tpu.memory_space<vmem>> -> memref<128xi32, #tpu.memory_space<vmem>>
        %dma_start3A_273 = arith.constant 0 : i32
        %dma_start3A_274 = arith.constant 0 : i32
        %dma_start3A_275 = tpu.memref_slice %arg30[%dma_start3A_273, %dma_start3A_274] : memref<10112x32xf32, #tpu.memory_space<vmem_shared>> -> memref<10112x32xf32, #tpu.memory_space<vmem_shared>>
        tpu.enqueue_indirect_dma source(%arg17 : memref<128x32xf32, #tpu.memory_space<vmem>>) target(%dma_start3A_275 : memref<10112x32xf32, #tpu.memory_space<vmem_shared>>) offsets(%dma_start3A_272 : memref<128xi32, #tpu.memory_space<vmem>>) semaphore(%run_scoped3A : memref<!tpu.dma_semaphore, #tpu.memory_space<semaphore_mem>>) {add = true}
        %dma_wait3A_276 = arith.constant 0 : i32
        %dma_wait3A_277 = tpu.memref_slice %arg12[%add3A_205, %dma_wait3A_276] : memref<80x128xi32, #tpu.memory_space<vmem>> -> memref<1x128xi32, #tpu.memory_space<vmem>>
        %dma_wait3A_278 = tpu.memref_squeeze %dma_wait3A_277 : memref<1x128xi32, #tpu.memory_space<vmem>> -> memref<128xi32, #tpu.memory_space<vmem>>
        %dma_wait3A_279 = arith.constant 0 : i32
        %dma_wait3A_280 = arith.constant 0 : i32
        %dma_wait3A_281 = tpu.memref_slice %arg30[%dma_wait3A_279, %dma_wait3A_280] : memref<10112x32xf32, #tpu.memory_space<vmem_shared>> -> memref<10112x32xf32, #tpu.memory_space<vmem_shared>>
        tpu.wait_indirect_dma semaphore(%run_scoped3A : memref<!tpu.dma_semaphore, #tpu.memory_space<semaphore_mem>>) src(%arg17 : memref<128x32xf32, #tpu.memory_space<vmem>>) dst(%dma_wait3A_281 : memref<10112x32xf32, #tpu.memory_space<vmem_shared>>)
        tpu.yield
      }) : () -> ()
      %add3A_212 = arith.constant 8 : i32
      %add3A_213 = arith.addi %add3A_205, %add3A_212 : i32
      %lt3A_214 = arith.constant 80 : i32
      %lt3A_215 = arith.cmpi slt, %add3A_213, %lt3A_214 : i32
      %convert_element_type3A_216 = arith.extui %lt3A_215 : i1 to i32
      %cond3A_217 = arith.constant 0 : i32
      %cond3A_218 = arith.cmpi ne, %convert_element_type3A_216, %cond3A_217 : i32
      scf.if %cond3A_218 {
        %add3A_270 = arith.constant 8 : i32
        %add3A_271 = arith.addi %add3A_205, %add3A_270 : i32
        %dma_start3A_272 = arith.constant 0 : i32
        %dma_start3A_273 = tpu.memref_slice %arg11[%add3A_271, %dma_start3A_272] : memref<80x128xi32, #tpu.memory_space<vmem>> -> memref<1x128xi32, #tpu.memory_space<vmem>>
        %dma_start3A_274 = tpu.memref_squeeze %dma_start3A_273 : memref<1x128xi32, #tpu.memory_space<vmem>> -> memref<128xi32, #tpu.memory_space<vmem>>
        %dma_start3A_275 = arith.constant 0 : i32
        %dma_start3A_276 = arith.constant 0 : i32
        %dma_start3A_277 = tpu.memref_slice %arg5[%dma_start3A_275, %dma_start3A_276] : memref<10112x32xf32, #tpu.memory_space<hbm>> -> memref<10112x32xf32, #tpu.memory_space<hbm>>
        tpu.enqueue_indirect_dma source(%dma_start3A_277 : memref<10112x32xf32, #tpu.memory_space<hbm>>) target(%arg17 : memref<128x32xf32, #tpu.memory_space<vmem>>) offsets(%dma_start3A_274 : memref<128xi32, #tpu.memory_space<vmem>>) semaphore(%arg25 : memref<!tpu.dma_semaphore, #tpu.memory_space<semaphore_mem>>)
      } else {
      }
      %mul3A_219 = arith.constant 8 : i32
      %mul3A_220 = arith.muli %scan3A_137, %mul3A_219 : i32
      %add3A_221 = arith.constant 5 : i32
      %add3A_222 = arith.addi %mul3A_220, %add3A_221 : i32
      %dma_wait3A_223 = arith.constant 0 : i32
      %dma_wait3A_224 = tpu.memref_slice %arg11[%add3A_222, %dma_wait3A_223] : memref<80x128xi32, #tpu.memory_space<vmem>> -> memref<1x128xi32, #tpu.memory_space<vmem>>
      %dma_wait3A_225 = tpu.memref_squeeze %dma_wait3A_224 : memref<1x128xi32, #tpu.memory_space<vmem>> -> memref<128xi32, #tpu.memory_space<vmem>>
      %dma_wait3A_226 = arith.constant 0 : i32
      %dma_wait3A_227 = arith.constant 0 : i32
      %dma_wait3A_228 = tpu.memref_slice %arg5[%dma_wait3A_226, %dma_wait3A_227] : memref<10112x32xf32, #tpu.memory_space<hbm>> -> memref<10112x32xf32, #tpu.memory_space<hbm>>
      tpu.wait_indirect_dma semaphore(%arg26 : memref<!tpu.dma_semaphore, #tpu.memory_space<semaphore_mem>>) src(%dma_wait3A_228 : memref<10112x32xf32, #tpu.memory_space<hbm>>) dst(%arg18 : memref<128x32xf32, #tpu.memory_space<vmem>>)
      "tpu.region"() ({
        %run_scoped3A = tpu.sem_alloc : memref<!tpu.dma_semaphore, #tpu.memory_space<semaphore_mem>>
        %dma_start3A_270 = arith.constant 0 : i32
        %dma_start3A_271 = tpu.memref_slice %arg12[%add3A_222, %dma_start3A_270] : memref<80x128xi32, #tpu.memory_space<vmem>> -> memref<1x128xi32, #tpu.memory_space<vmem>>
        %dma_start3A_272 = tpu.memref_squeeze %dma_start3A_271 : memref<1x128xi32, #tpu.memory_space<vmem>> -> memref<128xi32, #tpu.memory_space<vmem>>
        %dma_start3A_273 = arith.constant 0 : i32
        %dma_start3A_274 = arith.constant 0 : i32
        %dma_start3A_275 = tpu.memref_slice %arg30[%dma_start3A_273, %dma_start3A_274] : memref<10112x32xf32, #tpu.memory_space<vmem_shared>> -> memref<10112x32xf32, #tpu.memory_space<vmem_shared>>
        tpu.enqueue_indirect_dma source(%arg18 : memref<128x32xf32, #tpu.memory_space<vmem>>) target(%dma_start3A_275 : memref<10112x32xf32, #tpu.memory_space<vmem_shared>>) offsets(%dma_start3A_272 : memref<128xi32, #tpu.memory_space<vmem>>) semaphore(%run_scoped3A : memref<!tpu.dma_semaphore, #tpu.memory_space<semaphore_mem>>) {add = true}
        %dma_wait3A_276 = arith.constant 0 : i32
        %dma_wait3A_277 = tpu.memref_slice %arg12[%add3A_222, %dma_wait3A_276] : memref<80x128xi32, #tpu.memory_space<vmem>> -> memref<1x128xi32, #tpu.memory_space<vmem>>
        %dma_wait3A_278 = tpu.memref_squeeze %dma_wait3A_277 : memref<1x128xi32, #tpu.memory_space<vmem>> -> memref<128xi32, #tpu.memory_space<vmem>>
        %dma_wait3A_279 = arith.constant 0 : i32
        %dma_wait3A_280 = arith.constant 0 : i32
        %dma_wait3A_281 = tpu.memref_slice %arg30[%dma_wait3A_279, %dma_wait3A_280] : memref<10112x32xf32, #tpu.memory_space<vmem_shared>> -> memref<10112x32xf32, #tpu.memory_space<vmem_shared>>
        tpu.wait_indirect_dma semaphore(%run_scoped3A : memref<!tpu.dma_semaphore, #tpu.memory_space<semaphore_mem>>) src(%arg18 : memref<128x32xf32, #tpu.memory_space<vmem>>) dst(%dma_wait3A_281 : memref<10112x32xf32, #tpu.memory_space<vmem_shared>>)
        tpu.yield
      }) : () -> ()
      %add3A_229 = arith.constant 8 : i32
      %add3A_230 = arith.addi %add3A_222, %add3A_229 : i32
      %lt3A_231 = arith.constant 80 : i32
      %lt3A_232 = arith.cmpi slt, %add3A_230, %lt3A_231 : i32
      %convert_element_type3A_233 = arith.extui %lt3A_232 : i1 to i32
      %cond3A_234 = arith.constant 0 : i32
      %cond3A_235 = arith.cmpi ne, %convert_element_type3A_233, %cond3A_234 : i32
      scf.if %cond3A_235 {
        %add3A_270 = arith.constant 8 : i32
        %add3A_271 = arith.addi %add3A_222, %add3A_270 : i32
        %dma_start3A_272 = arith.constant 0 : i32
        %dma_start3A_273 = tpu.memref_slice %arg11[%add3A_271, %dma_start3A_272] : memref<80x128xi32, #tpu.memory_space<vmem>> -> memref<1x128xi32, #tpu.memory_space<vmem>>
        %dma_start3A_274 = tpu.memref_squeeze %dma_start3A_273 : memref<1x128xi32, #tpu.memory_space<vmem>> -> memref<128xi32, #tpu.memory_space<vmem>>
        %dma_start3A_275 = arith.constant 0 : i32
        %dma_start3A_276 = arith.constant 0 : i32
        %dma_start3A_277 = tpu.memref_slice %arg5[%dma_start3A_275, %dma_start3A_276] : memref<10112x32xf32, #tpu.memory_space<hbm>> -> memref<10112x32xf32, #tpu.memory_space<hbm>>
        tpu.enqueue_indirect_dma source(%dma_start3A_277 : memref<10112x32xf32, #tpu.memory_space<hbm>>) target(%arg18 : memref<128x32xf32, #tpu.memory_space<vmem>>) offsets(%dma_start3A_274 : memref<128xi32, #tpu.memory_space<vmem>>) semaphore(%arg26 : memref<!tpu.dma_semaphore, #tpu.memory_space<semaphore_mem>>)
      } else {
      }
      %mul3A_236 = arith.constant 8 : i32
      %mul3A_237 = arith.muli %scan3A_137, %mul3A_236 : i32
      %add3A_238 = arith.constant 6 : i32
      %add3A_239 = arith.addi %mul3A_237, %add3A_238 : i32
      %dma_wait3A_240 = arith.constant 0 : i32
      %dma_wait3A_241 = tpu.memref_slice %arg11[%add3A_239, %dma_wait3A_240] : memref<80x128xi32, #tpu.memory_space<vmem>> -> memref<1x128xi32, #tpu.memory_space<vmem>>
      %dma_wait3A_242 = tpu.memref_squeeze %dma_wait3A_241 : memref<1x128xi32, #tpu.memory_space<vmem>> -> memref<128xi32, #tpu.memory_space<vmem>>
      %dma_wait3A_243 = arith.constant 0 : i32
      %dma_wait3A_244 = arith.constant 0 : i32
      %dma_wait3A_245 = tpu.memref_slice %arg5[%dma_wait3A_243, %dma_wait3A_244] : memref<10112x32xf32, #tpu.memory_space<hbm>> -> memref<10112x32xf32, #tpu.memory_space<hbm>>
      tpu.wait_indirect_dma semaphore(%arg27 : memref<!tpu.dma_semaphore, #tpu.memory_space<semaphore_mem>>) src(%dma_wait3A_245 : memref<10112x32xf32, #tpu.memory_space<hbm>>) dst(%arg19 : memref<128x32xf32, #tpu.memory_space<vmem>>)
      "tpu.region"() ({
        %run_scoped3A = tpu.sem_alloc : memref<!tpu.dma_semaphore, #tpu.memory_space<semaphore_mem>>
        %dma_start3A_270 = arith.constant 0 : i32
        %dma_start3A_271 = tpu.memref_slice %arg12[%add3A_239, %dma_start3A_270] : memref<80x128xi32, #tpu.memory_space<vmem>> -> memref<1x128xi32, #tpu.memory_space<vmem>>
        %dma_start3A_272 = tpu.memref_squeeze %dma_start3A_271 : memref<1x128xi32, #tpu.memory_space<vmem>> -> memref<128xi32, #tpu.memory_space<vmem>>
        %dma_start3A_273 = arith.constant 0 : i32
        %dma_start3A_274 = arith.constant 0 : i32
        %dma_start3A_275 = tpu.memref_slice %arg30[%dma_start3A_273, %dma_start3A_274] : memref<10112x32xf32, #tpu.memory_space<vmem_shared>> -> memref<10112x32xf32, #tpu.memory_space<vmem_shared>>
        tpu.enqueue_indirect_dma source(%arg19 : memref<128x32xf32, #tpu.memory_space<vmem>>) target(%dma_start3A_275 : memref<10112x32xf32, #tpu.memory_space<vmem_shared>>) offsets(%dma_start3A_272 : memref<128xi32, #tpu.memory_space<vmem>>) semaphore(%run_scoped3A : memref<!tpu.dma_semaphore, #tpu.memory_space<semaphore_mem>>) {add = true}
        %dma_wait3A_276 = arith.constant 0 : i32
        %dma_wait3A_277 = tpu.memref_slice %arg12[%add3A_239, %dma_wait3A_276] : memref<80x128xi32, #tpu.memory_space<vmem>> -> memref<1x128xi32, #tpu.memory_space<vmem>>
        %dma_wait3A_278 = tpu.memref_squeeze %dma_wait3A_277 : memref<1x128xi32, #tpu.memory_space<vmem>> -> memref<128xi32, #tpu.memory_space<vmem>>
        %dma_wait3A_279 = arith.constant 0 : i32
        %dma_wait3A_280 = arith.constant 0 : i32
        %dma_wait3A_281 = tpu.memref_slice %arg30[%dma_wait3A_279, %dma_wait3A_280] : memref<10112x32xf32, #tpu.memory_space<vmem_shared>> -> memref<10112x32xf32, #tpu.memory_space<vmem_shared>>
        tpu.wait_indirect_dma semaphore(%run_scoped3A : memref<!tpu.dma_semaphore, #tpu.memory_space<semaphore_mem>>) src(%arg19 : memref<128x32xf32, #tpu.memory_space<vmem>>) dst(%dma_wait3A_281 : memref<10112x32xf32, #tpu.memory_space<vmem_shared>>)
        tpu.yield
      }) : () -> ()
      %add3A_246 = arith.constant 8 : i32
      %add3A_247 = arith.addi %add3A_239, %add3A_246 : i32
      %lt3A_248 = arith.constant 80 : i32
      %lt3A_249 = arith.cmpi slt, %add3A_247, %lt3A_248 : i32
      %convert_element_type3A_250 = arith.extui %lt3A_249 : i1 to i32
      %cond3A_251 = arith.constant 0 : i32
      %cond3A_252 = arith.cmpi ne, %convert_element_type3A_250, %cond3A_251 : i32
      scf.if %cond3A_252 {
        %add3A_270 = arith.constant 8 : i32
        %add3A_271 = arith.addi %add3A_239, %add3A_270 : i32
        %dma_start3A_272 = arith.constant 0 : i32
        %dma_start3A_273 = tpu.memref_slice %arg11[%add3A_271, %dma_start3A_272] : memref<80x128xi32, #tpu.memory_space<vmem>> -> memref<1x128xi32, #tpu.memory_space<vmem>>
        %dma_start3A_274 = tpu.memref_squeeze %dma_start3A_273 : memref<1x128xi32, #tpu.memory_space<vmem>> -> memref<128xi32, #tpu.memory_space<vmem>>
        %dma_start3A_275 = arith.constant 0 : i32
        %dma_start3A_276 = arith.constant 0 : i32
        %dma_start3A_277 = tpu.memref_slice %arg5[%dma_start3A_275, %dma_start3A_276] : memref<10112x32xf32, #tpu.memory_space<hbm>> -> memref<10112x32xf32, #tpu.memory_space<hbm>>
        tpu.enqueue_indirect_dma source(%dma_start3A_277 : memref<10112x32xf32, #tpu.memory_space<hbm>>) target(%arg19 : memref<128x32xf32, #tpu.memory_space<vmem>>) offsets(%dma_start3A_274 : memref<128xi32, #tpu.memory_space<vmem>>) semaphore(%arg27 : memref<!tpu.dma_semaphore, #tpu.memory_space<semaphore_mem>>)
      } else {
      }
      %mul3A_253 = arith.constant 8 : i32
      %mul3A_254 = arith.muli %scan3A_137, %mul3A_253 : i32
      %add3A_255 = arith.constant 7 : i32
      %add3A_256 = arith.addi %mul3A_254, %add3A_255 : i32
      %dma_wait3A_257 = arith.constant 0 : i32
      %dma_wait3A_258 = tpu.memref_slice %arg11[%add3A_256, %dma_wait3A_257] : memref<80x128xi32, #tpu.memory_space<vmem>> -> memref<1x128xi32, #tpu.memory_space<vmem>>
      %dma_wait3A_259 = tpu.memref_squeeze %dma_wait3A_258 : memref<1x128xi32, #tpu.memory_space<vmem>> -> memref<128xi32, #tpu.memory_space<vmem>>
      %dma_wait3A_260 = arith.constant 0 : i32
      %dma_wait3A_261 = arith.constant 0 : i32
      %dma_wait3A_262 = tpu.memref_slice %arg5[%dma_wait3A_260, %dma_wait3A_261] : memref<10112x32xf32, #tpu.memory_space<hbm>> -> memref<10112x32xf32, #tpu.memory_space<hbm>>
      tpu.wait_indirect_dma semaphore(%arg28 : memref<!tpu.dma_semaphore, #tpu.memory_space<semaphore_mem>>) src(%dma_wait3A_262 : memref<10112x32xf32, #tpu.memory_space<hbm>>) dst(%arg20 : memref<128x32xf32, #tpu.memory_space<vmem>>)
      "tpu.region"() ({
        %run_scoped3A = tpu.sem_alloc : memref<!tpu.dma_semaphore, #tpu.memory_space<semaphore_mem>>
        %dma_start3A_270 = arith.constant 0 : i32
        %dma_start3A_271 = tpu.memref_slice %arg12[%add3A_256, %dma_start3A_270] : memref<80x128xi32, #tpu.memory_space<vmem>> -> memref<1x128xi32, #tpu.memory_space<vmem>>
        %dma_start3A_272 = tpu.memref_squeeze %dma_start3A_271 : memref<1x128xi32, #tpu.memory_space<vmem>> -> memref<128xi32, #tpu.memory_space<vmem>>
        %dma_start3A_273 = arith.constant 0 : i32
        %dma_start3A_274 = arith.constant 0 : i32
        %dma_start3A_275 = tpu.memref_slice %arg30[%dma_start3A_273, %dma_start3A_274] : memref<10112x32xf32, #tpu.memory_space<vmem_shared>> -> memref<10112x32xf32, #tpu.memory_space<vmem_shared>>
        tpu.enqueue_indirect_dma source(%arg20 : memref<128x32xf32, #tpu.memory_space<vmem>>) target(%dma_start3A_275 : memref<10112x32xf32, #tpu.memory_space<vmem_shared>>) offsets(%dma_start3A_272 : memref<128xi32, #tpu.memory_space<vmem>>) semaphore(%run_scoped3A : memref<!tpu.dma_semaphore, #tpu.memory_space<semaphore_mem>>) {add = true}
        %dma_wait3A_276 = arith.constant 0 : i32
        %dma_wait3A_277 = tpu.memref_slice %arg12[%add3A_256, %dma_wait3A_276] : memref<80x128xi32, #tpu.memory_space<vmem>> -> memref<1x128xi32, #tpu.memory_space<vmem>>
        %dma_wait3A_278 = tpu.memref_squeeze %dma_wait3A_277 : memref<1x128xi32, #tpu.memory_space<vmem>> -> memref<128xi32, #tpu.memory_space<vmem>>
        %dma_wait3A_279 = arith.constant 0 : i32
        %dma_wait3A_280 = arith.constant 0 : i32
        %dma_wait3A_281 = tpu.memref_slice %arg30[%dma_wait3A_279, %dma_wait3A_280] : memref<10112x32xf32, #tpu.memory_space<vmem_shared>> -> memref<10112x32xf32, #tpu.memory_space<vmem_shared>>
        tpu.wait_indirect_dma semaphore(%run_scoped3A : memref<!tpu.dma_semaphore, #tpu.memory_space<semaphore_mem>>) src(%arg20 : memref<128x32xf32, #tpu.memory_space<vmem>>) dst(%dma_wait3A_281 : memref<10112x32xf32, #tpu.memory_space<vmem_shared>>)
        tpu.yield
      }) : () -> ()
      %add3A_263 = arith.constant 8 : i32
      %add3A_264 = arith.addi %add3A_256, %add3A_263 : i32
      %lt3A_265 = arith.constant 80 : i32
      %lt3A_266 = arith.cmpi slt, %add3A_264, %lt3A_265 : i32
      %convert_element_type3A_267 = arith.extui %lt3A_266 : i1 to i32
      %cond3A_268 = arith.constant 0 : i32
      %cond3A_269 = arith.cmpi ne, %convert_element_type3A_267, %cond3A_268 : i32
      scf.if %cond3A_269 {
        %add3A_270 = arith.constant 8 : i32
        %add3A_271 = arith.addi %add3A_256, %add3A_270 : i32
        %dma_start3A_272 = arith.constant 0 : i32
        %dma_start3A_273 = tpu.memref_slice %arg11[%add3A_271, %dma_start3A_272] : memref<80x128xi32, #tpu.memory_space<vmem>> -> memref<1x128xi32, #tpu.memory_space<vmem>>
        %dma_start3A_274 = tpu.memref_squeeze %dma_start3A_273 : memref<1x128xi32, #tpu.memory_space<vmem>> -> memref<128xi32, #tpu.memory_space<vmem>>
        %dma_start3A_275 = arith.constant 0 : i32
        %dma_start3A_276 = arith.constant 0 : i32
        %dma_start3A_277 = tpu.memref_slice %arg5[%dma_start3A_275, %dma_start3A_276] : memref<10112x32xf32, #tpu.memory_space<hbm>> -> memref<10112x32xf32, #tpu.memory_space<hbm>>
        tpu.enqueue_indirect_dma source(%dma_start3A_277 : memref<10112x32xf32, #tpu.memory_space<hbm>>) target(%arg20 : memref<128x32xf32, #tpu.memory_space<vmem>>) offsets(%dma_start3A_274 : memref<128xi32, #tpu.memory_space<vmem>>) semaphore(%arg28 : memref<!tpu.dma_semaphore, #tpu.memory_space<semaphore_mem>>)
      } else {
      }
    }
    %scan3A_132 = arith.constant 10 : i32
    %barrier3A_133 = arith.constant 0 : index
    tpu.barrier barrier_id(%barrier3A_133)
    %mul3A_134 = arith.constant 10112 : i32
    %mul3A_135 = arith.muli %arg0, %mul3A_134 : i32
    %add3A_136 = arith.addi %mul3A_135, %mul3A_2 : i32
    "tpu.region"() ({
      %run_scoped3A = tpu.sem_alloc : memref<!tpu.dma_semaphore, #tpu.memory_space<semaphore_mem>>
      %dma_start3A_137 = arith.constant 0 : i32
      %dma_start3A_138 = tpu.memref_slice %arg9[%add3A_136, %dma_start3A_137] : memref<20224x32xf32, #tpu.memory_space<hbm>> -> memref<632x32xf32, #tpu.memory_space<hbm>>
      %dma_start3A_139 = arith.constant 0 : i32
      %dma_start3A_140 = tpu.memref_slice %arg29[%mul3A_2, %dma_start3A_139] : memref<10112x32xf32, #tpu.memory_space<vmem_shared>> -> memref<632x32xf32, #tpu.memory_space<vmem_shared>>
      tpu.enqueue_dma source(%dma_start3A_140 : memref<632x32xf32, #tpu.memory_space<vmem_shared>>) target(%dma_start3A_138 : memref<632x32xf32, #tpu.memory_space<hbm>>) target_semaphore(%run_scoped3A : memref<!tpu.dma_semaphore, #tpu.memory_space<semaphore_mem>>)
      %dma_wait3A = arith.constant 0 : i32
      %dma_wait3A_141 = tpu.memref_slice %arg9[%add3A_136, %dma_wait3A] : memref<20224x32xf32, #tpu.memory_space<hbm>> -> memref<632x32xf32, #tpu.memory_space<hbm>>
      %dma_wait3A_142 = arith.constant 0 : i32
      %dma_wait3A_143 = tpu.memref_slice %arg29[%mul3A_2, %dma_wait3A_142] : memref<10112x32xf32, #tpu.memory_space<vmem_shared>> -> memref<632x32xf32, #tpu.memory_space<vmem_shared>>
      tpu.wait_dma2 semaphore(%run_scoped3A : memref<!tpu.dma_semaphore, #tpu.memory_space<semaphore_mem>>) src(%dma_wait3A_143 : memref<632x32xf32, #tpu.memory_space<vmem_shared>>) dst(%dma_wait3A_141 : memref<632x32xf32, #tpu.memory_space<hbm>>)
      tpu.yield
    }) : () -> ()
    "tpu.region"() ({
      %run_scoped3A = tpu.sem_alloc : memref<!tpu.dma_semaphore, #tpu.memory_space<semaphore_mem>>
      %dma_start3A_137 = arith.constant 0 : i32
      %dma_start3A_138 = tpu.memref_slice %arg10[%add3A_136, %dma_start3A_137] : memref<20224x32xf32, #tpu.memory_space<hbm>> -> memref<632x32xf32, #tpu.memory_space<hbm>>
      %dma_start3A_139 = arith.constant 0 : i32
      %dma_start3A_140 = tpu.memref_slice %arg30[%mul3A_2, %dma_start3A_139] : memref<10112x32xf32, #tpu.memory_space<vmem_shared>> -> memref<632x32xf32, #tpu.memory_space<vmem_shared>>
      tpu.enqueue_dma source(%dma_start3A_140 : memref<632x32xf32, #tpu.memory_space<vmem_shared>>) target(%dma_start3A_138 : memref<632x32xf32, #tpu.memory_space<hbm>>) target_semaphore(%run_scoped3A : memref<!tpu.dma_semaphore, #tpu.memory_space<semaphore_mem>>)
      %dma_wait3A = arith.constant 0 : i32
      %dma_wait3A_141 = tpu.memref_slice %arg10[%add3A_136, %dma_wait3A] : memref<20224x32xf32, #tpu.memory_space<hbm>> -> memref<632x32xf32, #tpu.memory_space<hbm>>
      %dma_wait3A_142 = arith.constant 0 : i32
      %dma_wait3A_143 = tpu.memref_slice %arg30[%mul3A_2, %dma_wait3A_142] : memref<10112x32xf32, #tpu.memory_space<vmem_shared>> -> memref<632x32xf32, #tpu.memory_space<vmem_shared>>
      tpu.wait_dma2 semaphore(%run_scoped3A : memref<!tpu.dma_semaphore, #tpu.memory_space<semaphore_mem>>) src(%dma_wait3A_143 : memref<632x32xf32, #tpu.memory_space<vmem_shared>>) dst(%dma_wait3A_141 : memref<632x32xf32, #tpu.memory_space<hbm>>)
      tpu.yield
    }) : () -> ()
    return
  }
}

module attributes {stable_mosaic.version = 14 : i64} {
  func.func @_t1_body(%arg0: memref<2528x512xf32, #tpu.memory_space<vmem>>, %arg1: memref<2528x512xf32, #tpu.memory_space<vmem>>, %arg2: memref<128x32xf32, #tpu.memory_space<vmem>>, %arg3: memref<32xf32, #tpu.memory_space<vmem>>, %arg4: memref<128x32xf32, #tpu.memory_space<vmem>>, %arg5: memref<32xf32, #tpu.memory_space<vmem>>, %arg6: memref<64x32xf32, #tpu.memory_space<vmem>>, %arg7: memref<32xf32, #tpu.memory_space<vmem>>, %arg8: memref<128x32xf32, #tpu.memory_space<vmem>>, %arg9: memref<32xf32, #tpu.memory_space<vmem>>, %arg10: memref<128x32xf32, #tpu.memory_space<vmem>>, %arg11: memref<32xf32, #tpu.memory_space<vmem>>, %arg12: memref<64x32xf32, #tpu.memory_space<vmem>>, %arg13: memref<32xf32, #tpu.memory_space<vmem>>, %arg14: memref<2528x128xf32, #tpu.memory_space<vmem>>, %arg15: memref<2528x128xf32, #tpu.memory_space<vmem>>, %arg16: memref<2528x128xf32, #tpu.memory_space<vmem>>, %arg17: memref<2528x128xf32, #tpu.memory_space<vmem>>) attributes {dimension_semantics = [], scalar_prefetch = 0 : i64, scratch_operands = 0 : i64, tpu.core_type = #tpu.core_type<tc>} {
    %get3A = arith.constant 0 : index
    %get3A_0 = arith.constant 0 : index
    %get3A_1 = vector.load %arg0[%get3A, %get3A_0] : memref<2528x512xf32, #tpu.memory_space<vmem>>, vector<2528x512xf32>
    %get3A_2 = arith.constant 0 : index
    %get3A_3 = arith.constant 0 : index
    %get3A_4 = vector.load %arg2[%get3A_2, %get3A_3] : memref<128x32xf32, #tpu.memory_space<vmem>>, vector<128x32xf32>
    %get3A_5 = arith.constant 0 : index
    %get3A_6 = arith.constant 0 : index
    %get3A_7 = vector.load %arg6[%get3A_5, %get3A_6] : memref<64x32xf32, #tpu.memory_space<vmem>>, vector<64x32xf32>
    %slice3A = vector.extract_strided_slice %get3A_7 {offsets = [32, 0], sizes = [32, 32], strides = [1, 1]} : vector<64x32xf32> to vector<32x32xf32>
    %dot_general3A = arith.constant dense<0.000000e+00> : vector<128x32xf32>
    %dot_general3A_8 = tpu.matmul %get3A_4, %slice3A, %dot_general3A {dimension_numbers = #tpu.dot_dimension_numbers<[1], [0], [0], [1], [0, 0, 1, 1], [], []>, precision = #tpu.contract_precision<fp32>, transpose_lhs_hint = false} : vector<128x32xf32>, vector<32x32xf32>, vector<128x32xf32> -> vector<128x32xf32>
    %broadcast_in_dim3A = arith.constant 0.000000e+00 : f32
    %broadcast_in_dim3A_9 = vector.broadcast %broadcast_in_dim3A : f32 to vector<128x32xf32>
    %concatenate3A = tpu.concatenate %dot_general3A_8, %broadcast_in_dim3A_9, %broadcast_in_dim3A_9, %broadcast_in_dim3A_9 in 1 : vector<128x32xf32>, vector<128x32xf32>, vector<128x32xf32>, vector<128x32xf32> -> vector<128x128xf32>
    %concatenate3A_10 = tpu.concatenate %broadcast_in_dim3A_9, %dot_general3A_8, %broadcast_in_dim3A_9, %broadcast_in_dim3A_9 in 1 : vector<128x32xf32>, vector<128x32xf32>, vector<128x32xf32>, vector<128x32xf32> -> vector<128x128xf32>
    %concatenate3A_11 = tpu.concatenate %broadcast_in_dim3A_9, %broadcast_in_dim3A_9, %dot_general3A_8, %broadcast_in_dim3A_9 in 1 : vector<128x32xf32>, vector<128x32xf32>, vector<128x32xf32>, vector<128x32xf32> -> vector<128x128xf32>
    %concatenate3A_12 = tpu.concatenate %broadcast_in_dim3A_9, %broadcast_in_dim3A_9, %broadcast_in_dim3A_9, %dot_general3A_8 in 1 : vector<128x32xf32>, vector<128x32xf32>, vector<128x32xf32>, vector<128x32xf32> -> vector<128x128xf32>
    %concatenate3A_13 = tpu.concatenate %concatenate3A, %concatenate3A_10, %concatenate3A_11, %concatenate3A_12 in 0 : vector<128x128xf32>, vector<128x128xf32>, vector<128x128xf32>, vector<128x128xf32> -> vector<512x128xf32>
    %dot_general3A_14 = arith.constant dense<0.000000e+00> : vector<2528x128xf32>
    %dot_general3A_15 = tpu.matmul %get3A_1, %concatenate3A_13, %dot_general3A_14 {dimension_numbers = #tpu.dot_dimension_numbers<[1], [0], [0], [1], [0, 0, 1, 1], [], []>, precision = #tpu.contract_precision<fp32>, transpose_lhs_hint = false} : vector<2528x512xf32>, vector<512x128xf32>, vector<2528x128xf32> -> vector<2528x128xf32>
    %swap3A = arith.constant 0 : index
    %swap3A_16 = arith.constant 0 : index
    %swap3A_17 = vector.load %arg14[%swap3A, %swap3A_16] : memref<2528x128xf32, #tpu.memory_space<vmem>>, vector<2528x128xf32>
    tpu.vector_store %arg14[%swap3A, %swap3A_16], %dot_general3A_15 {strides = array<i32>} : memref<2528x128xf32, #tpu.memory_space<vmem>>, vector<2528x128xf32>,
    %get3A_18 = arith.constant 0 : index
    %get3A_19 = arith.constant 0 : index
    %get3A_20 = vector.load %arg1[%get3A_18, %get3A_19] : memref<2528x512xf32, #tpu.memory_space<vmem>>, vector<2528x512xf32>
    %get3A_21 = arith.constant 0 : index
    %get3A_22 = arith.constant 0 : index
    %get3A_23 = vector.load %arg4[%get3A_21, %get3A_22] : memref<128x32xf32, #tpu.memory_space<vmem>>, vector<128x32xf32>
    %get3A_24 = arith.constant 0 : index
    %get3A_25 = arith.constant 0 : index
    %get3A_26 = vector.load %arg6[%get3A_24, %get3A_25] : memref<64x32xf32, #tpu.memory_space<vmem>>, vector<64x32xf32>
    %slice3A_27 = vector.extract_strided_slice %get3A_26 {offsets = [0, 0], sizes = [32, 32], strides = [1, 1]} : vector<64x32xf32> to vector<32x32xf32>
    %dot_general3A_28 = arith.constant dense<0.000000e+00> : vector<128x32xf32>
    %dot_general3A_29 = tpu.matmul %get3A_23, %slice3A_27, %dot_general3A_28 {dimension_numbers = #tpu.dot_dimension_numbers<[1], [0], [0], [1], [0, 0, 1, 1], [], []>, precision = #tpu.contract_precision<fp32>, transpose_lhs_hint = false} : vector<128x32xf32>, vector<32x32xf32>, vector<128x32xf32> -> vector<128x32xf32>
    %broadcast_in_dim3A_30 = arith.constant 0.000000e+00 : f32
    %broadcast_in_dim3A_31 = vector.broadcast %broadcast_in_dim3A_30 : f32 to vector<128x32xf32>
    %concatenate3A_32 = tpu.concatenate %dot_general3A_29, %broadcast_in_dim3A_31, %broadcast_in_dim3A_31, %broadcast_in_dim3A_31 in 1 : vector<128x32xf32>, vector<128x32xf32>, vector<128x32xf32>, vector<128x32xf32> -> vector<128x128xf32>
    %concatenate3A_33 = tpu.concatenate %broadcast_in_dim3A_31, %dot_general3A_29, %broadcast_in_dim3A_31, %broadcast_in_dim3A_31 in 1 : vector<128x32xf32>, vector<128x32xf32>, vector<128x32xf32>, vector<128x32xf32> -> vector<128x128xf32>
    %concatenate3A_34 = tpu.concatenate %broadcast_in_dim3A_31, %broadcast_in_dim3A_31, %dot_general3A_29, %broadcast_in_dim3A_31 in 1 : vector<128x32xf32>, vector<128x32xf32>, vector<128x32xf32>, vector<128x32xf32> -> vector<128x128xf32>
    %concatenate3A_35 = tpu.concatenate %broadcast_in_dim3A_31, %broadcast_in_dim3A_31, %broadcast_in_dim3A_31, %dot_general3A_29 in 1 : vector<128x32xf32>, vector<128x32xf32>, vector<128x32xf32>, vector<128x32xf32> -> vector<128x128xf32>
    %concatenate3A_36 = tpu.concatenate %concatenate3A_32, %concatenate3A_33, %concatenate3A_34, %concatenate3A_35 in 0 : vector<128x128xf32>, vector<128x128xf32>, vector<128x128xf32>, vector<128x128xf32> -> vector<512x128xf32>
    %dot_general3A_37 = arith.constant dense<0.000000e+00> : vector<2528x128xf32>
    %dot_general3A_38 = tpu.matmul %get3A_20, %concatenate3A_36, %dot_general3A_37 {dimension_numbers = #tpu.dot_dimension_numbers<[1], [0], [0], [1], [0, 0, 1, 1], [], []>, precision = #tpu.contract_precision<fp32>, transpose_lhs_hint = false} : vector<2528x512xf32>, vector<512x128xf32>, vector<2528x128xf32> -> vector<2528x128xf32>
    %get3A_39 = arith.constant 0 : index
    %get3A_40 = vector.load %arg3[%get3A_39] : memref<32xf32, #tpu.memory_space<vmem>>, vector<32xf32>
    %get3A_41 = arith.constant 0 : index
    %get3A_42 = vector.load %arg5[%get3A_41] : memref<32xf32, #tpu.memory_space<vmem>>, vector<32xf32>
    %get3A_43 = arith.constant 0 : index
    %get3A_44 = arith.constant 0 : index
    %get3A_45 = vector.load %arg6[%get3A_43, %get3A_44] : memref<64x32xf32, #tpu.memory_space<vmem>>, vector<64x32xf32>
    %get3A_46 = arith.constant 0 : index
    %get3A_47 = vector.load %arg7[%get3A_46] : memref<32xf32, #tpu.memory_space<vmem>>, vector<32xf32>
    %reshape3A = vector.shape_cast %get3A_42 : vector<32xf32> to vector<1x32xf32>
    %slice3A_48 = vector.extract_strided_slice %get3A_45 {offsets = [0, 0], sizes = [32, 32], strides = [1, 1]} : vector<64x32xf32> to vector<32x32xf32>
    %dot_general3A_49 = arith.constant dense<0.000000e+00> : vector<1x32xf32>
    %dot_general3A_50 = tpu.matmul %reshape3A, %slice3A_48, %dot_general3A_49 {dimension_numbers = #tpu.dot_dimension_numbers<[1], [0], [0], [1], [0, 0, 1, 1], [], []>, precision = #tpu.contract_precision<fp32>, transpose_lhs_hint = false} : vector<1x32xf32>, vector<32x32xf32>, vector<1x32xf32> -> vector<1x32xf32>
    %reshape3A_51 = vector.shape_cast %get3A_40 : vector<32xf32> to vector<1x32xf32>
    %slice3A_52 = vector.extract_strided_slice %get3A_45 {offsets = [32, 0], sizes = [32, 32], strides = [1, 1]} : vector<64x32xf32> to vector<32x32xf32>
    %dot_general3A_53 = arith.constant dense<0.000000e+00> : vector<1x32xf32>
    %dot_general3A_54 = tpu.matmul %reshape3A_51, %slice3A_52, %dot_general3A_53 {dimension_numbers = #tpu.dot_dimension_numbers<[1], [0], [0], [1], [0, 0, 1, 1], [], []>, precision = #tpu.contract_precision<fp32>, transpose_lhs_hint = false} : vector<1x32xf32>, vector<32x32xf32>, vector<1x32xf32> -> vector<1x32xf32>
    %add3A = arith.addf %dot_general3A_50, %dot_general3A_54 : vector<1x32xf32>
    %reshape3A_55 = vector.shape_cast %get3A_47 : vector<32xf32> to vector<1x32xf32>
    %add3A_56 = arith.addf %add3A, %reshape3A_55 : vector<1x32xf32>
    %squeeze3A = vector.shape_cast %add3A_56 : vector<1x32xf32> to vector<32xf32>
    %concatenate3A_57 = tpu.concatenate %squeeze3A, %squeeze3A, %squeeze3A, %squeeze3A in 0 : vector<32xf32>, vector<32xf32>, vector<32xf32>, vector<32xf32> -> vector<128xf32>
    %broadcast_in_dim3A_58 = vector.shape_cast %concatenate3A_57 : vector<128xf32> to vector<1x128xf32>
    %add3A_59 = vector.broadcast %broadcast_in_dim3A_58 : vector<1x128xf32> to vector<2528x128xf32>
    %add3A_60 = arith.addf %dot_general3A_38, %add3A_59 : vector<2528x128xf32>
    %swap3A_61 = arith.constant 0 : index
    %swap3A_62 = arith.constant 0 : index
    %swap3A_63 = vector.load %arg15[%swap3A_61, %swap3A_62] : memref<2528x128xf32, #tpu.memory_space<vmem>>, vector<2528x128xf32>
    tpu.vector_store %arg15[%swap3A_61, %swap3A_62], %add3A_60 {strides = array<i32>} : memref<2528x128xf32, #tpu.memory_space<vmem>>, vector<2528x128xf32>,
    %get3A_64 = arith.constant 0 : index
    %get3A_65 = arith.constant 0 : index
    %get3A_66 = vector.load %arg1[%get3A_64, %get3A_65] : memref<2528x512xf32, #tpu.memory_space<vmem>>, vector<2528x512xf32>
    %get3A_67 = arith.constant 0 : index
    %get3A_68 = arith.constant 0 : index
    %get3A_69 = vector.load %arg8[%get3A_67, %get3A_68] : memref<128x32xf32, #tpu.memory_space<vmem>>, vector<128x32xf32>
    %get3A_70 = arith.constant 0 : index
    %get3A_71 = arith.constant 0 : index
    %get3A_72 = vector.load %arg12[%get3A_70, %get3A_71] : memref<64x32xf32, #tpu.memory_space<vmem>>, vector<64x32xf32>
    %slice3A_73 = vector.extract_strided_slice %get3A_72 {offsets = [32, 0], sizes = [32, 32], strides = [1, 1]} : vector<64x32xf32> to vector<32x32xf32>
    %dot_general3A_74 = arith.constant dense<0.000000e+00> : vector<128x32xf32>
    %dot_general3A_75 = tpu.matmul %get3A_69, %slice3A_73, %dot_general3A_74 {dimension_numbers = #tpu.dot_dimension_numbers<[1], [0], [0], [1], [0, 0, 1, 1], [], []>, precision = #tpu.contract_precision<fp32>, transpose_lhs_hint = false} : vector<128x32xf32>, vector<32x32xf32>, vector<128x32xf32> -> vector<128x32xf32>
    %broadcast_in_dim3A_76 = arith.constant 0.000000e+00 : f32
    %broadcast_in_dim3A_77 = vector.broadcast %broadcast_in_dim3A_76 : f32 to vector<128x32xf32>
    %concatenate3A_78 = tpu.concatenate %dot_general3A_75, %broadcast_in_dim3A_77, %broadcast_in_dim3A_77, %broadcast_in_dim3A_77 in 1 : vector<128x32xf32>, vector<128x32xf32>, vector<128x32xf32>, vector<128x32xf32> -> vector<128x128xf32>
    %concatenate3A_79 = tpu.concatenate %broadcast_in_dim3A_77, %dot_general3A_75, %broadcast_in_dim3A_77, %broadcast_in_dim3A_77 in 1 : vector<128x32xf32>, vector<128x32xf32>, vector<128x32xf32>, vector<128x32xf32> -> vector<128x128xf32>
    %concatenate3A_80 = tpu.concatenate %broadcast_in_dim3A_77, %broadcast_in_dim3A_77, %dot_general3A_75, %broadcast_in_dim3A_77 in 1 : vector<128x32xf32>, vector<128x32xf32>, vector<128x32xf32>, vector<128x32xf32> -> vector<128x128xf32>
    %concatenate3A_81 = tpu.concatenate %broadcast_in_dim3A_77, %broadcast_in_dim3A_77, %broadcast_in_dim3A_77, %dot_general3A_75 in 1 : vector<128x32xf32>, vector<128x32xf32>, vector<128x32xf32>, vector<128x32xf32> -> vector<128x128xf32>
    %concatenate3A_82 = tpu.concatenate %concatenate3A_78, %concatenate3A_79, %concatenate3A_80, %concatenate3A_81 in 0 : vector<128x128xf32>, vector<128x128xf32>, vector<128x128xf32>, vector<128x128xf32> -> vector<512x128xf32>
    %dot_general3A_83 = arith.constant dense<0.000000e+00> : vector<2528x128xf32>
    %dot_general3A_84 = tpu.matmul %get3A_66, %concatenate3A_82, %dot_general3A_83 {dimension_numbers = #tpu.dot_dimension_numbers<[1], [0], [0], [1], [0, 0, 1, 1], [], []>, precision = #tpu.contract_precision<fp32>, transpose_lhs_hint = false} : vector<2528x512xf32>, vector<512x128xf32>, vector<2528x128xf32> -> vector<2528x128xf32>
    %swap3A_85 = arith.constant 0 : index
    %swap3A_86 = arith.constant 0 : index
    %swap3A_87 = vector.load %arg16[%swap3A_85, %swap3A_86] : memref<2528x128xf32, #tpu.memory_space<vmem>>, vector<2528x128xf32>
    tpu.vector_store %arg16[%swap3A_85, %swap3A_86], %dot_general3A_84 {strides = array<i32>} : memref<2528x128xf32, #tpu.memory_space<vmem>>, vector<2528x128xf32>,
    %get3A_88 = arith.constant 0 : index
    %get3A_89 = arith.constant 0 : index
    %get3A_90 = vector.load %arg0[%get3A_88, %get3A_89] : memref<2528x512xf32, #tpu.memory_space<vmem>>, vector<2528x512xf32>
    %get3A_91 = arith.constant 0 : index
    %get3A_92 = arith.constant 0 : index
    %get3A_93 = vector.load %arg10[%get3A_91, %get3A_92] : memref<128x32xf32, #tpu.memory_space<vmem>>, vector<128x32xf32>
    %get3A_94 = arith.constant 0 : index
    %get3A_95 = arith.constant 0 : index
    %get3A_96 = vector.load %arg12[%get3A_94, %get3A_95] : memref<64x32xf32, #tpu.memory_space<vmem>>, vector<64x32xf32>
    %slice3A_97 = vector.extract_strided_slice %get3A_96 {offsets = [0, 0], sizes = [32, 32], strides = [1, 1]} : vector<64x32xf32> to vector<32x32xf32>
    %dot_general3A_98 = arith.constant dense<0.000000e+00> : vector<128x32xf32>
    %dot_general3A_99 = tpu.matmul %get3A_93, %slice3A_97, %dot_general3A_98 {dimension_numbers = #tpu.dot_dimension_numbers<[1], [0], [0], [1], [0, 0, 1, 1], [], []>, precision = #tpu.contract_precision<fp32>, transpose_lhs_hint = false} : vector<128x32xf32>, vector<32x32xf32>, vector<128x32xf32> -> vector<128x32xf32>
    %broadcast_in_dim3A_100 = arith.constant 0.000000e+00 : f32
    %broadcast_in_dim3A_101 = vector.broadcast %broadcast_in_dim3A_100 : f32 to vector<128x32xf32>
    %concatenate3A_102 = tpu.concatenate %dot_general3A_99, %broadcast_in_dim3A_101, %broadcast_in_dim3A_101, %broadcast_in_dim3A_101 in 1 : vector<128x32xf32>, vector<128x32xf32>, vector<128x32xf32>, vector<128x32xf32> -> vector<128x128xf32>
    %concatenate3A_103 = tpu.concatenate %broadcast_in_dim3A_101, %dot_general3A_99, %broadcast_in_dim3A_101, %broadcast_in_dim3A_101 in 1 : vector<128x32xf32>, vector<128x32xf32>, vector<128x32xf32>, vector<128x32xf32> -> vector<128x128xf32>
    %concatenate3A_104 = tpu.concatenate %broadcast_in_dim3A_101, %broadcast_in_dim3A_101, %dot_general3A_99, %broadcast_in_dim3A_101 in 1 : vector<128x32xf32>, vector<128x32xf32>, vector<128x32xf32>, vector<128x32xf32> -> vector<128x128xf32>
    %concatenate3A_105 = tpu.concatenate %broadcast_in_dim3A_101, %broadcast_in_dim3A_101, %broadcast_in_dim3A_101, %dot_general3A_99 in 1 : vector<128x32xf32>, vector<128x32xf32>, vector<128x32xf32>, vector<128x32xf32> -> vector<128x128xf32>
    %concatenate3A_106 = tpu.concatenate %concatenate3A_102, %concatenate3A_103, %concatenate3A_104, %concatenate3A_105 in 0 : vector<128x128xf32>, vector<128x128xf32>, vector<128x128xf32>, vector<128x128xf32> -> vector<512x128xf32>
    %dot_general3A_107 = arith.constant dense<0.000000e+00> : vector<2528x128xf32>
    %dot_general3A_108 = tpu.matmul %get3A_90, %concatenate3A_106, %dot_general3A_107 {dimension_numbers = #tpu.dot_dimension_numbers<[1], [0], [0], [1], [0, 0, 1, 1], [], []>, precision = #tpu.contract_precision<fp32>, transpose_lhs_hint = false} : vector<2528x512xf32>, vector<512x128xf32>, vector<2528x128xf32> -> vector<2528x128xf32>
    %get3A_109 = arith.constant 0 : index
    %get3A_110 = vector.load %arg9[%get3A_109] : memref<32xf32, #tpu.memory_space<vmem>>, vector<32xf32>
    %get3A_111 = arith.constant 0 : index
    %get3A_112 = vector.load %arg11[%get3A_111] : memref<32xf32, #tpu.memory_space<vmem>>, vector<32xf32>
    %get3A_113 = arith.constant 0 : index
    %get3A_114 = arith.constant 0 : index
    %get3A_115 = vector.load %arg12[%get3A_113, %get3A_114] : memref<64x32xf32, #tpu.memory_space<vmem>>, vector<64x32xf32>
    %get3A_116 = arith.constant 0 : index
    %get3A_117 = vector.load %arg13[%get3A_116] : memref<32xf32, #tpu.memory_space<vmem>>, vector<32xf32>
    %reshape3A_118 = vector.shape_cast %get3A_112 : vector<32xf32> to vector<1x32xf32>
    %slice3A_119 = vector.extract_strided_slice %get3A_115 {offsets = [0, 0], sizes = [32, 32], strides = [1, 1]} : vector<64x32xf32> to vector<32x32xf32>
    %dot_general3A_120 = arith.constant dense<0.000000e+00> : vector<1x32xf32>
    %dot_general3A_121 = tpu.matmul %reshape3A_118, %slice3A_119, %dot_general3A_120 {dimension_numbers = #tpu.dot_dimension_numbers<[1], [0], [0], [1], [0, 0, 1, 1], [], []>, precision = #tpu.contract_precision<fp32>, transpose_lhs_hint = false} : vector<1x32xf32>, vector<32x32xf32>, vector<1x32xf32> -> vector<1x32xf32>
    %reshape3A_122 = vector.shape_cast %get3A_110 : vector<32xf32> to vector<1x32xf32>
    %slice3A_123 = vector.extract_strided_slice %get3A_115 {offsets = [32, 0], sizes = [32, 32], strides = [1, 1]} : vector<64x32xf32> to vector<32x32xf32>
    %dot_general3A_124 = arith.constant dense<0.000000e+00> : vector<1x32xf32>
    %dot_general3A_125 = tpu.matmul %reshape3A_122, %slice3A_123, %dot_general3A_124 {dimension_numbers = #tpu.dot_dimension_numbers<[1], [0], [0], [1], [0, 0, 1, 1], [], []>, precision = #tpu.contract_precision<fp32>, transpose_lhs_hint = false} : vector<1x32xf32>, vector<32x32xf32>, vector<1x32xf32> -> vector<1x32xf32>
    %add3A_126 = arith.addf %dot_general3A_121, %dot_general3A_125 : vector<1x32xf32>
    %reshape3A_127 = vector.shape_cast %get3A_117 : vector<32xf32> to vector<1x32xf32>
    %add3A_128 = arith.addf %add3A_126, %reshape3A_127 : vector<1x32xf32>
    %squeeze3A_129 = vector.shape_cast %add3A_128 : vector<1x32xf32> to vector<32xf32>
    %concatenate3A_130 = tpu.concatenate %squeeze3A_129, %squeeze3A_129, %squeeze3A_129, %squeeze3A_129 in 0 : vector<32xf32>, vector<32xf32>, vector<32xf32>, vector<32xf32> -> vector<128xf32>
    %broadcast_in_dim3A_131 = vector.shape_cast %concatenate3A_130 : vector<128xf32> to vector<1x128xf32>
    %add3A_132 = vector.broadcast %broadcast_in_dim3A_131 : vector<1x128xf32> to vector<2528x128xf32>
    %add3A_133 = arith.addf %dot_general3A_108, %add3A_132 : vector<2528x128xf32>
    %swap3A_134 = arith.constant 0 : index
    %swap3A_135 = arith.constant 0 : index
    %swap3A_136 = vector.load %arg17[%swap3A_134, %swap3A_135] : memref<2528x128xf32, #tpu.memory_space<vmem>>, vector<2528x128xf32>
    tpu.vector_store %arg17[%swap3A_134, %swap3A_135], %add3A_133 {strides = array<i32>} : memref<2528x128xf32, #tpu.memory_space<vmem>>, vector<2528x128xf32>,
    return
  }
}

module attributes {stable_mosaic.version = 14 : i64} {
  func.func @_t2_body(%arg0: memref<2528x128xf32, #tpu.memory_space<vmem>>, %arg1: memref<2528x128xf32, #tpu.memory_space<vmem>>, %arg2: memref<5056x128xf32, #tpu.memory_space<vmem>>, %arg3: memref<5056x128xf32, #tpu.memory_space<vmem>>, %arg4: memref<5056x128xf32, #tpu.memory_space<vmem>>, %arg5: memref<5056x128xf32, #tpu.memory_space<vmem>>, %arg6: memref<32xf32, #tpu.memory_space<vmem>>, %arg7: memref<32xf32, #tpu.memory_space<vmem>>, %arg8: memref<32xf32, #tpu.memory_space<vmem>>, %arg9: memref<32xf32, #tpu.memory_space<vmem>>, %arg10: memref<32x32xf32, #tpu.memory_space<vmem>>, %arg11: memref<32xf32, #tpu.memory_space<vmem>>, %arg12: memref<32x32xf32, #tpu.memory_space<vmem>>, %arg13: memref<32xf32, #tpu.memory_space<vmem>>, %arg14: memref<64x32xf32, #tpu.memory_space<vmem>>, %arg15: memref<32xf32, #tpu.memory_space<vmem>>, %arg16: memref<32x32xf32, #tpu.memory_space<vmem>>, %arg17: memref<32xf32, #tpu.memory_space<vmem>>, %arg18: memref<32x32xf32, #tpu.memory_space<vmem>>, %arg19: memref<32xf32, #tpu.memory_space<vmem>>, %arg20: memref<64x32xf32, #tpu.memory_space<vmem>>, %arg21: memref<32xf32, #tpu.memory_space<vmem>>, %arg22: memref<2528x128xf32, #tpu.memory_space<vmem>>, %arg23: memref<2528x128xf32, #tpu.memory_space<vmem>>, %arg24: memref<2528x128xf32, #tpu.memory_space<vmem>>, %arg25: memref<2528x128xf32, #tpu.memory_space<vmem>>) attributes {dimension_semantics = [], scalar_prefetch = 0 : i64, scratch_operands = 0 : i64, tpu.core_type = #tpu.core_type<tc>} {
    %get3A = arith.constant 0 : index
    %get3A_0 = arith.constant 0 : index
    %get3A_1 = vector.load %arg2[%get3A, %get3A_0] : memref<5056x128xf32, #tpu.memory_space<vmem>>, vector<2528x128xf32>
    %get3A_2 = arith.constant 2528 : index
    %get3A_3 = arith.constant 0 : index
    %get3A_4 = vector.load %arg2[%get3A_2, %get3A_3] : memref<5056x128xf32, #tpu.memory_space<vmem>>, vector<2528x128xf32>
    %add3A = arith.addf %get3A_1, %get3A_4 : vector<2528x128xf32>
    %get3A_5 = arith.constant 0 : index
    %get3A_6 = arith.constant 0 : index
    %get3A_7 = vector.load %arg3[%get3A_5, %get3A_6] : memref<5056x128xf32, #tpu.memory_space<vmem>>, vector<2528x128xf32>
    %get3A_8 = arith.constant 2528 : index
    %get3A_9 = arith.constant 0 : index
    %get3A_10 = vector.load %arg3[%get3A_8, %get3A_9] : memref<5056x128xf32, #tpu.memory_space<vmem>>, vector<2528x128xf32>
    %add3A_11 = arith.addf %get3A_7, %get3A_10 : vector<2528x128xf32>
    %max3A = arith.constant 1.000000e+00 : f32
    %max3A_12 = vector.broadcast %max3A : f32 to vector<2528x128xf32>
    %max3A_13 = arith.maximumf %add3A_11, %max3A_12 : vector<2528x128xf32>
    %get3A_14 = arith.constant 0 : index
    %get3A_15 = arith.constant 0 : index
    %get3A_16 = vector.load %arg0[%get3A_14, %get3A_15] : memref<2528x128xf32, #tpu.memory_space<vmem>>, vector<2528x128xf32>
    %div3A = arith.divf %add3A, %max3A_13 : vector<2528x128xf32>
    %add3A_17 = arith.addf %get3A_16, %div3A : vector<2528x128xf32>
    %get3A_18 = arith.constant 0 : index
    %get3A_19 = vector.load %arg8[%get3A_18] : memref<32xf32, #tpu.memory_space<vmem>>, vector<32xf32>
    %get3A_20 = arith.constant 0 : index
    %get3A_21 = vector.load %arg9[%get3A_20] : memref<32xf32, #tpu.memory_space<vmem>>, vector<32xf32>
    %slice3A = vector.extract_strided_slice %add3A_17 {offsets = [0, 0], sizes = [2500, 128], strides = [1, 1]} : vector<2528x128xf32> to vector<2500x128xf32>
    %reduce_sum3A = arith.constant dense<0.000000e+00> : vector<128xf32>
    %reduce_sum3A_22 = vector.multi_reduction <add>, %slice3A, %reduce_sum3A [0] : vector<2500x128xf32> to vector<128xf32>
    %slice3A_23 = vector.extract_strided_slice %reduce_sum3A_22 {offsets = [0], sizes = [32], strides = [1]} : vector<128xf32> to vector<32xf32>
    %slice3A_24 = vector.extract_strided_slice %reduce_sum3A_22 {offsets = [32], sizes = [32], strides = [1]} : vector<128xf32> to vector<32xf32>
    %add3A_25 = arith.addf %slice3A_23, %slice3A_24 : vector<32xf32>
    %slice3A_26 = vector.extract_strided_slice %reduce_sum3A_22 {offsets = [64], sizes = [32], strides = [1]} : vector<128xf32> to vector<32xf32>
    %add3A_27 = arith.addf %add3A_25, %slice3A_26 : vector<32xf32>
    %slice3A_28 = vector.extract_strided_slice %reduce_sum3A_22 {offsets = [96], sizes = [32], strides = [1]} : vector<128xf32> to vector<32xf32>
    %add3A_29 = arith.addf %add3A_27, %slice3A_28 : vector<32xf32>
    %div3A_30 = arith.constant 1.000000e+04 : f32
    %div3A_31 = vector.broadcast %div3A_30 : f32 to vector<32xf32>
    %div3A_32 = arith.divf %add3A_29, %div3A_31 : vector<32xf32>
    %concatenate3A = tpu.concatenate %div3A_32, %div3A_32, %div3A_32, %div3A_32 in 0 : vector<32xf32>, vector<32xf32>, vector<32xf32>, vector<32xf32> -> vector<128xf32>
    %mul3A = arith.mulf %slice3A, %slice3A : vector<2500x128xf32>
    %reduce_sum3A_33 = arith.constant dense<0.000000e+00> : vector<128xf32>
    %reduce_sum3A_34 = vector.multi_reduction <add>, %mul3A, %reduce_sum3A_33 [0] : vector<2500x128xf32> to vector<128xf32>
    %slice3A_35 = vector.extract_strided_slice %reduce_sum3A_34 {offsets = [0], sizes = [32], strides = [1]} : vector<128xf32> to vector<32xf32>
    %slice3A_36 = vector.extract_strided_slice %reduce_sum3A_34 {offsets = [32], sizes = [32], strides = [1]} : vector<128xf32> to vector<32xf32>
    %add3A_37 = arith.addf %slice3A_35, %slice3A_36 : vector<32xf32>
    %slice3A_38 = vector.extract_strided_slice %reduce_sum3A_34 {offsets = [64], sizes = [32], strides = [1]} : vector<128xf32> to vector<32xf32>
    %add3A_39 = arith.addf %add3A_37, %slice3A_38 : vector<32xf32>
    %slice3A_40 = vector.extract_strided_slice %reduce_sum3A_34 {offsets = [96], sizes = [32], strides = [1]} : vector<128xf32> to vector<32xf32>
    %add3A_41 = arith.addf %add3A_39, %slice3A_40 : vector<32xf32>
    %div3A_42 = arith.constant 1.000000e+04 : f32
    %div3A_43 = vector.broadcast %div3A_42 : f32 to vector<32xf32>
    %div3A_44 = arith.divf %add3A_41, %div3A_43 : vector<32xf32>
    %concatenate3A_45 = tpu.concatenate %div3A_44, %div3A_44, %div3A_44, %div3A_44 in 0 : vector<32xf32>, vector<32xf32>, vector<32xf32>, vector<32xf32> -> vector<128xf32>
    %mul3A_46 = arith.mulf %concatenate3A, %concatenate3A : vector<128xf32>
    %sub3A = arith.subf %concatenate3A_45, %mul3A_46 : vector<128xf32>
    %concatenate3A_47 = tpu.concatenate %get3A_19, %get3A_19, %get3A_19, %get3A_19 in 0 : vector<32xf32>, vector<32xf32>, vector<32xf32>, vector<32xf32> -> vector<128xf32>
    %broadcast_in_dim3A = vector.shape_cast %concatenate3A_47 : vector<128xf32> to vector<1x128xf32>
    %broadcast_in_dim3A_48 = vector.shape_cast %concatenate3A : vector<128xf32> to vector<1x128xf32>
    %sub3A_49 = vector.broadcast %broadcast_in_dim3A_48 : vector<1x128xf32> to vector<2528x128xf32>
    %sub3A_50 = arith.subf %add3A_17, %sub3A_49 : vector<2528x128xf32>
    %mul3A_51 = vector.broadcast %broadcast_in_dim3A : vector<1x128xf32> to vector<2528x128xf32>
    %mul3A_52 = arith.mulf %mul3A_51, %sub3A_50 : vector<2528x128xf32>
    %broadcast_in_dim3A_53 = vector.shape_cast %sub3A : vector<128xf32> to vector<1x128xf32>
    %add3A_54 = arith.constant 9.99999974E-6 : f32
    %add3A_55 = vector.broadcast %add3A_54 : f32 to vector<1x128xf32>
    %add3A_56 = arith.addf %broadcast_in_dim3A_53, %add3A_55 : vector<1x128xf32>
    %rsqrt3A = math.rsqrt %add3A_56 : vector<1x128xf32>
    %mul3A_57 = vector.broadcast %rsqrt3A : vector<1x128xf32> to vector<2528x128xf32>
    %mul3A_58 = arith.mulf %mul3A_52, %mul3A_57 : vector<2528x128xf32>
    %concatenate3A_59 = tpu.concatenate %get3A_21, %get3A_21, %get3A_21, %get3A_21 in 0 : vector<32xf32>, vector<32xf32>, vector<32xf32>, vector<32xf32> -> vector<128xf32>
    %broadcast_in_dim3A_60 = vector.shape_cast %concatenate3A_59 : vector<128xf32> to vector<1x128xf32>
    %add3A_61 = vector.broadcast %broadcast_in_dim3A_60 : vector<1x128xf32> to vector<2528x128xf32>
    %add3A_62 = arith.addf %mul3A_58, %add3A_61 : vector<2528x128xf32>
    %ge3A = arith.constant 0.000000e+00 : f32
    %ge3A_63 = vector.broadcast %ge3A : f32 to vector<2528x128xf32>
    %ge3A_64 = arith.cmpf oge, %add3A_62, %ge3A_63 : vector<2528x128xf32>
    %mul3A_65 = arith.constant 0.00999999977 : f32
    %mul3A_66 = vector.broadcast %mul3A_65 : f32 to vector<2528x128xf32>
    %mul3A_67 = arith.mulf %mul3A_66, %add3A_62 : vector<2528x128xf32>
    %select_n3A = arith.select %ge3A_64, %add3A_62, %mul3A_67 : vector<2528x128xi1>, vector<2528x128xf32>
    %get3A_68 = arith.constant 0 : index
    %get3A_69 = arith.constant 0 : index
    %get3A_70 = vector.load %arg4[%get3A_68, %get3A_69] : memref<5056x128xf32, #tpu.memory_space<vmem>>, vector<2528x128xf32>
    %get3A_71 = arith.constant 2528 : index
    %get3A_72 = arith.constant 0 : index
    %get3A_73 = vector.load %arg4[%get3A_71, %get3A_72] : memref<5056x128xf32, #tpu.memory_space<vmem>>, vector<2528x128xf32>
    %add3A_74 = arith.addf %get3A_70, %get3A_73 : vector<2528x128xf32>
    %get3A_75 = arith.constant 0 : index
    %get3A_76 = arith.constant 0 : index
    %get3A_77 = vector.load %arg5[%get3A_75, %get3A_76] : memref<5056x128xf32, #tpu.memory_space<vmem>>, vector<2528x128xf32>
    %get3A_78 = arith.constant 2528 : index
    %get3A_79 = arith.constant 0 : index
    %get3A_80 = vector.load %arg5[%get3A_78, %get3A_79] : memref<5056x128xf32, #tpu.memory_space<vmem>>, vector<2528x128xf32>
    %add3A_81 = arith.addf %get3A_77, %get3A_80 : vector<2528x128xf32>
    %max3A_82 = arith.constant 1.000000e+00 : f32
    %max3A_83 = vector.broadcast %max3A_82 : f32 to vector<2528x128xf32>
    %max3A_84 = arith.maximumf %add3A_81, %max3A_83 : vector<2528x128xf32>
    %get3A_85 = arith.constant 0 : index
    %get3A_86 = arith.constant 0 : index
    %get3A_87 = vector.load %arg1[%get3A_85, %get3A_86] : memref<2528x128xf32, #tpu.memory_space<vmem>>, vector<2528x128xf32>
    %div3A_88 = arith.divf %add3A_74, %max3A_84 : vector<2528x128xf32>
    %add3A_89 = arith.addf %get3A_87, %div3A_88 : vector<2528x128xf32>
    %get3A_90 = arith.constant 0 : index
    %get3A_91 = vector.load %arg6[%get3A_90] : memref<32xf32, #tpu.memory_space<vmem>>, vector<32xf32>
    %get3A_92 = arith.constant 0 : index
    %get3A_93 = vector.load %arg7[%get3A_92] : memref<32xf32, #tpu.memory_space<vmem>>, vector<32xf32>
    %slice3A_94 = vector.extract_strided_slice %add3A_89 {offsets = [0, 0], sizes = [2500, 128], strides = [1, 1]} : vector<2528x128xf32> to vector<2500x128xf32>
    %reduce_sum3A_95 = arith.constant dense<0.000000e+00> : vector<128xf32>
    %reduce_sum3A_96 = vector.multi_reduction <add>, %slice3A_94, %reduce_sum3A_95 [0] : vector<2500x128xf32> to vector<128xf32>
    %slice3A_97 = vector.extract_strided_slice %reduce_sum3A_96 {offsets = [0], sizes = [32], strides = [1]} : vector<128xf32> to vector<32xf32>
    %slice3A_98 = vector.extract_strided_slice %reduce_sum3A_96 {offsets = [32], sizes = [32], strides = [1]} : vector<128xf32> to vector<32xf32>
    %add3A_99 = arith.addf %slice3A_97, %slice3A_98 : vector<32xf32>
    %slice3A_100 = vector.extract_strided_slice %reduce_sum3A_96 {offsets = [64], sizes = [32], strides = [1]} : vector<128xf32> to vector<32xf32>
    %add3A_101 = arith.addf %add3A_99, %slice3A_100 : vector<32xf32>
    %slice3A_102 = vector.extract_strided_slice %reduce_sum3A_96 {offsets = [96], sizes = [32], strides = [1]} : vector<128xf32> to vector<32xf32>
    %add3A_103 = arith.addf %add3A_101, %slice3A_102 : vector<32xf32>
    %div3A_104 = arith.constant 1.000000e+04 : f32
    %div3A_105 = vector.broadcast %div3A_104 : f32 to vector<32xf32>
    %div3A_106 = arith.divf %add3A_103, %div3A_105 : vector<32xf32>
    %concatenate3A_107 = tpu.concatenate %div3A_106, %div3A_106, %div3A_106, %div3A_106 in 0 : vector<32xf32>, vector<32xf32>, vector<32xf32>, vector<32xf32> -> vector<128xf32>
    %mul3A_108 = arith.mulf %slice3A_94, %slice3A_94 : vector<2500x128xf32>
    %reduce_sum3A_109 = arith.constant dense<0.000000e+00> : vector<128xf32>
    %reduce_sum3A_110 = vector.multi_reduction <add>, %mul3A_108, %reduce_sum3A_109 [0] : vector<2500x128xf32> to vector<128xf32>
    %slice3A_111 = vector.extract_strided_slice %reduce_sum3A_110 {offsets = [0], sizes = [32], strides = [1]} : vector<128xf32> to vector<32xf32>
    %slice3A_112 = vector.extract_strided_slice %reduce_sum3A_110 {offsets = [32], sizes = [32], strides = [1]} : vector<128xf32> to vector<32xf32>
    %add3A_113 = arith.addf %slice3A_111, %slice3A_112 : vector<32xf32>
    %slice3A_114 = vector.extract_strided_slice %reduce_sum3A_110 {offsets = [64], sizes = [32], strides = [1]} : vector<128xf32> to vector<32xf32>
    %add3A_115 = arith.addf %add3A_113, %slice3A_114 : vector<32xf32>
    %slice3A_116 = vector.extract_strided_slice %reduce_sum3A_110 {offsets = [96], sizes = [32], strides = [1]} : vector<128xf32> to vector<32xf32>
    %add3A_117 = arith.addf %add3A_115, %slice3A_116 : vector<32xf32>
    %div3A_118 = arith.constant 1.000000e+04 : f32
    %div3A_119 = vector.broadcast %div3A_118 : f32 to vector<32xf32>
    %div3A_120 = arith.divf %add3A_117, %div3A_119 : vector<32xf32>
    %concatenate3A_121 = tpu.concatenate %div3A_120, %div3A_120, %div3A_120, %div3A_120 in 0 : vector<32xf32>, vector<32xf32>, vector<32xf32>, vector<32xf32> -> vector<128xf32>
    %mul3A_122 = arith.mulf %concatenate3A_107, %concatenate3A_107 : vector<128xf32>
    %sub3A_123 = arith.subf %concatenate3A_121, %mul3A_122 : vector<128xf32>
    %concatenate3A_124 = tpu.concatenate %get3A_91, %get3A_91, %get3A_91, %get3A_91 in 0 : vector<32xf32>, vector<32xf32>, vector<32xf32>, vector<32xf32> -> vector<128xf32>
    %broadcast_in_dim3A_125 = vector.shape_cast %concatenate3A_124 : vector<128xf32> to vector<1x128xf32>
    %broadcast_in_dim3A_126 = vector.shape_cast %concatenate3A_107 : vector<128xf32> to vector<1x128xf32>
    %sub3A_127 = vector.broadcast %broadcast_in_dim3A_126 : vector<1x128xf32> to vector<2528x128xf32>
    %sub3A_128 = arith.subf %add3A_89, %sub3A_127 : vector<2528x128xf32>
    %mul3A_129 = vector.broadcast %broadcast_in_dim3A_125 : vector<1x128xf32> to vector<2528x128xf32>
    %mul3A_130 = arith.mulf %mul3A_129, %sub3A_128 : vector<2528x128xf32>
    %broadcast_in_dim3A_131 = vector.shape_cast %sub3A_123 : vector<128xf32> to vector<1x128xf32>
    %add3A_132 = arith.constant 9.99999974E-6 : f32
    %add3A_133 = vector.broadcast %add3A_132 : f32 to vector<1x128xf32>
    %add3A_134 = arith.addf %broadcast_in_dim3A_131, %add3A_133 : vector<1x128xf32>
    %rsqrt3A_135 = math.rsqrt %add3A_134 : vector<1x128xf32>
    %mul3A_136 = vector.broadcast %rsqrt3A_135 : vector<1x128xf32> to vector<2528x128xf32>
    %mul3A_137 = arith.mulf %mul3A_130, %mul3A_136 : vector<2528x128xf32>
    %concatenate3A_138 = tpu.concatenate %get3A_93, %get3A_93, %get3A_93, %get3A_93 in 0 : vector<32xf32>, vector<32xf32>, vector<32xf32>, vector<32xf32> -> vector<128xf32>
    %broadcast_in_dim3A_139 = vector.shape_cast %concatenate3A_138 : vector<128xf32> to vector<1x128xf32>
    %add3A_140 = vector.broadcast %broadcast_in_dim3A_139 : vector<1x128xf32> to vector<2528x128xf32>
    %add3A_141 = arith.addf %mul3A_137, %add3A_140 : vector<2528x128xf32>
    %ge3A_142 = arith.constant 0.000000e+00 : f32
    %ge3A_143 = vector.broadcast %ge3A_142 : f32 to vector<2528x128xf32>
    %ge3A_144 = arith.cmpf oge, %add3A_141, %ge3A_143 : vector<2528x128xf32>
    %mul3A_145 = arith.constant 0.00999999977 : f32
    %mul3A_146 = vector.broadcast %mul3A_145 : f32 to vector<2528x128xf32>
    %mul3A_147 = arith.mulf %mul3A_146, %add3A_141 : vector<2528x128xf32>
    %select_n3A_148 = arith.select %ge3A_144, %add3A_141, %mul3A_147 : vector<2528x128xi1>, vector<2528x128xf32>
    %get3A_149 = arith.constant 0 : index
    %get3A_150 = arith.constant 0 : index
    %get3A_151 = vector.load %arg10[%get3A_149, %get3A_150] : memref<32x32xf32, #tpu.memory_space<vmem>>, vector<32x32xf32>
    %get3A_152 = arith.constant 0 : index
    %get3A_153 = arith.constant 0 : index
    %get3A_154 = vector.load %arg14[%get3A_152, %get3A_153] : memref<64x32xf32, #tpu.memory_space<vmem>>, vector<64x32xf32>
    %slice3A_155 = vector.extract_strided_slice %get3A_154 {offsets = [32, 0], sizes = [32, 32], strides = [1, 1]} : vector<64x32xf32> to vector<32x32xf32>
    %dot_general3A = arith.constant dense<0.000000e+00> : vector<32x32xf32>
    %dot_general3A_156 = tpu.matmul %get3A_151, %slice3A_155, %dot_general3A {dimension_numbers = #tpu.dot_dimension_numbers<[1], [0], [0], [1], [0, 0, 1, 1], [], []>, precision = #tpu.contract_precision<fp32>, transpose_lhs_hint = false} : vector<32x32xf32>, vector<32x32xf32>, vector<32x32xf32> -> vector<32x32xf32>
    %broadcast_in_dim3A_157 = arith.constant 0.000000e+00 : f32
    %broadcast_in_dim3A_158 = vector.broadcast %broadcast_in_dim3A_157 : f32 to vector<32x32xf32>
    %concatenate3A_159 = tpu.concatenate %dot_general3A_156, %broadcast_in_dim3A_158, %broadcast_in_dim3A_158, %broadcast_in_dim3A_158 in 1 : vector<32x32xf32>, vector<32x32xf32>, vector<32x32xf32>, vector<32x32xf32> -> vector<32x128xf32>
    %concatenate3A_160 = tpu.concatenate %broadcast_in_dim3A_158, %dot_general3A_156, %broadcast_in_dim3A_158, %broadcast_in_dim3A_158 in 1 : vector<32x32xf32>, vector<32x32xf32>, vector<32x32xf32>, vector<32x32xf32> -> vector<32x128xf32>
    %concatenate3A_161 = tpu.concatenate %broadcast_in_dim3A_158, %broadcast_in_dim3A_158, %dot_general3A_156, %broadcast_in_dim3A_158 in 1 : vector<32x32xf32>, vector<32x32xf32>, vector<32x32xf32>, vector<32x32xf32> -> vector<32x128xf32>
    %concatenate3A_162 = tpu.concatenate %broadcast_in_dim3A_158, %broadcast_in_dim3A_158, %broadcast_in_dim3A_158, %dot_general3A_156 in 1 : vector<32x32xf32>, vector<32x32xf32>, vector<32x32xf32>, vector<32x32xf32> -> vector<32x128xf32>
    %concatenate3A_163 = tpu.concatenate %concatenate3A_159, %concatenate3A_160, %concatenate3A_161, %concatenate3A_162 in 0 : vector<32x128xf32>, vector<32x128xf32>, vector<32x128xf32>, vector<32x128xf32> -> vector<128x128xf32>
    %dot_general3A_164 = arith.constant dense<0.000000e+00> : vector<2528x128xf32>
    %dot_general3A_165 = tpu.matmul %select_n3A_148, %concatenate3A_163, %dot_general3A_164 {dimension_numbers = #tpu.dot_dimension_numbers<[1], [0], [0], [1], [0, 0, 1, 1], [], []>, precision = #tpu.contract_precision<fp32>, transpose_lhs_hint = false} : vector<2528x128xf32>, vector<128x128xf32>, vector<2528x128xf32> -> vector<2528x128xf32>
    %swap3A = arith.constant 0 : index
    %swap3A_166 = arith.constant 0 : index
    %swap3A_167 = vector.load %arg22[%swap3A, %swap3A_166] : memref<2528x128xf32, #tpu.memory_space<vmem>>, vector<2528x128xf32>
    tpu.vector_store %arg22[%swap3A, %swap3A_166], %dot_general3A_165 {strides = array<i32>} : memref<2528x128xf32, #tpu.memory_space<vmem>>, vector<2528x128xf32>,
    %get3A_168 = arith.constant 0 : index
    %get3A_169 = arith.constant 0 : index
    %get3A_170 = vector.load %arg12[%get3A_168, %get3A_169] : memref<32x32xf32, #tpu.memory_space<vmem>>, vector<32x32xf32>
    %get3A_171 = arith.constant 0 : index
    %get3A_172 = arith.constant 0 : index
    %get3A_173 = vector.load %arg14[%get3A_171, %get3A_172] : memref<64x32xf32, #tpu.memory_space<vmem>>, vector<64x32xf32>
    %slice3A_174 = vector.extract_strided_slice %get3A_173 {offsets = [0, 0], sizes = [32, 32], strides = [1, 1]} : vector<64x32xf32> to vector<32x32xf32>
    %dot_general3A_175 = arith.constant dense<0.000000e+00> : vector<32x32xf32>
    %dot_general3A_176 = tpu.matmul %get3A_170, %slice3A_174, %dot_general3A_175 {dimension_numbers = #tpu.dot_dimension_numbers<[1], [0], [0], [1], [0, 0, 1, 1], [], []>, precision = #tpu.contract_precision<fp32>, transpose_lhs_hint = false} : vector<32x32xf32>, vector<32x32xf32>, vector<32x32xf32> -> vector<32x32xf32>
    %broadcast_in_dim3A_177 = arith.constant 0.000000e+00 : f32
    %broadcast_in_dim3A_178 = vector.broadcast %broadcast_in_dim3A_177 : f32 to vector<32x32xf32>
    %concatenate3A_179 = tpu.concatenate %dot_general3A_176, %broadcast_in_dim3A_178, %broadcast_in_dim3A_178, %broadcast_in_dim3A_178 in 1 : vector<32x32xf32>, vector<32x32xf32>, vector<32x32xf32>, vector<32x32xf32> -> vector<32x128xf32>
    %concatenate3A_180 = tpu.concatenate %broadcast_in_dim3A_178, %dot_general3A_176, %broadcast_in_dim3A_178, %broadcast_in_dim3A_178 in 1 : vector<32x32xf32>, vector<32x32xf32>, vector<32x32xf32>, vector<32x32xf32> -> vector<32x128xf32>
    %concatenate3A_181 = tpu.concatenate %broadcast_in_dim3A_178, %broadcast_in_dim3A_178, %dot_general3A_176, %broadcast_in_dim3A_178 in 1 : vector<32x32xf32>, vector<32x32xf32>, vector<32x32xf32>, vector<32x32xf32> -> vector<32x128xf32>
    %concatenate3A_182 = tpu.concatenate %broadcast_in_dim3A_178, %broadcast_in_dim3A_178, %broadcast_in_dim3A_178, %dot_general3A_176 in 1 : vector<32x32xf32>, vector<32x32xf32>, vector<32x32xf32>, vector<32x32xf32> -> vector<32x128xf32>
    %concatenate3A_183 = tpu.concatenate %concatenate3A_179, %concatenate3A_180, %concatenate3A_181, %concatenate3A_182 in 0 : vector<32x128xf32>, vector<32x128xf32>, vector<32x128xf32>, vector<32x128xf32> -> vector<128x128xf32>
    %dot_general3A_184 = arith.constant dense<0.000000e+00> : vector<2528x128xf32>
    %dot_general3A_185 = tpu.matmul %select_n3A, %concatenate3A_183, %dot_general3A_184 {dimension_numbers = #tpu.dot_dimension_numbers<[1], [0], [0], [1], [0, 0, 1, 1], [], []>, precision = #tpu.contract_precision<fp32>, transpose_lhs_hint = false} : vector<2528x128xf32>, vector<128x128xf32>, vector<2528x128xf32> -> vector<2528x128xf32>
    %get3A_186 = arith.constant 0 : index
    %get3A_187 = vector.load %arg11[%get3A_186] : memref<32xf32, #tpu.memory_space<vmem>>, vector<32xf32>
    %get3A_188 = arith.constant 0 : index
    %get3A_189 = vector.load %arg13[%get3A_188] : memref<32xf32, #tpu.memory_space<vmem>>, vector<32xf32>
    %get3A_190 = arith.constant 0 : index
    %get3A_191 = arith.constant 0 : index
    %get3A_192 = vector.load %arg14[%get3A_190, %get3A_191] : memref<64x32xf32, #tpu.memory_space<vmem>>, vector<64x32xf32>
    %get3A_193 = arith.constant 0 : index
    %get3A_194 = vector.load %arg15[%get3A_193] : memref<32xf32, #tpu.memory_space<vmem>>, vector<32xf32>
    %reshape3A = vector.shape_cast %get3A_189 : vector<32xf32> to vector<1x32xf32>
    %slice3A_195 = vector.extract_strided_slice %get3A_192 {offsets = [0, 0], sizes = [32, 32], strides = [1, 1]} : vector<64x32xf32> to vector<32x32xf32>
    %dot_general3A_196 = arith.constant dense<0.000000e+00> : vector<1x32xf32>
    %dot_general3A_197 = tpu.matmul %reshape3A, %slice3A_195, %dot_general3A_196 {dimension_numbers = #tpu.dot_dimension_numbers<[1], [0], [0], [1], [0, 0, 1, 1], [], []>, precision = #tpu.contract_precision<fp32>, transpose_lhs_hint = false} : vector<1x32xf32>, vector<32x32xf32>, vector<1x32xf32> -> vector<1x32xf32>
    %reshape3A_198 = vector.shape_cast %get3A_187 : vector<32xf32> to vector<1x32xf32>
    %slice3A_199 = vector.extract_strided_slice %get3A_192 {offsets = [32, 0], sizes = [32, 32], strides = [1, 1]} : vector<64x32xf32> to vector<32x32xf32>
    %dot_general3A_200 = arith.constant dense<0.000000e+00> : vector<1x32xf32>
    %dot_general3A_201 = tpu.matmul %reshape3A_198, %slice3A_199, %dot_general3A_200 {dimension_numbers = #tpu.dot_dimension_numbers<[1], [0], [0], [1], [0, 0, 1, 1], [], []>, precision = #tpu.contract_precision<fp32>, transpose_lhs_hint = false} : vector<1x32xf32>, vector<32x32xf32>, vector<1x32xf32> -> vector<1x32xf32>
    %add3A_202 = arith.addf %dot_general3A_197, %dot_general3A_201 : vector<1x32xf32>
    %reshape3A_203 = vector.shape_cast %get3A_194 : vector<32xf32> to vector<1x32xf32>
    %add3A_204 = arith.addf %add3A_202, %reshape3A_203 : vector<1x32xf32>
    %squeeze3A = vector.shape_cast %add3A_204 : vector<1x32xf32> to vector<32xf32>
    %concatenate3A_205 = tpu.concatenate %squeeze3A, %squeeze3A, %squeeze3A, %squeeze3A in 0 : vector<32xf32>, vector<32xf32>, vector<32xf32>, vector<32xf32> -> vector<128xf32>
    %broadcast_in_dim3A_206 = vector.shape_cast %concatenate3A_205 : vector<128xf32> to vector<1x128xf32>
    %add3A_207 = vector.broadcast %broadcast_in_dim3A_206 : vector<1x128xf32> to vector<2528x128xf32>
    %add3A_208 = arith.addf %dot_general3A_185, %add3A_207 : vector<2528x128xf32>
    %swap3A_209 = arith.constant 0 : index
    %swap3A_210 = arith.constant 0 : index
    %swap3A_211 = vector.load %arg23[%swap3A_209, %swap3A_210] : memref<2528x128xf32, #tpu.memory_space<vmem>>, vector<2528x128xf32>
    tpu.vector_store %arg23[%swap3A_209, %swap3A_210], %add3A_208 {strides = array<i32>} : memref<2528x128xf32, #tpu.memory_space<vmem>>, vector<2528x128xf32>,
    %get3A_212 = arith.constant 0 : index
    %get3A_213 = arith.constant 0 : index
    %get3A_214 = vector.load %arg16[%get3A_212, %get3A_213] : memref<32x32xf32, #tpu.memory_space<vmem>>, vector<32x32xf32>
    %get3A_215 = arith.constant 0 : index
    %get3A_216 = arith.constant 0 : index
    %get3A_217 = vector.load %arg20[%get3A_215, %get3A_216] : memref<64x32xf32, #tpu.memory_space<vmem>>, vector<64x32xf32>
    %slice3A_218 = vector.extract_strided_slice %get3A_217 {offsets = [32, 0], sizes = [32, 32], strides = [1, 1]} : vector<64x32xf32> to vector<32x32xf32>
    %dot_general3A_219 = arith.constant dense<0.000000e+00> : vector<32x32xf32>
    %dot_general3A_220 = tpu.matmul %get3A_214, %slice3A_218, %dot_general3A_219 {dimension_numbers = #tpu.dot_dimension_numbers<[1], [0], [0], [1], [0, 0, 1, 1], [], []>, precision = #tpu.contract_precision<fp32>, transpose_lhs_hint = false} : vector<32x32xf32>, vector<32x32xf32>, vector<32x32xf32> -> vector<32x32xf32>
    %broadcast_in_dim3A_221 = arith.constant 0.000000e+00 : f32
    %broadcast_in_dim3A_222 = vector.broadcast %broadcast_in_dim3A_221 : f32 to vector<32x32xf32>
    %concatenate3A_223 = tpu.concatenate %dot_general3A_220, %broadcast_in_dim3A_222, %broadcast_in_dim3A_222, %broadcast_in_dim3A_222 in 1 : vector<32x32xf32>, vector<32x32xf32>, vector<32x32xf32>, vector<32x32xf32> -> vector<32x128xf32>
    %concatenate3A_224 = tpu.concatenate %broadcast_in_dim3A_222, %dot_general3A_220, %broadcast_in_dim3A_222, %broadcast_in_dim3A_222 in 1 : vector<32x32xf32>, vector<32x32xf32>, vector<32x32xf32>, vector<32x32xf32> -> vector<32x128xf32>
    %concatenate3A_225 = tpu.concatenate %broadcast_in_dim3A_222, %broadcast_in_dim3A_222, %dot_general3A_220, %broadcast_in_dim3A_222 in 1 : vector<32x32xf32>, vector<32x32xf32>, vector<32x32xf32>, vector<32x32xf32> -> vector<32x128xf32>
    %concatenate3A_226 = tpu.concatenate %broadcast_in_dim3A_222, %broadcast_in_dim3A_222, %broadcast_in_dim3A_222, %dot_general3A_220 in 1 : vector<32x32xf32>, vector<32x32xf32>, vector<32x32xf32>, vector<32x32xf32> -> vector<32x128xf32>
    %concatenate3A_227 = tpu.concatenate %concatenate3A_223, %concatenate3A_224, %concatenate3A_225, %concatenate3A_226 in 0 : vector<32x128xf32>, vector<32x128xf32>, vector<32x128xf32>, vector<32x128xf32> -> vector<128x128xf32>
    %dot_general3A_228 = arith.constant dense<0.000000e+00> : vector<2528x128xf32>
    %dot_general3A_229 = tpu.matmul %select_n3A, %concatenate3A_227, %dot_general3A_228 {dimension_numbers = #tpu.dot_dimension_numbers<[1], [0], [0], [1], [0, 0, 1, 1], [], []>, precision = #tpu.contract_precision<fp32>, transpose_lhs_hint = false} : vector<2528x128xf32>, vector<128x128xf32>, vector<2528x128xf32> -> vector<2528x128xf32>
    %swap3A_230 = arith.constant 0 : index
    %swap3A_231 = arith.constant 0 : index
    %swap3A_232 = vector.load %arg24[%swap3A_230, %swap3A_231] : memref<2528x128xf32, #tpu.memory_space<vmem>>, vector<2528x128xf32>
    tpu.vector_store %arg24[%swap3A_230, %swap3A_231], %dot_general3A_229 {strides = array<i32>} : memref<2528x128xf32, #tpu.memory_space<vmem>>, vector<2528x128xf32>,
    %get3A_233 = arith.constant 0 : index
    %get3A_234 = arith.constant 0 : index
    %get3A_235 = vector.load %arg18[%get3A_233, %get3A_234] : memref<32x32xf32, #tpu.memory_space<vmem>>, vector<32x32xf32>
    %get3A_236 = arith.constant 0 : index
    %get3A_237 = arith.constant 0 : index
    %get3A_238 = vector.load %arg20[%get3A_236, %get3A_237] : memref<64x32xf32, #tpu.memory_space<vmem>>, vector<64x32xf32>
    %slice3A_239 = vector.extract_strided_slice %get3A_238 {offsets = [0, 0], sizes = [32, 32], strides = [1, 1]} : vector<64x32xf32> to vector<32x32xf32>
    %dot_general3A_240 = arith.constant dense<0.000000e+00> : vector<32x32xf32>
    %dot_general3A_241 = tpu.matmul %get3A_235, %slice3A_239, %dot_general3A_240 {dimension_numbers = #tpu.dot_dimension_numbers<[1], [0], [0], [1], [0, 0, 1, 1], [], []>, precision = #tpu.contract_precision<fp32>, transpose_lhs_hint = false} : vector<32x32xf32>, vector<32x32xf32>, vector<32x32xf32> -> vector<32x32xf32>
    %broadcast_in_dim3A_242 = arith.constant 0.000000e+00 : f32
    %broadcast_in_dim3A_243 = vector.broadcast %broadcast_in_dim3A_242 : f32 to vector<32x32xf32>
    %concatenate3A_244 = tpu.concatenate %dot_general3A_241, %broadcast_in_dim3A_243, %broadcast_in_dim3A_243, %broadcast_in_dim3A_243 in 1 : vector<32x32xf32>, vector<32x32xf32>, vector<32x32xf32>, vector<32x32xf32> -> vector<32x128xf32>
    %concatenate3A_245 = tpu.concatenate %broadcast_in_dim3A_243, %dot_general3A_241, %broadcast_in_dim3A_243, %broadcast_in_dim3A_243 in 1 : vector<32x32xf32>, vector<32x32xf32>, vector<32x32xf32>, vector<32x32xf32> -> vector<32x128xf32>
    %concatenate3A_246 = tpu.concatenate %broadcast_in_dim3A_243, %broadcast_in_dim3A_243, %dot_general3A_241, %broadcast_in_dim3A_243 in 1 : vector<32x32xf32>, vector<32x32xf32>, vector<32x32xf32>, vector<32x32xf32> -> vector<32x128xf32>
    %concatenate3A_247 = tpu.concatenate %broadcast_in_dim3A_243, %broadcast_in_dim3A_243, %broadcast_in_dim3A_243, %dot_general3A_241 in 1 : vector<32x32xf32>, vector<32x32xf32>, vector<32x32xf32>, vector<32x32xf32> -> vector<32x128xf32>
    %concatenate3A_248 = tpu.concatenate %concatenate3A_244, %concatenate3A_245, %concatenate3A_246, %concatenate3A_247 in 0 : vector<32x128xf32>, vector<32x128xf32>, vector<32x128xf32>, vector<32x128xf32> -> vector<128x128xf32>
    %dot_general3A_249 = arith.constant dense<0.000000e+00> : vector<2528x128xf32>
    %dot_general3A_250 = tpu.matmul %select_n3A_148, %concatenate3A_248, %dot_general3A_249 {dimension_numbers = #tpu.dot_dimension_numbers<[1], [0], [0], [1], [0, 0, 1, 1], [], []>, precision = #tpu.contract_precision<fp32>, transpose_lhs_hint = false} : vector<2528x128xf32>, vector<128x128xf32>, vector<2528x128xf32> -> vector<2528x128xf32>
    %get3A_251 = arith.constant 0 : index
    %get3A_252 = vector.load %arg17[%get3A_251] : memref<32xf32, #tpu.memory_space<vmem>>, vector<32xf32>
    %get3A_253 = arith.constant 0 : index
    %get3A_254 = vector.load %arg19[%get3A_253] : memref<32xf32, #tpu.memory_space<vmem>>, vector<32xf32>
    %get3A_255 = arith.constant 0 : index
    %get3A_256 = arith.constant 0 : index
    %get3A_257 = vector.load %arg20[%get3A_255, %get3A_256] : memref<64x32xf32, #tpu.memory_space<vmem>>, vector<64x32xf32>
    %get3A_258 = arith.constant 0 : index
    %get3A_259 = vector.load %arg21[%get3A_258] : memref<32xf32, #tpu.memory_space<vmem>>, vector<32xf32>
    %reshape3A_260 = vector.shape_cast %get3A_254 : vector<32xf32> to vector<1x32xf32>
    %slice3A_261 = vector.extract_strided_slice %get3A_257 {offsets = [0, 0], sizes = [32, 32], strides = [1, 1]} : vector<64x32xf32> to vector<32x32xf32>
    %dot_general3A_262 = arith.constant dense<0.000000e+00> : vector<1x32xf32>
    %dot_general3A_263 = tpu.matmul %reshape3A_260, %slice3A_261, %dot_general3A_262 {dimension_numbers = #tpu.dot_dimension_numbers<[1], [0], [0], [1], [0, 0, 1, 1], [], []>, precision = #tpu.contract_precision<fp32>, transpose_lhs_hint = false} : vector<1x32xf32>, vector<32x32xf32>, vector<1x32xf32> -> vector<1x32xf32>
    %reshape3A_264 = vector.shape_cast %get3A_252 : vector<32xf32> to vector<1x32xf32>
    %slice3A_265 = vector.extract_strided_slice %get3A_257 {offsets = [32, 0], sizes = [32, 32], strides = [1, 1]} : vector<64x32xf32> to vector<32x32xf32>
    %dot_general3A_266 = arith.constant dense<0.000000e+00> : vector<1x32xf32>
    %dot_general3A_267 = tpu.matmul %reshape3A_264, %slice3A_265, %dot_general3A_266 {dimension_numbers = #tpu.dot_dimension_numbers<[1], [0], [0], [1], [0, 0, 1, 1], [], []>, precision = #tpu.contract_precision<fp32>, transpose_lhs_hint = false} : vector<1x32xf32>, vector<32x32xf32>, vector<1x32xf32> -> vector<1x32xf32>
    %add3A_268 = arith.addf %dot_general3A_263, %dot_general3A_267 : vector<1x32xf32>
    %reshape3A_269 = vector.shape_cast %get3A_259 : vector<32xf32> to vector<1x32xf32>
    %add3A_270 = arith.addf %add3A_268, %reshape3A_269 : vector<1x32xf32>
    %squeeze3A_271 = vector.shape_cast %add3A_270 : vector<1x32xf32> to vector<32xf32>
    %concatenate3A_272 = tpu.concatenate %squeeze3A_271, %squeeze3A_271, %squeeze3A_271, %squeeze3A_271 in 0 : vector<32xf32>, vector<32xf32>, vector<32xf32>, vector<32xf32> -> vector<128xf32>
    %broadcast_in_dim3A_273 = vector.shape_cast %concatenate3A_272 : vector<128xf32> to vector<1x128xf32>
    %add3A_274 = vector.broadcast %broadcast_in_dim3A_273 : vector<1x128xf32> to vector<2528x128xf32>
    %add3A_275 = arith.addf %dot_general3A_250, %add3A_274 : vector<2528x128xf32>
    %swap3A_276 = arith.constant 0 : index
    %swap3A_277 = arith.constant 0 : index
    %swap3A_278 = vector.load %arg25[%swap3A_276, %swap3A_277] : memref<2528x128xf32, #tpu.memory_space<vmem>>, vector<2528x128xf32>
    tpu.vector_store %arg25[%swap3A_276, %swap3A_277], %add3A_275 {strides = array<i32>} : memref<2528x128xf32, #tpu.memory_space<vmem>>, vector<2528x128xf32>,
    return
  }
}

module attributes {stable_mosaic.version = 14 : i64} {
  func.func @_t3_body(%arg0: memref<2528x128xf32, #tpu.memory_space<vmem>>, %arg1: memref<2528x128xf32, #tpu.memory_space<vmem>>, %arg2: memref<5056x128xf32, #tpu.memory_space<vmem>>, %arg3: memref<5056x128xf32, #tpu.memory_space<vmem>>, %arg4: memref<5056x128xf32, #tpu.memory_space<vmem>>, %arg5: memref<5056x128xf32, #tpu.memory_space<vmem>>, %arg6: memref<32xf32, #tpu.memory_space<vmem>>, %arg7: memref<32xf32, #tpu.memory_space<vmem>>, %arg8: memref<32xf32, #tpu.memory_space<vmem>>, %arg9: memref<32xf32, #tpu.memory_space<vmem>>, %arg10: memref<2528x128xf32, #tpu.memory_space<vmem>>, %arg11: memref<2528x128xf32, #tpu.memory_space<vmem>>) attributes {dimension_semantics = [], scalar_prefetch = 0 : i64, scratch_operands = 0 : i64, tpu.core_type = #tpu.core_type<tc>} {
    %get3A = arith.constant 0 : index
    %get3A_0 = arith.constant 0 : index
    %get3A_1 = vector.load %arg2[%get3A, %get3A_0] : memref<5056x128xf32, #tpu.memory_space<vmem>>, vector<2528x128xf32>
    %get3A_2 = arith.constant 2528 : index
    %get3A_3 = arith.constant 0 : index
    %get3A_4 = vector.load %arg2[%get3A_2, %get3A_3] : memref<5056x128xf32, #tpu.memory_space<vmem>>, vector<2528x128xf32>
    %add3A = arith.addf %get3A_1, %get3A_4 : vector<2528x128xf32>
    %get3A_5 = arith.constant 0 : index
    %get3A_6 = arith.constant 0 : index
    %get3A_7 = vector.load %arg4[%get3A_5, %get3A_6] : memref<5056x128xf32, #tpu.memory_space<vmem>>, vector<2528x128xf32>
    %get3A_8 = arith.constant 2528 : index
    %get3A_9 = arith.constant 0 : index
    %get3A_10 = vector.load %arg4[%get3A_8, %get3A_9] : memref<5056x128xf32, #tpu.memory_space<vmem>>, vector<2528x128xf32>
    %add3A_11 = arith.addf %get3A_7, %get3A_10 : vector<2528x128xf32>
    %max3A = arith.constant 1.000000e+00 : f32
    %max3A_12 = vector.broadcast %max3A : f32 to vector<2528x128xf32>
    %max3A_13 = arith.maximumf %add3A_11, %max3A_12 : vector<2528x128xf32>
    %get3A_14 = arith.constant 0 : index
    %get3A_15 = arith.constant 0 : index
    %get3A_16 = vector.load %arg0[%get3A_14, %get3A_15] : memref<2528x128xf32, #tpu.memory_space<vmem>>, vector<2528x128xf32>
    %div3A = arith.divf %add3A, %max3A_13 : vector<2528x128xf32>
    %add3A_17 = arith.addf %get3A_16, %div3A : vector<2528x128xf32>
    %get3A_18 = arith.constant 0 : index
    %get3A_19 = vector.load %arg8[%get3A_18] : memref<32xf32, #tpu.memory_space<vmem>>, vector<32xf32>
    %get3A_20 = arith.constant 0 : index
    %get3A_21 = vector.load %arg9[%get3A_20] : memref<32xf32, #tpu.memory_space<vmem>>, vector<32xf32>
    %slice3A = vector.extract_strided_slice %add3A_17 {offsets = [0, 0], sizes = [2500, 128], strides = [1, 1]} : vector<2528x128xf32> to vector<2500x128xf32>
    %reduce_sum3A = arith.constant dense<0.000000e+00> : vector<128xf32>
    %reduce_sum3A_22 = vector.multi_reduction <add>, %slice3A, %reduce_sum3A [0] : vector<2500x128xf32> to vector<128xf32>
    %slice3A_23 = vector.extract_strided_slice %reduce_sum3A_22 {offsets = [0], sizes = [32], strides = [1]} : vector<128xf32> to vector<32xf32>
    %slice3A_24 = vector.extract_strided_slice %reduce_sum3A_22 {offsets = [32], sizes = [32], strides = [1]} : vector<128xf32> to vector<32xf32>
    %add3A_25 = arith.addf %slice3A_23, %slice3A_24 : vector<32xf32>
    %slice3A_26 = vector.extract_strided_slice %reduce_sum3A_22 {offsets = [64], sizes = [32], strides = [1]} : vector<128xf32> to vector<32xf32>
    %add3A_27 = arith.addf %add3A_25, %slice3A_26 : vector<32xf32>
    %slice3A_28 = vector.extract_strided_slice %reduce_sum3A_22 {offsets = [96], sizes = [32], strides = [1]} : vector<128xf32> to vector<32xf32>
    %add3A_29 = arith.addf %add3A_27, %slice3A_28 : vector<32xf32>
    %div3A_30 = arith.constant 1.000000e+04 : f32
    %div3A_31 = vector.broadcast %div3A_30 : f32 to vector<32xf32>
    %div3A_32 = arith.divf %add3A_29, %div3A_31 : vector<32xf32>
    %concatenate3A = tpu.concatenate %div3A_32, %div3A_32, %div3A_32, %div3A_32 in 0 : vector<32xf32>, vector<32xf32>, vector<32xf32>, vector<32xf32> -> vector<128xf32>
    %mul3A = arith.mulf %slice3A, %slice3A : vector<2500x128xf32>
    %reduce_sum3A_33 = arith.constant dense<0.000000e+00> : vector<128xf32>
    %reduce_sum3A_34 = vector.multi_reduction <add>, %mul3A, %reduce_sum3A_33 [0] : vector<2500x128xf32> to vector<128xf32>
    %slice3A_35 = vector.extract_strided_slice %reduce_sum3A_34 {offsets = [0], sizes = [32], strides = [1]} : vector<128xf32> to vector<32xf32>
    %slice3A_36 = vector.extract_strided_slice %reduce_sum3A_34 {offsets = [32], sizes = [32], strides = [1]} : vector<128xf32> to vector<32xf32>
    %add3A_37 = arith.addf %slice3A_35, %slice3A_36 : vector<32xf32>
    %slice3A_38 = vector.extract_strided_slice %reduce_sum3A_34 {offsets = [64], sizes = [32], strides = [1]} : vector<128xf32> to vector<32xf32>
    %add3A_39 = arith.addf %add3A_37, %slice3A_38 : vector<32xf32>
    %slice3A_40 = vector.extract_strided_slice %reduce_sum3A_34 {offsets = [96], sizes = [32], strides = [1]} : vector<128xf32> to vector<32xf32>
    %add3A_41 = arith.addf %add3A_39, %slice3A_40 : vector<32xf32>
    %div3A_42 = arith.constant 1.000000e+04 : f32
    %div3A_43 = vector.broadcast %div3A_42 : f32 to vector<32xf32>
    %div3A_44 = arith.divf %add3A_41, %div3A_43 : vector<32xf32>
    %concatenate3A_45 = tpu.concatenate %div3A_44, %div3A_44, %div3A_44, %div3A_44 in 0 : vector<32xf32>, vector<32xf32>, vector<32xf32>, vector<32xf32> -> vector<128xf32>
    %mul3A_46 = arith.mulf %concatenate3A, %concatenate3A : vector<128xf32>
    %sub3A = arith.subf %concatenate3A_45, %mul3A_46 : vector<128xf32>
    %concatenate3A_47 = tpu.concatenate %get3A_19, %get3A_19, %get3A_19, %get3A_19 in 0 : vector<32xf32>, vector<32xf32>, vector<32xf32>, vector<32xf32> -> vector<128xf32>
    %broadcast_in_dim3A = vector.shape_cast %concatenate3A_47 : vector<128xf32> to vector<1x128xf32>
    %broadcast_in_dim3A_48 = vector.shape_cast %concatenate3A : vector<128xf32> to vector<1x128xf32>
    %sub3A_49 = vector.broadcast %broadcast_in_dim3A_48 : vector<1x128xf32> to vector<2528x128xf32>
    %sub3A_50 = arith.subf %add3A_17, %sub3A_49 : vector<2528x128xf32>
    %mul3A_51 = vector.broadcast %broadcast_in_dim3A : vector<1x128xf32> to vector<2528x128xf32>
    %mul3A_52 = arith.mulf %mul3A_51, %sub3A_50 : vector<2528x128xf32>
    %broadcast_in_dim3A_53 = vector.shape_cast %sub3A : vector<128xf32> to vector<1x128xf32>
    %add3A_54 = arith.constant 9.99999974E-6 : f32
    %add3A_55 = vector.broadcast %add3A_54 : f32 to vector<1x128xf32>
    %add3A_56 = arith.addf %broadcast_in_dim3A_53, %add3A_55 : vector<1x128xf32>
    %rsqrt3A = math.rsqrt %add3A_56 : vector<1x128xf32>
    %mul3A_57 = vector.broadcast %rsqrt3A : vector<1x128xf32> to vector<2528x128xf32>
    %mul3A_58 = arith.mulf %mul3A_52, %mul3A_57 : vector<2528x128xf32>
    %concatenate3A_59 = tpu.concatenate %get3A_21, %get3A_21, %get3A_21, %get3A_21 in 0 : vector<32xf32>, vector<32xf32>, vector<32xf32>, vector<32xf32> -> vector<128xf32>
    %broadcast_in_dim3A_60 = vector.shape_cast %concatenate3A_59 : vector<128xf32> to vector<1x128xf32>
    %add3A_61 = vector.broadcast %broadcast_in_dim3A_60 : vector<1x128xf32> to vector<2528x128xf32>
    %add3A_62 = arith.addf %mul3A_58, %add3A_61 : vector<2528x128xf32>
    %swap3A = arith.constant 0 : index
    %swap3A_63 = arith.constant 0 : index
    %swap3A_64 = vector.load %arg11[%swap3A, %swap3A_63] : memref<2528x128xf32, #tpu.memory_space<vmem>>, vector<2528x128xf32>
    tpu.vector_store %arg11[%swap3A, %swap3A_63], %add3A_62 {strides = array<i32>} : memref<2528x128xf32, #tpu.memory_space<vmem>>, vector<2528x128xf32>,
    %get3A_65 = arith.constant 0 : index
    %get3A_66 = arith.constant 0 : index
    %get3A_67 = vector.load %arg3[%get3A_65, %get3A_66] : memref<5056x128xf32, #tpu.memory_space<vmem>>, vector<2528x128xf32>
    %get3A_68 = arith.constant 2528 : index
    %get3A_69 = arith.constant 0 : index
    %get3A_70 = vector.load %arg3[%get3A_68, %get3A_69] : memref<5056x128xf32, #tpu.memory_space<vmem>>, vector<2528x128xf32>
    %add3A_71 = arith.addf %get3A_67, %get3A_70 : vector<2528x128xf32>
    %get3A_72 = arith.constant 0 : index
    %get3A_73 = arith.constant 0 : index
    %get3A_74 = vector.load %arg5[%get3A_72, %get3A_73] : memref<5056x128xf32, #tpu.memory_space<vmem>>, vector<2528x128xf32>
    %get3A_75 = arith.constant 2528 : index
    %get3A_76 = arith.constant 0 : index
    %get3A_77 = vector.load %arg5[%get3A_75, %get3A_76] : memref<5056x128xf32, #tpu.memory_space<vmem>>, vector<2528x128xf32>
    %add3A_78 = arith.addf %get3A_74, %get3A_77 : vector<2528x128xf32>
    %max3A_79 = arith.constant 1.000000e+00 : f32
    %max3A_80 = vector.broadcast %max3A_79 : f32 to vector<2528x128xf32>
    %max3A_81 = arith.maximumf %add3A_78, %max3A_80 : vector<2528x128xf32>
    %get3A_82 = arith.constant 0 : index
    %get3A_83 = arith.constant 0 : index
    %get3A_84 = vector.load %arg1[%get3A_82, %get3A_83] : memref<2528x128xf32, #tpu.memory_space<vmem>>, vector<2528x128xf32>
    %div3A_85 = arith.divf %add3A_71, %max3A_81 : vector<2528x128xf32>
    %add3A_86 = arith.addf %get3A_84, %div3A_85 : vector<2528x128xf32>
    %get3A_87 = arith.constant 0 : index
    %get3A_88 = vector.load %arg6[%get3A_87] : memref<32xf32, #tpu.memory_space<vmem>>, vector<32xf32>
    %get3A_89 = arith.constant 0 : index
    %get3A_90 = vector.load %arg7[%get3A_89] : memref<32xf32, #tpu.memory_space<vmem>>, vector<32xf32>
    %slice3A_91 = vector.extract_strided_slice %add3A_86 {offsets = [0, 0], sizes = [2500, 128], strides = [1, 1]} : vector<2528x128xf32> to vector<2500x128xf32>
    %reduce_sum3A_92 = arith.constant dense<0.000000e+00> : vector<128xf32>
    %reduce_sum3A_93 = vector.multi_reduction <add>, %slice3A_91, %reduce_sum3A_92 [0] : vector<2500x128xf32> to vector<128xf32>
    %slice3A_94 = vector.extract_strided_slice %reduce_sum3A_93 {offsets = [0], sizes = [32], strides = [1]} : vector<128xf32> to vector<32xf32>
    %slice3A_95 = vector.extract_strided_slice %reduce_sum3A_93 {offsets = [32], sizes = [32], strides = [1]} : vector<128xf32> to vector<32xf32>
    %add3A_96 = arith.addf %slice3A_94, %slice3A_95 : vector<32xf32>
    %slice3A_97 = vector.extract_strided_slice %reduce_sum3A_93 {offsets = [64], sizes = [32], strides = [1]} : vector<128xf32> to vector<32xf32>
    %add3A_98 = arith.addf %add3A_96, %slice3A_97 : vector<32xf32>
    %slice3A_99 = vector.extract_strided_slice %reduce_sum3A_93 {offsets = [96], sizes = [32], strides = [1]} : vector<128xf32> to vector<32xf32>
    %add3A_100 = arith.addf %add3A_98, %slice3A_99 : vector<32xf32>
    %div3A_101 = arith.constant 1.000000e+04 : f32
    %div3A_102 = vector.broadcast %div3A_101 : f32 to vector<32xf32>
    %div3A_103 = arith.divf %add3A_100, %div3A_102 : vector<32xf32>
    %concatenate3A_104 = tpu.concatenate %div3A_103, %div3A_103, %div3A_103, %div3A_103 in 0 : vector<32xf32>, vector<32xf32>, vector<32xf32>, vector<32xf32> -> vector<128xf32>
    %mul3A_105 = arith.mulf %slice3A_91, %slice3A_91 : vector<2500x128xf32>
    %reduce_sum3A_106 = arith.constant dense<0.000000e+00> : vector<128xf32>
    %reduce_sum3A_107 = vector.multi_reduction <add>, %mul3A_105, %reduce_sum3A_106 [0] : vector<2500x128xf32> to vector<128xf32>
    %slice3A_108 = vector.extract_strided_slice %reduce_sum3A_107 {offsets = [0], sizes = [32], strides = [1]} : vector<128xf32> to vector<32xf32>
    %slice3A_109 = vector.extract_strided_slice %reduce_sum3A_107 {offsets = [32], sizes = [32], strides = [1]} : vector<128xf32> to vector<32xf32>
    %add3A_110 = arith.addf %slice3A_108, %slice3A_109 : vector<32xf32>
    %slice3A_111 = vector.extract_strided_slice %reduce_sum3A_107 {offsets = [64], sizes = [32], strides = [1]} : vector<128xf32> to vector<32xf32>
    %add3A_112 = arith.addf %add3A_110, %slice3A_111 : vector<32xf32>
    %slice3A_113 = vector.extract_strided_slice %reduce_sum3A_107 {offsets = [96], sizes = [32], strides = [1]} : vector<128xf32> to vector<32xf32>
    %add3A_114 = arith.addf %add3A_112, %slice3A_113 : vector<32xf32>
    %div3A_115 = arith.constant 1.000000e+04 : f32
    %div3A_116 = vector.broadcast %div3A_115 : f32 to vector<32xf32>
    %div3A_117 = arith.divf %add3A_114, %div3A_116 : vector<32xf32>
    %concatenate3A_118 = tpu.concatenate %div3A_117, %div3A_117, %div3A_117, %div3A_117 in 0 : vector<32xf32>, vector<32xf32>, vector<32xf32>, vector<32xf32> -> vector<128xf32>
    %mul3A_119 = arith.mulf %concatenate3A_104, %concatenate3A_104 : vector<128xf32>
    %sub3A_120 = arith.subf %concatenate3A_118, %mul3A_119 : vector<128xf32>
    %concatenate3A_121 = tpu.concatenate %get3A_88, %get3A_88, %get3A_88, %get3A_88 in 0 : vector<32xf32>, vector<32xf32>, vector<32xf32>, vector<32xf32> -> vector<128xf32>
    %broadcast_in_dim3A_122 = vector.shape_cast %concatenate3A_121 : vector<128xf32> to vector<1x128xf32>
    %broadcast_in_dim3A_123 = vector.shape_cast %concatenate3A_104 : vector<128xf32> to vector<1x128xf32>
    %sub3A_124 = vector.broadcast %broadcast_in_dim3A_123 : vector<1x128xf32> to vector<2528x128xf32>
    %sub3A_125 = arith.subf %add3A_86, %sub3A_124 : vector<2528x128xf32>
    %mul3A_126 = vector.broadcast %broadcast_in_dim3A_122 : vector<1x128xf32> to vector<2528x128xf32>
    %mul3A_127 = arith.mulf %mul3A_126, %sub3A_125 : vector<2528x128xf32>
    %broadcast_in_dim3A_128 = vector.shape_cast %sub3A_120 : vector<128xf32> to vector<1x128xf32>
    %add3A_129 = arith.constant 9.99999974E-6 : f32
    %add3A_130 = vector.broadcast %add3A_129 : f32 to vector<1x128xf32>
    %add3A_131 = arith.addf %broadcast_in_dim3A_128, %add3A_130 : vector<1x128xf32>
    %rsqrt3A_132 = math.rsqrt %add3A_131 : vector<1x128xf32>
    %mul3A_133 = vector.broadcast %rsqrt3A_132 : vector<1x128xf32> to vector<2528x128xf32>
    %mul3A_134 = arith.mulf %mul3A_127, %mul3A_133 : vector<2528x128xf32>
    %concatenate3A_135 = tpu.concatenate %get3A_90, %get3A_90, %get3A_90, %get3A_90 in 0 : vector<32xf32>, vector<32xf32>, vector<32xf32>, vector<32xf32> -> vector<128xf32>
    %broadcast_in_dim3A_136 = vector.shape_cast %concatenate3A_135 : vector<128xf32> to vector<1x128xf32>
    %add3A_137 = vector.broadcast %broadcast_in_dim3A_136 : vector<1x128xf32> to vector<2528x128xf32>
    %add3A_138 = arith.addf %mul3A_134, %add3A_137 : vector<2528x128xf32>
    %swap3A_139 = arith.constant 0 : index
    %swap3A_140 = arith.constant 0 : index
    %swap3A_141 = vector.load %arg10[%swap3A_139, %swap3A_140] : memref<2528x128xf32, #tpu.memory_space<vmem>>, vector<2528x128xf32>
    tpu.vector_store %arg10[%swap3A_139, %swap3A_140], %add3A_138 {strides = array<i32>} : memref<2528x128xf32, #tpu.memory_space<vmem>>, vector<2528x128xf32>,
    return
  }
}

module attributes {stable_mosaic.version = 14 : i64} {
  func.func @_t4_body(%arg0: i32, %arg1: memref<3200x128xf32, #tpu.memory_space<vmem>>, %arg2: memref<3200x128xf32, #tpu.memory_space<vmem>>, %arg3: memref<3200x128xf32, #tpu.memory_space<vmem>>, %arg4: memref<3200x128xf32, #tpu.memory_space<vmem>>, %arg5: memref<3200x4xf32, #tpu.memory_space<vmem>>, %arg6: memref<3200x4xf32, #tpu.memory_space<vmem>>) attributes {dimension_semantics = [#tpu.dimension_semantics<arbitrary>], iteration_bounds = array<i64: 8>, scalar_prefetch = 0 : i64, scratch_operands = 0 : i64, tpu.core_type = #tpu.core_type<tc>, window_params = [{transform_indices = @transform_0, window_bounds = array<i64: 3200, 128>}, {transform_indices = @transform_1, window_bounds = array<i64: 3200, 128>}, {transform_indices = @transform_2, window_bounds = array<i64: 3200, 128>}, {transform_indices = @transform_3, window_bounds = array<i64: 3200, 128>}, {transform_indices = @transform_4, window_bounds = array<i64: 3200, 4>}, {transform_indices = @transform_5, window_bounds = array<i64: 3200, 4>}]} {
    %iota3A = tpu.iota {dimensions = array<i32: 0>} : vector<128x4xi32>
    %iota3A_0 = tpu.iota {dimensions = array<i32: 1>} : vector<128x4xi32>
    %jit3A = arith.constant 32 : i32
    %div3A = vector.broadcast %jit3A : i32 to vector<128x4xi32>
    %div3A_1 = arith.divsi %iota3A, %div3A : vector<128x4xi32>
    %sign3A = arith.constant 0 : i32
    %sign3A_2 = vector.broadcast %sign3A : i32 to vector<128x4xi32>
    %sign3A_3 = arith.cmpi sgt, %iota3A, %sign3A_2 : vector<128x4xi32>
    %sign3A_4 = arith.extui %sign3A_3 : vector<128x4xi1> to vector<128x4xi32>
    %sign3A_5 = arith.constant 0 : i32
    %sign3A_6 = vector.broadcast %sign3A_5 : i32 to vector<128x4xi32>
    %sign3A_7 = arith.cmpi slt, %iota3A, %sign3A_6 : vector<128x4xi32>
    %sign3A_8 = arith.extui %sign3A_7 : vector<128x4xi1> to vector<128x4xi32>
    %sign3A_9 = arith.subi %sign3A_4, %sign3A_8 : vector<128x4xi32>
    %sign3A_10 = arith.constant 0 : i32
    %sign3A_11 = arith.cmpi sgt, %jit3A, %sign3A_10 : i32
    %sign3A_12 = arith.extui %sign3A_11 : i1 to i32
    %sign3A_13 = arith.constant 0 : i32
    %sign3A_14 = arith.cmpi slt, %jit3A, %sign3A_13 : i32
    %sign3A_15 = arith.extui %sign3A_14 : i1 to i32
    %sign3A_16 = arith.subi %sign3A_12, %sign3A_15 : i32
    %ne3A = vector.broadcast %sign3A_16 : i32 to vector<128x4xi32>
    %ne3A_17 = arith.cmpi ne, %sign3A_9, %ne3A : vector<128x4xi32>
    %rem3A = vector.broadcast %jit3A : i32 to vector<128x4xi32>
    %rem3A_18 = arith.remsi %iota3A, %rem3A : vector<128x4xi32>
    %ne3A_19 = arith.constant 0 : i32
    %ne3A_20 = vector.broadcast %ne3A_19 : i32 to vector<128x4xi32>
    %ne3A_21 = arith.cmpi ne, %rem3A_18, %ne3A_20 : vector<128x4xi32>
    %and3A = arith.andi %ne3A_17, %ne3A_21 : vector<128x4xi1>
    %sub3A = arith.constant 1 : i32
    %sub3A_22 = vector.broadcast %sub3A : i32 to vector<128x4xi32>
    %sub3A_23 = arith.subi %div3A_1, %sub3A_22 : vector<128x4xi32>
    %select_n3A = arith.select %and3A, %sub3A_23, %div3A_1 : vector<128x4xi1>, vector<128x4xi32>
    %eq3A = arith.cmpi eq, %select_n3A, %iota3A_0 : vector<128x4xi32>
    %jit3A_24 = arith.constant 1.000000e+00 : f32
    %jit3A_25 = arith.constant 0.000000e+00 : f32
    %broadcast_in_dim3A = vector.broadcast %jit3A_24 : f32 to vector<128x4xf32>
    %broadcast_in_dim3A_26 = vector.broadcast %jit3A_25 : f32 to vector<128x4xf32>
    %select_n3A_27 = arith.select %eq3A, %broadcast_in_dim3A, %broadcast_in_dim3A_26 : vector<128x4xi1>, vector<128x4xf32>
    %get3A = arith.constant 0 : index
    %get3A_28 = arith.constant 0 : index
    %get3A_29 = vector.load %arg1[%get3A, %get3A_28] : memref<3200x128xf32, #tpu.memory_space<vmem>>, vector<3200x128xf32>
    %get3A_30 = arith.constant 0 : index
    %get3A_31 = arith.constant 0 : index
    %get3A_32 = vector.load %arg2[%get3A_30, %get3A_31] : memref<3200x128xf32, #tpu.memory_space<vmem>>, vector<3200x128xf32>
    %mul3A = arith.mulf %get3A_29, %get3A_32 : vector<3200x128xf32>
    %dot_general3A = arith.constant dense<0.000000e+00> : vector<3200x4xf32>
    %dot_general3A_33 = tpu.matmul %mul3A, %select_n3A_27, %dot_general3A {dimension_numbers = #tpu.dot_dimension_numbers<[1], [0], [0], [1], [0, 0, 1, 1], [], []>, precision = #tpu.contract_precision<fp32>, transpose_lhs_hint = false} : vector<3200x128xf32>, vector<128x4xf32>, vector<3200x4xf32> -> vector<3200x4xf32>
    %swap3A = arith.constant 0 : index
    %swap3A_34 = arith.constant 0 : index
    %swap3A_35 = vector.load %arg5[%swap3A, %swap3A_34] : memref<3200x4xf32, #tpu.memory_space<vmem>>, vector<3200x4xf32>
    tpu.vector_store %arg5[%swap3A, %swap3A_34], %dot_general3A_33 {strides = array<i32>} : memref<3200x4xf32, #tpu.memory_space<vmem>>, vector<3200x4xf32>,
    %get3A_36 = arith.constant 0 : index
    %get3A_37 = arith.constant 0 : index
    %get3A_38 = vector.load %arg3[%get3A_36, %get3A_37] : memref<3200x128xf32, #tpu.memory_space<vmem>>, vector<3200x128xf32>
    %get3A_39 = arith.constant 0 : index
    %get3A_40 = arith.constant 0 : index
    %get3A_41 = vector.load %arg4[%get3A_39, %get3A_40] : memref<3200x128xf32, #tpu.memory_space<vmem>>, vector<3200x128xf32>
    %mul3A_42 = arith.mulf %get3A_38, %get3A_41 : vector<3200x128xf32>
    %dot_general3A_43 = arith.constant dense<0.000000e+00> : vector<3200x4xf32>
    %dot_general3A_44 = tpu.matmul %mul3A_42, %select_n3A_27, %dot_general3A_43 {dimension_numbers = #tpu.dot_dimension_numbers<[1], [0], [0], [1], [0, 0, 1, 1], [], []>, precision = #tpu.contract_precision<fp32>, transpose_lhs_hint = false} : vector<3200x128xf32>, vector<128x4xf32>, vector<3200x4xf32> -> vector<3200x4xf32>
    %swap3A_45 = arith.constant 0 : index
    %swap3A_46 = arith.constant 0 : index
    %swap3A_47 = vector.load %arg6[%swap3A_45, %swap3A_46] : memref<3200x4xf32, #tpu.memory_space<vmem>>, vector<3200x4xf32>
    tpu.vector_store %arg6[%swap3A_45, %swap3A_46], %dot_general3A_44 {strides = array<i32>} : memref<3200x4xf32, #tpu.memory_space<vmem>>, vector<3200x4xf32>,
    return
  }
  func.func @transform_0(%arg0: i32) -> (i32, i32) {
    %c0_i32 = arith.constant 0 : i32
    %c0_i32_0 = arith.constant 0 : i32
    return %arg0, %c0_i32 : i32, i32
  }
  func.func @transform_1(%arg0: i32) -> (i32, i32) {
    %c0_i32 = arith.constant 0 : i32
    %c0_i32_0 = arith.constant 0 : i32
    return %arg0, %c0_i32 : i32, i32
  }
  func.func @transform_2(%arg0: i32) -> (i32, i32) {
    %c0_i32 = arith.constant 0 : i32
    %c0_i32_0 = arith.constant 0 : i32
    return %arg0, %c0_i32 : i32, i32
  }
  func.func @transform_3(%arg0: i32) -> (i32, i32) {
    %c0_i32 = arith.constant 0 : i32
    %c0_i32_0 = arith.constant 0 : i32
    return %arg0, %c0_i32 : i32, i32
  }
  func.func @transform_4(%arg0: i32) -> (i32, i32) {
    %c0_i32 = arith.constant 0 : i32
    %c0_i32_0 = arith.constant 0 : i32
    return %arg0, %c0_i32 : i32, i32
  }
  func.func @transform_5(%arg0: i32) -> (i32, i32) {
    %c0_i32 = arith.constant 0 : i32
    %c0_i32_0 = arith.constant 0 : i32
    return %arg0, %c0_i32 : i32, i32
  }
}

</mosaic_0001>

<sc_bundles>
// kernel: kernel.12.cloned.1.call-start
scs
__scs_entry_jumppad:
0x0: {  	(pc) =	sbr.rel $0x88, $3  }
0x1: {  	(tag) =	ssettag $0x0;
	lr =	simm.s32 $0x1  }
0x2: {  	[smem:$0x3F7B] =	sst lr;
	_ =	strace $0xD0000000  }
0x3: {  	_ = 	snop  }
0x4: {  	_ = 	snop  }
0x5: {  	_ = 	snop  }
0x6: {  	_ = 	snop  }
0x7: {  	_ = 	snop  }
__scs_overlays_trampoline_lowered:
0x8: {  	[smem:$0x3F8A] =	sst s0  }
0x9: {  	[smem:$0x3F8B] =	sst s1  }
0xa: {  	[smem:$0x3F8C] =	sst s2  }
0xb: {  	[smem:$0x3F8D] =	sst s3  }
0xc: {  	[smem:$0x3F8E] =	sst s4  }
0xd: {  	[smem:$0x3F8F] =	sst s5  }
0xe: {  	[smem:$0x3F90] =	sst s6  }
0xf: {  	[smem:$0x3F91] =	sst s7  }
0x10: {  	[smem:$0x3F92] =	sst s8  }
0x11: {  	[smem:$0x3F93] =	sst s9;
	s0 =	simm.s32 @!p0 $0x0  }
0x12: {  	s1 =	sld [smem:$0x3F79];
	s0 =	simm.s32 @p0 $0x1  }
0x13: {  	[smem:$0x3F94] =	sst s0;
	s0 =	simm.s32 @!p1 $0x0  }
0x14: {  	s2 =	sld [smem:$0x3F78];
	s0 =	simm.s32 @p1 $0x1  }
0x15: {  	[smem:$0x3F95] =	sst s0;
	s0 =	simm.s32 @!p2 $0x0  }
0x16: {  	s3 =	sld [smem:$0x3FDB];
	s0 =	simm.s32 @p2 $0x1  }
0x17: {  	s4 =	simm.s32 $0x1BF5;
	[smem:$0x3F97] =	sst s0  }
0x18: {  	s0 =	sld [smem:$0x3F7A];
	_ =	swait.ge [sflag:s4], $0x0  }
0x19: {  	s7 =	sld [smem:$0x3F7B]  }
0x1a: {  	s8 =	sadd.s32 $0xFFFFE003, lr  }
0x1b: {  	s9 =	sadd.s32 $0xFFFFFEF7, lr;
	s5 =	simm.s32 $0xFFFFFFFF;
	p2 =	slt.u32 s8, $0xFFFFF086  }
0x1c: {  	p1 =	slt.u32 s9, $0xF7A;
	s5 =	simm.s32 @!p2 $0x0  }
0x1d: {  	s5 =	simm.s32 @p1 $0x1;
	p0 =	seq.s32 s7, s2  }
0x1e: {  	s7 =	smul.u32 @!p0 $0xF7A, s2;
	p2 =	seq.s32 @!p0 s5, $0x0  }
0x1f: {  	s9 =	smul.u32 $0xF7A, s1;
	s8 =	simm.s32 @!p0 $0x1BF5;
	p2 =	por !p2, p0  }
0x20: {  	[sflag:s8] =	ssyncset.s32 @!p0 $0xFFFFF086;
	s6 =	sadd.s32 @!p0 s3, s7;
	s7 =	simm.s32 @!p0 $0x108  }
0x21: {  	s3 =	sadd.s32 s3, s9;
	s6 =	sadd.s32 @!p0 $0x88, s6;
	s7 =	simm.s32 @p2 $0x1082  }
0x22: {  	[simem:s7], [sflag:s8] =	dma.local @!p0 [hbm:s6], $0xF7A  }
0x23: {  	s9 =	sor.u32 $0xD0000000, s2;
	s6 =	simm.s32 $0x108;
	_ =	swait.ge @!p0 [sflag:s8], $0x0  }
0x24: {  	s3 =	sadd.s32 $0x88, s3;
	s6 =	simm.s32 @!p1 $0x1082;
	[sflag:s4] =	ssyncset.s32 $0xFFFFF086  }
0x25: {  	[simem:s6], [sflag:s4] =	dma.local [hbm:s3], $0xF7A  }
0x26: {  	[smem:$0x3F7B] =	sst s1;
	(tag) =	ssettag s2;
	_ =	strace s9  }
0x27: {  	s1 =	sld [smem:$0x3F8B]  }
0x28: {  	s2 =	sld [smem:$0x3F8C]  }
0x29: {  	s4 =	sld [smem:$0x3F8E]  }
0x2a: {  	p0 =	seq.s32 s5, $0x0;
	s5 =	sld [smem:$0x3F8F]  }
0x2b: {  	s6 =	sld [smem:$0x3F90]  }
0x2c: {  	s7 =	sld [smem:$0x3F91]  }
0x2d: {  	s3 =	simm.s32 $0x108;
	s8 =	sld [smem:$0x3F92]  }
0x2e: {  	s3 =	simm.s32 @!p0 $0x1082;
	s9 =	sld [smem:$0x3F93]  }
0x2f: {  	lr =	sadd.s32 s0, s3;
	s0 =	sld [smem:$0x3F8A]  }
0x30: {  	s3 =	sld [smem:$0x3F8D]  }
0x31: {  	[smem:$0x3F96] =	sst s10  }
0x32: {  	s10 =	sld [smem:$0x3F94];
	_ =	sdelay $0x3  }
0x33: {  	p0 =	seq.s32 s10, $0x1;
	s10 =	sld [smem:$0x3F96];
	_ =	sdelay $0x3  }
0x34: {  	[smem:$0x3F96] =	sst s10  }
0x35: {  	s10 =	sld [smem:$0x3F95];
	_ =	sdelay $0x3  }
0x36: {  	p1 =	seq.s32 s10, $0x1;
	s10 =	sld [smem:$0x3F96];
	_ =	sdelay $0x3  }
0x37: {  	[smem:$0x3F96] =	sst s10  }
0x38: {  	s10 =	sld [smem:$0x3F97]  }
0x39: {  	_ = 	snop;
	(pc) =	sbr.ind lr, $3  }
0x3a: {  	_ = 	snop  }
0x3b: {  	_ = 	snop  }
0x3c: {  	p2 =	seq.s32 s10, $0x1;
	s10 =	sld [smem:$0x3F96]  }
0x3d: {  	_ =	shalt  }
0x3e: {  	_ =	shalt  }
0x3f: {  	_ =	shalt  }
0x40: {  	_ =	shalt  }
0x41: {  	_ =	shalt  }
0x42: {  	_ =	shalt  }
0x43: {  	_ =	shalt  }
0x44: {  	_ =	shalt  }
0x45: {  	_ =	shalt  }
0x46: {  	_ =	shalt  }
0x47: {  	_ =	shalt  }
0x48: {  	_ =	shalt  }
0x49: {  	_ =	shalt  }
0x4a: {  	_ =	shalt  }
0x4b: {  	_ =	shalt  }
0x4c: {  	_ =	shalt  }
0x4d: {  	_ =	shalt  }
0x4e: {  	_ =	shalt  }
0x4f: {  	_ =	shalt  }
0x50: {  	_ =	shalt  }
0x51: {  	_ =	shalt  }
0x52: {  	_ =	shalt  }
0x53: {  	_ =	shalt  }
0x54: {  	_ =	shalt  }
0x55: {  	_ =	shalt  }
0x56: {  	_ =	shalt  }
0x57: {  	_ =	shalt  }
0x58: {  	_ =	shalt  }
0x59: {  	_ =	shalt  }
0x5a: {  	_ =	shalt  }
0x5b: {  	_ =	shalt  }
0x5c: {  	_ =	shalt  }
0x5d: {  	_ =	shalt  }
0x5e: {  	_ =	shalt  }
0x5f: {  	_ =	shalt  }
0x60: {  	_ =	shalt  }
0x61: {  	_ =	shalt  }
0x62: {  	_ =	shalt  }
0x63: {  	_ =	shalt  }
0x64: {  	_ =	shalt  }
0x65: {  	_ =	shalt  }
0x66: {  	_ =	shalt  }
0x67: {  	_ =	shalt  }
0x68: {  	_ =	shalt  }
0x69: {  	_ =	shalt  }
0x6a: {  	_ =	shalt  }
0x6b: {  	_ =	shalt  }
0x6c: {  	_ =	shalt  }
0x6d: {  	_ =	shalt  }
0x6e: {  	_ =	shalt  }
0x6f: {  	_ =	shalt  }
0x70: {  	_ =	shalt  }
0x71: {  	_ =	shalt  }
0x72: {  	_ =	shalt  }
0x73: {  	_ =	shalt  }
0x74: {  	_ =	shalt  }
0x75: {  	_ =	shalt  }
0x76: {  	_ =	shalt  }
0x77: {  	_ =	shalt  }
0x78: {  	_ =	shalt  }
0x79: {  	_ =	shalt  }
0x7a: {  	_ =	shalt  }
0x7b: {  	_ =	shalt  }
0x7c: {  	_ =	shalt  }
0x7d: {  	_ =	shalt  }
0x7e: {  	_ =	shalt  }
0x7f: {  	_ =	shalt  }
0x80: {  	_ =	shalt  }
0x81: {  	_ =	shalt  }
0x82: {  	_ =	shalt  }
0x83: {  	_ =	shalt  }
0x84: {  	_ =	shalt  }
0x85: {  	_ =	shalt  }
0x86: {  	_ =	shalt  }
0x87: {  	_ =	shalt  }
.Lfunc_end0:
.L_simem_size_0:
called_computation.1_lowered:
.L_overlay_start_0:
0x88: {  	s2 =	sld [smem:$0x3FD9]  }
0x89: {  	s3 =	sld [smem:$0x3FFE];
	_ =	sdelay $0x1  }
0x8a: {  	s1 =	srdreg.scid  }
0x8b: {  	s0 =	sand.u32 $0x1, s1  }
0x8c: {  	s16 =	sshll.u32 s0, $0xA;
	s2 =	sadd.s32 s3, s2  }
0x8d: {  	s2 =	sadd.s32 s2, s16  }
0x8e: {  	[smem:$0x3FA2] =	sst s2  }
0x8f: {  	_ = 	snop  }
0x90: {  	(tm) =	ssettm $0x1  }
0x91: {  	s17 =	sld [smem:$0x3FFB];
	_ =	sdelay $0x3  }
0x92: {  	_ =	strace s17  }
0x93: {  	s2 =	sld [smem:$0x3FFC];
	_ =	sdelay $0x3  }
0x94: {  	_ =	strace s2  }
0x95: {  	s2 =	sld [smem:$0x3FFD];
	_ =	sdelay $0x3  }
0x96: {  	_ =	strace s2  }
0x97: {  	_ =	strace $0x8FFFFFFF  }
0x98: {  	s18 =	sld [smem:$0x3FDB];
	_ =	sdelay $0x1  }
0x99: {  	s19 =	simm.s32 $_scs_section_size  }
0x9a: {  	s4 =	simm.s32 $_size__tile_overlayer_lowered;
	s5 =	simm.s32 $_tile_overlayer_lowered  }
0x9b: {  	s22 =	simm.s32 $0x1BFF;
	s21 =	sshll.u32 s5, $0x1;
	s2 =	sadd.s32 s19, s18  }
0x9c: {  	s6 =	simm.s32 $0x0;
	s20 =	sshll.u32 s4, $0x1;
	s4 =	sadd.s32 s21, s2  }
0x9d: {  	[timem:s6], [sflag:s22] =	dma.local [hbm:s4], s20  }
0x9e: {  	_ =	swait.ge [sflag:s22], s20  }
0x9f: {  	s3 =	ssub.s32 $0x0, s20;
	[sflag:s22] =	ssyncset.done $0x0  }
0xa0: {  	[sflag:s22] =	ssyncadd.s32 s3;
	_ =	sdelay $0x1  }
0xa1: {  	s23 =	simm.s32 $0x1B8B  }
0xa2: {  	_ =	swait.ge [sflag:s23], $0x1  }
0xa3: {  	[sflag:s23] =	ssyncset.done $0x0  }
0xa4: {  	s25 =	simm.s32 $0x1B8E;
	s24 =	sld [smem:$0x3FFE];
	[sflag:s23] =	ssyncadd.s32 $0xFFFFFFFF  }
0xa5: {  	s26 =	simm.s32 $execute0_lowered;
	[smem:$0x3FD2] =	sst s25  }
0xa6: {  	s4 =	sshll.u32 s26, $0x1;
	_ =	strace $0x80000049;
	[dreg:$0x1] =	wrdreg $0xFFFFFFFF  }
0xa7: {  	s28 =	simm.s32 $_size_execute0_lowered;
	s2 =	sadd.s32 s2, s4;
	[dreg:$0x0] =	wrdreg $0x0  }
0xa8: {  	s4 =	sshll.u32 s28, $0x1;
	[dreg:$0x2] =	wrdreg s2  }
0xa9: {  	[dreg:$0x3] =	wrdreg s4  }
0xaa: {  	[dreg:$0x4] =	wrdreg $0xC0  }
0xab: {  	_ =	task [dreg:s6], $0x5FFFF  }
0xac: {  	[dreg:$0x1] =	wrdreg $0xFFFFFFFF  }
0xad: {  	[dreg:$0x0] =	wrdreg $0x60  }
0xae: {  	[dreg:$0x2] =	wrdreg s24  }
0xaf: {  	[dreg:$0x3] =	wrdreg $0xD0000  }
0xb0: {  	[dreg:$0x4] =	wrdreg $0x11F000  }
0xb1: {  	[dreg:$0x5] =	wrdreg $0x9  }
0xb2: {  	_ =	task.clear_ibuf [dreg:s6], $0x6FFFF;
	_ =	strace $0x90000049  }
0xb3: {  	s29 =	simm.s32 $0x9;
	_ =	strace $0x8000004B  }
0xb4: {  	_ =	swait.ge [sflag:s29], $0x1  }
0xb5: {  	[sflag:s29] =	ssyncadd.s32 $0xFFFFFFFF  }
0xb6: {  	_ =	strace $0x9000004B  }
0xb7: {  	_ =	sfence  }
0xb8: {  	s30 =	sld [smem:$0x0];
	_ =	sdelay $0x2  }
0xb9: {  	s31 =	sshll.u32 s1, $0xD;
	s1 =	sshrl.u32 s1, $0x2  }
0xba: {  	s3 =	sand.u32 $0x4000, s31;
	s1 =	sadd.s32 s1, s30  }
0xbb: {  	s0 =	sor.u32 s3, s0;
	s1 =	sshll.u32 s1, $0x11  }
0xbc: {  	s0 =	sor.u32 s1, s0  }
0xbd: {  	s0 =	sadd.s32 $0x8F2B, s0  }
0xbe: {  	[sflag:s0] =	ssyncadd.remote.s32 $0x1  }
0xbf: {  	_ =	sfence.sel $0xFFFF  }
0xc0: {  	[dreg:$0x0] =	wrdreg $0xFFFFFFFF;
	(pc) =	sbr.abs _section_cstart, $3  }
0xc1: {  	[dreg:$0x1] =	wrdreg $0xFFFFFFFF  }
0xc2: {  	_ =	task.clear_ibuf [dreg:s6], $0x2FFFF;
	_ =	strace $0x9FFFFFFF  }
0xc3: {  	(tm) =	ssettm $0x7FFFFFFF  }
tec
execute0_lowered:
.L_overlay_start_1:
0x0: {  	(tag) =	ssettag $0x1  }
0x1: {  	s0 =	srdreg.scid;
	s1 =	rddreg [dreg:$0x0]  }
0x2: {  	s12 =	stileid.u32;
	s2 =	rddreg [dreg:$0x1]  }
0x3: {  	s20 =	simm.s32 $0x0;
	s17 =	simm.s32 $0x9;
	s29 =	simm.s32 $0x9000  }
0x4: {  	s13 =	simm.s32 $0x5;
	s19 =	simm.s32 $0x7;
	s14 =	simm.s32 $0x8  }
0x5: {  	s15 =	simm.s32 $0x0;
	s0 =	sand.u32 $0x1, s0;
	s9 =	smul.u32 $0x4F00, s12  }
0x6: {  	s3 =	sshll.u32 s12, $0x1;
	[smem:$0x7FF] =	sst s20;
	s8 =	smul.u32 $0x278, s12  }
0x7: {  	s5 =	sadd.s32 $0x70E00, s1;
	s6 =	sadd.s32 $0x7AC00, s1;
	s23 =	sshll.u32 s12, $0x6  }
0x8: {  	s20 =	simm.s32 $0x80;
	s12 =	simm.s32 $0x3;
	s4 =	sor.u32 s0, s3  }
0x9: {  	s3 =	rddreg [dreg:$0x2];
	_ =	strace $0x8000004A;
	s10 =	smul.u32 $0x2780, s0  }
0xa: {  	s0 =	ssub.s32 $0x2, s0;
	s7 =	smul.u32 $0x500, s4;
	s21 =	sshrl.u32 s9, $0x3  }
0xb: {  	s22 =	sshrl.u32 s0, $0x1;
	s24 =	sadd.s32 s9, s2;
	s9 =	sadd.s32 s9, s3  }
0xc: {  	s8 =	sadd.s32 s8, s10;
	s0 =	ssub.s32 s0, s22;
	s16 =	sshrl.u32 s24, $0x3  }
0xd: {  	s18 =	sshrl.u32 s9, $0x3;
	s24 =	simm.s32 $0x7000;
	s10 =	simm.s32 $0xC000  }
0xe: {  	s11 =	sadd.s32 s7, s1;
	s7 =	sadd.s32 s21, s1;
	s0 =	smax.u32 s0, $0x1  }
0xf: {  	s8 =	sshll.u32 s8, $0x2;
	s25 =	sadd.s32 $0x17C00, s11;
	[dreg:$0xa] =	wrdreg s0  }
0x10: {  	s21 =	simm.s32 $0x5000;
	s26 =	sadd.s32 $0x3C00, s11;
	[dreg:$0x4] =	wrdreg s25  }
.Ltmp0:
0x11: {  	s28 =	sadd.s32 $0x21C00, s11;
	[dreg:$0x5] =	wrdreg s26;
	(pc) =	sbr.rel .LBB2_1-.Ltmp0, $4  }
0x12: {  	s1 =	sadd.s32 s8, s1;
	s30 =	sadd.s32 $0xDC00, s11;
	[dreg:$0x6] =	wrdreg s28  }
0x13: {  	s7 =	sadd.s32 $0x2BC00, s7;
	[dreg:$0x7] =	wrdreg s30;
	s31 =	sadd.s32 $0x8E800, s1  }
0x14: {  	s8 =	sor.u32 $0x1C09, s23;
	s1 =	sadd.s32 $0x35A00, s1;
	[dreg:$0x8] =	wrdreg s31  }
0x15: {  	s0 =	simm.s32 $0xB000;
	s11 =	simm.s32 $0x1;
	[dreg:$0x9] =	wrdreg s1  }
.LBB2_7:
0x16: {  	_ =	swait.ge [sflag:s14], $0x1000  }
0x17: {  	[sflag:s14] =	ssyncset.done $0x0  }
0x18: {  	[sflag:s14] =	ssyncadd.s32 $0xFFFFF000  }
0x19: {  	[spmem:s3] =	stream.indirect.scatter.add.f32 [tilespmem:s10], [sflag:$0x9], $0x20, s1, s20, $0xb8;
	[tilespmem:$0x16E00] =	vst v63  }
0x1a: {  	_ =	swait.ge [sflag:s17], $0x1000  }
0x1b: {  	[sflag:s17] =	ssyncset.done $0x0  }
0x1c: {  	[sflag:s17] =	ssyncadd.s32 $0xFFFFF000  }
0x1d: {  	[bflag:$0x0] =	sbarrier.arrive $0xFFFF  }
0x1e: {  	s28 =	rddreg [dreg:$0x8]  }
0x1f: {  	[hbm:s28], [sflag:s8] =	dma.local [spmem:s16], $0x9E0  }
0x20: {  	_ =	swait.ge [sflag:s17], $0x9E0  }
0x21: {  	[sflag:s17] =	ssyncset.done $0x0  }
0x22: {  	s30 =	rddreg [dreg:$0x9];
	[sflag:s17] =	ssyncadd.s32 $0xFFFFF620  }
0x23: {  	[hbm:s30], [sflag:s8] =	dma.local [spmem:s18], $0x9E0  }
0x24: {  	_ =	swait.ge [sflag:s17], $0x9E0  }
0x25: {  	s15 =	sadd.s32 $0x1, s15;
	s31 =	rddreg [dreg:$0xa]  }
0x26: {  	p0 =	sne.s32 s15, s31  }
.Ltmp1:
0x27: {  	_ = 	snop;
	(pc) =	sbr.rel @!p0 .LBB2_8-.Ltmp1, $3  }
0x28: {  	_ =	sdelay $0x1  }
0x29: {  	[sflag:s17] =	ssyncset.done $0x0  }
0x2a: {  	[sflag:s17] =	ssyncadd.s32 $0xFFFFF620  }
.LBB2_1:
0x2b: {  	[spmem:s16], [sflag:s8] =	dma.local [hbm:s7], $0x9E0  }
0x2c: {  	_ =	swait.ge [sflag:s17], $0x9E0  }
0x2d: {  	[sflag:s17] =	ssyncset.done $0x0  }
0x2e: {  	[sflag:s17] =	ssyncadd.s32 $0xFFFFF620  }
0x2f: {  	[spmem:s18], [sflag:s8] =	dma.local [hbm:s7], $0x9E0  }
0x30: {  	_ =	swait.ge [sflag:s17], $0x9E0  }
0x31: {  	[sflag:s17] =	ssyncset.done $0x0  }
0x32: {  	[sflag:s17] =	ssyncadd.s32 $0xFFFFF620  }
0x33: {  	[bflag:$0x0] =	sbarrier.arrive $0xFFFF  }
0x34: {  	s1 =	simm.s32 $0x0;
	s4 =	rddreg [dreg:$0x4]  }
0x35: {  	[tilespmem:s1], [sflag:$0x9] =	stream.linear.gather [hbm4b:s4+s1], $0x2800, $0x38;
	[tilespmem:$0x16E00] =	vst v63  }
0x36: {  	_ =	swait.ge [sflag:s17], $0x2800  }
0x37: {  	[sflag:s17] =	ssyncset.done $0x0  }
0x38: {  	s9 =	simm.s32 $0x2800;
	s31 =	rddreg [dreg:$0x5];
	[sflag:s17] =	ssyncadd.s32 $0xFFFFD800  }
0x39: {  	[tilespmem:s9], [sflag:$0x9] =	stream.linear.gather [hbm4b:s31+s1], $0x2800, $0x38;
	[tilespmem:$0x16E00] =	vst v63  }
0x3a: {  	_ =	swait.ge [sflag:s17], $0x2800  }
0x3b: {  	[sflag:s17] =	ssyncset.done $0x0  }
0x3c: {  	[sflag:s17] =	ssyncadd.s32 $0xFFFFD800  }
0x3d: {  	[tilespmem:s21], [sflag:$0x1] =	stream.indirect.gather [hbm4b:s5+s20], $0x20, s1, s20, $0xb8;
	[tilespmem:$0x16E00] =	vst v63  }
0x3e: {  	s4 =	simm.s32 $0x6000  }
0x3f: {  	[tilespmem:s4], [sflag:$0x2] =	stream.indirect.gather [hbm4b:s5+s20], $0x20, s20, s20, $0xb8;
	[tilespmem:$0x16E00] =	vst v63  }
0x40: {  	s9 =	simm.s32 $0x100  }
0x41: {  	[tilespmem:s24], [sflag:$0x3] =	stream.indirect.gather [hbm4b:s5+s20], $0x20, s9, s20, $0xb8;
	[tilespmem:$0x16E00] =	vst v63  }
0x42: {  	s22 =	simm.s32 $0x180;
	s23 =	simm.s32 $0x8000  }
0x43: {  	[tilespmem:s23], [sflag:$0x4] =	stream.indirect.gather [hbm4b:s5+s20], $0x20, s22, s20, $0xb8;
	[tilespmem:$0x16E00] =	vst v63  }
0x44: {  	s25 =	simm.s32 $0x200  }
0x45: {  	[tilespmem:s29], [sflag:$0x5] =	stream.indirect.gather [hbm4b:s5+s20], $0x20, s25, s20, $0xb8;
	[tilespmem:$0x16E00] =	vst v63  }
0x46: {  	s26 =	simm.s32 $0x280;
	s28 =	simm.s32 $0xA000  }
0x47: {  	[tilespmem:s28], [sflag:$0x6] =	stream.indirect.gather [hbm4b:s5+s20], $0x20, s26, s20, $0xb8;
	[tilespmem:$0x16E00] =	vst v63  }
0x48: {  	s30 =	simm.s32 $0x300  }
0x49: {  	[tilespmem:s0], [sflag:$0x7] =	stream.indirect.gather [hbm4b:s5+s20], $0x20, s30, s20, $0xb8;
	[tilespmem:$0x16E00] =	vst v63  }
0x4a: {  	s31 =	simm.s32 $0x380;
	s22 =	simm.s32 $0x0  }
0x4b: {  	[tilespmem:s10], [sflag:$0x8] =	stream.indirect.gather [hbm4b:s5+s20], $0x20, s31, s20, $0xb8;
	[tilespmem:$0x16E00] =	vst v63  }
.LBB2_2:
0x4c: {  	_ =	swait.ge [sflag:s11], $0x1000  }
0x4d: {  	s23 =	sshra.s32 s22, $0x2;
	[sflag:s11] =	ssyncset.done $0x0  }
0x4e: {  	s1 =	sadd.s32 $0x2800, s23;
	[sflag:s11] =	ssyncadd.s32 $0xFFFFF000  }
0x4f: {  	[spmem:s2] =	stream.indirect.scatter.add.f32 [tilespmem:s21], [sflag:$0x9], $0x20, s1, s20, $0xb8;
	[tilespmem:$0x16E00] =	vst v63  }
0x50: {  	_ =	swait.ge [sflag:s17], $0x1000  }
0x51: {  	p0 =	seq.s32 s22, $0x9000;
	[sflag:s17] =	ssyncset.done $0x0  }
0x52: {  	s1 =	simm.s32 @p0 $0x2;
	[sflag:s17] =	ssyncadd.s32 $0xFFFFF000  }
0x53: {  	s28 =	sshra.s32 @p0 s22, $0x2;
	_ =	swait.ge @p0 [sflag:s1], $0x1000  }
0x54: {  	s30 =	simm.s32 @p0 $0x80;
	s25 =	simm.s32 @p0 $0x6000;
	[sflag:s1] =	ssyncset.done @p0 $0x0  }
0x55: {  	s31 =	simm.s32 @p0 $0x9;
	[sflag:s1] =	ssyncadd.s32 @p0 $0xFFFFF000;
	s1 =	sadd.s32 @p0 $0x2880, s28  }
0x56: {  	[spmem:s2] =	stream.indirect.scatter.add.f32 @p0 [tilespmem:s25], [sflag:$0x9], $0x20, s1, s30, $0xb8;
	[tilespmem:$0x16E00] =	vst v63  }
0x57: {  	_ =	swait.ge @p0 [sflag:s31], $0x1000  }
0x58: {  	s26 =	simm.s32 @!p0 $0x80;
	s25 =	sshra.s32 @!p0 s22, $0x2;
	[sflag:s31] =	ssyncset.done @p0 $0x0  }
0x59: {  	s9 =	simm.s32 @!p0 $0x5000;
	s1 =	sadd.s32 @!p0 $0x400, s25;
	[sflag:s31] =	ssyncadd.s32 @p0 $0xFFFFF000  }
0x5a: {  	[tilespmem:s9], [sflag:$0x1] =	stream.indirect.gather @!p0 [hbm4b:s5+s26], $0x20, s1, s26, $0xb8;
	[tilespmem:$0x16E00] =	vst v63  }
0x5b: {  	s1 =	simm.s32 @!p0 $0x2  }
0x5c: {  	_ =	swait.ge @!p0 [sflag:s1], $0x1000  }
0x5d: {  	[sflag:s1] =	ssyncset.done @!p0 $0x0  }
0x5e: {  	s9 =	simm.s32 @!p0 $0x6000;
	[sflag:s1] =	ssyncadd.s32 @!p0 $0xFFFFF000;
	s1 =	sadd.s32 @!p0 $0x2880, s25  }
0x5f: {  	[spmem:s2] =	stream.indirect.scatter.add.f32 @!p0 [tilespmem:s9], [sflag:$0x9], $0x20, s1, s26, $0xb8;
	[tilespmem:$0x16E00] =	vst v63  }
0x60: {  	s1 =	simm.s32 @!p0 $0x9  }
0x61: {  	_ =	swait.ge @!p0 [sflag:s1], $0x1000  }
0x62: {  	[sflag:s1] =	ssyncset.done @!p0 $0x0  }
0x63: {  	s4 =	sadd.s32 @!p0 $0x480, s25;
	[sflag:s1] =	ssyncadd.s32 @!p0 $0xFFFFF000  }
0x64: {  	[tilespmem:s9], [sflag:$0x2] =	stream.indirect.gather @!p0 [hbm4b:s5+s26], $0x20, s4, s26, $0xb8;
	[tilespmem:$0x16E00] =	vst v63  }
0x65: {  	_ =	swait.ge [sflag:s12], $0x1000  }
0x66: {  	[sflag:s12] =	ssyncset.done $0x0  }
0x67: {  	s9 =	sadd.s32 $0x2900, s23;
	[sflag:s12] =	ssyncadd.s32 $0xFFFFF000  }
0x68: {  	[spmem:s2] =	stream.indirect.scatter.add.f32 [tilespmem:s24], [sflag:$0x9], $0x20, s9, s20, $0xb8;
	[tilespmem:$0x16E00] =	vst v63  }
0x69: {  	_ =	swait.ge [sflag:s17], $0x1000  }
0x6a: {  	[sflag:s17] =	ssyncset.done $0x0  }
0x6b: {  	s4 =	simm.s32 @p0 $0x4;
	[sflag:s17] =	ssyncadd.s32 $0xFFFFF000  }
0x6c: {  	_ =	swait.ge @p0 [sflag:s4], $0x1000  }
0x6d: {  	[sflag:s4] =	ssyncset.done @p0 $0x0  }
0x6e: {  	s9 =	simm.s32 @p0 $0x8000;
	[sflag:s4] =	ssyncadd.s32 @p0 $0xFFFFF000;
	s4 =	sadd.s32 @p0 $0x2980, s28  }
0x6f: {  	[spmem:s2] =	stream.indirect.scatter.add.f32 @p0 [tilespmem:s9], [sflag:$0x9], $0x20, s4, s30, $0xb8;
	[tilespmem:$0x16E00] =	vst v63  }
0x70: {  	_ =	swait.ge @p0 [sflag:s31], $0x1000  }
0x71: {  	[sflag:s31] =	ssyncset.done @p0 $0x0  }
0x72: {  	s4 =	sadd.s32 @!p0 $0x500, s25;
	s9 =	simm.s32 @!p0 $0x7000;
	[sflag:s31] =	ssyncadd.s32 @p0 $0xFFFFF000  }
0x73: {  	[tilespmem:s9], [sflag:$0x3] =	stream.indirect.gather @!p0 [hbm4b:s5+s26], $0x20, s4, s26, $0xb8;
	[tilespmem:$0x16E00] =	vst v63  }
0x74: {  	s4 =	simm.s32 @!p0 $0x4  }
0x75: {  	_ =	swait.ge @!p0 [sflag:s4], $0x1000  }
0x76: {  	[sflag:s4] =	ssyncset.done @!p0 $0x0  }
0x77: {  	s9 =	simm.s32 @!p0 $0x8000;
	[sflag:s4] =	ssyncadd.s32 @!p0 $0xFFFFF000;
	s4 =	sadd.s32 @!p0 $0x2980, s25  }
0x78: {  	[spmem:s2] =	stream.indirect.scatter.add.f32 @!p0 [tilespmem:s9], [sflag:$0x9], $0x20, s4, s26, $0xb8;
	[tilespmem:$0x16E00] =	vst v63  }
0x79: {  	_ =	swait.ge @!p0 [sflag:s1], $0x1000  }
0x7a: {  	[sflag:s1] =	ssyncset.done @!p0 $0x0  }
0x7b: {  	s4 =	sadd.s32 @!p0 $0x580, s25;
	[sflag:s1] =	ssyncadd.s32 @!p0 $0xFFFFF000  }
0x7c: {  	[tilespmem:s9], [sflag:$0x4] =	stream.indirect.gather @!p0 [hbm4b:s5+s26], $0x20, s4, s26, $0xb8;
	[tilespmem:$0x16E00] =	vst v63  }
0x7d: {  	_ =	swait.ge [sflag:s13], $0x1000  }
0x7e: {  	[sflag:s13] =	ssyncset.done $0x0  }
0x7f: {  	s9 =	sadd.s32 $0x2A00, s23;
	[sflag:s13] =	ssyncadd.s32 $0xFFFFF000  }
0x80: {  	[spmem:s2] =	stream.indirect.scatter.add.f32 [tilespmem:s29], [sflag:$0x9], $0x20, s9, s20, $0xb8;
	[tilespmem:$0x16E00] =	vst v63  }
0x81: {  	_ =	swait.ge [sflag:s17], $0x1000  }
0x82: {  	[sflag:s17] =	ssyncset.done $0x0  }
0x83: {  	s4 =	simm.s32 @p0 $0x6;
	[sflag:s17] =	ssyncadd.s32 $0xFFFFF000  }
0x84: {  	_ =	swait.ge @p0 [sflag:s4], $0x1000  }
0x85: {  	[sflag:s4] =	ssyncset.done @p0 $0x0  }
0x86: {  	s9 =	simm.s32 @p0 $0xA000;
	[sflag:s4] =	ssyncadd.s32 @p0 $0xFFFFF000;
	s4 =	sadd.s32 @p0 $0x2A80, s28  }
0x87: {  	[spmem:s2] =	stream.indirect.scatter.add.f32 @p0 [tilespmem:s9], [sflag:$0x9], $0x20, s4, s30, $0xb8;
	[tilespmem:$0x16E00] =	vst v63  }
0x88: {  	_ =	swait.ge @p0 [sflag:s31], $0x1000  }
0x89: {  	[sflag:s31] =	ssyncset.done @p0 $0x0  }
0x8a: {  	s4 =	sadd.s32 @!p0 $0x600, s25;
	s9 =	simm.s32 @!p0 $0x9000;
	[sflag:s31] =	ssyncadd.s32 @p0 $0xFFFFF000  }
0x8b: {  	[tilespmem:s9], [sflag:$0x5] =	stream.indirect.gather @!p0 [hbm4b:s5+s26], $0x20, s4, s26, $0xb8;
	[tilespmem:$0x16E00] =	vst v63  }
0x8c: {  	s4 =	simm.s32 @!p0 $0x6  }
0x8d: {  	_ =	swait.ge @!p0 [sflag:s4], $0x1000  }
0x8e: {  	[sflag:s4] =	ssyncset.done @!p0 $0x0  }
0x8f: {  	s9 =	simm.s32 @!p0 $0xA000;
	[sflag:s4] =	ssyncadd.s32 @!p0 $0xFFFFF000;
	s4 =	sadd.s32 @!p0 $0x2A80, s25  }
0x90: {  	[spmem:s2] =	stream.indirect.scatter.add.f32 @!p0 [tilespmem:s9], [sflag:$0x9], $0x20, s4, s26, $0xb8;
	[tilespmem:$0x16E00] =	vst v63  }
0x91: {  	_ =	swait.ge @!p0 [sflag:s1], $0x1000  }
0x92: {  	[sflag:s1] =	ssyncset.done @!p0 $0x0  }
0x93: {  	[sflag:s1] =	ssyncadd.s32 @!p0 $0xFFFFF000;
	s1 =	sadd.s32 @!p0 $0x680, s25  }
0x94: {  	[tilespmem:s9], [sflag:$0x6] =	stream.indirect.gather @!p0 [hbm4b:s5+s26], $0x20, s1, s26, $0xb8;
	[tilespmem:$0x16E00] =	vst v63  }
0x95: {  	_ =	swait.ge [sflag:s19], $0x1000  }
0x96: {  	[sflag:s19] =	ssyncset.done $0x0  }
.Ltmp2:
0x97: {  	s31 =	sadd.s32 $0x2B00, s23;
	[sflag:s19] =	ssyncadd.s32 $0xFFFFF000;
	(pc) =	sbr.rel @p0 .LBB2_4-.Ltmp2, $4  }
0x98: {  	[spmem:s2] =	stream.indirect.scatter.add.f32 [tilespmem:s0], [sflag:$0x9], $0x20, s31, s20, $0xb8;
	[tilespmem:$0x16E00] =	vst v63  }
0x99: {  	_ =	swait.ge [sflag:s17], $0x1000  }
0x9a: {  	[sflag:s17] =	ssyncset.done $0x0  }
0x9b: {  	s1 =	sadd.s32 $0x2B80, s23;
	[sflag:s17] =	ssyncadd.s32 $0xFFFFF000  }
0x9c: {  	s4 =	sadd.s32 $0x700, s23  }
0x9d: {  	[tilespmem:s0], [sflag:$0x7] =	stream.indirect.gather [hbm4b:s5+s20], $0x20, s4, s20, $0xb8;
	[tilespmem:$0x16E00] =	vst v63  }
0x9e: {  	_ =	swait.ge [sflag:s14], $0x1000  }
0x9f: {  	[sflag:s14] =	ssyncset.done $0x0  }
0xa0: {  	[sflag:s14] =	ssyncadd.s32 $0xFFFFF000  }
0xa1: {  	[spmem:s2] =	stream.indirect.scatter.add.f32 [tilespmem:s10], [sflag:$0x9], $0x20, s1, s20, $0xb8;
	[tilespmem:$0x16E00] =	vst v63  }
.Ltmp3:
0xa2: {  	_ = 	snop;
	(pc) =	sbr.rel .LBB2_2-.Ltmp3, $4  }
0xa3: {  	_ =	swait.ge [sflag:s17], $0x1000  }
0xa4: {  	[sflag:s17] =	ssyncset.done $0x0  }
0xa5: {  	s31 =	sadd.s32 $0x780, s23;
	s22 =	sadd.s32 $0x1000, s22;
	[sflag:s17] =	ssyncadd.s32 $0xFFFFF000  }
0xa6: {  	[tilespmem:s10], [sflag:$0x8] =	stream.indirect.gather [hbm4b:s5+s20], $0x20, s31, s20, $0xb8;
	[tilespmem:$0x16E00] =	vst v63  }
.LBB2_4:
0xa7: {  	_ =	swait.ge [sflag:s14], $0x1000  }
0xa8: {  	[sflag:s14] =	ssyncset.done $0x0  }
0xa9: {  	[sflag:s14] =	ssyncadd.s32 $0xFFFFF000  }
0xaa: {  	[spmem:s2] =	stream.indirect.scatter.add.f32 [tilespmem:s10], [sflag:$0x9], $0x20, s1, s20, $0xb8;
	[tilespmem:$0x16E00] =	vst v63  }
0xab: {  	_ =	swait.ge [sflag:s17], $0x1000  }
0xac: {  	[sflag:s17] =	ssyncset.done $0x0  }
0xad: {  	s22 =	simm.s32 $0x0;
	s28 =	rddreg [dreg:$0x6];
	[sflag:s17] =	ssyncadd.s32 $0xFFFFF000  }
0xae: {  	[tilespmem:s22], [sflag:$0x9] =	stream.linear.gather [hbm4b:s28+s22], $0x2800, $0x38;
	[tilespmem:$0x16E00] =	vst v63  }
0xaf: {  	_ =	swait.ge [sflag:s17], $0x2800  }
0xb0: {  	[sflag:s17] =	ssyncset.done $0x0  }
0xb1: {  	s4 =	simm.s32 $0x2800;
	s30 =	rddreg [dreg:$0x7];
	[sflag:s17] =	ssyncadd.s32 $0xFFFFD800  }
0xb2: {  	[tilespmem:s4], [sflag:$0x9] =	stream.linear.gather [hbm4b:s30+s22], $0x2800, $0x38;
	[tilespmem:$0x16E00] =	vst v63  }
0xb3: {  	_ =	swait.ge [sflag:s17], $0x2800  }
0xb4: {  	[sflag:s17] =	ssyncset.done $0x0  }
0xb5: {  	[sflag:s17] =	ssyncadd.s32 $0xFFFFD800  }
0xb6: {  	[tilespmem:s21], [sflag:$0x1] =	stream.indirect.gather [hbm4b:s6+s20], $0x20, s22, s20, $0xb8;
	[tilespmem:$0x16E00] =	vst v63  }
0xb7: {  	s31 =	simm.s32 $0x6000  }
0xb8: {  	[tilespmem:s31], [sflag:$0x2] =	stream.indirect.gather [hbm4b:s6+s20], $0x20, s20, s20, $0xb8;
	[tilespmem:$0x16E00] =	vst v63  }
0xb9: {  	s4 =	simm.s32 $0x100  }
0xba: {  	[tilespmem:s24], [sflag:$0x3] =	stream.indirect.gather [hbm4b:s6+s20], $0x20, s4, s20, $0xb8;
	[tilespmem:$0x16E00] =	vst v63  }
0xbb: {  	s9 =	simm.s32 $0x180;
	s23 =	simm.s32 $0x8000  }
0xbc: {  	[tilespmem:s23], [sflag:$0x4] =	stream.indirect.gather [hbm4b:s6+s20], $0x20, s9, s20, $0xb8;
	[tilespmem:$0x16E00] =	vst v63  }
0xbd: {  	s25 =	simm.s32 $0x200  }
0xbe: {  	[tilespmem:s29], [sflag:$0x5] =	stream.indirect.gather [hbm4b:s6+s20], $0x20, s25, s20, $0xb8;
	[tilespmem:$0x16E00] =	vst v63  }
0xbf: {  	s26 =	simm.s32 $0x280;
	s28 =	simm.s32 $0xA000  }
0xc0: {  	[tilespmem:s28], [sflag:$0x6] =	stream.indirect.gather [hbm4b:s6+s20], $0x20, s26, s20, $0xb8;
	[tilespmem:$0x16E00] =	vst v63  }
0xc1: {  	s30 =	simm.s32 $0x300  }
0xc2: {  	[tilespmem:s0], [sflag:$0x7] =	stream.indirect.gather [hbm4b:s6+s20], $0x20, s30, s20, $0xb8;
	[tilespmem:$0x16E00] =	vst v63  }
0xc3: {  	s31 =	simm.s32 $0x380  }
0xc4: {  	[tilespmem:s10], [sflag:$0x8] =	stream.indirect.gather [hbm4b:s6+s20], $0x20, s31, s20, $0xb8;
	[tilespmem:$0x16E00] =	vst v63  }
.LBB2_5:
0xc5: {  	_ =	swait.ge [sflag:s11], $0x1000  }
0xc6: {  	s23 =	sshra.s32 s22, $0x2;
	[sflag:s11] =	ssyncset.done $0x0  }
0xc7: {  	s1 =	sadd.s32 $0x2800, s23;
	[sflag:s11] =	ssyncadd.s32 $0xFFFFF000  }
0xc8: {  	[spmem:s3] =	stream.indirect.scatter.add.f32 [tilespmem:s21], [sflag:$0x9], $0x20, s1, s20, $0xb8;
	[tilespmem:$0x16E00] =	vst v63  }
0xc9: {  	_ =	swait.ge [sflag:s17], $0x1000  }
0xca: {  	p0 =	seq.s32 s22, $0x9000;
	[sflag:s17] =	ssyncset.done $0x0  }
0xcb: {  	s1 =	simm.s32 @p0 $0x2;
	[sflag:s17] =	ssyncadd.s32 $0xFFFFF000  }
0xcc: {  	s28 =	sshra.s32 @p0 s22, $0x2;
	_ =	swait.ge @p0 [sflag:s1], $0x1000  }
0xcd: {  	s30 =	simm.s32 @p0 $0x80;
	s4 =	simm.s32 @p0 $0x6000;
	[sflag:s1] =	ssyncset.done @p0 $0x0  }
0xce: {  	s31 =	simm.s32 @p0 $0x9;
	[sflag:s1] =	ssyncadd.s32 @p0 $0xFFFFF000;
	s1 =	sadd.s32 @p0 $0x2880, s28  }
0xcf: {  	[spmem:s3] =	stream.indirect.scatter.add.f32 @p0 [tilespmem:s4], [sflag:$0x9], $0x20, s1, s30, $0xb8;
	[tilespmem:$0x16E00] =	vst v63  }
0xd0: {  	_ =	swait.ge @p0 [sflag:s31], $0x1000  }
0xd1: {  	s25 =	sshra.s32 @!p0 s22, $0x2;
	s26 =	simm.s32 @!p0 $0x80;
	[sflag:s31] =	ssyncset.done @p0 $0x0  }
0xd2: {  	s1 =	sadd.s32 @!p0 $0x400, s25;
	s4 =	simm.s32 @!p0 $0x5000;
	[sflag:s31] =	ssyncadd.s32 @p0 $0xFFFFF000  }
0xd3: {  	[tilespmem:s4], [sflag:$0x1] =	stream.indirect.gather @!p0 [hbm4b:s6+s26], $0x20, s1, s26, $0xb8;
	[tilespmem:$0x16E00] =	vst v63  }
0xd4: {  	s1 =	simm.s32 @!p0 $0x2  }
0xd5: {  	_ =	swait.ge @!p0 [sflag:s1], $0x1000  }
0xd6: {  	[sflag:s1] =	ssyncset.done @!p0 $0x0  }
0xd7: {  	s4 =	simm.s32 @!p0 $0x6000;
	[sflag:s1] =	ssyncadd.s32 @!p0 $0xFFFFF000;
	s1 =	sadd.s32 @!p0 $0x2880, s25  }
0xd8: {  	[spmem:s3] =	stream.indirect.scatter.add.f32 @!p0 [tilespmem:s4], [sflag:$0x9], $0x20, s1, s26, $0xb8;
	[tilespmem:$0x16E00] =	vst v63  }
0xd9: {  	s1 =	simm.s32 @!p0 $0x9  }
0xda: {  	_ =	swait.ge @!p0 [sflag:s1], $0x1000  }
0xdb: {  	[sflag:s1] =	ssyncset.done @!p0 $0x0  }
0xdc: {  	s9 =	sadd.s32 @!p0 $0x480, s25;
	[sflag:s1] =	ssyncadd.s32 @!p0 $0xFFFFF000  }
0xdd: {  	[tilespmem:s4], [sflag:$0x2] =	stream.indirect.gather @!p0 [hbm4b:s6+s26], $0x20, s9, s26, $0xb8;
	[tilespmem:$0x16E00] =	vst v63  }
0xde: {  	_ =	swait.ge [sflag:s12], $0x1000  }
0xdf: {  	[sflag:s12] =	ssyncset.done $0x0  }
0xe0: {  	s9 =	sadd.s32 $0x2900, s23;
	[sflag:s12] =	ssyncadd.s32 $0xFFFFF000  }
0xe1: {  	[spmem:s3] =	stream.indirect.scatter.add.f32 [tilespmem:s24], [sflag:$0x9], $0x20, s9, s20, $0xb8;
	[tilespmem:$0x16E00] =	vst v63  }
0xe2: {  	_ =	swait.ge [sflag:s17], $0x1000  }
0xe3: {  	[sflag:s17] =	ssyncset.done $0x0  }
0xe4: {  	s4 =	simm.s32 @p0 $0x4;
	[sflag:s17] =	ssyncadd.s32 $0xFFFFF000  }
0xe5: {  	_ =	swait.ge @p0 [sflag:s4], $0x1000  }
0xe6: {  	[sflag:s4] =	ssyncset.done @p0 $0x0  }
0xe7: {  	s9 =	simm.s32 @p0 $0x8000;
	[sflag:s4] =	ssyncadd.s32 @p0 $0xFFFFF000;
	s4 =	sadd.s32 @p0 $0x2980, s28  }
0xe8: {  	[spmem:s3] =	stream.indirect.scatter.add.f32 @p0 [tilespmem:s9], [sflag:$0x9], $0x20, s4, s30, $0xb8;
	[tilespmem:$0x16E00] =	vst v63  }
0xe9: {  	_ =	swait.ge @p0 [sflag:s31], $0x1000  }
0xea: {  	[sflag:s31] =	ssyncset.done @p0 $0x0  }
0xeb: {  	s4 =	sadd.s32 @!p0 $0x500, s25;
	s9 =	simm.s32 @!p0 $0x7000;
	[sflag:s31] =	ssyncadd.s32 @p0 $0xFFFFF000  }
0xec: {  	[tilespmem:s9], [sflag:$0x3] =	stream.indirect.gather @!p0 [hbm4b:s6+s26], $0x20, s4, s26, $0xb8;
	[tilespmem:$0x16E00] =	vst v63  }
0xed: {  	s4 =	simm.s32 @!p0 $0x4  }
0xee: {  	_ =	swait.ge @!p0 [sflag:s4], $0x1000  }
0xef: {  	[sflag:s4] =	ssyncset.done @!p0 $0x0  }
0xf0: {  	s9 =	simm.s32 @!p0 $0x8000;
	[sflag:s4] =	ssyncadd.s32 @!p0 $0xFFFFF000;
	s4 =	sadd.s32 @!p0 $0x2980, s25  }
0xf1: {  	[spmem:s3] =	stream.indirect.scatter.add.f32 @!p0 [tilespmem:s9], [sflag:$0x9], $0x20, s4, s26, $0xb8;
	[tilespmem:$0x16E00] =	vst v63  }
0xf2: {  	_ =	swait.ge @!p0 [sflag:s1], $0x1000  }
0xf3: {  	[sflag:s1] =	ssyncset.done @!p0 $0x0  }
0xf4: {  	s4 =	sadd.s32 @!p0 $0x580, s25;
	[sflag:s1] =	ssyncadd.s32 @!p0 $0xFFFFF000  }
0xf5: {  	[tilespmem:s9], [sflag:$0x4] =	stream.indirect.gather @!p0 [hbm4b:s6+s26], $0x20, s4, s26, $0xb8;
	[tilespmem:$0x16E00] =	vst v63  }
0xf6: {  	_ =	swait.ge [sflag:s13], $0x1000  }
0xf7: {  	[sflag:s13] =	ssyncset.done $0x0  }
0xf8: {  	s9 =	sadd.s32 $0x2A00, s23;
	[sflag:s13] =	ssyncadd.s32 $0xFFFFF000  }
0xf9: {  	[spmem:s3] =	stream.indirect.scatter.add.f32 [tilespmem:s29], [sflag:$0x9], $0x20, s9, s20, $0xb8;
	[tilespmem:$0x16E00] =	vst v63  }
0xfa: {  	_ =	swait.ge [sflag:s17], $0x1000  }
0xfb: {  	[sflag:s17] =	ssyncset.done $0x0  }
0xfc: {  	s4 =	simm.s32 @p0 $0x6;
	[sflag:s17] =	ssyncadd.s32 $0xFFFFF000  }
0xfd: {  	_ =	swait.ge @p0 [sflag:s4], $0x1000  }
0xfe: {  	[sflag:s4] =	ssyncset.done @p0 $0x0  }
0xff: {  	s9 =	simm.s32 @p0 $0xA000;
	[sflag:s4] =	ssyncadd.s32 @p0 $0xFFFFF000;
	s4 =	sadd.s32 @p0 $0x2A80, s28  }
0x100: {  	[spmem:s3] =	stream.indirect.scatter.add.f32 @p0 [tilespmem:s9], [sflag:$0x9], $0x20, s4, s30, $0xb8;
	[tilespmem:$0x16E00] =	vst v63  }
0x101: {  	_ =	swait.ge @p0 [sflag:s31], $0x1000  }
0x102: {  	[sflag:s31] =	ssyncset.done @p0 $0x0  }
0x103: {  	s4 =	sadd.s32 @!p0 $0x600, s25;
	s9 =	simm.s32 @!p0 $0x9000;
	[sflag:s31] =	ssyncadd.s32 @p0 $0xFFFFF000  }
0x104: {  	[tilespmem:s9], [sflag:$0x5] =	stream.indirect.gather @!p0 [hbm4b:s6+s26], $0x20, s4, s26, $0xb8;
	[tilespmem:$0x16E00] =	vst v63  }
0x105: {  	s4 =	simm.s32 @!p0 $0x6  }
0x106: {  	_ =	swait.ge @!p0 [sflag:s4], $0x1000  }
0x107: {  	[sflag:s4] =	ssyncset.done @!p0 $0x0  }
0x108: {  	s9 =	simm.s32 @!p0 $0xA000;
	[sflag:s4] =	ssyncadd.s32 @!p0 $0xFFFFF000;
	s4 =	sadd.s32 @!p0 $0x2A80, s25  }
0x109: {  	[spmem:s3] =	stream.indirect.scatter.add.f32 @!p0 [tilespmem:s9], [sflag:$0x9], $0x20, s4, s26, $0xb8;
	[tilespmem:$0x16E00] =	vst v63  }
0x10a: {  	_ =	swait.ge @!p0 [sflag:s1], $0x1000  }
0x10b: {  	[sflag:s1] =	ssyncset.done @!p0 $0x0  }
0x10c: {  	[sflag:s1] =	ssyncadd.s32 @!p0 $0xFFFFF000;
	s1 =	sadd.s32 @!p0 $0x680, s25  }
0x10d: {  	[tilespmem:s9], [sflag:$0x6] =	stream.indirect.gather @!p0 [hbm4b:s6+s26], $0x20, s1, s26, $0xb8;
	[tilespmem:$0x16E00] =	vst v63  }
0x10e: {  	_ =	swait.ge [sflag:s19], $0x1000  }
0x10f: {  	[sflag:s19] =	ssyncset.done $0x0  }
.Ltmp4:
0x110: {  	s31 =	sadd.s32 $0x2B00, s23;
	[sflag:s19] =	ssyncadd.s32 $0xFFFFF000;
	(pc) =	sbr.rel @p0 .LBB2_7-.Ltmp4, $4  }
0x111: {  	[spmem:s3] =	stream.indirect.scatter.add.f32 [tilespmem:s0], [sflag:$0x9], $0x20, s31, s20, $0xb8;
	[tilespmem:$0x16E00] =	vst v63  }
0x112: {  	_ =	swait.ge [sflag:s17], $0x1000  }
0x113: {  	[sflag:s17] =	ssyncset.done $0x0  }
0x114: {  	s1 =	sadd.s32 $0x2B80, s23;
	[sflag:s17] =	ssyncadd.s32 $0xFFFFF000  }
0x115: {  	s4 =	sadd.s32 $0x700, s23  }
0x116: {  	[tilespmem:s0], [sflag:$0x7] =	stream.indirect.gather [hbm4b:s6+s20], $0x20, s4, s20, $0xb8;
	[tilespmem:$0x16E00] =	vst v63  }
0x117: {  	_ =	swait.ge [sflag:s14], $0x1000  }
0x118: {  	[sflag:s14] =	ssyncset.done $0x0  }
0x119: {  	[sflag:s14] =	ssyncadd.s32 $0xFFFFF000  }
0x11a: {  	[spmem:s3] =	stream.indirect.scatter.add.f32 [tilespmem:s10], [sflag:$0x9], $0x20, s1, s20, $0xb8;
	[tilespmem:$0x16E00] =	vst v63  }
.Ltmp5:
0x11b: {  	_ = 	snop;
	(pc) =	sbr.rel .LBB2_5-.Ltmp5, $4  }
0x11c: {  	_ =	swait.ge [sflag:s17], $0x1000  }
0x11d: {  	[sflag:s17] =	ssyncset.done $0x0  }
0x11e: {  	s31 =	sadd.s32 $0x780, s23;
	s22 =	sadd.s32 $0x1000, s22;
	[sflag:s17] =	ssyncadd.s32 $0xFFFFF000  }
0x11f: {  	[tilespmem:s10], [sflag:$0x8] =	stream.indirect.gather [hbm4b:s6+s20], $0x20, s31, s20, $0xb8;
	[tilespmem:$0x16E00] =	vst v63  }
.LBB2_8:
0x120: {  	_ =	sfence.sel $0x180000  }
0x121: {  	[bflag:$0x0] =	sbarrier.arrive $0xFFFF  }
0x122: {  	_ =	strace $0x9000004A  }
0x123: {  	s0 =	stileid.u32;
	[bflag:$0x2] =	sbarrier.arrive $0xFFFF  }
0x124: {  	p0 =	sne.s32 s0, $0x0;
	s0 =	rddreg [dreg:$0x3]  }
0x125: {  	s0 =	sadd.s32 @!p0 $0x100000, s0  }
0x126: {  	[sflag:s0] =	ssyncadd.tile.s32 @!p0 $0x1;
	_ =	shalt  }
.Lfunc_end2:
_tile_overlayer_lowered:
.L_overlay_start_2:
0x127: {  	(tag) =	ssettag $0x2  }
0x128: {  	s0 =	rddreg [dreg:$0x0];
	s2 =	stileid.u32  }
0x129: {  	s1 =	rddreg [dreg:$0x1];
	p0 =	sne.s32 s2, $0x0  }
0x12a: {  	s3 =	rddreg [dreg:$0x2];
	[bflag:$0x3] =	sbarrier.arrive $0xFFFF;
	s2 =	simm.s32 @!p0 $0x1C09  }
0x12b: {  	[timem:s3], [sflag:s2] =	dma.local @!p0 [hbm:s0], s1  }
0x12c: {  	s0 =	simm.s32 @!p0 $0x9  }
0x12d: {  	_ =	swait.ge @!p0 [sflag:s0], s1  }
0x12e: {  	s1 =	ssub.s32 @!p0 $0x0, s1;
	[sflag:s0] =	ssyncset.done @!p0 $0x0  }
0x12f: {  	[sflag:s0] =	ssyncadd.s32 @!p0 s1  }
0x130: {  	[bflag:$0x3] =	sbarrier.arrive $0xFFFF  }
0x131: {  	_ =	shalt  }

// kernel: kernel.15.cloned.1.call-start
scs
__scs_entry_jumppad:
0x0: {  	(pc) =	sbr.rel $0x88, $3  }
0x1: {  	(tag) =	ssettag $0x0;
	lr =	simm.s32 $0x1  }
0x2: {  	[smem:$0x3F7B] =	sst lr;
	_ =	strace $0xD0000000  }
0x3: {  	_ = 	snop  }
0x4: {  	_ = 	snop  }
0x5: {  	_ = 	snop  }
0x6: {  	_ = 	snop  }
0x7: {  	_ = 	snop  }
__scs_overlays_trampoline_lowered:
0x8: {  	[smem:$0x3F8A] =	sst s0  }
0x9: {  	[smem:$0x3F8B] =	sst s1  }
0xa: {  	[smem:$0x3F8C] =	sst s2  }
0xb: {  	[smem:$0x3F8D] =	sst s3  }
0xc: {  	[smem:$0x3F8E] =	sst s4  }
0xd: {  	[smem:$0x3F8F] =	sst s5  }
0xe: {  	[smem:$0x3F90] =	sst s6  }
0xf: {  	[smem:$0x3F91] =	sst s7  }
0x10: {  	[smem:$0x3F92] =	sst s8  }
0x11: {  	[smem:$0x3F93] =	sst s9;
	s0 =	simm.s32 @!p0 $0x0  }
0x12: {  	s1 =	sld [smem:$0x3F79];
	s0 =	simm.s32 @p0 $0x1  }
0x13: {  	[smem:$0x3F94] =	sst s0;
	s0 =	simm.s32 @!p1 $0x0  }
0x14: {  	s2 =	sld [smem:$0x3F78];
	s0 =	simm.s32 @p1 $0x1  }
0x15: {  	[smem:$0x3F95] =	sst s0;
	s0 =	simm.s32 @!p2 $0x0  }
0x16: {  	s3 =	sld [smem:$0x3FDB];
	s0 =	simm.s32 @p2 $0x1  }
0x17: {  	s4 =	simm.s32 $0x1BF5;
	[smem:$0x3F97] =	sst s0  }
0x18: {  	s0 =	sld [smem:$0x3F7A];
	_ =	swait.ge [sflag:s4], $0x0  }
0x19: {  	s7 =	sld [smem:$0x3F7B]  }
0x1a: {  	s8 =	sadd.s32 $0xFFFFE003, lr  }
0x1b: {  	s9 =	sadd.s32 $0xFFFFFEF7, lr;
	s5 =	simm.s32 $0xFFFFFFFF;
	p2 =	slt.u32 s8, $0xFFFFF086  }
0x1c: {  	p1 =	slt.u32 s9, $0xF7A;
	s5 =	simm.s32 @!p2 $0x0  }
0x1d: {  	s5 =	simm.s32 @p1 $0x1;
	p0 =	seq.s32 s7, s2  }
0x1e: {  	s7 =	smul.u32 @!p0 $0xF7A, s2;
	p2 =	seq.s32 @!p0 s5, $0x0  }
0x1f: {  	s9 =	smul.u32 $0xF7A, s1;
	s8 =	simm.s32 @!p0 $0x1BF5;
	p2 =	por !p2, p0  }
0x20: {  	[sflag:s8] =	ssyncset.s32 @!p0 $0xFFFFF086;
	s6 =	sadd.s32 @!p0 s3, s7;
	s7 =	simm.s32 @!p0 $0x108  }
0x21: {  	s3 =	sadd.s32 s3, s9;
	s6 =	sadd.s32 @!p0 $0x88, s6;
	s7 =	simm.s32 @p2 $0x1082  }
0x22: {  	[simem:s7], [sflag:s8] =	dma.local @!p0 [hbm:s6], $0xF7A  }
0x23: {  	s9 =	sor.u32 $0xD0000000, s2;
	s6 =	simm.s32 $0x108;
	_ =	swait.ge @!p0 [sflag:s8], $0x0  }
0x24: {  	s3 =	sadd.s32 $0x88, s3;
	s6 =	simm.s32 @!p1 $0x1082;
	[sflag:s4] =	ssyncset.s32 $0xFFFFF086  }
0x25: {  	[simem:s6], [sflag:s4] =	dma.local [hbm:s3], $0xF7A  }
0x26: {  	[smem:$0x3F7B] =	sst s1;
	(tag) =	ssettag s2;
	_ =	strace s9  }
0x27: {  	s1 =	sld [smem:$0x3F8B]  }
0x28: {  	s2 =	sld [smem:$0x3F8C]  }
0x29: {  	s4 =	sld [smem:$0x3F8E]  }
0x2a: {  	p0 =	seq.s32 s5, $0x0;
	s5 =	sld [smem:$0x3F8F]  }
0x2b: {  	s6 =	sld [smem:$0x3F90]  }
0x2c: {  	s7 =	sld [smem:$0x3F91]  }
0x2d: {  	s3 =	simm.s32 $0x108;
	s8 =	sld [smem:$0x3F92]  }
0x2e: {  	s3 =	simm.s32 @!p0 $0x1082;
	s9 =	sld [smem:$0x3F93]  }
0x2f: {  	lr =	sadd.s32 s0, s3;
	s0 =	sld [smem:$0x3F8A]  }
0x30: {  	s3 =	sld [smem:$0x3F8D]  }
0x31: {  	[smem:$0x3F96] =	sst s10  }
0x32: {  	s10 =	sld [smem:$0x3F94];
	_ =	sdelay $0x3  }
0x33: {  	p0 =	seq.s32 s10, $0x1;
	s10 =	sld [smem:$0x3F96];
	_ =	sdelay $0x3  }
0x34: {  	[smem:$0x3F96] =	sst s10  }
0x35: {  	s10 =	sld [smem:$0x3F95];
	_ =	sdelay $0x3  }
0x36: {  	p1 =	seq.s32 s10, $0x1;
	s10 =	sld [smem:$0x3F96];
	_ =	sdelay $0x3  }
0x37: {  	[smem:$0x3F96] =	sst s10  }
0x38: {  	s10 =	sld [smem:$0x3F97]  }
0x39: {  	_ = 	snop;
	(pc) =	sbr.ind lr, $3  }
0x3a: {  	_ = 	snop  }
0x3b: {  	_ = 	snop  }
0x3c: {  	p2 =	seq.s32 s10, $0x1;
	s10 =	sld [smem:$0x3F96]  }
0x3d: {  	_ =	shalt  }
0x3e: {  	_ =	shalt  }
0x3f: {  	_ =	shalt  }
0x40: {  	_ =	shalt  }
0x41: {  	_ =	shalt  }
0x42: {  	_ =	shalt  }
0x43: {  	_ =	shalt  }
0x44: {  	_ =	shalt  }
0x45: {  	_ =	shalt  }
0x46: {  	_ =	shalt  }
0x47: {  	_ =	shalt  }
0x48: {  	_ =	shalt  }
0x49: {  	_ =	shalt  }
0x4a: {  	_ =	shalt  }
0x4b: {  	_ =	shalt  }
0x4c: {  	_ =	shalt  }
0x4d: {  	_ =	shalt  }
0x4e: {  	_ =	shalt  }
0x4f: {  	_ =	shalt  }
0x50: {  	_ =	shalt  }
0x51: {  	_ =	shalt  }
0x52: {  	_ =	shalt  }
0x53: {  	_ =	shalt  }
0x54: {  	_ =	shalt  }
0x55: {  	_ =	shalt  }
0x56: {  	_ =	shalt  }
0x57: {  	_ =	shalt  }
0x58: {  	_ =	shalt  }
0x59: {  	_ =	shalt  }
0x5a: {  	_ =	shalt  }
0x5b: {  	_ =	shalt  }
0x5c: {  	_ =	shalt  }
0x5d: {  	_ =	shalt  }
0x5e: {  	_ =	shalt  }
0x5f: {  	_ =	shalt  }
0x60: {  	_ =	shalt  }
0x61: {  	_ =	shalt  }
0x62: {  	_ =	shalt  }
0x63: {  	_ =	shalt  }
0x64: {  	_ =	shalt  }
0x65: {  	_ =	shalt  }
0x66: {  	_ =	shalt  }
0x67: {  	_ =	shalt  }
0x68: {  	_ =	shalt  }
0x69: {  	_ =	shalt  }
0x6a: {  	_ =	shalt  }
0x6b: {  	_ =	shalt  }
0x6c: {  	_ =	shalt  }
0x6d: {  	_ =	shalt  }
0x6e: {  	_ =	shalt  }
0x6f: {  	_ =	shalt  }
0x70: {  	_ =	shalt  }
0x71: {  	_ =	shalt  }
0x72: {  	_ =	shalt  }
0x73: {  	_ =	shalt  }
0x74: {  	_ =	shalt  }
0x75: {  	_ =	shalt  }
0x76: {  	_ =	shalt  }
0x77: {  	_ =	shalt  }
0x78: {  	_ =	shalt  }
0x79: {  	_ =	shalt  }
0x7a: {  	_ =	shalt  }
0x7b: {  	_ =	shalt  }
0x7c: {  	_ =	shalt  }
0x7d: {  	_ =	shalt  }
0x7e: {  	_ =	shalt  }
0x7f: {  	_ =	shalt  }
0x80: {  	_ =	shalt  }
0x81: {  	_ =	shalt  }
0x82: {  	_ =	shalt  }
0x83: {  	_ =	shalt  }
0x84: {  	_ =	shalt  }
0x85: {  	_ =	shalt  }
0x86: {  	_ =	shalt  }
0x87: {  	_ =	shalt  }
.Lfunc_end0:
.L_simem_size_0:
called_computation.2_lowered:
.L_overlay_start_0:
0x88: {  	s2 =	sld [smem:$0x3FD9]  }
0x89: {  	s3 =	sld [smem:$0x3FFE];
	_ =	sdelay $0x1  }
0x8a: {  	s1 =	srdreg.scid  }
0x8b: {  	s0 =	sand.u32 $0x1, s1  }
0x8c: {  	s16 =	sshll.u32 s0, $0xA;
	s2 =	sadd.s32 s3, s2  }
0x8d: {  	s2 =	sadd.s32 s2, s16  }
0x8e: {  	[smem:$0x3FA2] =	sst s2  }
0x8f: {  	_ = 	snop  }
0x90: {  	(tm) =	ssettm $0x1  }
0x91: {  	s17 =	sld [smem:$0x3FFB];
	_ =	sdelay $0x3  }
0x92: {  	_ =	strace s17  }
0x93: {  	s2 =	sld [smem:$0x3FFC];
	_ =	sdelay $0x3  }
0x94: {  	_ =	strace s2  }
0x95: {  	s2 =	sld [smem:$0x3FFD];
	_ =	sdelay $0x3  }
0x96: {  	_ =	strace s2  }
0x97: {  	_ =	strace $0x8FFFFFFF  }
0x98: {  	s18 =	sld [smem:$0x3FDB];
	_ =	sdelay $0x1  }
0x99: {  	s19 =	simm.s32 $_scs_section_size  }
0x9a: {  	s4 =	simm.s32 $_size__tile_overlayer_lowered;
	s5 =	simm.s32 $_tile_overlayer_lowered  }
0x9b: {  	s22 =	simm.s32 $0x1BFF;
	s21 =	sshll.u32 s5, $0x1;
	s2 =	sadd.s32 s19, s18  }
0x9c: {  	s6 =	simm.s32 $0x0;
	s20 =	sshll.u32 s4, $0x1;
	s4 =	sadd.s32 s21, s2  }
0x9d: {  	[timem:s6], [sflag:s22] =	dma.local [hbm:s4], s20  }
0x9e: {  	_ =	swait.ge [sflag:s22], s20  }
0x9f: {  	s3 =	ssub.s32 $0x0, s20;
	[sflag:s22] =	ssyncset.done $0x0  }
0xa0: {  	[sflag:s22] =	ssyncadd.s32 s3;
	_ =	sdelay $0x1  }
0xa1: {  	s23 =	simm.s32 $0x1B8B  }
0xa2: {  	_ =	swait.ge [sflag:s23], $0x1  }
0xa3: {  	[sflag:s23] =	ssyncset.done $0x0  }
0xa4: {  	s25 =	simm.s32 $0x1B8E;
	s24 =	sld [smem:$0x3FFE];
	[sflag:s23] =	ssyncadd.s32 $0xFFFFFFFF  }
0xa5: {  	s26 =	simm.s32 $execute0_lowered;
	[smem:$0x3FD2] =	sst s25  }
0xa6: {  	s4 =	sshll.u32 s26, $0x1;
	_ =	strace $0x8000004C;
	[dreg:$0x1] =	wrdreg $0xFFFFFFFF  }
0xa7: {  	s28 =	simm.s32 $_size_execute0_lowered;
	s2 =	sadd.s32 s2, s4;
	[dreg:$0x0] =	wrdreg $0x0  }
0xa8: {  	s4 =	sshll.u32 s28, $0x1;
	[dreg:$0x2] =	wrdreg s2  }
0xa9: {  	[dreg:$0x3] =	wrdreg s4  }
0xaa: {  	[dreg:$0x4] =	wrdreg $0xC0  }
0xab: {  	_ =	task [dreg:s6], $0x5FFFF  }
0xac: {  	[dreg:$0x1] =	wrdreg $0xFFFFFFFF  }
0xad: {  	[dreg:$0x0] =	wrdreg $0x60  }
0xae: {  	[dreg:$0x2] =	wrdreg s24  }
0xaf: {  	[dreg:$0x3] =	wrdreg $0x9  }
0xb0: {  	_ =	task.clear_ibuf [dreg:s6], $0x4FFFF;
	_ =	strace $0x9000004C  }
0xb1: {  	s29 =	simm.s32 $0x9;
	_ =	strace $0x8000004E  }
0xb2: {  	_ =	swait.ge [sflag:s29], $0x1  }
0xb3: {  	[sflag:s29] =	ssyncadd.s32 $0xFFFFFFFF  }
0xb4: {  	_ =	strace $0x9000004E  }
0xb5: {  	_ =	sfence  }
0xb6: {  	s30 =	sld [smem:$0x0];
	_ =	sdelay $0x2  }
0xb7: {  	s31 =	sshll.u32 s1, $0xD;
	s1 =	sshrl.u32 s1, $0x2  }
0xb8: {  	s3 =	sand.u32 $0x4000, s31;
	s1 =	sadd.s32 s1, s30  }
0xb9: {  	s0 =	sor.u32 s3, s0;
	s1 =	sshll.u32 s1, $0x11  }
0xba: {  	s0 =	sor.u32 s1, s0  }
0xbb: {  	s0 =	sadd.s32 $0x8F2B, s0  }
0xbc: {  	[sflag:s0] =	ssyncadd.remote.s32 $0x1  }
0xbd: {  	_ =	sfence.sel $0xFFFF  }
0xbe: {  	[dreg:$0x0] =	wrdreg $0xFFFFFFFF;
	(pc) =	sbr.abs _section_cstart, $3  }
0xbf: {  	[dreg:$0x1] =	wrdreg $0xFFFFFFFF  }
0xc0: {  	_ =	task.clear_ibuf [dreg:s6], $0x2FFFF;
	_ =	strace $0x9FFFFFFF  }
0xc1: {  	(tm) =	ssettm $0x7FFFFFFF  }
tec
execute0_lowered:
.L_overlay_start_1:
0x0: {  	(tag) =	ssettag $0x1  }
0x1: {  	s0 =	srdreg.scid;
	s12 =	stileid.u32  }
0x2: {  	s0 =	sand.u32 $0x1, s0;
	s1 =	smul.u32 $0x1900, s12  }
0x3: {  	s3 =	smul.u32 $0xC80, s0  }
0x4: {  	s4 =	rddreg [dreg:$0x0];
	s31 =	simm.s32 $0x6  }
0x5: {  	s28 =	simm.s32 $0x2900;
	s30 =	simm.s32 $0x7900;
	s1 =	sadd.s32 s3, s1  }
0x6: {  	s29 =	simm.s32 $0x3900;
	s2 =	sshll.u32 s12, $0x1;
	s1 =	sshll.u32 s1, $0x2  }
0x7: {  	s5 =	sadd.s32 $0x84A00, s4;
	s6 =	sadd.s32 $0xE8A00, s4;
	s10 =	sadd.s32 $0x800, s1  }
0x8: {  	s14 =	sadd.s32 $0x14CA00, s4;
	s8 =	sadd.s32 $0x1B0A00, s4;
	s16 =	sadd.s32 s10, s5  }
0x9: {  	s17 =	sadd.s32 $0x600, s1;
	s11 =	sadd.s32 s10, s6;
	[dreg:$0x2] =	wrdreg s16  }
0xa: {  	s12 =	smul.u32 $0x6400, s12;
	s18 =	sadd.s32 s17, s5;
	[dreg:$0x3] =	wrdreg s11  }
0xb: {  	s20 =	sadd.s32 $0x400, s1;
	s19 =	sadd.s32 s17, s6;
	[dreg:$0x4] =	wrdreg s18  }
0xc: {  	s2 =	sor.u32 s0, s2;
	s13 =	sadd.s32 s20, s5;
	[dreg:$0x5] =	wrdreg s19  }
0xd: {  	s1 =	sadd.s32 $0x200, s1;
	s21 =	sadd.s32 s20, s6;
	[dreg:$0x6] =	wrdreg s13  }
0xe: {  	s7 =	ssub.s32 $0x2, s0;
	s22 =	sadd.s32 s1, s5;
	[dreg:$0x7] =	wrdreg s21  }
0xf: {  	s0 =	smul.u32 $0x3200, s0;
	s23 =	sadd.s32 s1, s6;
	[dreg:$0x8] =	wrdreg s22  }
0x10: {  	s9 =	sshrl.u32 s7, $0x1;
	s24 =	sadd.s32 s10, s14;
	[dreg:$0x9] =	wrdreg s23  }
0x11: {  	s2 =	smul.u32 $0x190, s2;
	s10 =	sadd.s32 s10, s8;
	[dreg:$0xa] =	wrdreg s24  }
0x12: {  	s7 =	ssub.s32 s7, s9;
	s25 =	sadd.s32 s17, s14;
	[dreg:$0xb] =	wrdreg s10  }
0x13: {  	s3 =	sadd.s32 s12, s14;
	s9 =	sadd.s32 s17, s8;
	[dreg:$0xc] =	wrdreg s25  }
0x14: {  	s6 =	sadd.s32 s12, s6;
	s26 =	sadd.s32 s20, s14;
	[dreg:$0xd] =	wrdreg s9  }
0x15: {  	s5 =	sadd.s32 s12, s5;
	s15 =	sadd.s32 s1, s14;
	[dreg:$0xe] =	wrdreg s26  }
0x16: {  	s10 =	sadd.s32 s20, s8;
	s16 =	sadd.s32 s1, s8;
	s11 =	sadd.s32 s12, s8  }
0x17: {  	s18 =	simm.s32 $0x0;
	s19 =	sadd.s32 s0, s6;
	s20 =	sadd.s32 s0, s5  }
0x18: {  	s22 =	sadd.s32 s0, s3;
	s13 =	sadd.s32 s2, s4;
	s23 =	sadd.s32 $0x70E00, s4  }
0x19: {  	s24 =	sadd.s32 $0x7AC00, s4;
	s26 =	smax.u32 s7, $0x1;
	s1 =	simm.s32 $0x4900  }
0x1a: {  	s2 =	simm.s32 $0x9900;
	s3 =	simm.s32 $0x5900;
	s4 =	simm.s32 $0xA900  }
0x1b: {  	s5 =	simm.s32 $0x1;
	s6 =	simm.s32 $0x2;
	[dreg:$0xf] =	wrdreg s10  }
0x1c: {  	s7 =	simm.s32 $0x3;
	[smem:$0x7FF] =	sst s18;
	s14 =	sadd.s32 $0x4C800, s13  }
0x1d: {  	s17 =	sadd.s32 $0x49600, s13;
	_ =	strace $0x8000004D;
	[dreg:$0x10] =	wrdreg s14  }
.Ltmp0:
0x1e: {  	s25 =	sadd.s32 $0x52C00, s13;
	[dreg:$0x11] =	wrdreg s17;
	(pc) =	sbr.rel .LBB2_1-.Ltmp0, $4  }
0x1f: {  	s21 =	sadd.s32 s0, s11;
	s0 =	sadd.s32 $0x4FA00, s13;
	[dreg:$0x12] =	wrdreg s25  }
0x20: {  	s8 =	simm.s32 $0x4;
	s9 =	simm.s32 $0x5;
	[dreg:$0x13] =	wrdreg s0  }
0x21: {  	s11 =	simm.s32 $0x0;
	[dreg:$0x14] =	wrdreg s26;
	s0 =	simm.s32 $0x80  }
0x22: {  	s25 =	simm.s32 $0x1900;
	s26 =	simm.s32 $0x6900;
	s17 =	simm.s32 $0x8900  }
.LBB2_7:
0x23: {  	s11 =	rddreg [dreg:$0x15]  }
0x24: {  	s10 =	rddreg [dreg:$0x14];
	s11 =	sadd.s32 $0x1, s11  }
0x25: {  	p0 =	sne.s32 s11, s10  }
.Ltmp1:
0x26: {  	_ = 	snop;
	(pc) =	sbr.rel @!p0 .LBB2_8-.Ltmp1, $1  }
0x27: {  	_ =	sdelay $0x3  }
.LBB2_1:
0x28: {  	[dreg:$0x15] =	wrdreg s11  }
0x29: {  	s10 =	rddreg [dreg:$0x10]  }
0x2a: {  	[tilespmem:s18], [sflag:$0x6] =	stream.linear.gather [hbm4b:s10+s18], $0xC80, $0x38;
	[tilespmem:$0xB900] =	vst v63  }
0x2b: {  	_ =	swait.ge [sflag:s31], $0xC80  }
0x2c: {  	[sflag:s31] =	ssyncset.done $0x0  }
0x2d: {  	s14 =	simm.s32 $0xC80;
	s13 =	rddreg [dreg:$0x11];
	[sflag:s31] =	ssyncadd.s32 $0xFFFFF380  }
0x2e: {  	[tilespmem:s14], [sflag:$0x6] =	stream.linear.gather [hbm4b:s13+s18], $0xC80, $0x38;
	[tilespmem:$0xB900] =	vst v63  }
0x2f: {  	_ =	swait.ge [sflag:s31], $0xC80  }
0x30: {  	[sflag:s31] =	ssyncset.done $0x0  }
0x31: {  	[sflag:s31] =	ssyncadd.s32 $0xFFFFF380  }
0x32: {  	[tilespmem:s25], [sflag:$0x1] =	stream.indirect.gather [hbm4b:s23+s0], $0x20, s18, s0, $0xb8;
	[tilespmem:$0xB900] =	vst v63  }
0x33: {  	_ = 	snop  }
0x34: {  	[tilespmem:s26], [sflag:$0x1] =	stream.indirect.gather [hbm4b:s24+s0], $0x20, s14, s0, $0xb8;
	[tilespmem:$0xB900] =	vst v63  }
0x35: {  	_ = 	snop  }
0x36: {  	[tilespmem:s28], [sflag:$0x2] =	stream.indirect.gather [hbm4b:s23+s0], $0x20, s0, s0, $0xb8;
	[tilespmem:$0xB900] =	vst v63  }
0x37: {  	s12 =	simm.s32 $0xD00  }
0x38: {  	[tilespmem:s30], [sflag:$0x2] =	stream.indirect.gather [hbm4b:s24+s0], $0x20, s12, s0, $0xb8;
	[tilespmem:$0xB900] =	vst v63  }
0x39: {  	s13 =	simm.s32 $0x100  }
0x3a: {  	[tilespmem:s29], [sflag:$0x3] =	stream.indirect.gather [hbm4b:s23+s0], $0x20, s13, s0, $0xb8;
	[tilespmem:$0xB900] =	vst v63  }
0x3b: {  	s14 =	simm.s32 $0xD80  }
0x3c: {  	[tilespmem:s17], [sflag:$0x3] =	stream.indirect.gather [hbm4b:s24+s0], $0x20, s14, s0, $0xb8;
	[tilespmem:$0xB900] =	vst v63  }
0x3d: {  	s11 =	simm.s32 $0x180  }
0x3e: {  	[tilespmem:s1], [sflag:$0x4] =	stream.indirect.gather [hbm4b:s23+s0], $0x20, s11, s0, $0xb8;
	[tilespmem:$0xB900] =	vst v63  }
0x3f: {  	s12 =	simm.s32 $0xE00  }
0x40: {  	[tilespmem:s2], [sflag:$0x4] =	stream.indirect.gather [hbm4b:s24+s0], $0x20, s12, s0, $0xb8;
	[tilespmem:$0xB900] =	vst v63  }
0x41: {  	s13 =	simm.s32 $0x200  }
0x42: {  	[tilespmem:s3], [sflag:$0x5] =	stream.indirect.gather [hbm4b:s23+s0], $0x20, s13, s0, $0xb8;
	[tilespmem:$0xB900] =	vst v63  }
0x43: {  	s10 =	simm.s32 $0x0;
	s14 =	simm.s32 $0xE80  }
0x44: {  	[tilespmem:s4], [sflag:$0x5] =	stream.indirect.gather [hbm4b:s24+s0], $0x20, s14, s0, $0xb8;
	[tilespmem:$0xB900] =	vst v63  }
.LBB2_2:
0x45: {  	_ =	swait.ge [sflag:s5], $0x1000  }
0x46: {  	[sflag:s5] =	ssyncset.done $0x0  }
0x47: {  	[sflag:s5] =	ssyncadd.s32 $0xFFFFF000  }
0x48: {  	_ =	swait.ge [sflag:s5], $0x1000  }
0x49: {  	[sflag:s5] =	ssyncset.done $0x0  }
0x4a: {  	s11 =	sadd.s32 s10, s20;
	[sflag:s5] =	ssyncadd.s32 $0xFFFFF000  }
0x4b: {  	[hbm4b:s11+s18] =	stream.linear.scatter [tilespmem:s25], [sflag:$0x6], $0x1000, $0x38;
	[tilespmem:$0xB900] =	vst v63  }
0x4c: {  	_ =	swait.ge [sflag:s31], $0x1000  }
0x4d: {  	[sflag:s31] =	ssyncset.done $0x0  }
0x4e: {  	s13 =	sadd.s32 s10, s19;
	[sflag:s31] =	ssyncadd.s32 $0xFFFFF000  }
0x4f: {  	[hbm4b:s13+s18] =	stream.linear.scatter [tilespmem:s26], [sflag:$0x6], $0x1000, $0x38;
	[tilespmem:$0xB900] =	vst v63  }
0x50: {  	p0 =	seq.s32 s10, $0x2800;
	_ =	swait.ge [sflag:s31], $0x1000  }
0x51: {  	s12 =	simm.s32 @!p0 $0x80;
	s11 =	sshra.s32 @!p0 s10, $0x2;
	[sflag:s31] =	ssyncset.done $0x0  }
0x52: {  	s14 =	simm.s32 @!p0 $0x1900;
	s13 =	sadd.s32 @!p0 $0x280, s11;
	[sflag:s31] =	ssyncadd.s32 $0xFFFFF000  }
0x53: {  	[tilespmem:s14], [sflag:$0x1] =	stream.indirect.gather @!p0 [hbm4b:s23+s12], $0x20, s13, s12, $0xb8;
	[tilespmem:$0xB900] =	vst v63  }
0x54: {  	s13 =	sadd.s32 @!p0 $0xF00, s11;
	s14 =	simm.s32 @!p0 $0x6900  }
0x55: {  	[tilespmem:s14], [sflag:$0x1] =	stream.indirect.gather @!p0 [hbm4b:s24+s12], $0x20, s13, s12, $0xb8;
	[tilespmem:$0xB900] =	vst v63  }
0x56: {  	_ =	swait.ge [sflag:s6], $0x1000  }
0x57: {  	[sflag:s6] =	ssyncset.done $0x0  }
0x58: {  	[sflag:s6] =	ssyncadd.s32 $0xFFFFF000  }
0x59: {  	_ =	swait.ge [sflag:s6], $0x1000  }
0x5a: {  	[sflag:s6] =	ssyncset.done $0x0;
	s14 =	rddreg [dreg:$0x8]  }
0x5b: {  	[sflag:s6] =	ssyncadd.s32 $0xFFFFF000;
	s13 =	sadd.s32 s10, s14  }
0x5c: {  	[hbm4b:s13+s18] =	stream.linear.scatter [tilespmem:s28], [sflag:$0x6], $0x1000, $0x38;
	[tilespmem:$0xB900] =	vst v63  }
0x5d: {  	_ =	swait.ge [sflag:s31], $0x1000  }
0x5e: {  	[sflag:s31] =	ssyncset.done $0x0;
	s14 =	rddreg [dreg:$0x9]  }
0x5f: {  	[sflag:s31] =	ssyncadd.s32 $0xFFFFF000;
	s13 =	sadd.s32 s10, s14  }
0x60: {  	[hbm4b:s13+s18] =	stream.linear.scatter [tilespmem:s30], [sflag:$0x6], $0x1000, $0x38;
	[tilespmem:$0xB900] =	vst v63  }
0x61: {  	_ =	swait.ge [sflag:s31], $0x1000  }
0x62: {  	[sflag:s31] =	ssyncset.done $0x0  }
0x63: {  	s14 =	simm.s32 @!p0 $0x2900;
	s13 =	sadd.s32 @!p0 $0x300, s11;
	[sflag:s31] =	ssyncadd.s32 $0xFFFFF000  }
0x64: {  	[tilespmem:s14], [sflag:$0x2] =	stream.indirect.gather @!p0 [hbm4b:s23+s12], $0x20, s13, s12, $0xb8;
	[tilespmem:$0xB900] =	vst v63  }
0x65: {  	s13 =	sadd.s32 @!p0 $0xF80, s11;
	s14 =	simm.s32 @!p0 $0x7900  }
0x66: {  	[tilespmem:s14], [sflag:$0x2] =	stream.indirect.gather @!p0 [hbm4b:s24+s12], $0x20, s13, s12, $0xb8;
	[tilespmem:$0xB900] =	vst v63  }
0x67: {  	_ =	swait.ge [sflag:s7], $0x1000  }
0x68: {  	[sflag:s7] =	ssyncset.done $0x0  }
0x69: {  	[sflag:s7] =	ssyncadd.s32 $0xFFFFF000  }
0x6a: {  	_ =	swait.ge [sflag:s7], $0x1000  }
0x6b: {  	[sflag:s7] =	ssyncset.done $0x0;
	s14 =	rddreg [dreg:$0x6]  }
0x6c: {  	[sflag:s7] =	ssyncadd.s32 $0xFFFFF000;
	s13 =	sadd.s32 s10, s14  }
0x6d: {  	[hbm4b:s13+s18] =	stream.linear.scatter [tilespmem:s29], [sflag:$0x6], $0x1000, $0x38;
	[tilespmem:$0xB900] =	vst v63  }
0x6e: {  	_ =	swait.ge [sflag:s31], $0x1000  }
0x6f: {  	[sflag:s31] =	ssyncset.done $0x0;
	s14 =	rddreg [dreg:$0x7]  }
0x70: {  	[sflag:s31] =	ssyncadd.s32 $0xFFFFF000;
	s13 =	sadd.s32 s10, s14  }
0x71: {  	[hbm4b:s13+s18] =	stream.linear.scatter [tilespmem:s17], [sflag:$0x6], $0x1000, $0x38;
	[tilespmem:$0xB900] =	vst v63  }
0x72: {  	_ =	swait.ge [sflag:s31], $0x1000  }
0x73: {  	[sflag:s31] =	ssyncset.done $0x0  }
0x74: {  	s14 =	simm.s32 @!p0 $0x3900;
	s13 =	sadd.s32 @!p0 $0x380, s11;
	[sflag:s31] =	ssyncadd.s32 $0xFFFFF000  }
0x75: {  	[tilespmem:s14], [sflag:$0x3] =	stream.indirect.gather @!p0 [hbm4b:s23+s12], $0x20, s13, s12, $0xb8;
	[tilespmem:$0xB900] =	vst v63  }
0x76: {  	s13 =	sadd.s32 @!p0 $0x1000, s11;
	s14 =	simm.s32 @!p0 $0x8900  }
0x77: {  	[tilespmem:s14], [sflag:$0x3] =	stream.indirect.gather @!p0 [hbm4b:s24+s12], $0x20, s13, s12, $0xb8;
	[tilespmem:$0xB900] =	vst v63  }
0x78: {  	_ =	swait.ge [sflag:s8], $0x1000  }
0x79: {  	[sflag:s8] =	ssyncset.done $0x0  }
0x7a: {  	[sflag:s8] =	ssyncadd.s32 $0xFFFFF000  }
0x7b: {  	_ =	swait.ge [sflag:s8], $0x1000  }
0x7c: {  	[sflag:s8] =	ssyncset.done $0x0;
	s14 =	rddreg [dreg:$0x4]  }
0x7d: {  	[sflag:s8] =	ssyncadd.s32 $0xFFFFF000;
	s13 =	sadd.s32 s10, s14  }
0x7e: {  	[hbm4b:s13+s18] =	stream.linear.scatter [tilespmem:s1], [sflag:$0x6], $0x1000, $0x38;
	[tilespmem:$0xB900] =	vst v63  }
0x7f: {  	_ =	swait.ge [sflag:s31], $0x1000  }
0x80: {  	[sflag:s31] =	ssyncset.done $0x0;
	s14 =	rddreg [dreg:$0x5]  }
0x81: {  	[sflag:s31] =	ssyncadd.s32 $0xFFFFF000;
	s13 =	sadd.s32 s10, s14  }
0x82: {  	[hbm4b:s13+s18] =	stream.linear.scatter [tilespmem:s2], [sflag:$0x6], $0x1000, $0x38;
	[tilespmem:$0xB900] =	vst v63  }
0x83: {  	_ =	swait.ge [sflag:s31], $0x1000  }
0x84: {  	[sflag:s31] =	ssyncset.done $0x0  }
0x85: {  	s14 =	simm.s32 @!p0 $0x4900;
	s13 =	sadd.s32 @!p0 $0x400, s11;
	[sflag:s31] =	ssyncadd.s32 $0xFFFFF000  }
0x86: {  	[tilespmem:s14], [sflag:$0x4] =	stream.indirect.gather @!p0 [hbm4b:s23+s12], $0x20, s13, s12, $0xb8;
	[tilespmem:$0xB900] =	vst v63  }
0x87: {  	s11 =	sadd.s32 @!p0 $0x1080, s11;
	s13 =	simm.s32 @!p0 $0x9900  }
0x88: {  	[tilespmem:s13], [sflag:$0x4] =	stream.indirect.gather @!p0 [hbm4b:s24+s12], $0x20, s11, s12, $0xb8;
	[tilespmem:$0xB900] =	vst v63  }
0x89: {  	_ =	swait.ge [sflag:s9], $0x1000  }
0x8a: {  	[sflag:s9] =	ssyncset.done $0x0  }
0x8b: {  	[sflag:s9] =	ssyncadd.s32 $0xFFFFF000  }
0x8c: {  	_ =	swait.ge [sflag:s9], $0x1000  }
0x8d: {  	[sflag:s9] =	ssyncset.done $0x0;
	s13 =	rddreg [dreg:$0x2]  }
0x8e: {  	[sflag:s9] =	ssyncadd.s32 $0xFFFFF000;
	s11 =	sadd.s32 s10, s13  }
0x8f: {  	[hbm4b:s11+s18] =	stream.linear.scatter [tilespmem:s3], [sflag:$0x6], $0x1000, $0x38;
	[tilespmem:$0xB900] =	vst v63  }
0x90: {  	_ =	swait.ge [sflag:s31], $0x1000  }
0x91: {  	[sflag:s31] =	ssyncset.done $0x0;
	s14 =	rddreg [dreg:$0x3]  }
.Ltmp2:
0x92: {  	[sflag:s31] =	ssyncadd.s32 $0xFFFFF000;
	s11 =	sadd.s32 s10, s14;
	(pc) =	sbr.rel @p0 .LBB2_4-.Ltmp2, $4  }
0x93: {  	[hbm4b:s11+s18] =	stream.linear.scatter [tilespmem:s4], [sflag:$0x6], $0x1000, $0x38;
	[tilespmem:$0xB900] =	vst v63  }
0x94: {  	_ =	swait.ge [sflag:s31], $0x1000  }
0x95: {  	[sflag:s31] =	ssyncset.done $0x0  }
0x96: {  	[sflag:s31] =	ssyncadd.s32 $0xFFFFF000  }
.Ltmp3:
0x97: {  	s11 =	sshra.s32 s10, $0x2;
	(pc) =	sbr.rel .LBB2_2-.Ltmp3, $4  }
0x98: {  	s12 =	sadd.s32 $0x480, s11  }
0x99: {  	[tilespmem:s3], [sflag:$0x5] =	stream.indirect.gather [hbm4b:s23+s0], $0x20, s12, s0, $0xb8;
	[tilespmem:$0xB900] =	vst v63  }
0x9a: {  	s10 =	sadd.s32 $0xA00, s10;
	s11 =	sadd.s32 $0x1100, s11  }
0x9b: {  	[tilespmem:s4], [sflag:$0x5] =	stream.indirect.gather [hbm4b:s24+s0], $0x20, s11, s0, $0xb8;
	[tilespmem:$0xB900] =	vst v63  }
.LBB2_4:
0x9c: {  	s10 =	simm.s32 $0x0;
	s11 =	rddreg [dreg:$0x12]  }
0x9d: {  	[tilespmem:s10], [sflag:$0x6] =	stream.linear.gather [hbm4b:s11+s10], $0xC80, $0x38;
	[tilespmem:$0xB900] =	vst v63  }
0x9e: {  	_ =	swait.ge [sflag:s31], $0xC80  }
0x9f: {  	[sflag:s31] =	ssyncset.done $0x0  }
0xa0: {  	s12 =	simm.s32 $0xC80;
	s13 =	rddreg [dreg:$0x13];
	[sflag:s31] =	ssyncadd.s32 $0xFFFFF380  }
0xa1: {  	[tilespmem:s12], [sflag:$0x6] =	stream.linear.gather [hbm4b:s13+s10], $0xC80, $0x38;
	[tilespmem:$0xB900] =	vst v63  }
0xa2: {  	_ =	swait.ge [sflag:s31], $0xC80  }
0xa3: {  	[sflag:s31] =	ssyncset.done $0x0  }
0xa4: {  	[sflag:s31] =	ssyncadd.s32 $0xFFFFF380  }
0xa5: {  	[tilespmem:s25], [sflag:$0x1] =	stream.indirect.gather [hbm4b:s24+s0], $0x20, s10, s0, $0xb8;
	[tilespmem:$0xB900] =	vst v63  }
0xa6: {  	_ = 	snop  }
0xa7: {  	[tilespmem:s26], [sflag:$0x1] =	stream.indirect.gather [hbm4b:s23+s0], $0x20, s12, s0, $0xb8;
	[tilespmem:$0xB900] =	vst v63  }
0xa8: {  	_ = 	snop  }
0xa9: {  	[tilespmem:s28], [sflag:$0x2] =	stream.indirect.gather [hbm4b:s24+s0], $0x20, s0, s0, $0xb8;
	[tilespmem:$0xB900] =	vst v63  }
0xaa: {  	s14 =	simm.s32 $0xD00  }
0xab: {  	[tilespmem:s30], [sflag:$0x2] =	stream.indirect.gather [hbm4b:s23+s0], $0x20, s14, s0, $0xb8;
	[tilespmem:$0xB900] =	vst v63  }
0xac: {  	s12 =	simm.s32 $0x100  }
0xad: {  	[tilespmem:s29], [sflag:$0x3] =	stream.indirect.gather [hbm4b:s24+s0], $0x20, s12, s0, $0xb8;
	[tilespmem:$0xB900] =	vst v63  }
0xae: {  	s13 =	simm.s32 $0xD80  }
0xaf: {  	[tilespmem:s17], [sflag:$0x3] =	stream.indirect.gather [hbm4b:s23+s0], $0x20, s13, s0, $0xb8;
	[tilespmem:$0xB900] =	vst v63  }
0xb0: {  	s14 =	simm.s32 $0x180  }
0xb1: {  	[tilespmem:s1], [sflag:$0x4] =	stream.indirect.gather [hbm4b:s24+s0], $0x20, s14, s0, $0xb8;
	[tilespmem:$0xB900] =	vst v63  }
0xb2: {  	s12 =	simm.s32 $0xE00  }
0xb3: {  	[tilespmem:s2], [sflag:$0x4] =	stream.indirect.gather [hbm4b:s23+s0], $0x20, s12, s0, $0xb8;
	[tilespmem:$0xB900] =	vst v63  }
0xb4: {  	s13 =	simm.s32 $0x200  }
0xb5: {  	[tilespmem:s3], [sflag:$0x5] =	stream.indirect.gather [hbm4b:s24+s0], $0x20, s13, s0, $0xb8;
	[tilespmem:$0xB900] =	vst v63  }
0xb6: {  	s14 =	simm.s32 $0xE80  }
0xb7: {  	[tilespmem:s4], [sflag:$0x5] =	stream.indirect.gather [hbm4b:s23+s0], $0x20, s14, s0, $0xb8;
	[tilespmem:$0xB900] =	vst v63  }
.LBB2_5:
0xb8: {  	_ =	swait.ge [sflag:s5], $0x1000  }
0xb9: {  	[sflag:s5] =	ssyncset.done $0x0  }
0xba: {  	[sflag:s5] =	ssyncadd.s32 $0xFFFFF000  }
0xbb: {  	_ =	swait.ge [sflag:s5], $0x1000  }
0xbc: {  	[sflag:s5] =	ssyncset.done $0x0  }
0xbd: {  	s11 =	sadd.s32 s10, s22;
	[sflag:s5] =	ssyncadd.s32 $0xFFFFF000  }
0xbe: {  	[hbm4b:s11+s18] =	stream.linear.scatter [tilespmem:s25], [sflag:$0x6], $0x1000, $0x38;
	[tilespmem:$0xB900] =	vst v63  }
0xbf: {  	_ =	swait.ge [sflag:s31], $0x1000  }
0xc0: {  	[sflag:s31] =	ssyncset.done $0x0  }
0xc1: {  	s13 =	sadd.s32 s10, s21;
	[sflag:s31] =	ssyncadd.s32 $0xFFFFF000  }
0xc2: {  	[hbm4b:s13+s18] =	stream.linear.scatter [tilespmem:s26], [sflag:$0x6], $0x1000, $0x38;
	[tilespmem:$0xB900] =	vst v63  }
0xc3: {  	p0 =	seq.s32 s10, $0x2800;
	_ =	swait.ge [sflag:s31], $0x1000  }
0xc4: {  	s12 =	simm.s32 @!p0 $0x80;
	s11 =	sshra.s32 @!p0 s10, $0x2;
	[sflag:s31] =	ssyncset.done $0x0  }
0xc5: {  	s14 =	simm.s32 @!p0 $0x1900;
	s13 =	sadd.s32 @!p0 $0x280, s11;
	[sflag:s31] =	ssyncadd.s32 $0xFFFFF000  }
0xc6: {  	[tilespmem:s14], [sflag:$0x1] =	stream.indirect.gather @!p0 [hbm4b:s24+s12], $0x20, s13, s12, $0xb8;
	[tilespmem:$0xB900] =	vst v63  }
0xc7: {  	s13 =	sadd.s32 @!p0 $0xF00, s11;
	s14 =	simm.s32 @!p0 $0x6900  }
0xc8: {  	[tilespmem:s14], [sflag:$0x1] =	stream.indirect.gather @!p0 [hbm4b:s23+s12], $0x20, s13, s12, $0xb8;
	[tilespmem:$0xB900] =	vst v63  }
0xc9: {  	_ =	swait.ge [sflag:s6], $0x1000  }
0xca: {  	[sflag:s6] =	ssyncset.done $0x0  }
0xcb: {  	[sflag:s6] =	ssyncadd.s32 $0xFFFFF000  }
0xcc: {  	_ =	swait.ge [sflag:s6], $0x1000  }
0xcd: {  	[sflag:s6] =	ssyncset.done $0x0  }
0xce: {  	s14 =	sadd.s32 s10, s15;
	[sflag:s6] =	ssyncadd.s32 $0xFFFFF000  }
0xcf: {  	[hbm4b:s14+s18] =	stream.linear.scatter [tilespmem:s28], [sflag:$0x6], $0x1000, $0x38;
	[tilespmem:$0xB900] =	vst v63  }
0xd0: {  	_ =	swait.ge [sflag:s31], $0x1000  }
0xd1: {  	[sflag:s31] =	ssyncset.done $0x0  }
0xd2: {  	s14 =	sadd.s32 s10, s16;
	[sflag:s31] =	ssyncadd.s32 $0xFFFFF000  }
0xd3: {  	[hbm4b:s14+s18] =	stream.linear.scatter [tilespmem:s30], [sflag:$0x6], $0x1000, $0x38;
	[tilespmem:$0xB900] =	vst v63  }
0xd4: {  	_ =	swait.ge [sflag:s31], $0x1000  }
0xd5: {  	[sflag:s31] =	ssyncset.done $0x0  }
0xd6: {  	s13 =	sadd.s32 @!p0 $0x300, s11;
	s14 =	simm.s32 @!p0 $0x2900;
	[sflag:s31] =	ssyncadd.s32 $0xFFFFF000  }
0xd7: {  	[tilespmem:s14], [sflag:$0x2] =	stream.indirect.gather @!p0 [hbm4b:s24+s12], $0x20, s13, s12, $0xb8;
	[tilespmem:$0xB900] =	vst v63  }
0xd8: {  	s13 =	sadd.s32 @!p0 $0xF80, s11;
	s14 =	simm.s32 @!p0 $0x7900  }
0xd9: {  	[tilespmem:s14], [sflag:$0x2] =	stream.indirect.gather @!p0 [hbm4b:s23+s12], $0x20, s13, s12, $0xb8;
	[tilespmem:$0xB900] =	vst v63  }
0xda: {  	_ =	swait.ge [sflag:s7], $0x1000  }
0xdb: {  	[sflag:s7] =	ssyncset.done $0x0  }
0xdc: {  	[sflag:s7] =	ssyncadd.s32 $0xFFFFF000  }
0xdd: {  	_ =	swait.ge [sflag:s7], $0x1000  }
0xde: {  	[sflag:s7] =	ssyncset.done $0x0;
	s14 =	rddreg [dreg:$0xe]  }
0xdf: {  	[sflag:s7] =	ssyncadd.s32 $0xFFFFF000;
	s13 =	sadd.s32 s10, s14  }
0xe0: {  	[hbm4b:s13+s18] =	stream.linear.scatter [tilespmem:s29], [sflag:$0x6], $0x1000, $0x38;
	[tilespmem:$0xB900] =	vst v63  }
0xe1: {  	_ =	swait.ge [sflag:s31], $0x1000  }
0xe2: {  	[sflag:s31] =	ssyncset.done $0x0;
	s14 =	rddreg [dreg:$0xf]  }
0xe3: {  	[sflag:s31] =	ssyncadd.s32 $0xFFFFF000;
	s13 =	sadd.s32 s10, s14  }
0xe4: {  	[hbm4b:s13+s18] =	stream.linear.scatter [tilespmem:s17], [sflag:$0x6], $0x1000, $0x38;
	[tilespmem:$0xB900] =	vst v63  }
0xe5: {  	_ =	swait.ge [sflag:s31], $0x1000  }
0xe6: {  	[sflag:s31] =	ssyncset.done $0x0  }
0xe7: {  	s14 =	simm.s32 @!p0 $0x3900;
	s13 =	sadd.s32 @!p0 $0x380, s11;
	[sflag:s31] =	ssyncadd.s32 $0xFFFFF000  }
0xe8: {  	[tilespmem:s14], [sflag:$0x3] =	stream.indirect.gather @!p0 [hbm4b:s24+s12], $0x20, s13, s12, $0xb8;
	[tilespmem:$0xB900] =	vst v63  }
0xe9: {  	s13 =	sadd.s32 @!p0 $0x1000, s11;
	s14 =	simm.s32 @!p0 $0x8900  }
0xea: {  	[tilespmem:s14], [sflag:$0x3] =	stream.indirect.gather @!p0 [hbm4b:s23+s12], $0x20, s13, s12, $0xb8;
	[tilespmem:$0xB900] =	vst v63  }
0xeb: {  	_ =	swait.ge [sflag:s8], $0x1000  }
0xec: {  	[sflag:s8] =	ssyncset.done $0x0  }
0xed: {  	[sflag:s8] =	ssyncadd.s32 $0xFFFFF000  }
0xee: {  	_ =	swait.ge [sflag:s8], $0x1000  }
0xef: {  	[sflag:s8] =	ssyncset.done $0x0;
	s14 =	rddreg [dreg:$0xc]  }
0xf0: {  	[sflag:s8] =	ssyncadd.s32 $0xFFFFF000;
	s13 =	sadd.s32 s10, s14  }
0xf1: {  	[hbm4b:s13+s18] =	stream.linear.scatter [tilespmem:s1], [sflag:$0x6], $0x1000, $0x38;
	[tilespmem:$0xB900] =	vst v63  }
0xf2: {  	_ =	swait.ge [sflag:s31], $0x1000  }
0xf3: {  	[sflag:s31] =	ssyncset.done $0x0;
	s14 =	rddreg [dreg:$0xd]  }
0xf4: {  	[sflag:s31] =	ssyncadd.s32 $0xFFFFF000;
	s13 =	sadd.s32 s10, s14  }
0xf5: {  	[hbm4b:s13+s18] =	stream.linear.scatter [tilespmem:s2], [sflag:$0x6], $0x1000, $0x38;
	[tilespmem:$0xB900] =	vst v63  }
0xf6: {  	_ =	swait.ge [sflag:s31], $0x1000  }
0xf7: {  	[sflag:s31] =	ssyncset.done $0x0  }
0xf8: {  	s14 =	simm.s32 @!p0 $0x4900;
	s13 =	sadd.s32 @!p0 $0x400, s11;
	[sflag:s31] =	ssyncadd.s32 $0xFFFFF000  }
0xf9: {  	[tilespmem:s14], [sflag:$0x4] =	stream.indirect.gather @!p0 [hbm4b:s24+s12], $0x20, s13, s12, $0xb8;
	[tilespmem:$0xB900] =	vst v63  }
0xfa: {  	s11 =	sadd.s32 @!p0 $0x1080, s11;
	s13 =	simm.s32 @!p0 $0x9900  }
0xfb: {  	[tilespmem:s13], [sflag:$0x4] =	stream.indirect.gather @!p0 [hbm4b:s23+s12], $0x20, s11, s12, $0xb8;
	[tilespmem:$0xB900] =	vst v63  }
0xfc: {  	_ =	swait.ge [sflag:s9], $0x1000  }
0xfd: {  	[sflag:s9] =	ssyncset.done $0x0  }
0xfe: {  	[sflag:s9] =	ssyncadd.s32 $0xFFFFF000  }
0xff: {  	_ =	swait.ge [sflag:s9], $0x1000  }
0x100: {  	[sflag:s9] =	ssyncset.done $0x0;
	s13 =	rddreg [dreg:$0xa]  }
0x101: {  	[sflag:s9] =	ssyncadd.s32 $0xFFFFF000;
	s11 =	sadd.s32 s10, s13  }
0x102: {  	[hbm4b:s11+s18] =	stream.linear.scatter [tilespmem:s3], [sflag:$0x6], $0x1000, $0x38;
	[tilespmem:$0xB900] =	vst v63  }
0x103: {  	_ =	swait.ge [sflag:s31], $0x1000  }
0x104: {  	[sflag:s31] =	ssyncset.done $0x0;
	s14 =	rddreg [dreg:$0xb]  }
.Ltmp4:
0x105: {  	[sflag:s31] =	ssyncadd.s32 $0xFFFFF000;
	s11 =	sadd.s32 s10, s14;
	(pc) =	sbr.rel @p0 .LBB2_7-.Ltmp4, $4  }
0x106: {  	[hbm4b:s11+s18] =	stream.linear.scatter [tilespmem:s4], [sflag:$0x6], $0x1000, $0x38;
	[tilespmem:$0xB900] =	vst v63  }
0x107: {  	_ =	swait.ge [sflag:s31], $0x1000  }
0x108: {  	[sflag:s31] =	ssyncset.done $0x0  }
0x109: {  	[sflag:s31] =	ssyncadd.s32 $0xFFFFF000  }
.Ltmp5:
0x10a: {  	s11 =	sshra.s32 s10, $0x2;
	(pc) =	sbr.rel .LBB2_5-.Ltmp5, $4  }
0x10b: {  	s12 =	sadd.s32 $0x480, s11  }
0x10c: {  	[tilespmem:s3], [sflag:$0x5] =	stream.indirect.gather [hbm4b:s24+s0], $0x20, s12, s0, $0xb8;
	[tilespmem:$0xB900] =	vst v63  }
0x10d: {  	s10 =	sadd.s32 $0xA00, s10;
	s11 =	sadd.s32 $0x1100, s11  }
0x10e: {  	[tilespmem:s4], [sflag:$0x5] =	stream.indirect.gather [hbm4b:s23+s0], $0x20, s11, s0, $0xb8;
	[tilespmem:$0xB900] =	vst v63  }
.LBB2_8:
0x10f: {  	_ =	sfence.sel $0x180000  }
0x110: {  	[bflag:$0x0] =	sbarrier.arrive $0xFFFF  }
0x111: {  	_ =	strace $0x9000004D  }
0x112: {  	s0 =	stileid.u32;
	[bflag:$0x2] =	sbarrier.arrive $0xFFFF  }
0x113: {  	p0 =	sne.s32 s0, $0x0;
	s0 =	rddreg [dreg:$0x1]  }
0x114: {  	s0 =	sadd.s32 @!p0 $0x100000, s0  }
0x115: {  	[sflag:s0] =	ssyncadd.tile.s32 @!p0 $0x1;
	_ =	shalt  }
.Lfunc_end2:
_tile_overlayer_lowered:
.L_overlay_start_2:
0x116: {  	(tag) =	ssettag $0x2  }
0x117: {  	s0 =	rddreg [dreg:$0x0];
	s2 =	stileid.u32  }
0x118: {  	s1 =	rddreg [dreg:$0x1];
	p0 =	sne.s32 s2, $0x0  }
0x119: {  	s3 =	rddreg [dreg:$0x2];
	[bflag:$0x3] =	sbarrier.arrive $0xFFFF;
	s2 =	simm.s32 @!p0 $0x1C06  }
0x11a: {  	[timem:s3], [sflag:s2] =	dma.local @!p0 [hbm:s0], s1  }
0x11b: {  	s0 =	simm.s32 @!p0 $0x6  }
0x11c: {  	_ =	swait.ge @!p0 [sflag:s0], s1  }
0x11d: {  	s1 =	ssub.s32 @!p0 $0x0, s1;
	[sflag:s0] =	ssyncset.done @!p0 $0x0  }
0x11e: {  	[sflag:s0] =	ssyncadd.s32 @!p0 s1  }
0x11f: {  	[bflag:$0x3] =	sbarrier.arrive $0xFFFF  }
0x120: {  	_ =	shalt  }

// kernel: kernel.9.cloned.1.call-start
scs
__scs_entry_jumppad:
0x0: {  	(pc) =	sbr.rel $0x88, $3  }
0x1: {  	(tag) =	ssettag $0x0;
	lr =	simm.s32 $0x1  }
0x2: {  	[smem:$0x3F7B] =	sst lr;
	_ =	strace $0xD0000000  }
0x3: {  	_ = 	snop  }
0x4: {  	_ = 	snop  }
0x5: {  	_ = 	snop  }
0x6: {  	_ = 	snop  }
0x7: {  	_ = 	snop  }
__scs_overlays_trampoline_lowered:
0x8: {  	[smem:$0x3F8A] =	sst s0  }
0x9: {  	[smem:$0x3F8B] =	sst s1  }
0xa: {  	[smem:$0x3F8C] =	sst s2  }
0xb: {  	[smem:$0x3F8D] =	sst s3  }
0xc: {  	[smem:$0x3F8E] =	sst s4  }
0xd: {  	[smem:$0x3F8F] =	sst s5  }
0xe: {  	[smem:$0x3F90] =	sst s6  }
0xf: {  	[smem:$0x3F91] =	sst s7  }
0x10: {  	[smem:$0x3F92] =	sst s8  }
0x11: {  	[smem:$0x3F93] =	sst s9;
	s0 =	simm.s32 @!p0 $0x0  }
0x12: {  	s1 =	sld [smem:$0x3F79];
	s0 =	simm.s32 @p0 $0x1  }
0x13: {  	[smem:$0x3F94] =	sst s0;
	s0 =	simm.s32 @!p1 $0x0  }
0x14: {  	s2 =	sld [smem:$0x3F78];
	s0 =	simm.s32 @p1 $0x1  }
0x15: {  	[smem:$0x3F95] =	sst s0;
	s0 =	simm.s32 @!p2 $0x0  }
0x16: {  	s3 =	sld [smem:$0x3FDB];
	s0 =	simm.s32 @p2 $0x1  }
0x17: {  	s4 =	simm.s32 $0x1BF5;
	[smem:$0x3F97] =	sst s0  }
0x18: {  	s0 =	sld [smem:$0x3F7A];
	_ =	swait.ge [sflag:s4], $0x0  }
0x19: {  	s7 =	sld [smem:$0x3F7B]  }
0x1a: {  	s8 =	sadd.s32 $0xFFFFE003, lr  }
0x1b: {  	s9 =	sadd.s32 $0xFFFFFEF7, lr;
	s5 =	simm.s32 $0xFFFFFFFF;
	p2 =	slt.u32 s8, $0xFFFFF086  }
0x1c: {  	p1 =	slt.u32 s9, $0xF7A;
	s5 =	simm.s32 @!p2 $0x0  }
0x1d: {  	s5 =	simm.s32 @p1 $0x1;
	p0 =	seq.s32 s7, s2  }
0x1e: {  	s7 =	smul.u32 @!p0 $0xF7A, s2;
	p2 =	seq.s32 @!p0 s5, $0x0  }
0x1f: {  	s9 =	smul.u32 $0xF7A, s1;
	s8 =	simm.s32 @!p0 $0x1BF5;
	p2 =	por !p2, p0  }
0x20: {  	[sflag:s8] =	ssyncset.s32 @!p0 $0xFFFFF086;
	s6 =	sadd.s32 @!p0 s3, s7;
	s7 =	simm.s32 @!p0 $0x108  }
0x21: {  	s3 =	sadd.s32 s3, s9;
	s6 =	sadd.s32 @!p0 $0x88, s6;
	s7 =	simm.s32 @p2 $0x1082  }
0x22: {  	[simem:s7], [sflag:s8] =	dma.local @!p0 [hbm:s6], $0xF7A  }
0x23: {  	s9 =	sor.u32 $0xD0000000, s2;
	s6 =	simm.s32 $0x108;
	_ =	swait.ge @!p0 [sflag:s8], $0x0  }
0x24: {  	s3 =	sadd.s32 $0x88, s3;
	s6 =	simm.s32 @!p1 $0x1082;
	[sflag:s4] =	ssyncset.s32 $0xFFFFF086  }
0x25: {  	[simem:s6], [sflag:s4] =	dma.local [hbm:s3], $0xF7A  }
0x26: {  	[smem:$0x3F7B] =	sst s1;
	(tag) =	ssettag s2;
	_ =	strace s9  }
0x27: {  	s1 =	sld [smem:$0x3F8B]  }
0x28: {  	s2 =	sld [smem:$0x3F8C]  }
0x29: {  	s4 =	sld [smem:$0x3F8E]  }
0x2a: {  	p0 =	seq.s32 s5, $0x0;
	s5 =	sld [smem:$0x3F8F]  }
0x2b: {  	s6 =	sld [smem:$0x3F90]  }
0x2c: {  	s7 =	sld [smem:$0x3F91]  }
0x2d: {  	s3 =	simm.s32 $0x108;
	s8 =	sld [smem:$0x3F92]  }
0x2e: {  	s3 =	simm.s32 @!p0 $0x1082;
	s9 =	sld [smem:$0x3F93]  }
0x2f: {  	lr =	sadd.s32 s0, s3;
	s0 =	sld [smem:$0x3F8A]  }
0x30: {  	s3 =	sld [smem:$0x3F8D]  }
0x31: {  	[smem:$0x3F96] =	sst s10  }
0x32: {  	s10 =	sld [smem:$0x3F94];
	_ =	sdelay $0x3  }
0x33: {  	p0 =	seq.s32 s10, $0x1;
	s10 =	sld [smem:$0x3F96];
	_ =	sdelay $0x3  }
0x34: {  	[smem:$0x3F96] =	sst s10  }
0x35: {  	s10 =	sld [smem:$0x3F95];
	_ =	sdelay $0x3  }
0x36: {  	p1 =	seq.s32 s10, $0x1;
	s10 =	sld [smem:$0x3F96];
	_ =	sdelay $0x3  }
0x37: {  	[smem:$0x3F96] =	sst s10  }
0x38: {  	s10 =	sld [smem:$0x3F97]  }
0x39: {  	_ = 	snop;
	(pc) =	sbr.ind lr, $3  }
0x3a: {  	_ = 	snop  }
0x3b: {  	_ = 	snop  }
0x3c: {  	p2 =	seq.s32 s10, $0x1;
	s10 =	sld [smem:$0x3F96]  }
0x3d: {  	_ =	shalt  }
0x3e: {  	_ =	shalt  }
0x3f: {  	_ =	shalt  }
0x40: {  	_ =	shalt  }
0x41: {  	_ =	shalt  }
0x42: {  	_ =	shalt  }
0x43: {  	_ =	shalt  }
0x44: {  	_ =	shalt  }
0x45: {  	_ =	shalt  }
0x46: {  	_ =	shalt  }
0x47: {  	_ =	shalt  }
0x48: {  	_ =	shalt  }
0x49: {  	_ =	shalt  }
0x4a: {  	_ =	shalt  }
0x4b: {  	_ =	shalt  }
0x4c: {  	_ =	shalt  }
0x4d: {  	_ =	shalt  }
0x4e: {  	_ =	shalt  }
0x4f: {  	_ =	shalt  }
0x50: {  	_ =	shalt  }
0x51: {  	_ =	shalt  }
0x52: {  	_ =	shalt  }
0x53: {  	_ =	shalt  }
0x54: {  	_ =	shalt  }
0x55: {  	_ =	shalt  }
0x56: {  	_ =	shalt  }
0x57: {  	_ =	shalt  }
0x58: {  	_ =	shalt  }
0x59: {  	_ =	shalt  }
0x5a: {  	_ =	shalt  }
0x5b: {  	_ =	shalt  }
0x5c: {  	_ =	shalt  }
0x5d: {  	_ =	shalt  }
0x5e: {  	_ =	shalt  }
0x5f: {  	_ =	shalt  }
0x60: {  	_ =	shalt  }
0x61: {  	_ =	shalt  }
0x62: {  	_ =	shalt  }
0x63: {  	_ =	shalt  }
0x64: {  	_ =	shalt  }
0x65: {  	_ =	shalt  }
0x66: {  	_ =	shalt  }
0x67: {  	_ =	shalt  }
0x68: {  	_ =	shalt  }
0x69: {  	_ =	shalt  }
0x6a: {  	_ =	shalt  }
0x6b: {  	_ =	shalt  }
0x6c: {  	_ =	shalt  }
0x6d: {  	_ =	shalt  }
0x6e: {  	_ =	shalt  }
0x6f: {  	_ =	shalt  }
0x70: {  	_ =	shalt  }
0x71: {  	_ =	shalt  }
0x72: {  	_ =	shalt  }
0x73: {  	_ =	shalt  }
0x74: {  	_ =	shalt  }
0x75: {  	_ =	shalt  }
0x76: {  	_ =	shalt  }
0x77: {  	_ =	shalt  }
0x78: {  	_ =	shalt  }
0x79: {  	_ =	shalt  }
0x7a: {  	_ =	shalt  }
0x7b: {  	_ =	shalt  }
0x7c: {  	_ =	shalt  }
0x7d: {  	_ =	shalt  }
0x7e: {  	_ =	shalt  }
0x7f: {  	_ =	shalt  }
0x80: {  	_ =	shalt  }
0x81: {  	_ =	shalt  }
0x82: {  	_ =	shalt  }
0x83: {  	_ =	shalt  }
0x84: {  	_ =	shalt  }
0x85: {  	_ =	shalt  }
0x86: {  	_ =	shalt  }
0x87: {  	_ =	shalt  }
.Lfunc_end0:
.L_simem_size_0:
called_computation_lowered:
.L_overlay_start_0:
0x88: {  	s2 =	sld [smem:$0x3FD9]  }
0x89: {  	s3 =	sld [smem:$0x3FFE];
	_ =	sdelay $0x1  }
0x8a: {  	s1 =	srdreg.scid  }
0x8b: {  	s0 =	sand.u32 $0x1, s1  }
0x8c: {  	s16 =	sshll.u32 s0, $0xA;
	s2 =	sadd.s32 s3, s2  }
0x8d: {  	s2 =	sadd.s32 s2, s16  }
0x8e: {  	[smem:$0x3FA2] =	sst s2  }
0x8f: {  	_ = 	snop  }
0x90: {  	(tm) =	ssettm $0x1  }
0x91: {  	s17 =	sld [smem:$0x3FFB];
	_ =	sdelay $0x3  }
0x92: {  	_ =	strace s17  }
0x93: {  	s2 =	sld [smem:$0x3FFC];
	_ =	sdelay $0x3  }
0x94: {  	_ =	strace s2  }
0x95: {  	s2 =	sld [smem:$0x3FFD];
	_ =	sdelay $0x3  }
0x96: {  	_ =	strace s2  }
0x97: {  	_ =	strace $0x8FFFFFFF  }
0x98: {  	s18 =	sld [smem:$0x3FDB];
	_ =	sdelay $0x1  }
0x99: {  	s19 =	simm.s32 $_scs_section_size  }
0x9a: {  	s4 =	simm.s32 $_size__tile_overlayer_lowered;
	s5 =	simm.s32 $_tile_overlayer_lowered  }
0x9b: {  	s22 =	simm.s32 $0x1BFF;
	s21 =	sshll.u32 s5, $0x1;
	s2 =	sadd.s32 s19, s18  }
0x9c: {  	s6 =	simm.s32 $0x0;
	s20 =	sshll.u32 s4, $0x1;
	s4 =	sadd.s32 s21, s2  }
0x9d: {  	[timem:s6], [sflag:s22] =	dma.local [hbm:s4], s20  }
0x9e: {  	_ =	swait.ge [sflag:s22], s20  }
0x9f: {  	s3 =	ssub.s32 $0x0, s20;
	[sflag:s22] =	ssyncset.done $0x0  }
0xa0: {  	[sflag:s22] =	ssyncadd.s32 s3;
	_ =	sdelay $0x1  }
0xa1: {  	s23 =	simm.s32 $0x1B8B  }
0xa2: {  	_ =	swait.ge [sflag:s23], $0x1  }
0xa3: {  	[sflag:s23] =	ssyncset.done $0x0  }
0xa4: {  	s25 =	simm.s32 $0x1B8E;
	s24 =	sld [smem:$0x3FFE];
	[sflag:s23] =	ssyncadd.s32 $0xFFFFFFFF  }
0xa5: {  	s26 =	simm.s32 $execute0_lowered;
	[smem:$0x3FD2] =	sst s25  }
0xa6: {  	s4 =	sshll.u32 s26, $0x1;
	_ =	strace $0x80000046;
	[dreg:$0x1] =	wrdreg $0xFFFFFFFF  }
0xa7: {  	s28 =	simm.s32 $_size_execute0_lowered;
	s2 =	sadd.s32 s2, s4;
	[dreg:$0x0] =	wrdreg $0x0  }
0xa8: {  	s4 =	sshll.u32 s28, $0x1;
	[dreg:$0x2] =	wrdreg s2  }
0xa9: {  	[dreg:$0x3] =	wrdreg s4  }
0xaa: {  	[dreg:$0x4] =	wrdreg $0xC0  }
0xab: {  	_ =	task [dreg:s6], $0x5FFFF  }
0xac: {  	[dreg:$0x1] =	wrdreg $0xFFFFFFFF  }
0xad: {  	[dreg:$0x0] =	wrdreg $0x60  }
0xae: {  	[dreg:$0x2] =	wrdreg s24  }
0xaf: {  	[dreg:$0x3] =	wrdreg $0xB0000  }
0xb0: {  	[dreg:$0x4] =	wrdreg $0xFF000  }
0xb1: {  	[dreg:$0x5] =	wrdreg $0x14E000  }
0xb2: {  	[dreg:$0x6] =	wrdreg $0x19D000  }
0xb3: {  	[dreg:$0x7] =	wrdreg $0x9  }
0xb4: {  	_ =	task.clear_ibuf [dreg:s6], $0x8FFFF;
	_ =	strace $0x90000046  }
0xb5: {  	s29 =	simm.s32 $0x9;
	_ =	strace $0x80000048  }
0xb6: {  	_ =	swait.ge [sflag:s29], $0x1  }
0xb7: {  	[sflag:s29] =	ssyncadd.s32 $0xFFFFFFFF  }
0xb8: {  	_ =	strace $0x90000048  }
0xb9: {  	_ =	sfence  }
0xba: {  	s30 =	sld [smem:$0x0];
	_ =	sdelay $0x2  }
0xbb: {  	s31 =	sshll.u32 s1, $0xD;
	s1 =	sshrl.u32 s1, $0x2  }
0xbc: {  	s3 =	sand.u32 $0x4000, s31;
	s1 =	sadd.s32 s1, s30  }
0xbd: {  	s0 =	sor.u32 s3, s0;
	s1 =	sshll.u32 s1, $0x11  }
0xbe: {  	s0 =	sor.u32 s1, s0  }
0xbf: {  	s0 =	sadd.s32 $0x8F2B, s0  }
0xc0: {  	[sflag:s0] =	ssyncadd.remote.s32 $0x1  }
0xc1: {  	_ =	sfence.sel $0xFFFF  }
0xc2: {  	[dreg:$0x0] =	wrdreg $0xFFFFFFFF;
	(pc) =	sbr.abs _section_cstart, $3  }
0xc3: {  	[dreg:$0x1] =	wrdreg $0xFFFFFFFF  }
0xc4: {  	_ =	task.clear_ibuf [dreg:s6], $0x2FFFF;
	_ =	strace $0x9FFFFFFF  }
0xc5: {  	(tm) =	ssettm $0x7FFFFFFF  }
tec
execute0_lowered:
.L_overlay_start_1:
0x0: {  	(tag) =	ssettag $0x1  }
0x1: {  	s0 =	rddreg [dreg:$0x0]  }
0x2: {  	s1 =	rddreg [dreg:$0x1]  }
0x3: {  	s3 =	srdreg.scid;
	s2 =	rddreg [dreg:$0x2]  }
0x4: {  	s13 =	stileid.u32;
	s4 =	rddreg [dreg:$0x3]  }
0x5: {  	s7 =	simm.s32 $0x0;
	s29 =	simm.s32 $0x80;
	s30 =	simm.s32 $0x6000  }
0x6: {  	s31 =	simm.s32 $0x7000;
	s28 =	simm.s32 $0x4;
	s3 =	sand.u32 $0x1, s3  }
0x7: {  	s5 =	sshll.u32 s13, $0x1;
	s9 =	smul.u32 $0x4F00, s13;
	[smem:$0x7FF] =	sst s7  }
0x8: {  	s10 =	smul.u32 $0x278, s13;
	s7 =	sadd.s32 $0x7AC00, s0;
	s8 =	sadd.s32 $0x84A00, s0  }
0x9: {  	s14 =	sadd.s32 $0x2400, s0;
	s17 =	sshll.u32 s13, $0x6;
	s6 =	sor.u32 s3, s5  }
0xa: {  	s5 =	rddreg [dreg:$0x4];
	_ =	strace $0x80000047;
	s11 =	smul.u32 $0x2780, s3  }
0xb: {  	s3 =	ssub.s32 $0x2, s3;
	[dreg:$0x6] =	wrdreg s14;
	s14 =	simm.s32 $0xA000  }
0xc: {  	s6 =	smul.u32 $0x500, s6;
	s12 =	sshrl.u32 s9, $0x3;
	s16 =	sadd.s32 s9, s1  }
0xd: {  	s15 =	sshrl.u32 s3, $0x1;
	s18 =	sadd.s32 s9, s2;
	[dreg:$0x7] =	wrdreg s16  }
0xe: {  	s19 =	sadd.s32 s9, s4;
	s9 =	sadd.s32 s9, s5;
	[dreg:$0x8] =	wrdreg s18  }
0xf: {  	s10 =	sadd.s32 s10, s11;
	s26 =	sadd.s32 s12, s0;
	[dreg:$0x9] =	wrdreg s19  }
0x10: {  	s3 =	ssub.s32 s3, s15;
	s12 =	sor.u32 $0x1C06, s17;
	[dreg:$0xa] =	wrdreg s9  }
0x11: {  	s6 =	sadd.s32 s6, s0;
	s11 =	sadd.s32 $0x2BC00, s26;
	s26 =	smax.u32 s3, $0x1  }
0x12: {  	s15 =	simm.s32 $0x1;
	s20 =	sadd.s32 $0x17C00, s6;
	[dreg:$0x13] =	wrdreg s26  }
0x13: {  	s16 =	simm.s32 $0x2;
	s21 =	sadd.s32 $0x3C00, s6;
	[dreg:$0xb] =	wrdreg s20  }
0x14: {  	s10 =	sshll.u32 s10, $0x2;
	s22 =	sadd.s32 $0x21C00, s6;
	[dreg:$0xc] =	wrdreg s21  }
0x15: {  	s0 =	sadd.s32 s10, s0;
	s6 =	sadd.s32 $0xDC00, s6;
	[dreg:$0xd] =	wrdreg s22  }
0x16: {  	s17 =	simm.s32 $0x3;
	[dreg:$0xe] =	wrdreg s6;
	s23 =	sadd.s32 $0x35A00, s0  }
0x17: {  	s18 =	simm.s32 $0x5;
	s24 =	sadd.s32 $0x49600, s0;
	[dreg:$0xf] =	wrdreg s23  }
0x18: {  	s3 =	simm.s32 $0x4F00;
	s25 =	sadd.s32 $0x5D200, s0;
	[dreg:$0x10] =	wrdreg s24  }
0x19: {  	s26 =	simm.s32 $0x5000;
	s0 =	sadd.s32 $0xA2400, s0;
	[dreg:$0x11] =	wrdreg s25  }
0x1a: {  	s10 =	simm.s32 $0x9000;
	s22 =	simm.s32 $0x4F80;
	[dreg:$0x12] =	wrdreg s0  }
0x1b: {  	s25 =	simm.s32 $0x6;
	s0 =	simm.s32 $0x8000;
	s23 =	simm.s32 $0x0  }
.LBB2_1:
0x1c: {  	s6 =	rddreg [dreg:$0x7]  }
0x1d: {  	s9 =	sshrl.u32 s6, $0x3  }
0x1e: {  	[spmem:s9], [sflag:s12] =	dma.local [hbm:s11], $0x9E0  }
0x1f: {  	_ =	swait.ge [sflag:s25], $0x9E0  }
0x20: {  	[sflag:s25] =	ssyncset.done $0x0;
	s13 =	rddreg [dreg:$0x8]  }
0x21: {  	[sflag:s25] =	ssyncadd.s32 $0xFFFFF620;
	s24 =	sshrl.u32 s13, $0x3  }
0x22: {  	[spmem:s24], [sflag:s12] =	dma.local [hbm:s11], $0x9E0  }
0x23: {  	_ =	swait.ge [sflag:s25], $0x9E0  }
0x24: {  	[sflag:s25] =	ssyncset.done $0x0;
	s19 =	rddreg [dreg:$0x9]  }
0x25: {  	[sflag:s25] =	ssyncadd.s32 $0xFFFFF620;
	s13 =	sshrl.u32 s19, $0x3  }
0x26: {  	[spmem:s13], [sflag:s12] =	dma.local [hbm:s11], $0x9E0  }
0x27: {  	_ =	swait.ge [sflag:s25], $0x9E0  }
0x28: {  	[sflag:s25] =	ssyncset.done $0x0;
	s20 =	rddreg [dreg:$0xa]  }
0x29: {  	[sflag:s25] =	ssyncadd.s32 $0xFFFFF620;
	s6 =	sshrl.u32 s20, $0x3  }
0x2a: {  	[spmem:s6], [sflag:s12] =	dma.local [hbm:s11], $0x9E0  }
0x2b: {  	_ =	swait.ge [sflag:s25], $0x9E0  }
0x2c: {  	[sflag:s25] =	ssyncset.done $0x0  }
0x2d: {  	s19 =	simm.s32 $0x0;
	s20 =	rddreg [dreg:$0x6];
	[sflag:s25] =	ssyncadd.s32 $0xFFFFF620  }
0x2e: {  	[tilespmem:s26], [sflag:$0x6] =	stream.linear.gather [hbm4b:s20+s19], $0x1000, $0x38;
	[tilespmem:$0x1EC00] =	vst v63  }
0x2f: {  	_ =	swait.ge [sflag:s25], $0x1000  }
0x30: {  	[sflag:s25] =	ssyncset.done $0x0  }
0x31: {  	[sflag:s25] =	ssyncadd.s32 $0xFFFFF000  }
0x32: {  	[bflag:$0x0] =	sbarrier.arrive $0xFFFF  }
0x33: {  	s21 =	rddreg [dreg:$0xb]  }
0x34: {  	[tilespmem:s19], [sflag:$0x6] =	stream.linear.gather [hbm4b:s21+s19], $0x2800, $0x38;
	[tilespmem:$0x1EC00] =	vst v63  }
0x35: {  	_ =	swait.ge [sflag:s25], $0x2800  }
0x36: {  	[sflag:s25] =	ssyncset.done $0x0  }
0x37: {  	s21 =	simm.s32 $0x2800;
	s20 =	rddreg [dreg:$0xc];
	[sflag:s25] =	ssyncadd.s32 $0xFFFFD800  }
0x38: {  	[tilespmem:s21], [sflag:$0x6] =	stream.linear.gather [hbm4b:s20+s19], $0x2800, $0x38;
	[tilespmem:$0x1EC00] =	vst v63  }
0x39: {  	_ =	swait.ge [sflag:s25], $0x2800  }
0x3a: {  	[sflag:s25] =	ssyncset.done $0x0  }
0x3b: {  	[sflag:s25] =	ssyncadd.s32 $0xFFFFD800  }
0x3c: {  	[tilespmem:s30], [sflag:$0x1] =	stream.indirect.gather [hbm4b:s7+s29], $0x20, s19, s29, $0xb8;
	[tilespmem:$0x1EC00] =	vst v63  }
0x3d: {  	_ = 	snop  }
0x3e: {  	[tilespmem:s31], [sflag:$0x2] =	stream.indirect.gather [hbm4b:s7+s29], $0x20, s29, s29, $0xb8;
	[tilespmem:$0x1EC00] =	vst v63  }
0x3f: {  	s20 =	simm.s32 $0x100  }
0x40: {  	[tilespmem:s0], [sflag:$0x3] =	stream.indirect.gather [hbm4b:s7+s29], $0x20, s20, s29, $0xb8;
	[tilespmem:$0x1EC00] =	vst v63  }
0x41: {  	s21 =	simm.s32 $0x180  }
0x42: {  	[tilespmem:s10], [sflag:$0x4] =	stream.indirect.gather [hbm4b:s7+s29], $0x20, s21, s29, $0xb8;
	[tilespmem:$0x1EC00] =	vst v63  }
0x43: {  	s20 =	simm.s32 $0x200  }
0x44: {  	[tilespmem:s14], [sflag:$0x5] =	stream.indirect.gather [hbm4b:s7+s29], $0x20, s20, s29, $0xb8;
	[tilespmem:$0x1EC00] =	vst v63  }
0x45: {  	_ =	swait.ge [sflag:s15], $0x1000  }
0x46: {  	[sflag:s15] =	ssyncset.done $0x0  }
0x47: {  	s21 =	simm.s32 $0x2800;
	[sflag:s15] =	ssyncadd.s32 $0xFFFFF000  }
0x48: {  	[spmem:s1] =	stream.indirect.scatter.add.f32 [tilespmem:s30], [sflag:$0x6], $0x20, s21, s29, $0xb8;
	[tilespmem:$0x1EC00] =	vst v63  }
0x49: {  	_ =	swait.ge [sflag:s25], $0x1000  }
0x4a: {  	[sflag:s25] =	ssyncset.done $0x0  }
0x4b: {  	[sflag:s25] =	ssyncadd.s32 $0xFFFFF000  }
0x4c: {  	[spmem:s4] =	stream.indirect.scatter.add.f32 [tilespmem:s26], [sflag:$0x6], $0x20, s21, s29, $0xb8;
	[tilespmem:$0x1EC00] =	vst v63  }
0x4d: {  	_ =	swait.ge [sflag:s25], $0x1000  }
0x4e: {  	[sflag:s25] =	ssyncset.done $0x0  }
0x4f: {  	s20 =	simm.s32 $0x280;
	[sflag:s25] =	ssyncadd.s32 $0xFFFFF000  }
0x50: {  	[tilespmem:s30], [sflag:$0x1] =	stream.indirect.gather [hbm4b:s7+s29], $0x20, s20, s29, $0xb8;
	[tilespmem:$0x1EC00] =	vst v63  }
0x51: {  	_ =	swait.ge [sflag:s16], $0x1000  }
0x52: {  	[sflag:s16] =	ssyncset.done $0x0  }
0x53: {  	s21 =	simm.s32 $0x2880;
	[sflag:s16] =	ssyncadd.s32 $0xFFFFF000  }
0x54: {  	[spmem:s1] =	stream.indirect.scatter.add.f32 [tilespmem:s31], [sflag:$0x6], $0x20, s21, s29, $0xb8;
	[tilespmem:$0x1EC00] =	vst v63  }
0x55: {  	_ =	swait.ge [sflag:s25], $0x1000  }
0x56: {  	[sflag:s25] =	ssyncset.done $0x0  }
0x57: {  	[sflag:s25] =	ssyncadd.s32 $0xFFFFF000  }
0x58: {  	[spmem:s4] =	stream.indirect.scatter.add.f32 [tilespmem:s26], [sflag:$0x6], $0x20, s21, s29, $0xb8;
	[tilespmem:$0x1EC00] =	vst v63  }
0x59: {  	_ =	swait.ge [sflag:s25], $0x1000  }
0x5a: {  	[sflag:s25] =	ssyncset.done $0x0  }
0x5b: {  	s20 =	simm.s32 $0x300;
	[sflag:s25] =	ssyncadd.s32 $0xFFFFF000  }
0x5c: {  	[tilespmem:s31], [sflag:$0x2] =	stream.indirect.gather [hbm4b:s7+s29], $0x20, s20, s29, $0xb8;
	[tilespmem:$0x1EC00] =	vst v63  }
0x5d: {  	_ =	swait.ge [sflag:s17], $0x1000  }
0x5e: {  	[sflag:s17] =	ssyncset.done $0x0  }
0x5f: {  	s21 =	simm.s32 $0x2900;
	[sflag:s17] =	ssyncadd.s32 $0xFFFFF000  }
0x60: {  	[spmem:s1] =	stream.indirect.scatter.add.f32 [tilespmem:s0], [sflag:$0x6], $0x20, s21, s29, $0xb8;
	[tilespmem:$0x1EC00] =	vst v63  }
0x61: {  	_ =	swait.ge [sflag:s25], $0x1000  }
0x62: {  	[sflag:s25] =	ssyncset.done $0x0  }
0x63: {  	[sflag:s25] =	ssyncadd.s32 $0xFFFFF000  }
0x64: {  	[spmem:s4] =	stream.indirect.scatter.add.f32 [tilespmem:s26], [sflag:$0x6], $0x20, s21, s29, $0xb8;
	[tilespmem:$0x1EC00] =	vst v63  }
0x65: {  	_ =	swait.ge [sflag:s25], $0x1000  }
0x66: {  	[sflag:s25] =	ssyncset.done $0x0  }
0x67: {  	s20 =	simm.s32 $0x380;
	[sflag:s25] =	ssyncadd.s32 $0xFFFFF000  }
0x68: {  	[tilespmem:s0], [sflag:$0x3] =	stream.indirect.gather [hbm4b:s7+s29], $0x20, s20, s29, $0xb8;
	[tilespmem:$0x1EC00] =	vst v63  }
0x69: {  	_ =	swait.ge [sflag:s28], $0x1000  }
0x6a: {  	[sflag:s28] =	ssyncset.done $0x0  }
0x6b: {  	s21 =	simm.s32 $0x2980;
	[sflag:s28] =	ssyncadd.s32 $0xFFFFF000  }
0x6c: {  	[spmem:s1] =	stream.indirect.scatter.add.f32 [tilespmem:s10], [sflag:$0x6], $0x20, s21, s29, $0xb8;
	[tilespmem:$0x1EC00] =	vst v63  }
0x6d: {  	_ =	swait.ge [sflag:s25], $0x1000  }
0x6e: {  	[sflag:s25] =	ssyncset.done $0x0  }
0x6f: {  	[sflag:s25] =	ssyncadd.s32 $0xFFFFF000  }
0x70: {  	[spmem:s4] =	stream.indirect.scatter.add.f32 [tilespmem:s26], [sflag:$0x6], $0x20, s21, s29, $0xb8;
	[tilespmem:$0x1EC00] =	vst v63  }
0x71: {  	_ =	swait.ge [sflag:s25], $0x1000  }
0x72: {  	[sflag:s25] =	ssyncset.done $0x0  }
0x73: {  	s20 =	simm.s32 $0x400;
	[sflag:s25] =	ssyncadd.s32 $0xFFFFF000  }
0x74: {  	[tilespmem:s10], [sflag:$0x4] =	stream.indirect.gather [hbm4b:s7+s29], $0x20, s20, s29, $0xb8;
	[tilespmem:$0x1EC00] =	vst v63  }
0x75: {  	_ =	swait.ge [sflag:s18], $0x1000  }
0x76: {  	[sflag:s18] =	ssyncset.done $0x0  }
0x77: {  	s21 =	simm.s32 $0x2A00;
	[sflag:s18] =	ssyncadd.s32 $0xFFFFF000  }
0x78: {  	[spmem:s1] =	stream.indirect.scatter.add.f32 [tilespmem:s14], [sflag:$0x6], $0x20, s21, s29, $0xb8;
	[tilespmem:$0x1EC00] =	vst v63  }
0x79: {  	_ =	swait.ge [sflag:s25], $0x1000  }
0x7a: {  	[sflag:s25] =	ssyncset.done $0x0  }
0x7b: {  	[sflag:s25] =	ssyncadd.s32 $0xFFFFF000  }
0x7c: {  	[spmem:s4] =	stream.indirect.scatter.add.f32 [tilespmem:s26], [sflag:$0x6], $0x20, s21, s29, $0xb8;
	[tilespmem:$0x1EC00] =	vst v63  }
0x7d: {  	_ =	swait.ge [sflag:s25], $0x1000  }
0x7e: {  	[sflag:s25] =	ssyncset.done $0x0  }
0x7f: {  	s19 =	simm.s32 $0xA00;
	s20 =	simm.s32 $0x480;
	[sflag:s25] =	ssyncadd.s32 $0xFFFFF000  }
.LBB2_2:
0x80: {  	[tilespmem:s14], [sflag:$0x5] =	stream.indirect.gather [hbm4b:s7+s29], $0x20, s20, s29, $0xb8;
	[tilespmem:$0x1EC00] =	vst v63  }
0x81: {  	s20 =	smov.u32 s19  }
0x82: {  	p0 =	sne.s32 s19, $0x8C00;
	s19 =	sadd.s32 $0xA00, s19;
	_ =	swait.ge [sflag:s15], $0x1000  }
0x83: {  	s20 =	sshra.s32 s20, $0x2;
	[sflag:s15] =	ssyncset.done $0x0  }
0x84: {  	s21 =	sadd.s32 $0x2800, s20;
	[sflag:s15] =	ssyncadd.s32 $0xFFFFF000  }
0x85: {  	[spmem:s1] =	stream.indirect.scatter.add.f32 [tilespmem:s30], [sflag:$0x6], $0x20, s21, s29, $0xb8;
	[tilespmem:$0x1EC00] =	vst v63  }
0x86: {  	_ =	swait.ge [sflag:s25], $0x1000  }
0x87: {  	[sflag:s25] =	ssyncset.done $0x0  }
0x88: {  	[sflag:s25] =	ssyncadd.s32 $0xFFFFF000  }
0x89: {  	[spmem:s4] =	stream.indirect.scatter.add.f32 [tilespmem:s26], [sflag:$0x6], $0x20, s21, s29, $0xb8;
	[tilespmem:$0x1EC00] =	vst v63  }
0x8a: {  	_ =	swait.ge [sflag:s25], $0x1000  }
0x8b: {  	[sflag:s25] =	ssyncset.done $0x0  }
0x8c: {  	s21 =	sadd.s32 $0x280, s20;
	[sflag:s25] =	ssyncadd.s32 $0xFFFFF000  }
0x8d: {  	[tilespmem:s30], [sflag:$0x1] =	stream.indirect.gather [hbm4b:s7+s29], $0x20, s21, s29, $0xb8;
	[tilespmem:$0x1EC00] =	vst v63  }
0x8e: {  	_ =	swait.ge [sflag:s16], $0x1000  }
0x8f: {  	[sflag:s16] =	ssyncset.done $0x0  }
0x90: {  	s21 =	sadd.s32 $0x2880, s20;
	[sflag:s16] =	ssyncadd.s32 $0xFFFFF000  }
0x91: {  	[spmem:s1] =	stream.indirect.scatter.add.f32 [tilespmem:s31], [sflag:$0x6], $0x20, s21, s29, $0xb8;
	[tilespmem:$0x1EC00] =	vst v63  }
0x92: {  	_ =	swait.ge [sflag:s25], $0x1000  }
0x93: {  	[sflag:s25] =	ssyncset.done $0x0  }
0x94: {  	[sflag:s25] =	ssyncadd.s32 $0xFFFFF000  }
0x95: {  	[spmem:s4] =	stream.indirect.scatter.add.f32 [tilespmem:s26], [sflag:$0x6], $0x20, s21, s29, $0xb8;
	[tilespmem:$0x1EC00] =	vst v63  }
0x96: {  	_ =	swait.ge [sflag:s25], $0x1000  }
0x97: {  	[sflag:s25] =	ssyncset.done $0x0  }
0x98: {  	s21 =	sadd.s32 $0x300, s20;
	[sflag:s25] =	ssyncadd.s32 $0xFFFFF000  }
0x99: {  	[tilespmem:s31], [sflag:$0x2] =	stream.indirect.gather [hbm4b:s7+s29], $0x20, s21, s29, $0xb8;
	[tilespmem:$0x1EC00] =	vst v63  }
0x9a: {  	_ =	swait.ge [sflag:s17], $0x1000  }
0x9b: {  	[sflag:s17] =	ssyncset.done $0x0  }
0x9c: {  	s21 =	sadd.s32 $0x2900, s20;
	[sflag:s17] =	ssyncadd.s32 $0xFFFFF000  }
0x9d: {  	[spmem:s1] =	stream.indirect.scatter.add.f32 [tilespmem:s0], [sflag:$0x6], $0x20, s21, s29, $0xb8;
	[tilespmem:$0x1EC00] =	vst v63  }
0x9e: {  	_ =	swait.ge [sflag:s25], $0x1000  }
0x9f: {  	[sflag:s25] =	ssyncset.done $0x0  }
0xa0: {  	[sflag:s25] =	ssyncadd.s32 $0xFFFFF000  }
0xa1: {  	[spmem:s4] =	stream.indirect.scatter.add.f32 [tilespmem:s26], [sflag:$0x6], $0x20, s21, s29, $0xb8;
	[tilespmem:$0x1EC00] =	vst v63  }
0xa2: {  	_ =	swait.ge [sflag:s25], $0x1000  }
0xa3: {  	[sflag:s25] =	ssyncset.done $0x0  }
0xa4: {  	s21 =	sadd.s32 $0x380, s20;
	[sflag:s25] =	ssyncadd.s32 $0xFFFFF000  }
0xa5: {  	[tilespmem:s0], [sflag:$0x3] =	stream.indirect.gather [hbm4b:s7+s29], $0x20, s21, s29, $0xb8;
	[tilespmem:$0x1EC00] =	vst v63  }
0xa6: {  	_ =	swait.ge [sflag:s28], $0x1000  }
0xa7: {  	[sflag:s28] =	ssyncset.done $0x0  }
0xa8: {  	s21 =	sadd.s32 $0x2980, s20;
	[sflag:s28] =	ssyncadd.s32 $0xFFFFF000  }
0xa9: {  	[spmem:s1] =	stream.indirect.scatter.add.f32 [tilespmem:s10], [sflag:$0x6], $0x20, s21, s29, $0xb8;
	[tilespmem:$0x1EC00] =	vst v63  }
0xaa: {  	_ =	swait.ge [sflag:s25], $0x1000  }
0xab: {  	[sflag:s25] =	ssyncset.done $0x0  }
0xac: {  	[sflag:s25] =	ssyncadd.s32 $0xFFFFF000  }
0xad: {  	[spmem:s4] =	stream.indirect.scatter.add.f32 [tilespmem:s26], [sflag:$0x6], $0x20, s21, s29, $0xb8;
	[tilespmem:$0x1EC00] =	vst v63  }
0xae: {  	_ =	swait.ge [sflag:s25], $0x1000  }
0xaf: {  	[sflag:s25] =	ssyncset.done $0x0  }
0xb0: {  	s21 =	sadd.s32 $0x400, s20;
	[sflag:s25] =	ssyncadd.s32 $0xFFFFF000  }
0xb1: {  	[tilespmem:s10], [sflag:$0x4] =	stream.indirect.gather [hbm4b:s7+s29], $0x20, s21, s29, $0xb8;
	[tilespmem:$0x1EC00] =	vst v63  }
0xb2: {  	_ =	swait.ge [sflag:s18], $0x1000  }
0xb3: {  	[sflag:s18] =	ssyncset.done $0x0  }
0xb4: {  	s21 =	sadd.s32 $0x2A00, s20;
	[sflag:s18] =	ssyncadd.s32 $0xFFFFF000  }
0xb5: {  	[spmem:s1] =	stream.indirect.scatter.add.f32 [tilespmem:s14], [sflag:$0x6], $0x20, s21, s29, $0xb8;
	[tilespmem:$0x1EC00] =	vst v63  }
0xb6: {  	_ =	swait.ge [sflag:s25], $0x1000  }
0xb7: {  	[sflag:s25] =	ssyncset.done $0x0  }
.Ltmp0:
0xb8: {  	[sflag:s25] =	ssyncadd.s32 $0xFFFFF000;
	(pc) =	sbr.rel @p0 .LBB2_2-.Ltmp0, $4  }
0xb9: {  	[spmem:s4] =	stream.indirect.scatter.add.f32 [tilespmem:s26], [sflag:$0x6], $0x20, s21, s29, $0xb8;
	[tilespmem:$0x1EC00] =	vst v63  }
0xba: {  	_ =	swait.ge [sflag:s25], $0x1000  }
0xbb: {  	[sflag:s25] =	ssyncset.done $0x0  }
0xbc: {  	s20 =	sadd.s32 $0x480, s20;
	[sflag:s25] =	ssyncadd.s32 $0xFFFFF000  }
0xbd: {  	[tilespmem:s14], [sflag:$0x5] =	stream.indirect.gather [hbm4b:s7+s29], $0x20, s20, s29, $0xb8;
	[tilespmem:$0x1EC00] =	vst v63  }
0xbe: {  	_ =	swait.ge [sflag:s15], $0x1000  }
0xbf: {  	[sflag:s15] =	ssyncset.done $0x0  }
0xc0: {  	s19 =	simm.s32 $0x4D80;
	[sflag:s15] =	ssyncadd.s32 $0xFFFFF000  }
0xc1: {  	[spmem:s1] =	stream.indirect.scatter.add.f32 [tilespmem:s30], [sflag:$0x6], $0x20, s19, s29, $0xb8;
	[tilespmem:$0x1EC00] =	vst v63  }
0xc2: {  	_ =	swait.ge [sflag:s25], $0x1000  }
0xc3: {  	[sflag:s25] =	ssyncset.done $0x0  }
0xc4: {  	[sflag:s25] =	ssyncadd.s32 $0xFFFFF000  }
0xc5: {  	[spmem:s4] =	stream.indirect.scatter.add.f32 [tilespmem:s26], [sflag:$0x6], $0x20, s19, s29, $0xb8;
	[tilespmem:$0x1EC00] =	vst v63  }
0xc6: {  	_ =	swait.ge [sflag:s25], $0x1000  }
0xc7: {  	[sflag:s25] =	ssyncset.done $0x0  }
0xc8: {  	[sflag:s25] =	ssyncadd.s32 $0xFFFFF000  }
0xc9: {  	_ =	swait.ge [sflag:s16], $0x1000  }
0xca: {  	[sflag:s16] =	ssyncset.done $0x0  }
0xcb: {  	s21 =	simm.s32 $0x4E00;
	[sflag:s16] =	ssyncadd.s32 $0xFFFFF000  }
0xcc: {  	[spmem:s1] =	stream.indirect.scatter.add.f32 [tilespmem:s31], [sflag:$0x6], $0x20, s21, s29, $0xb8;
	[tilespmem:$0x1EC00] =	vst v63  }
0xcd: {  	_ =	swait.ge [sflag:s25], $0x1000  }
0xce: {  	[sflag:s25] =	ssyncset.done $0x0  }
0xcf: {  	[sflag:s25] =	ssyncadd.s32 $0xFFFFF000  }
0xd0: {  	[spmem:s4] =	stream.indirect.scatter.add.f32 [tilespmem:s26], [sflag:$0x6], $0x20, s21, s29, $0xb8;
	[tilespmem:$0x1EC00] =	vst v63  }
0xd1: {  	_ =	swait.ge [sflag:s25], $0x1000  }
0xd2: {  	[sflag:s25] =	ssyncset.done $0x0  }
0xd3: {  	[sflag:s25] =	ssyncadd.s32 $0xFFFFF000  }
0xd4: {  	_ =	swait.ge [sflag:s17], $0x1000  }
0xd5: {  	[sflag:s17] =	ssyncset.done $0x0  }
0xd6: {  	s20 =	simm.s32 $0x4E80;
	[sflag:s17] =	ssyncadd.s32 $0xFFFFF000  }
0xd7: {  	[spmem:s1] =	stream.indirect.scatter.add.f32 [tilespmem:s0], [sflag:$0x6], $0x20, s20, s29, $0xb8;
	[tilespmem:$0x1EC00] =	vst v63  }
0xd8: {  	_ =	swait.ge [sflag:s25], $0x1000  }
0xd9: {  	[sflag:s25] =	ssyncset.done $0x0  }
0xda: {  	[sflag:s25] =	ssyncadd.s32 $0xFFFFF000  }
0xdb: {  	[spmem:s4] =	stream.indirect.scatter.add.f32 [tilespmem:s26], [sflag:$0x6], $0x20, s20, s29, $0xb8;
	[tilespmem:$0x1EC00] =	vst v63  }
0xdc: {  	_ =	swait.ge [sflag:s25], $0x1000  }
0xdd: {  	[sflag:s25] =	ssyncset.done $0x0  }
0xde: {  	[sflag:s25] =	ssyncadd.s32 $0xFFFFF000  }
0xdf: {  	_ =	swait.ge [sflag:s28], $0x1000  }
0xe0: {  	[sflag:s28] =	ssyncset.done $0x0  }
0xe1: {  	[sflag:s28] =	ssyncadd.s32 $0xFFFFF000  }
0xe2: {  	[spmem:s1] =	stream.indirect.scatter.add.f32 [tilespmem:s10], [sflag:$0x6], $0x20, s3, s29, $0xb8;
	[tilespmem:$0x1EC00] =	vst v63  }
0xe3: {  	_ =	swait.ge [sflag:s25], $0x1000  }
0xe4: {  	[sflag:s25] =	ssyncset.done $0x0  }
0xe5: {  	[sflag:s25] =	ssyncadd.s32 $0xFFFFF000  }
0xe6: {  	[spmem:s4] =	stream.indirect.scatter.add.f32 [tilespmem:s26], [sflag:$0x6], $0x20, s3, s29, $0xb8;
	[tilespmem:$0x1EC00] =	vst v63  }
0xe7: {  	_ =	swait.ge [sflag:s25], $0x1000  }
0xe8: {  	[sflag:s25] =	ssyncset.done $0x0  }
0xe9: {  	[sflag:s25] =	ssyncadd.s32 $0xFFFFF000  }
0xea: {  	_ =	swait.ge [sflag:s18], $0x1000  }
0xeb: {  	[sflag:s18] =	ssyncset.done $0x0  }
0xec: {  	[sflag:s18] =	ssyncadd.s32 $0xFFFFF000  }
0xed: {  	[spmem:s1] =	stream.indirect.scatter.add.f32 [tilespmem:s14], [sflag:$0x6], $0x20, s22, s29, $0xb8;
	[tilespmem:$0x1EC00] =	vst v63  }
0xee: {  	_ =	swait.ge [sflag:s25], $0x1000  }
0xef: {  	[sflag:s25] =	ssyncset.done $0x0  }
0xf0: {  	[sflag:s25] =	ssyncadd.s32 $0xFFFFF000  }
0xf1: {  	[spmem:s4] =	stream.indirect.scatter.add.f32 [tilespmem:s26], [sflag:$0x6], $0x20, s22, s29, $0xb8;
	[tilespmem:$0x1EC00] =	vst v63  }
0xf2: {  	_ =	swait.ge [sflag:s25], $0x1000  }
0xf3: {  	[sflag:s25] =	ssyncset.done $0x0  }
0xf4: {  	s19 =	simm.s32 $0x0;
	s21 =	rddreg [dreg:$0xd];
	[sflag:s25] =	ssyncadd.s32 $0xFFFFF000  }
0xf5: {  	[tilespmem:s19], [sflag:$0x6] =	stream.linear.gather [hbm4b:s21+s19], $0x2800, $0x38;
	[tilespmem:$0x1EC00] =	vst v63  }
0xf6: {  	_ =	swait.ge [sflag:s25], $0x2800  }
0xf7: {  	[sflag:s25] =	ssyncset.done $0x0  }
0xf8: {  	s21 =	simm.s32 $0x2800;
	s20 =	rddreg [dreg:$0xe];
	[sflag:s25] =	ssyncadd.s32 $0xFFFFD800  }
0xf9: {  	[tilespmem:s21], [sflag:$0x6] =	stream.linear.gather [hbm4b:s20+s19], $0x2800, $0x38;
	[tilespmem:$0x1EC00] =	vst v63  }
0xfa: {  	_ =	swait.ge [sflag:s25], $0x2800  }
0xfb: {  	[sflag:s25] =	ssyncset.done $0x0  }
0xfc: {  	[sflag:s25] =	ssyncadd.s32 $0xFFFFD800  }
0xfd: {  	[tilespmem:s30], [sflag:$0x1] =	stream.indirect.gather [hbm4b:s8+s29], $0x20, s19, s29, $0xb8;
	[tilespmem:$0x1EC00] =	vst v63  }
0xfe: {  	_ = 	snop  }
0xff: {  	[tilespmem:s31], [sflag:$0x2] =	stream.indirect.gather [hbm4b:s8+s29], $0x20, s29, s29, $0xb8;
	[tilespmem:$0x1EC00] =	vst v63  }
0x100: {  	s20 =	simm.s32 $0x100  }
0x101: {  	[tilespmem:s0], [sflag:$0x3] =	stream.indirect.gather [hbm4b:s8+s29], $0x20, s20, s29, $0xb8;
	[tilespmem:$0x1EC00] =	vst v63  }
0x102: {  	s21 =	simm.s32 $0x180  }
0x103: {  	[tilespmem:s10], [sflag:$0x4] =	stream.indirect.gather [hbm4b:s8+s29], $0x20, s21, s29, $0xb8;
	[tilespmem:$0x1EC00] =	vst v63  }
0x104: {  	s20 =	simm.s32 $0x200  }
0x105: {  	[tilespmem:s14], [sflag:$0x5] =	stream.indirect.gather [hbm4b:s8+s29], $0x20, s20, s29, $0xb8;
	[tilespmem:$0x1EC00] =	vst v63  }
0x106: {  	_ =	swait.ge [sflag:s15], $0x1000  }
0x107: {  	[sflag:s15] =	ssyncset.done $0x0  }
0x108: {  	s21 =	simm.s32 $0x2800;
	[sflag:s15] =	ssyncadd.s32 $0xFFFFF000  }
0x109: {  	[spmem:s2] =	stream.indirect.scatter.add.f32 [tilespmem:s30], [sflag:$0x6], $0x20, s21, s29, $0xb8;
	[tilespmem:$0x1EC00] =	vst v63  }
0x10a: {  	_ =	swait.ge [sflag:s25], $0x1000  }
0x10b: {  	[sflag:s25] =	ssyncset.done $0x0  }
0x10c: {  	[sflag:s25] =	ssyncadd.s32 $0xFFFFF000  }
0x10d: {  	[spmem:s5] =	stream.indirect.scatter.add.f32 [tilespmem:s26], [sflag:$0x6], $0x20, s21, s29, $0xb8;
	[tilespmem:$0x1EC00] =	vst v63  }
0x10e: {  	_ =	swait.ge [sflag:s25], $0x1000  }
0x10f: {  	[sflag:s25] =	ssyncset.done $0x0  }
0x110: {  	s20 =	simm.s32 $0x280;
	[sflag:s25] =	ssyncadd.s32 $0xFFFFF000  }
0x111: {  	[tilespmem:s30], [sflag:$0x1] =	stream.indirect.gather [hbm4b:s8+s29], $0x20, s20, s29, $0xb8;
	[tilespmem:$0x1EC00] =	vst v63  }
0x112: {  	_ =	swait.ge [sflag:s16], $0x1000  }
0x113: {  	[sflag:s16] =	ssyncset.done $0x0  }
0x114: {  	s21 =	simm.s32 $0x2880;
	[sflag:s16] =	ssyncadd.s32 $0xFFFFF000  }
0x115: {  	[spmem:s2] =	stream.indirect.scatter.add.f32 [tilespmem:s31], [sflag:$0x6], $0x20, s21, s29, $0xb8;
	[tilespmem:$0x1EC00] =	vst v63  }
0x116: {  	_ =	swait.ge [sflag:s25], $0x1000  }
0x117: {  	[sflag:s25] =	ssyncset.done $0x0  }
0x118: {  	[sflag:s25] =	ssyncadd.s32 $0xFFFFF000  }
0x119: {  	[spmem:s5] =	stream.indirect.scatter.add.f32 [tilespmem:s26], [sflag:$0x6], $0x20, s21, s29, $0xb8;
	[tilespmem:$0x1EC00] =	vst v63  }
0x11a: {  	_ =	swait.ge [sflag:s25], $0x1000  }
0x11b: {  	[sflag:s25] =	ssyncset.done $0x0  }
0x11c: {  	s20 =	simm.s32 $0x300;
	[sflag:s25] =	ssyncadd.s32 $0xFFFFF000  }
0x11d: {  	[tilespmem:s31], [sflag:$0x2] =	stream.indirect.gather [hbm4b:s8+s29], $0x20, s20, s29, $0xb8;
	[tilespmem:$0x1EC00] =	vst v63  }
0x11e: {  	_ =	swait.ge [sflag:s17], $0x1000  }
0x11f: {  	[sflag:s17] =	ssyncset.done $0x0  }
0x120: {  	s21 =	simm.s32 $0x2900;
	[sflag:s17] =	ssyncadd.s32 $0xFFFFF000  }
0x121: {  	[spmem:s2] =	stream.indirect.scatter.add.f32 [tilespmem:s0], [sflag:$0x6], $0x20, s21, s29, $0xb8;
	[tilespmem:$0x1EC00] =	vst v63  }
0x122: {  	_ =	swait.ge [sflag:s25], $0x1000  }
0x123: {  	[sflag:s25] =	ssyncset.done $0x0  }
0x124: {  	[sflag:s25] =	ssyncadd.s32 $0xFFFFF000  }
0x125: {  	[spmem:s5] =	stream.indirect.scatter.add.f32 [tilespmem:s26], [sflag:$0x6], $0x20, s21, s29, $0xb8;
	[tilespmem:$0x1EC00] =	vst v63  }
0x126: {  	_ =	swait.ge [sflag:s25], $0x1000  }
0x127: {  	[sflag:s25] =	ssyncset.done $0x0  }
0x128: {  	s20 =	simm.s32 $0x380;
	[sflag:s25] =	ssyncadd.s32 $0xFFFFF000  }
0x129: {  	[tilespmem:s0], [sflag:$0x3] =	stream.indirect.gather [hbm4b:s8+s29], $0x20, s20, s29, $0xb8;
	[tilespmem:$0x1EC00] =	vst v63  }
0x12a: {  	_ =	swait.ge [sflag:s28], $0x1000  }
0x12b: {  	[sflag:s28] =	ssyncset.done $0x0  }
0x12c: {  	s21 =	simm.s32 $0x2980;
	[sflag:s28] =	ssyncadd.s32 $0xFFFFF000  }
0x12d: {  	[spmem:s2] =	stream.indirect.scatter.add.f32 [tilespmem:s10], [sflag:$0x6], $0x20, s21, s29, $0xb8;
	[tilespmem:$0x1EC00] =	vst v63  }
0x12e: {  	_ =	swait.ge [sflag:s25], $0x1000  }
0x12f: {  	[sflag:s25] =	ssyncset.done $0x0  }
0x130: {  	[sflag:s25] =	ssyncadd.s32 $0xFFFFF000  }
0x131: {  	[spmem:s5] =	stream.indirect.scatter.add.f32 [tilespmem:s26], [sflag:$0x6], $0x20, s21, s29, $0xb8;
	[tilespmem:$0x1EC00] =	vst v63  }
0x132: {  	_ =	swait.ge [sflag:s25], $0x1000  }
0x133: {  	[sflag:s25] =	ssyncset.done $0x0  }
0x134: {  	s20 =	simm.s32 $0x400;
	[sflag:s25] =	ssyncadd.s32 $0xFFFFF000  }
0x135: {  	[tilespmem:s10], [sflag:$0x4] =	stream.indirect.gather [hbm4b:s8+s29], $0x20, s20, s29, $0xb8;
	[tilespmem:$0x1EC00] =	vst v63  }
0x136: {  	_ =	swait.ge [sflag:s18], $0x1000  }
0x137: {  	[sflag:s18] =	ssyncset.done $0x0  }
0x138: {  	s21 =	simm.s32 $0x2A00;
	[sflag:s18] =	ssyncadd.s32 $0xFFFFF000  }
0x139: {  	[spmem:s2] =	stream.indirect.scatter.add.f32 [tilespmem:s14], [sflag:$0x6], $0x20, s21, s29, $0xb8;
	[tilespmem:$0x1EC00] =	vst v63  }
0x13a: {  	_ =	swait.ge [sflag:s25], $0x1000  }
0x13b: {  	[sflag:s25] =	ssyncset.done $0x0  }
0x13c: {  	[sflag:s25] =	ssyncadd.s32 $0xFFFFF000  }
0x13d: {  	[spmem:s5] =	stream.indirect.scatter.add.f32 [tilespmem:s26], [sflag:$0x6], $0x20, s21, s29, $0xb8;
	[tilespmem:$0x1EC00] =	vst v63  }
0x13e: {  	_ =	swait.ge [sflag:s25], $0x1000  }
0x13f: {  	[sflag:s25] =	ssyncset.done $0x0  }
0x140: {  	s19 =	simm.s32 $0xA00;
	s20 =	simm.s32 $0x480;
	[sflag:s25] =	ssyncadd.s32 $0xFFFFF000  }
.LBB2_4:
0x141: {  	[tilespmem:s14], [sflag:$0x5] =	stream.indirect.gather [hbm4b:s8+s29], $0x20, s20, s29, $0xb8;
	[tilespmem:$0x1EC00] =	vst v63  }
0x142: {  	s20 =	smov.u32 s19  }
0x143: {  	p0 =	sne.s32 s19, $0x8C00;
	s19 =	sadd.s32 $0xA00, s19;
	_ =	swait.ge [sflag:s15], $0x1000  }
0x144: {  	s20 =	sshra.s32 s20, $0x2;
	[sflag:s15] =	ssyncset.done $0x0  }
0x145: {  	s21 =	sadd.s32 $0x2800, s20;
	[sflag:s15] =	ssyncadd.s32 $0xFFFFF000  }
0x146: {  	[spmem:s2] =	stream.indirect.scatter.add.f32 [tilespmem:s30], [sflag:$0x6], $0x20, s21, s29, $0xb8;
	[tilespmem:$0x1EC00] =	vst v63  }
0x147: {  	_ =	swait.ge [sflag:s25], $0x1000  }
0x148: {  	[sflag:s25] =	ssyncset.done $0x0  }
0x149: {  	[sflag:s25] =	ssyncadd.s32 $0xFFFFF000  }
0x14a: {  	[spmem:s5] =	stream.indirect.scatter.add.f32 [tilespmem:s26], [sflag:$0x6], $0x20, s21, s29, $0xb8;
	[tilespmem:$0x1EC00] =	vst v63  }
0x14b: {  	_ =	swait.ge [sflag:s25], $0x1000  }
0x14c: {  	[sflag:s25] =	ssyncset.done $0x0  }
0x14d: {  	s21 =	sadd.s32 $0x280, s20;
	[sflag:s25] =	ssyncadd.s32 $0xFFFFF000  }
0x14e: {  	[tilespmem:s30], [sflag:$0x1] =	stream.indirect.gather [hbm4b:s8+s29], $0x20, s21, s29, $0xb8;
	[tilespmem:$0x1EC00] =	vst v63  }
0x14f: {  	_ =	swait.ge [sflag:s16], $0x1000  }
0x150: {  	[sflag:s16] =	ssyncset.done $0x0  }
0x151: {  	s21 =	sadd.s32 $0x2880, s20;
	[sflag:s16] =	ssyncadd.s32 $0xFFFFF000  }
0x152: {  	[spmem:s2] =	stream.indirect.scatter.add.f32 [tilespmem:s31], [sflag:$0x6], $0x20, s21, s29, $0xb8;
	[tilespmem:$0x1EC00] =	vst v63  }
0x153: {  	_ =	swait.ge [sflag:s25], $0x1000  }
0x154: {  	[sflag:s25] =	ssyncset.done $0x0  }
0x155: {  	[sflag:s25] =	ssyncadd.s32 $0xFFFFF000  }
0x156: {  	[spmem:s5] =	stream.indirect.scatter.add.f32 [tilespmem:s26], [sflag:$0x6], $0x20, s21, s29, $0xb8;
	[tilespmem:$0x1EC00] =	vst v63  }
0x157: {  	_ =	swait.ge [sflag:s25], $0x1000  }
0x158: {  	[sflag:s25] =	ssyncset.done $0x0  }
0x159: {  	s21 =	sadd.s32 $0x300, s20;
	[sflag:s25] =	ssyncadd.s32 $0xFFFFF000  }
0x15a: {  	[tilespmem:s31], [sflag:$0x2] =	stream.indirect.gather [hbm4b:s8+s29], $0x20, s21, s29, $0xb8;
	[tilespmem:$0x1EC00] =	vst v63  }
0x15b: {  	_ =	swait.ge [sflag:s17], $0x1000  }
0x15c: {  	[sflag:s17] =	ssyncset.done $0x0  }
0x15d: {  	s21 =	sadd.s32 $0x2900, s20;
	[sflag:s17] =	ssyncadd.s32 $0xFFFFF000  }
0x15e: {  	[spmem:s2] =	stream.indirect.scatter.add.f32 [tilespmem:s0], [sflag:$0x6], $0x20, s21, s29, $0xb8;
	[tilespmem:$0x1EC00] =	vst v63  }
0x15f: {  	_ =	swait.ge [sflag:s25], $0x1000  }
0x160: {  	[sflag:s25] =	ssyncset.done $0x0  }
0x161: {  	[sflag:s25] =	ssyncadd.s32 $0xFFFFF000  }
0x162: {  	[spmem:s5] =	stream.indirect.scatter.add.f32 [tilespmem:s26], [sflag:$0x6], $0x20, s21, s29, $0xb8;
	[tilespmem:$0x1EC00] =	vst v63  }
0x163: {  	_ =	swait.ge [sflag:s25], $0x1000  }
0x164: {  	[sflag:s25] =	ssyncset.done $0x0  }
0x165: {  	s21 =	sadd.s32 $0x380, s20;
	[sflag:s25] =	ssyncadd.s32 $0xFFFFF000  }
0x166: {  	[tilespmem:s0], [sflag:$0x3] =	stream.indirect.gather [hbm4b:s8+s29], $0x20, s21, s29, $0xb8;
	[tilespmem:$0x1EC00] =	vst v63  }
0x167: {  	_ =	swait.ge [sflag:s28], $0x1000  }
0x168: {  	[sflag:s28] =	ssyncset.done $0x0  }
0x169: {  	s21 =	sadd.s32 $0x2980, s20;
	[sflag:s28] =	ssyncadd.s32 $0xFFFFF000  }
0x16a: {  	[spmem:s2] =	stream.indirect.scatter.add.f32 [tilespmem:s10], [sflag:$0x6], $0x20, s21, s29, $0xb8;
	[tilespmem:$0x1EC00] =	vst v63  }
0x16b: {  	_ =	swait.ge [sflag:s25], $0x1000  }
0x16c: {  	[sflag:s25] =	ssyncset.done $0x0  }
0x16d: {  	[sflag:s25] =	ssyncadd.s32 $0xFFFFF000  }
0x16e: {  	[spmem:s5] =	stream.indirect.scatter.add.f32 [tilespmem:s26], [sflag:$0x6], $0x20, s21, s29, $0xb8;
	[tilespmem:$0x1EC00] =	vst v63  }
0x16f: {  	_ =	swait.ge [sflag:s25], $0x1000  }
0x170: {  	[sflag:s25] =	ssyncset.done $0x0  }
0x171: {  	s21 =	sadd.s32 $0x400, s20;
	[sflag:s25] =	ssyncadd.s32 $0xFFFFF000  }
0x172: {  	[tilespmem:s10], [sflag:$0x4] =	stream.indirect.gather [hbm4b:s8+s29], $0x20, s21, s29, $0xb8;
	[tilespmem:$0x1EC00] =	vst v63  }
0x173: {  	_ =	swait.ge [sflag:s18], $0x1000  }
0x174: {  	[sflag:s18] =	ssyncset.done $0x0  }
0x175: {  	s21 =	sadd.s32 $0x2A00, s20;
	[sflag:s18] =	ssyncadd.s32 $0xFFFFF000  }
0x176: {  	[spmem:s2] =	stream.indirect.scatter.add.f32 [tilespmem:s14], [sflag:$0x6], $0x20, s21, s29, $0xb8;
	[tilespmem:$0x1EC00] =	vst v63  }
0x177: {  	_ =	swait.ge [sflag:s25], $0x1000  }
0x178: {  	[sflag:s25] =	ssyncset.done $0x0  }
.Ltmp1:
0x179: {  	[sflag:s25] =	ssyncadd.s32 $0xFFFFF000;
	(pc) =	sbr.rel @p0 .LBB2_4-.Ltmp1, $4  }
0x17a: {  	[spmem:s5] =	stream.indirect.scatter.add.f32 [tilespmem:s26], [sflag:$0x6], $0x20, s21, s29, $0xb8;
	[tilespmem:$0x1EC00] =	vst v63  }
0x17b: {  	_ =	swait.ge [sflag:s25], $0x1000  }
0x17c: {  	[sflag:s25] =	ssyncset.done $0x0  }
0x17d: {  	s20 =	sadd.s32 $0x480, s20;
	[sflag:s25] =	ssyncadd.s32 $0xFFFFF000  }
0x17e: {  	[tilespmem:s14], [sflag:$0x5] =	stream.indirect.gather [hbm4b:s8+s29], $0x20, s20, s29, $0xb8;
	[tilespmem:$0x1EC00] =	vst v63  }
0x17f: {  	_ =	swait.ge [sflag:s15], $0x1000  }
0x180: {  	[sflag:s15] =	ssyncset.done $0x0  }
0x181: {  	s19 =	simm.s32 $0x4D80;
	[sflag:s15] =	ssyncadd.s32 $0xFFFFF000  }
0x182: {  	[spmem:s2] =	stream.indirect.scatter.add.f32 [tilespmem:s30], [sflag:$0x6], $0x20, s19, s29, $0xb8;
	[tilespmem:$0x1EC00] =	vst v63  }
0x183: {  	_ =	swait.ge [sflag:s25], $0x1000  }
0x184: {  	[sflag:s25] =	ssyncset.done $0x0  }
0x185: {  	[sflag:s25] =	ssyncadd.s32 $0xFFFFF000  }
0x186: {  	[spmem:s5] =	stream.indirect.scatter.add.f32 [tilespmem:s26], [sflag:$0x6], $0x20, s19, s29, $0xb8;
	[tilespmem:$0x1EC00] =	vst v63  }
0x187: {  	_ =	swait.ge [sflag:s25], $0x1000  }
0x188: {  	[sflag:s25] =	ssyncset.done $0x0  }
0x189: {  	[sflag:s25] =	ssyncadd.s32 $0xFFFFF000  }
0x18a: {  	_ =	swait.ge [sflag:s16], $0x1000  }
0x18b: {  	[sflag:s16] =	ssyncset.done $0x0  }
0x18c: {  	s21 =	simm.s32 $0x4E00;
	[sflag:s16] =	ssyncadd.s32 $0xFFFFF000  }
0x18d: {  	[spmem:s2] =	stream.indirect.scatter.add.f32 [tilespmem:s31], [sflag:$0x6], $0x20, s21, s29, $0xb8;
	[tilespmem:$0x1EC00] =	vst v63  }
0x18e: {  	_ =	swait.ge [sflag:s25], $0x1000  }
0x18f: {  	[sflag:s25] =	ssyncset.done $0x0  }
0x190: {  	[sflag:s25] =	ssyncadd.s32 $0xFFFFF000  }
0x191: {  	[spmem:s5] =	stream.indirect.scatter.add.f32 [tilespmem:s26], [sflag:$0x6], $0x20, s21, s29, $0xb8;
	[tilespmem:$0x1EC00] =	vst v63  }
0x192: {  	_ =	swait.ge [sflag:s25], $0x1000  }
0x193: {  	[sflag:s25] =	ssyncset.done $0x0  }
0x194: {  	[sflag:s25] =	ssyncadd.s32 $0xFFFFF000  }
0x195: {  	_ =	swait.ge [sflag:s17], $0x1000  }
0x196: {  	[sflag:s17] =	ssyncset.done $0x0  }
0x197: {  	s20 =	simm.s32 $0x4E80;
	[sflag:s17] =	ssyncadd.s32 $0xFFFFF000  }
0x198: {  	[spmem:s2] =	stream.indirect.scatter.add.f32 [tilespmem:s0], [sflag:$0x6], $0x20, s20, s29, $0xb8;
	[tilespmem:$0x1EC00] =	vst v63  }
0x199: {  	_ =	swait.ge [sflag:s25], $0x1000  }
0x19a: {  	[sflag:s25] =	ssyncset.done $0x0  }
0x19b: {  	[sflag:s25] =	ssyncadd.s32 $0xFFFFF000  }
0x19c: {  	[spmem:s5] =	stream.indirect.scatter.add.f32 [tilespmem:s26], [sflag:$0x6], $0x20, s20, s29, $0xb8;
	[tilespmem:$0x1EC00] =	vst v63  }
0x19d: {  	_ =	swait.ge [sflag:s25], $0x1000  }
0x19e: {  	[sflag:s25] =	ssyncset.done $0x0  }
0x19f: {  	[sflag:s25] =	ssyncadd.s32 $0xFFFFF000  }
0x1a0: {  	_ =	swait.ge [sflag:s28], $0x1000  }
0x1a1: {  	[sflag:s28] =	ssyncset.done $0x0  }
0x1a2: {  	[sflag:s28] =	ssyncadd.s32 $0xFFFFF000  }
0x1a3: {  	[spmem:s2] =	stream.indirect.scatter.add.f32 [tilespmem:s10], [sflag:$0x6], $0x20, s3, s29, $0xb8;
	[tilespmem:$0x1EC00] =	vst v63  }
0x1a4: {  	_ =	swait.ge [sflag:s25], $0x1000  }
0x1a5: {  	[sflag:s25] =	ssyncset.done $0x0  }
0x1a6: {  	[sflag:s25] =	ssyncadd.s32 $0xFFFFF000  }
0x1a7: {  	[spmem:s5] =	stream.indirect.scatter.add.f32 [tilespmem:s26], [sflag:$0x6], $0x20, s3, s29, $0xb8;
	[tilespmem:$0x1EC00] =	vst v63  }
0x1a8: {  	_ =	swait.ge [sflag:s25], $0x1000  }
0x1a9: {  	[sflag:s25] =	ssyncset.done $0x0  }
0x1aa: {  	[sflag:s25] =	ssyncadd.s32 $0xFFFFF000  }
0x1ab: {  	_ =	swait.ge [sflag:s18], $0x1000  }
0x1ac: {  	[sflag:s18] =	ssyncset.done $0x0  }
0x1ad: {  	[sflag:s18] =	ssyncadd.s32 $0xFFFFF000  }
0x1ae: {  	[spmem:s2] =	stream.indirect.scatter.add.f32 [tilespmem:s14], [sflag:$0x6], $0x20, s22, s29, $0xb8;
	[tilespmem:$0x1EC00] =	vst v63  }
0x1af: {  	_ =	swait.ge [sflag:s25], $0x1000  }
0x1b0: {  	[sflag:s25] =	ssyncset.done $0x0  }
0x1b1: {  	[sflag:s25] =	ssyncadd.s32 $0xFFFFF000  }
0x1b2: {  	[spmem:s5] =	stream.indirect.scatter.add.f32 [tilespmem:s26], [sflag:$0x6], $0x20, s22, s29, $0xb8;
	[tilespmem:$0x1EC00] =	vst v63  }
0x1b3: {  	_ =	swait.ge [sflag:s25], $0x1000  }
0x1b4: {  	[sflag:s25] =	ssyncset.done $0x0  }
0x1b5: {  	[sflag:s25] =	ssyncadd.s32 $0xFFFFF000  }
0x1b6: {  	[bflag:$0x0] =	sbarrier.arrive $0xFFFF  }
0x1b7: {  	s21 =	rddreg [dreg:$0xf]  }
0x1b8: {  	[hbm:s21], [sflag:s12] =	dma.local [spmem:s9], $0x9E0  }
0x1b9: {  	_ =	swait.ge [sflag:s25], $0x9E0  }
0x1ba: {  	[sflag:s25] =	ssyncset.done $0x0  }
0x1bb: {  	s19 =	rddreg [dreg:$0x10];
	[sflag:s25] =	ssyncadd.s32 $0xFFFFF620  }
0x1bc: {  	[hbm:s19], [sflag:s12] =	dma.local [spmem:s24], $0x9E0  }
0x1bd: {  	_ =	swait.ge [sflag:s25], $0x9E0  }
0x1be: {  	[sflag:s25] =	ssyncset.done $0x0  }
0x1bf: {  	s20 =	rddreg [dreg:$0x11];
	[sflag:s25] =	ssyncadd.s32 $0xFFFFF620  }
0x1c0: {  	[hbm:s20], [sflag:s12] =	dma.local [spmem:s13], $0x9E0  }
0x1c1: {  	_ =	swait.ge [sflag:s25], $0x9E0  }
0x1c2: {  	[sflag:s25] =	ssyncset.done $0x0  }
0x1c3: {  	s21 =	rddreg [dreg:$0x12];
	[sflag:s25] =	ssyncadd.s32 $0xFFFFF620  }
0x1c4: {  	[hbm:s21], [sflag:s12] =	dma.local [spmem:s6], $0x9E0  }
0x1c5: {  	_ =	swait.ge [sflag:s25], $0x9E0  }
0x1c6: {  	s23 =	sadd.s32 $0x1, s23;
	s24 =	rddreg [dreg:$0x13]  }
0x1c7: {  	p0 =	sne.s32 s23, s24  }
.Ltmp2:
0x1c8: {  	_ = 	snop;
	(pc) =	sbr.rel @p0 .LBB2_1-.Ltmp2, $3  }
0x1c9: {  	_ =	sdelay $0x1  }
0x1ca: {  	[sflag:s25] =	ssyncset.done $0x0  }
0x1cb: {  	[sflag:s25] =	ssyncadd.s32 $0xFFFFF620  }
0x1cc: {  	_ =	sfence.sel $0x180000  }
0x1cd: {  	[bflag:$0x0] =	sbarrier.arrive $0xFFFF  }
0x1ce: {  	_ =	strace $0x90000047  }
0x1cf: {  	s0 =	stileid.u32;
	[bflag:$0x2] =	sbarrier.arrive $0xFFFF  }
0x1d0: {  	p0 =	sne.s32 s0, $0x0;
	s0 =	rddreg [dreg:$0x5]  }
0x1d1: {  	s0 =	sadd.s32 @!p0 $0x100000, s0  }
0x1d2: {  	[sflag:s0] =	ssyncadd.tile.s32 @!p0 $0x1;
	_ =	shalt  }
.Lfunc_end2:
_tile_overlayer_lowered:
.L_overlay_start_2:
0x1d3: {  	(tag) =	ssettag $0x2  }
0x1d4: {  	s0 =	rddreg [dreg:$0x0];
	s2 =	stileid.u32  }
0x1d5: {  	s1 =	rddreg [dreg:$0x1];
	p0 =	sne.s32 s2, $0x0  }
0x1d6: {  	s3 =	rddreg [dreg:$0x2];
	[bflag:$0x3] =	sbarrier.arrive $0xFFFF;
	s2 =	simm.s32 @!p0 $0x1C06  }
0x1d7: {  	[timem:s3], [sflag:s2] =	dma.local @!p0 [hbm:s0], s1  }
0x1d8: {  	s0 =	simm.s32 @!p0 $0x6  }
0x1d9: {  	_ =	swait.ge @!p0 [sflag:s0], s1  }
0x1da: {  	s1 =	ssub.s32 @!p0 $0x0, s1;
	[sflag:s0] =	ssyncset.done @!p0 $0x0  }
0x1db: {  	[sflag:s0] =	ssyncadd.s32 @!p0 s1  }
0x1dc: {  	[bflag:$0x3] =	sbarrier.arrive $0xFFFF  }
0x1dd: {  	_ =	shalt  }

</sc_bundles>
